<compile_context>
chip_gen: v7x
topology: tpu7x:2x2x1
jax: 0.10.2.dev20260603
libtpu: 0.0.44.dev20260713+nightly
codegen_flags: <defaults>
</compile_context>

<pallas_src>
import functools

import jax
import jax.numpy as jnp
from jax import lax
from jax.experimental import pallas as pl
from jax.experimental.pallas import tpu as pltpu
from jax.experimental.pallas import tpu_sc as plsc

N = 10000
NPAD = 10240
E = 320000
H = 32
NC = 2
NS = 16
CH = 80
EPC = E // NC
EPT = EPC // NS
NCHUNK = EPT // CH
SL = NPAD // NS
CPG1 = 12
CPG2 = 25

_f32 = jnp.float32
_mesh = plsc.VectorSubcoreMesh(core_axis_name="c", subcore_axis_name="s")


def _groups(cpg):
    gd = [(i * cpg, cpg) for i in range(NCHUNK // cpg)]
    if NCHUNK % cpg:
        gd.append((NCHUNK - NCHUNK % cpg, NCHUNK % cpg))
    return gd


def _deg_body(dst_e, degp, dstflat, degloc):
    c = lax.axis_index("c")
    s = lax.axis_index("s")

    def _z(i, _):
        degloc[pl.ds(i * 16, 16)] = jnp.zeros((16,), _f32)
        return 0

    lax.fori_loop(0, NPAD // 16, _z, 0)
    pltpu.sync_copy(dst_e.at[pl.ds((c * NS + s) * EPT, EPT)], dstflat)
    ones16 = jnp.ones((16,), _f32)

    def _edge(i, _):
        di = dstflat[pl.ds(i * 16, 16)]
        plsc.addupdate_scatter(degloc, [di], ones16)
        return 0

    lax.fori_loop(0, EPT // 16, _edge, 0)
    pltpu.sync_copy(degloc, degp.at[c * NS + s])


_deg_kernel = functools.partial(
    pl.kernel,
    out_type=jax.ShapeDtypeStruct((NC * NS, NPAD), _f32),
    mesh=_mesh,
    compiler_params=pltpu.CompilerParams(use_tc_tiling_on_sc=False, needs_layout_passes=False),
    scratch_types=[
        pltpu.VMEM((EPT,), jnp.int32),
        pltpu.VMEM((NPAD,), _f32),
    ],
)(_deg_body)


def _agg_pipeline(hsrc, agg_sh, srcall, dstall, buf0, buf1, gs0, gs1, ss0, ss1,
                  cpg, npair):

    def _fire_g(base, buf, sem, n):
        return [
            pltpu.async_copy(hsrc.at[srcall.at[base + j]], buf.at[j], sem)
            for j in range(n)
        ]

    def _fire_s(base, buf, sem, n):
        return [
            pltpu.async_copy(buf.at[j], agg_sh.at[dstall.at[base + j]], sem,
                             add=True)
            for j in range(n)
        ]

    def _body(k, _):
        base = k * 2 * cpg
        ga = _fire_g(base, buf0, gs0, cpg)
        for d in ga:
            d.wait()
        sa = _fire_s(base, buf0, ss0, cpg)
        gb = _fire_g(base + cpg, buf1, gs1, cpg)
        for d in sa:
            d.wait()
        for d in gb:
            d.wait()
        sb = _fire_s(base + cpg, buf1, ss1, cpg)
        for d in sb:
            d.wait()
        return 0

    lax.fori_loop(0, npair, _body, 0)
    nrem = NCHUNK - npair * 2 * cpg
    if nrem:
        base = npair * 2 * cpg
        gr = _fire_g(base, buf0, gs0, nrem)
        for d in gr:
            d.wait()
        sr = _fire_s(base, buf0, ss0, nrem)
        for d in sr:
            d.wait()

def _agg1_body(src2d, dst2d, hs1, zeros2d, aggp,
               srcall, dstall, rows0, rows1, gs0, gs1, ss0, ss1, agg_sh):
    c = lax.axis_index("c")
    s = lax.axis_index("s")
    tb = (c * NS + s) * NCHUNK

    @pl.when(s == 0)
    def _():
        pltpu.sync_copy(zeros2d, agg_sh)

    pltpu.sync_copy(src2d.at[pl.ds(tb, NCHUNK)], srcall)
    pltpu.sync_copy(dst2d.at[pl.ds(tb, NCHUNK)], dstall)
    plsc.subcore_barrier()
    _agg_pipeline(hs1, agg_sh, srcall, dstall, rows0, rows1, gs0, gs1, ss0, ss1,
                  CPG1, NCHUNK // (2 * CPG1))
    plsc.subcore_barrier()
    pltpu.sync_copy(agg_sh.at[pl.ds(s * SL, SL)], aggp.at[c, pl.ds(s * SL, SL)])


_agg1_kernel = functools.partial(
    pl.kernel,
    out_type=jax.ShapeDtypeStruct((NC, NPAD, H), _f32),
    mesh=_mesh,
    compiler_params=pltpu.CompilerParams(use_tc_tiling_on_sc=False, needs_layout_passes=False),
    scratch_types=[
        pltpu.VMEM((NCHUNK, CH), jnp.int32),
        pltpu.VMEM((NCHUNK, CH), jnp.int32),
        pltpu.VMEM((CPG1, CH, H), _f32),
        pltpu.VMEM((CPG1, CH, H), _f32),
        pltpu.SemaphoreType.DMA,
        pltpu.SemaphoreType.DMA,
        pltpu.SemaphoreType.DMA,
        pltpu.SemaphoreType.DMA,
        pltpu.VMEM_SHARED((NPAD, H), _f32),
    ],
)(_agg1_body)


EPT2 = E // NS


def _agg2_body(src_e, dst_e, hs2pad, dinv, c2pad, outp,
               srcflat, dstflat, hs2loc, aggloc, tbuf, dbuf, cbuf, obuf, agg_all):
    c = lax.axis_index("c")
    s = lax.axis_index("s")

    @pl.when(c == 0)
    def _():
        def _z(i, _):
            aggloc[pl.ds(i * 16, 16)] = jnp.zeros((16,), _f32)
            return 0

        lax.fori_loop(0, NPAD // 16, _z, 0)
        pltpu.sync_copy(hs2pad, hs2loc)
        pltpu.sync_copy(src_e.at[pl.ds(s * EPT2, EPT2)], srcflat)
        pltpu.sync_copy(dst_e.at[pl.ds(s * EPT2, EPT2)], dstflat)

        def _edge(i, _):
            si = srcflat[pl.ds(i * 16, 16)]
            di = dstflat[pl.ds(i * 16, 16)]
            v = plsc.load_gather(hs2loc, [si])
            plsc.addupdate_scatter(aggloc, [di], v)
            return 0

        lax.fori_loop(0, EPT2 // 16, _edge, 0)
        pltpu.sync_copy(aggloc, agg_all.at[s])
        plsc.subcore_barrier()
        pltpu.sync_copy(dinv.at[pl.ds(s * SL, SL)], dbuf)
        pltpu.sync_copy(c2pad.at[pl.ds(s * SL, SL)], cbuf)
        descs = [
            pltpu.sync_copy(agg_all.at[k, pl.ds(s * SL, SL)],
                            tbuf.at[pl.ds(k * SL, SL)])
            for k in range(NS)
        ]

        def _fin(i, _):
            a = tbuf[pl.ds(i * 16, 16)]
            for k in range(1, NS):
                a = a + tbuf[pl.ds(k * SL + i * 16, 16)]
            obuf[pl.ds(i * 16, 16)] = dbuf[pl.ds(i * 16, 16)] * a + cbuf[pl.ds(i * 16, 16)]
            return 0

        lax.fori_loop(0, SL // 16, _fin, 0)
        pltpu.sync_copy(obuf, outp.at[pl.ds(s * SL, SL)])


_agg2_kernel = functools.partial(
    pl.kernel,
    out_type=jax.ShapeDtypeStruct((NPAD,), _f32),
    mesh=_mesh,
    compiler_params=pltpu.CompilerParams(use_tc_tiling_on_sc=False, needs_layout_passes=False),
    scratch_types=[
        pltpu.VMEM((EPT2,), jnp.int32),
        pltpu.VMEM((EPT2,), jnp.int32),
        pltpu.VMEM((NPAD,), _f32),
        pltpu.VMEM((NPAD,), _f32),
        pltpu.VMEM((NS * SL,), _f32),
        pltpu.VMEM((SL,), _f32),
        pltpu.VMEM((SL,), _f32),
        pltpu.VMEM((SL,), _f32),
        pltpu.VMEM_SHARED((NS, NPAD), _f32),
    ],
)(_agg2_body)


def _b_body(degp_ref, x_ref, w1_ref, hs1_ref, dinv_ref):
    degp = degp_ref[...]
    deg = jnp.sum(degp, axis=0) + 1.0
    dinv = lax.rsqrt(jnp.maximum(deg, 1e-12))
    dinv_ref[...] = dinv
    h1 = jnp.dot(x_ref[...], w1_ref[...], preferred_element_type=_f32)
    hs1_ref[...] = h1 * dinv[:N][:, None]


def _d_body(aggp_ref, hs1_ref, dinv_ref, w2_ref, b1_ref, b2_ref, hs2_ref, c2_ref):
    hs1 = hs1_ref[...]
    dinv = dinv_ref[...][:N]
    a = aggp_ref[0, :N] + aggp_ref[1, :N] + hs1
    out1 = dinv[:, None] * a + b1_ref[...]
    r = jnp.maximum(out1, 0.0)
    h2 = jnp.dot(r, w2_ref[...], preferred_element_type=_f32)[:, 0]
    hs2 = dinv * h2
    zpad = jnp.zeros((NPAD - N,), _f32)
    hs2_ref[...] = jnp.concatenate([hs2, zpad])
    c2_ref[...] = jnp.concatenate([dinv * hs2 + b2_ref[...], zpad])


def kernel(x, edge_index, W1, b1, W2, b2):
    src2d = edge_index[0].reshape(NC * NS * NCHUNK, CH)
    dst2d = edge_index[1].reshape(NC * NS * NCHUNK, CH)
    degp = _deg_kernel(edge_index[1])

    hs1, dinv = pl.pallas_call(
        _b_body,
        out_shape=(
            jax.ShapeDtypeStruct((N, H), _f32),
            jax.ShapeDtypeStruct((NPAD,), _f32),
        ),
    )(degp, x, W1)

    zeros2d = jnp.zeros((NPAD, H), _f32)
    agg1p = _agg1_kernel(src2d, dst2d, hs1, zeros2d)

    hs2, c2 = pl.pallas_call(
        _d_body,
        out_shape=(
            jax.ShapeDtypeStruct((NPAD,), _f32),
            jax.ShapeDtypeStruct((NPAD,), _f32),
        ),
    )(agg1p, hs1, dinv, W2, b1, b2)

    out_pad = _agg2_kernel(edge_index[0], edge_index[1], hs2, dinv, c2)
    return out_pad[:N]

# --- scband reference (transcript-rebuilt; emitter-appended) ---
"""Pipeline reference for scband-gcn-21397527068974 (READ-ONLY COPY).

The authoritative reference and input builder live on the scoring server;
editing this copy changes nothing except your own understanding.
"""

import jax, jax.numpy as jnp
import numpy as np

N_NODES = 10000
N_EDGES = 320000
D_FEAT = 128
HIDDEN = 32


def setup_inputs(seed: int = 0) -> dict:
    key = jax.random.key(seed)
    k1, k2, k3, k4, k5 = jax.random.split(key, 5)
    x = jax.random.normal(k1, (N_NODES, D_FEAT), dtype=jnp.float32)
    edge_index = jax.random.randint(k2, (2, N_EDGES), 0, N_NODES, dtype=jnp.int32)
    W1 = jax.random.normal(k3, (D_FEAT, HIDDEN), dtype=jnp.float32) * (1.0 / np.sqrt(D_FEAT))
    b1 = jnp.zeros((HIDDEN,), dtype=jnp.float32)
    W2 = jax.random.normal(k4, (HIDDEN, 1), dtype=jnp.float32) * (1.0 / np.sqrt(HIDDEN))
    b2 = jnp.zeros((1,), dtype=jnp.float32)
    return {"x": x, "edge_index": edge_index, "W1": W1, "b1": b1, "W2": W2, "b2": b2}


def gcn_conv(x, edge_index, W, b):
    # PyG-style GCNConv: add self-loops, symmetric normalization D^-1/2 (A+I) D^-1/2 X W + b
    N = x.shape[0]
    self_loops = jnp.arange(N, dtype=edge_index.dtype)
    src = jnp.concatenate([edge_index[0], self_loops])
    dst = jnp.concatenate([edge_index[1], self_loops])
    deg = jnp.zeros((N,), dtype=x.dtype).at[dst].add(1.0)
    dinv = jax.lax.rsqrt(jnp.maximum(deg, 1e-12))
    norm = dinv[src] * dinv[dst]
    h = x @ W
    msg = jnp.take(h, src, axis=0) * norm[:, None]
    out = jnp.zeros((N, W.shape[1]), dtype=x.dtype).at[dst].add(msg)
    return out + b


def reference(x, edge_index, W1, b1, W2, b2):
    h = jax.nn.relu(gcn_conv(x, edge_index, W1, b1))
    out = gcn_conv(h, edge_index, W2, b2)
    return jnp.squeeze(out, axis=-1)

if __name__ == "__main__":
    import jax
    _d = setup_inputs()
    print(jax.jit(kernel)(*tuple(_d.values())))

</pallas_src>

<mosaic_0001>
#map = affine_map<(d0, d1) -> (0)>
#map1 = affine_map<(d0, d1) -> (0, 0)>
module attributes {stable_mosaic.version = 14 : i64} {
  func.func @_deg_body(%arg0: i32, %arg1: i32, %arg2: memref<320000xi32, #tpu.memory_space<hbm>>, %arg3: memref<32x10240xf32, #tpu.memory_space<hbm>>, %arg4: memref<10000xi32, #tpu.memory_space<vmem>>, %arg5: memref<10240xf32, #tpu.memory_space<vmem>>) attributes {dimension_semantics = [#tpu.dimension_semantics<core_parallel>, #tpu.dimension_semantics<subcore_parallel>], iteration_bounds = array<i64: 2, 16>, scalar_prefetch = 0 : i64, scratch_operands = 2 : i64, tpu.core_type = #tpu.core_type<sc_vector_subcore>, window_params = [{transform_indices = #map}, {transform_indices = #map1}]} {
    %scan3A = arith.constant 0 : i32
    %scan3A_0 = arith.constant 0 : i32
    %scan3A_1 = arith.constant 640 : i32
    %scan3A_2 = arith.addi %scan3A_0, %scan3A_1 : i32
    %scan3A_3 = arith.constant 1 : i32
    %scan3A_4 = scf.for %scan3A_20 = %scan3A_0 to %scan3A_2 step %scan3A_3 iter_args(%scan3A_21 = %scan3A) -> (i32)  : i32 {
      %broadcast_in_dim3A_22 = arith.constant 0.000000e+00 : f32
      %broadcast_in_dim3A_23 = vector.broadcast %broadcast_in_dim3A_22 : f32 to vector<16xf32>
      %mul3A_24 = arith.constant 16 : i32
      %mul3A_25 = arith.muli %scan3A_20, %mul3A_24 : i32
      %swap3A = arith.index_cast %mul3A_25 : i32 to index
      %swap3A_26 = tpu.vector_load %arg5[%swap3A] {strides = array<i32>} : memref<10240xf32, #tpu.memory_space<vmem>>, vector<16xf32>,
      tpu.vector_store %arg5[%swap3A], %broadcast_in_dim3A_23 {strides = array<i32>} : memref<10240xf32, #tpu.memory_space<vmem>>, vector<16xf32>,
      %scan3A_27 = arith.constant 0 : i32
      scf.yield %scan3A_27 : i32
    }
    %scan3A_5 = arith.constant 640 : i32
    %mul3A = arith.constant 16 : i32
    %mul3A_6 = arith.muli %arg0, %mul3A : i32
    %add3A = arith.addi %mul3A_6, %arg1 : i32
    %mul3A_7 = arith.constant 10000 : i32
    %mul3A_8 = arith.muli %add3A, %mul3A_7 : i32
    "tpu.region"() ({
      %run_scoped3A = tpu.sem_alloc : memref<!tpu.dma_semaphore, #tpu.memory_space<semaphore_mem>>
      %dma_start3A = tpu.memref_slice %arg2[%mul3A_8] : memref<320000xi32, #tpu.memory_space<hbm>> -> memref<10000xi32, #tpu.memory_space<hbm>>
      %dma_start3A_20 = tpu.memref_slice %arg2[%mul3A_8] : memref<320000xi32, #tpu.memory_space<hbm>> -> memref<10000xi32, #tpu.memory_space<hbm>>
      tpu.enqueue_dma source(%dma_start3A_20 : memref<10000xi32, #tpu.memory_space<hbm>>) target(%arg4 : memref<10000xi32, #tpu.memory_space<vmem>>) target_semaphore(%run_scoped3A : memref<!tpu.dma_semaphore, #tpu.memory_space<semaphore_mem>>)
      %dma_wait3A = tpu.memref_slice %arg2[%mul3A_8] : memref<320000xi32, #tpu.memory_space<hbm>> -> memref<10000xi32, #tpu.memory_space<hbm>>
      %dma_wait3A_21 = tpu.memref_slice %arg2[%mul3A_8] : memref<320000xi32, #tpu.memory_space<hbm>> -> memref<10000xi32, #tpu.memory_space<hbm>>
      tpu.wait_dma2 semaphore(%run_scoped3A : memref<!tpu.dma_semaphore, #tpu.memory_space<semaphore_mem>>) src(%dma_wait3A_21 : memref<10000xi32, #tpu.memory_space<hbm>>) dst(%arg4 : memref<10000xi32, #tpu.memory_space<vmem>>)
      tpu.yield
    }) : () -> ()
    %broadcast_in_dim3A = arith.constant 1.000000e+00 : f32
    %broadcast_in_dim3A_9 = vector.broadcast %broadcast_in_dim3A : f32 to vector<16xf32>
    %scan3A_10 = arith.constant 0 : i32
    %scan3A_11 = arith.constant 0 : i32
    %scan3A_12 = arith.constant 625 : i32
    %scan3A_13 = arith.addi %scan3A_11, %scan3A_12 : i32
    %scan3A_14 = arith.constant 1 : i32
    %scan3A_15 = scf.for %scan3A_20 = %scan3A_11 to %scan3A_13 step %scan3A_14 iter_args(%scan3A_21 = %scan3A_10) -> (i32)  : i32 {
      %mul3A_22 = arith.constant 16 : i32
      %mul3A_23 = arith.muli %scan3A_20, %mul3A_22 : i32
      %get3A = arith.index_cast %mul3A_23 : i32 to index
      %get3A_24 = tpu.vector_load %arg4[%get3A] {strides = array<i32>} : memref<10000xi32, #tpu.memory_space<vmem>>, vector<16xi32>,
      tpu.vector_store_idx %arg5[%get3A_24], %broadcast_in_dim3A_9 {add = true} : memref<10240xf32, #tpu.memory_space<vmem>>[vector<16xi32>], vector<16xf32>,
      %scan3A_25 = arith.constant 0 : i32
      scf.yield %scan3A_25 : i32
    }
    %scan3A_16 = arith.constant 625 : i32
    %mul3A_17 = arith.constant 16 : i32
    %mul3A_18 = arith.muli %arg0, %mul3A_17 : i32
    %add3A_19 = arith.addi %mul3A_18, %arg1 : i32
    "tpu.region"() ({
      %run_scoped3A = tpu.sem_alloc : memref<!tpu.dma_semaphore, #tpu.memory_space<semaphore_mem>>
      %dma_start3A = arith.constant 0 : i32
      %dma_start3A_20 = tpu.memref_slice %arg3[%add3A_19, %dma_start3A] : memref<32x10240xf32, #tpu.memory_space<hbm>> -> memref<1x10240xf32, #tpu.memory_space<hbm>>
      %dma_start3A_21 = tpu.memref_squeeze %dma_start3A_20 : memref<1x10240xf32, #tpu.memory_space<hbm>> -> memref<10240xf32, #tpu.memory_space<hbm>>
      %dma_start3A_22 = arith.constant 0 : i32
      %dma_start3A_23 = tpu.memref_slice %arg3[%add3A_19, %dma_start3A_22] : memref<32x10240xf32, #tpu.memory_space<hbm>> -> memref<1x10240xf32, #tpu.memory_space<hbm>>
      %dma_start3A_24 = tpu.memref_squeeze %dma_start3A_23 : memref<1x10240xf32, #tpu.memory_space<hbm>> -> memref<10240xf32, #tpu.memory_space<hbm>>
      tpu.enqueue_dma source(%arg5 : memref<10240xf32, #tpu.memory_space<vmem>>) target(%dma_start3A_24 : memref<10240xf32, #tpu.memory_space<hbm>>) target_semaphore(%run_scoped3A : memref<!tpu.dma_semaphore, #tpu.memory_space<semaphore_mem>>)
      %dma_wait3A = arith.constant 0 : i32
      %dma_wait3A_25 = tpu.memref_slice %arg3[%add3A_19, %dma_wait3A] : memref<32x10240xf32, #tpu.memory_space<hbm>> -> memref<1x10240xf32, #tpu.memory_space<hbm>>
      %dma_wait3A_26 = tpu.memref_squeeze %dma_wait3A_25 : memref<1x10240xf32, #tpu.memory_space<hbm>> -> memref<10240xf32, #tpu.memory_space<hbm>>
      %dma_wait3A_27 = arith.constant 0 : i32
      %dma_wait3A_28 = tpu.memref_slice %arg3[%add3A_19, %dma_wait3A_27] : memref<32x10240xf32, #tpu.memory_space<hbm>> -> memref<1x10240xf32, #tpu.memory_space<hbm>>
      %dma_wait3A_29 = tpu.memref_squeeze %dma_wait3A_28 : memref<1x10240xf32, #tpu.memory_space<hbm>> -> memref<10240xf32, #tpu.memory_space<hbm>>
      tpu.wait_dma2 semaphore(%run_scoped3A : memref<!tpu.dma_semaphore, #tpu.memory_space<semaphore_mem>>) src(%arg5 : memref<10240xf32, #tpu.memory_space<vmem>>) dst(%dma_wait3A_29 : memref<10240xf32, #tpu.memory_space<hbm>>)
      tpu.yield
    }) : () -> ()
    return
  }
}

#map = affine_map<(d0, d1) -> (0)>
module attributes {stable_mosaic.version = 14 : i64} {
  func.func @_agg2_body(%arg0: i32, %arg1: i32, %arg2: memref<320000xi32, #tpu.memory_space<hbm>>, %arg3: memref<320000xi32, #tpu.memory_space<hbm>>, %arg4: memref<10240xf32, #tpu.memory_space<hbm>>, %arg5: memref<10240xf32, #tpu.memory_space<hbm>>, %arg6: memref<10240xf32, #tpu.memory_space<hbm>>, %arg7: memref<10240xf32, #tpu.memory_space<hbm>>, %arg8: memref<20000xi32, #tpu.memory_space<vmem>>, %arg9: memref<20000xi32, #tpu.memory_space<vmem>>, %arg10: memref<10240xf32, #tpu.memory_space<vmem>>, %arg11: memref<10240xf32, #tpu.memory_space<vmem>>, %arg12: memref<10240xf32, #tpu.memory_space<vmem>>, %arg13: memref<640xf32, #tpu.memory_space<vmem>>, %arg14: memref<640xf32, #tpu.memory_space<vmem>>, %arg15: memref<640xf32, #tpu.memory_space<vmem>>, %arg16: memref<16x10240xf32, #tpu.memory_space<vmem_shared>>) attributes {dimension_semantics = [#tpu.dimension_semantics<core_parallel>, #tpu.dimension_semantics<subcore_parallel>], iteration_bounds = array<i64: 2, 16>, scalar_prefetch = 0 : i64, scratch_operands = 9 : i64, tpu.core_type = #tpu.core_type<sc_vector_subcore>, window_params = [{transform_indices = #map}, {transform_indices = #map}, {transform_indices = #map}, {transform_indices = #map}, {transform_indices = #map}, {transform_indices = #map}]} {
    %eq3A = arith.constant 0 : i32
    %eq3A_0 = arith.cmpi eq, %arg0, %eq3A : i32
    %convert_element_type3A = arith.extui %eq3A_0 : i1 to i32
    %cond3A = arith.constant 0 : i32
    %cond3A_1 = arith.cmpi ne, %convert_element_type3A, %cond3A : i32
    scf.if %cond3A_1 {
      %scan3A = arith.constant 0 : i32
      %scan3A_2 = arith.constant 0 : i32
      %scan3A_3 = arith.constant 640 : i32
      %scan3A_4 = arith.addi %scan3A_2, %scan3A_3 : i32
      %scan3A_5 = arith.constant 1 : i32
      %scan3A_6 = scf.for %scan3A_78 = %scan3A_2 to %scan3A_4 step %scan3A_5 iter_args(%scan3A_79 = %scan3A) -> (i32)  : i32 {
        %broadcast_in_dim3A = arith.constant 0.000000e+00 : f32
        %broadcast_in_dim3A_80 = vector.broadcast %broadcast_in_dim3A : f32 to vector<16xf32>
        %mul3A_81 = arith.constant 16 : i32
        %mul3A_82 = arith.muli %scan3A_78, %mul3A_81 : i32
        %swap3A = arith.index_cast %mul3A_82 : i32 to index
        %swap3A_83 = tpu.vector_load %arg11[%swap3A] {strides = array<i32>} : memref<10240xf32, #tpu.memory_space<vmem>>, vector<16xf32>,
        tpu.vector_store %arg11[%swap3A], %broadcast_in_dim3A_80 {strides = array<i32>} : memref<10240xf32, #tpu.memory_space<vmem>>, vector<16xf32>,
        %scan3A_84 = arith.constant 0 : i32
        scf.yield %scan3A_84 : i32
      }
      %scan3A_7 = arith.constant 640 : i32
      "tpu.region"() ({
        %run_scoped3A_78 = tpu.sem_alloc : memref<!tpu.dma_semaphore, #tpu.memory_space<semaphore_mem>>
        tpu.enqueue_dma source(%arg4 : memref<10240xf32, #tpu.memory_space<hbm>>) target(%arg10 : memref<10240xf32, #tpu.memory_space<vmem>>) target_semaphore(%run_scoped3A_78 : memref<!tpu.dma_semaphore, #tpu.memory_space<semaphore_mem>>)
        tpu.wait_dma2 semaphore(%run_scoped3A_78 : memref<!tpu.dma_semaphore, #tpu.memory_space<semaphore_mem>>) src(%arg4 : memref<10240xf32, #tpu.memory_space<hbm>>) dst(%arg10 : memref<10240xf32, #tpu.memory_space<vmem>>)
        tpu.yield
      }) : () -> ()
      %mul3A = arith.constant 20000 : i32
      %mul3A_8 = arith.muli %arg1, %mul3A : i32
      "tpu.region"() ({
        %run_scoped3A_78 = tpu.sem_alloc : memref<!tpu.dma_semaphore, #tpu.memory_space<semaphore_mem>>
        %dma_start3A = tpu.memref_slice %arg2[%mul3A_8] : memref<320000xi32, #tpu.memory_space<hbm>> -> memref<20000xi32, #tpu.memory_space<hbm>>
        %dma_start3A_79 = tpu.memref_slice %arg2[%mul3A_8] : memref<320000xi32, #tpu.memory_space<hbm>> -> memref<20000xi32, #tpu.memory_space<hbm>>
        tpu.enqueue_dma source(%dma_start3A_79 : memref<20000xi32, #tpu.memory_space<hbm>>) target(%arg8 : memref<20000xi32, #tpu.memory_space<vmem>>) target_semaphore(%run_scoped3A_78 : memref<!tpu.dma_semaphore, #tpu.memory_space<semaphore_mem>>)
        %dma_wait3A = tpu.memref_slice %arg2[%mul3A_8] : memref<320000xi32, #tpu.memory_space<hbm>> -> memref<20000xi32, #tpu.memory_space<hbm>>
        %dma_wait3A_80 = tpu.memref_slice %arg2[%mul3A_8] : memref<320000xi32, #tpu.memory_space<hbm>> -> memref<20000xi32, #tpu.memory_space<hbm>>
        tpu.wait_dma2 semaphore(%run_scoped3A_78 : memref<!tpu.dma_semaphore, #tpu.memory_space<semaphore_mem>>) src(%dma_wait3A_80 : memref<20000xi32, #tpu.memory_space<hbm>>) dst(%arg8 : memref<20000xi32, #tpu.memory_space<vmem>>)
        tpu.yield
      }) : () -> ()
      %mul3A_9 = arith.constant 20000 : i32
      %mul3A_10 = arith.muli %arg1, %mul3A_9 : i32
      "tpu.region"() ({
        %run_scoped3A_78 = tpu.sem_alloc : memref<!tpu.dma_semaphore, #tpu.memory_space<semaphore_mem>>
        %dma_start3A = tpu.memref_slice %arg3[%mul3A_10] : memref<320000xi32, #tpu.memory_space<hbm>> -> memref<20000xi32, #tpu.memory_space<hbm>>
        %dma_start3A_79 = tpu.memref_slice %arg3[%mul3A_10] : memref<320000xi32, #tpu.memory_space<hbm>> -> memref<20000xi32, #tpu.memory_space<hbm>>
        tpu.enqueue_dma source(%dma_start3A_79 : memref<20000xi32, #tpu.memory_space<hbm>>) target(%arg9 : memref<20000xi32, #tpu.memory_space<vmem>>) target_semaphore(%run_scoped3A_78 : memref<!tpu.dma_semaphore, #tpu.memory_space<semaphore_mem>>)
        %dma_wait3A = tpu.memref_slice %arg3[%mul3A_10] : memref<320000xi32, #tpu.memory_space<hbm>> -> memref<20000xi32, #tpu.memory_space<hbm>>
        %dma_wait3A_80 = tpu.memref_slice %arg3[%mul3A_10] : memref<320000xi32, #tpu.memory_space<hbm>> -> memref<20000xi32, #tpu.memory_space<hbm>>
        tpu.wait_dma2 semaphore(%run_scoped3A_78 : memref<!tpu.dma_semaphore, #tpu.memory_space<semaphore_mem>>) src(%dma_wait3A_80 : memref<20000xi32, #tpu.memory_space<hbm>>) dst(%arg9 : memref<20000xi32, #tpu.memory_space<vmem>>)
        tpu.yield
      }) : () -> ()
      %scan3A_11 = arith.constant 0 : i32
      %scan3A_12 = arith.constant 0 : i32
      %scan3A_13 = arith.constant 1250 : i32
      %scan3A_14 = arith.addi %scan3A_12, %scan3A_13 : i32
      %scan3A_15 = arith.constant 1 : i32
      %scan3A_16 = scf.for %scan3A_78 = %scan3A_12 to %scan3A_14 step %scan3A_15 iter_args(%scan3A_79 = %scan3A_11) -> (i32)  : i32 {
        %mul3A_80 = arith.constant 16 : i32
        %mul3A_81 = arith.muli %scan3A_78, %mul3A_80 : i32
        %get3A = arith.index_cast %mul3A_81 : i32 to index
        %get3A_82 = tpu.vector_load %arg8[%get3A] {strides = array<i32>} : memref<20000xi32, #tpu.memory_space<vmem>>, vector<16xi32>,
        %mul3A_83 = arith.constant 16 : i32
        %mul3A_84 = arith.muli %scan3A_78, %mul3A_83 : i32
        %get3A_85 = arith.index_cast %mul3A_84 : i32 to index
        %get3A_86 = tpu.vector_load %arg9[%get3A_85] {strides = array<i32>} : memref<20000xi32, #tpu.memory_space<vmem>>, vector<16xi32>,
        %gather3A = tpu.vector_load_idx %arg10[%get3A_82] : memref<10240xf32, #tpu.memory_space<vmem>>[vector<16xi32>], vector<16xf32>,
        tpu.vector_store_idx %arg11[%get3A_86], %gather3A {add = true} : memref<10240xf32, #tpu.memory_space<vmem>>[vector<16xi32>], vector<16xf32>,
        %scan3A_87 = arith.constant 0 : i32
        scf.yield %scan3A_87 : i32
      }
      %scan3A_17 = arith.constant 1250 : i32
      "tpu.region"() ({
        %run_scoped3A_78 = tpu.sem_alloc : memref<!tpu.dma_semaphore, #tpu.memory_space<semaphore_mem>>
        %dma_start3A = arith.constant 0 : i32
        %dma_start3A_79 = tpu.memref_slice %arg16[%arg1, %dma_start3A] : memref<16x10240xf32, #tpu.memory_space<vmem_shared>> -> memref<1x10240xf32, #tpu.memory_space<vmem_shared>>
        %dma_start3A_80 = tpu.memref_squeeze %dma_start3A_79 : memref<1x10240xf32, #tpu.memory_space<vmem_shared>> -> memref<10240xf32, #tpu.memory_space<vmem_shared>>
        %dma_start3A_81 = arith.constant 0 : i32
        %dma_start3A_82 = tpu.memref_slice %arg16[%arg1, %dma_start3A_81] : memref<16x10240xf32, #tpu.memory_space<vmem_shared>> -> memref<1x10240xf32, #tpu.memory_space<vmem_shared>>
        %dma_start3A_83 = tpu.memref_squeeze %dma_start3A_82 : memref<1x10240xf32, #tpu.memory_space<vmem_shared>> -> memref<10240xf32, #tpu.memory_space<vmem_shared>>
        tpu.enqueue_dma source(%arg11 : memref<10240xf32, #tpu.memory_space<vmem>>) target(%dma_start3A_83 : memref<10240xf32, #tpu.memory_space<vmem_shared>>) target_semaphore(%run_scoped3A_78 : memref<!tpu.dma_semaphore, #tpu.memory_space<semaphore_mem>>)
        %dma_wait3A = arith.constant 0 : i32
        %dma_wait3A_84 = tpu.memref_slice %arg16[%arg1, %dma_wait3A] : memref<16x10240xf32, #tpu.memory_space<vmem_shared>> -> memref<1x10240xf32, #tpu.memory_space<vmem_shared>>
        %dma_wait3A_85 = tpu.memref_squeeze %dma_wait3A_84 : memref<1x10240xf32, #tpu.memory_space<vmem_shared>> -> memref<10240xf32, #tpu.memory_space<vmem_shared>>
        %dma_wait3A_86 = arith.constant 0 : i32
        %dma_wait3A_87 = tpu.memref_slice %arg16[%arg1, %dma_wait3A_86] : memref<16x10240xf32, #tpu.memory_space<vmem_shared>> -> memref<1x10240xf32, #tpu.memory_space<vmem_shared>>
        %dma_wait3A_88 = tpu.memref_squeeze %dma_wait3A_87 : memref<1x10240xf32, #tpu.memory_space<vmem_shared>> -> memref<10240xf32, #tpu.memory_space<vmem_shared>>
        tpu.wait_dma2 semaphore(%run_scoped3A_78 : memref<!tpu.dma_semaphore, #tpu.memory_space<semaphore_mem>>) src(%arg11 : memref<10240xf32, #tpu.memory_space<vmem>>) dst(%dma_wait3A_88 : memref<10240xf32, #tpu.memory_space<vmem_shared>>)
        tpu.yield
      }) : () -> ()
      %barrier3A = arith.constant 0 : index
      tpu.barrier barrier_id(%barrier3A)
      %mul3A_18 = arith.constant 640 : i32
      %mul3A_19 = arith.muli %arg1, %mul3A_18 : i32
      "tpu.region"() ({
        %run_scoped3A_78 = tpu.sem_alloc : memref<!tpu.dma_semaphore, #tpu.memory_space<semaphore_mem>>
        %dma_start3A = tpu.memref_slice %arg5[%mul3A_19] : memref<10240xf32, #tpu.memory_space<hbm>> -> memref<640xf32, #tpu.memory_space<hbm>>
        %dma_start3A_79 = tpu.memref_slice %arg5[%mul3A_19] : memref<10240xf32, #tpu.memory_space<hbm>> -> memref<640xf32, #tpu.memory_space<hbm>>
        tpu.enqueue_dma source(%dma_start3A_79 : memref<640xf32, #tpu.memory_space<hbm>>) target(%arg13 : memref<640xf32, #tpu.memory_space<vmem>>) target_semaphore(%run_scoped3A_78 : memref<!tpu.dma_semaphore, #tpu.memory_space<semaphore_mem>>)
        %dma_wait3A = tpu.memref_slice %arg5[%mul3A_19] : memref<10240xf32, #tpu.memory_space<hbm>> -> memref<640xf32, #tpu.memory_space<hbm>>
        %dma_wait3A_80 = tpu.memref_slice %arg5[%mul3A_19] : memref<10240xf32, #tpu.memory_space<hbm>> -> memref<640xf32, #tpu.memory_space<hbm>>
        tpu.wait_dma2 semaphore(%run_scoped3A_78 : memref<!tpu.dma_semaphore, #tpu.memory_space<semaphore_mem>>) src(%dma_wait3A_80 : memref<640xf32, #tpu.memory_space<hbm>>) dst(%arg13 : memref<640xf32, #tpu.memory_space<vmem>>)
        tpu.yield
      }) : () -> ()
      %mul3A_20 = arith.constant 640 : i32
      %mul3A_21 = arith.muli %arg1, %mul3A_20 : i32
      "tpu.region"() ({
        %run_scoped3A_78 = tpu.sem_alloc : memref<!tpu.dma_semaphore, #tpu.memory_space<semaphore_mem>>
        %dma_start3A = tpu.memref_slice %arg6[%mul3A_21] : memref<10240xf32, #tpu.memory_space<hbm>> -> memref<640xf32, #tpu.memory_space<hbm>>
        %dma_start3A_79 = tpu.memref_slice %arg6[%mul3A_21] : memref<10240xf32, #tpu.memory_space<hbm>> -> memref<640xf32, #tpu.memory_space<hbm>>
        tpu.enqueue_dma source(%dma_start3A_79 : memref<640xf32, #tpu.memory_space<hbm>>) target(%arg14 : memref<640xf32, #tpu.memory_space<vmem>>) target_semaphore(%run_scoped3A_78 : memref<!tpu.dma_semaphore, #tpu.memory_space<semaphore_mem>>)
        %dma_wait3A = tpu.memref_slice %arg6[%mul3A_21] : memref<10240xf32, #tpu.memory_space<hbm>> -> memref<640xf32, #tpu.memory_space<hbm>>
        %dma_wait3A_80 = tpu.memref_slice %arg6[%mul3A_21] : memref<10240xf32, #tpu.memory_space<hbm>> -> memref<640xf32, #tpu.memory_space<hbm>>
        tpu.wait_dma2 semaphore(%run_scoped3A_78 : memref<!tpu.dma_semaphore, #tpu.memory_space<semaphore_mem>>) src(%dma_wait3A_80 : memref<640xf32, #tpu.memory_space<hbm>>) dst(%arg14 : memref<640xf32, #tpu.memory_space<vmem>>)
        tpu.yield
      }) : () -> ()
      %mul3A_22 = arith.constant 640 : i32
      %mul3A_23 = arith.muli %arg1, %mul3A_22 : i32
      %run_scoped3A = arith.constant 0 : i32
      "tpu.region"() ({
        %run_scoped3A_78 = tpu.sem_alloc : memref<!tpu.dma_semaphore, #tpu.memory_space<semaphore_mem>>
        %dma_start3A = arith.constant 0 : i32
        %dma_start3A_79 = tpu.memref_slice %arg12[%dma_start3A] : memref<10240xf32, #tpu.memory_space<vmem>> -> memref<640xf32, #tpu.memory_space<vmem>>
        %dma_start3A_80 = tpu.memref_slice %arg16[%run_scoped3A, %mul3A_23] : memref<16x10240xf32, #tpu.memory_space<vmem_shared>> -> memref<1x640xf32, #tpu.memory_space<vmem_shared>>
        %dma_start3A_81 = tpu.memref_squeeze %dma_start3A_80 : memref<1x640xf32, #tpu.memory_space<vmem_shared>> -> memref<640xf32, #tpu.memory_space<vmem_shared>>
        %dma_start3A_82 = arith.constant 0 : i32
        %dma_start3A_83 = tpu.memref_slice %arg12[%dma_start3A_82] : memref<10240xf32, #tpu.memory_space<vmem>> -> memref<640xf32, #tpu.memory_space<vmem>>
        %dma_start3A_84 = tpu.memref_slice %arg16[%run_scoped3A, %mul3A_23] : memref<16x10240xf32, #tpu.memory_space<vmem_shared>> -> memref<1x640xf32, #tpu.memory_space<vmem_shared>>
        %dma_start3A_85 = tpu.memref_squeeze %dma_start3A_84 : memref<1x640xf32, #tpu.memory_space<vmem_shared>> -> memref<640xf32, #tpu.memory_space<vmem_shared>>
        tpu.enqueue_dma source(%dma_start3A_85 : memref<640xf32, #tpu.memory_space<vmem_shared>>) target(%dma_start3A_83 : memref<640xf32, #tpu.memory_space<vmem>>) target_semaphore(%run_scoped3A_78 : memref<!tpu.dma_semaphore, #tpu.memory_space<semaphore_mem>>)
        %dma_wait3A = arith.constant 0 : i32
        %dma_wait3A_86 = tpu.memref_slice %arg12[%dma_wait3A] : memref<10240xf32, #tpu.memory_space<vmem>> -> memref<640xf32, #tpu.memory_space<vmem>>
        %dma_wait3A_87 = tpu.memref_slice %arg16[%run_scoped3A, %mul3A_23] : memref<16x10240xf32, #tpu.memory_space<vmem_shared>> -> memref<1x640xf32, #tpu.memory_space<vmem_shared>>
        %dma_wait3A_88 = tpu.memref_squeeze %dma_wait3A_87 : memref<1x640xf32, #tpu.memory_space<vmem_shared>> -> memref<640xf32, #tpu.memory_space<vmem_shared>>
        %dma_wait3A_89 = arith.constant 0 : i32
        %dma_wait3A_90 = tpu.memref_slice %arg12[%dma_wait3A_89] : memref<10240xf32, #tpu.memory_space<vmem>> -> memref<640xf32, #tpu.memory_space<vmem>>
        %dma_wait3A_91 = tpu.memref_slice %arg16[%run_scoped3A, %mul3A_23] : memref<16x10240xf32, #tpu.memory_space<vmem_shared>> -> memref<1x640xf32, #tpu.memory_space<vmem_shared>>
        %dma_wait3A_92 = tpu.memref_squeeze %dma_wait3A_91 : memref<1x640xf32, #tpu.memory_space<vmem_shared>> -> memref<640xf32, #tpu.memory_space<vmem_shared>>
        tpu.wait_dma2 semaphore(%run_scoped3A_78 : memref<!tpu.dma_semaphore, #tpu.memory_space<semaphore_mem>>) src(%dma_wait3A_92 : memref<640xf32, #tpu.memory_space<vmem_shared>>) dst(%dma_wait3A_90 : memref<640xf32, #tpu.memory_space<vmem>>)
        tpu.yield
      }) : () -> ()
      %mul3A_24 = arith.constant 640 : i32
      %mul3A_25 = arith.muli %arg1, %mul3A_24 : i32
      %run_scoped3A_26 = arith.constant 1 : i32
      "tpu.region"() ({
        %run_scoped3A_78 = tpu.sem_alloc : memref<!tpu.dma_semaphore, #tpu.memory_space<semaphore_mem>>
        %dma_start3A = arith.constant 640 : i32
        %dma_start3A_79 = tpu.memref_slice %arg12[%dma_start3A] : memref<10240xf32, #tpu.memory_space<vmem>> -> memref<640xf32, #tpu.memory_space<vmem>>
        %dma_start3A_80 = tpu.memref_slice %arg16[%run_scoped3A_26, %mul3A_25] : memref<16x10240xf32, #tpu.memory_space<vmem_shared>> -> memref<1x640xf32, #tpu.memory_space<vmem_shared>>
        %dma_start3A_81 = tpu.memref_squeeze %dma_start3A_80 : memref<1x640xf32, #tpu.memory_space<vmem_shared>> -> memref<640xf32, #tpu.memory_space<vmem_shared>>
        %dma_start3A_82 = arith.constant 640 : i32
        %dma_start3A_83 = tpu.memref_slice %arg12[%dma_start3A_82] : memref<10240xf32, #tpu.memory_space<vmem>> -> memref<640xf32, #tpu.memory_space<vmem>>
        %dma_start3A_84 = tpu.memref_slice %arg16[%run_scoped3A_26, %mul3A_25] : memref<16x10240xf32, #tpu.memory_space<vmem_shared>> -> memref<1x640xf32, #tpu.memory_space<vmem_shared>>
        %dma_start3A_85 = tpu.memref_squeeze %dma_start3A_84 : memref<1x640xf32, #tpu.memory_space<vmem_shared>> -> memref<640xf32, #tpu.memory_space<vmem_shared>>
        tpu.enqueue_dma source(%dma_start3A_85 : memref<640xf32, #tpu.memory_space<vmem_shared>>) target(%dma_start3A_83 : memref<640xf32, #tpu.memory_space<vmem>>) target_semaphore(%run_scoped3A_78 : memref<!tpu.dma_semaphore, #tpu.memory_space<semaphore_mem>>)
        %dma_wait3A = arith.constant 640 : i32
        %dma_wait3A_86 = tpu.memref_slice %arg12[%dma_wait3A] : memref<10240xf32, #tpu.memory_space<vmem>> -> memref<640xf32, #tpu.memory_space<vmem>>
        %dma_wait3A_87 = tpu.memref_slice %arg16[%run_scoped3A_26, %mul3A_25] : memref<16x10240xf32, #tpu.memory_space<vmem_shared>> -> memref<1x640xf32, #tpu.memory_space<vmem_shared>>
        %dma_wait3A_88 = tpu.memref_squeeze %dma_wait3A_87 : memref<1x640xf32, #tpu.memory_space<vmem_shared>> -> memref<640xf32, #tpu.memory_space<vmem_shared>>
        %dma_wait3A_89 = arith.constant 640 : i32
        %dma_wait3A_90 = tpu.memref_slice %arg12[%dma_wait3A_89] : memref<10240xf32, #tpu.memory_space<vmem>> -> memref<640xf32, #tpu.memory_space<vmem>>
        %dma_wait3A_91 = tpu.memref_slice %arg16[%run_scoped3A_26, %mul3A_25] : memref<16x10240xf32, #tpu.memory_space<vmem_shared>> -> memref<1x640xf32, #tpu.memory_space<vmem_shared>>
        %dma_wait3A_92 = tpu.memref_squeeze %dma_wait3A_91 : memref<1x640xf32, #tpu.memory_space<vmem_shared>> -> memref<640xf32, #tpu.memory_space<vmem_shared>>
        tpu.wait_dma2 semaphore(%run_scoped3A_78 : memref<!tpu.dma_semaphore, #tpu.memory_space<semaphore_mem>>) src(%dma_wait3A_92 : memref<640xf32, #tpu.memory_space<vmem_shared>>) dst(%dma_wait3A_90 : memref<640xf32, #tpu.memory_space<vmem>>)
        tpu.yield
      }) : () -> ()
      %mul3A_27 = arith.constant 640 : i32
      %mul3A_28 = arith.muli %arg1, %mul3A_27 : i32
      %run_scoped3A_29 = arith.constant 2 : i32
      "tpu.region"() ({
        %run_scoped3A_78 = tpu.sem_alloc : memref<!tpu.dma_semaphore, #tpu.memory_space<semaphore_mem>>
        %dma_start3A = arith.constant 1280 : i32
        %dma_start3A_79 = tpu.memref_slice %arg12[%dma_start3A] : memref<10240xf32, #tpu.memory_space<vmem>> -> memref<640xf32, #tpu.memory_space<vmem>>
        %dma_start3A_80 = tpu.memref_slice %arg16[%run_scoped3A_29, %mul3A_28] : memref<16x10240xf32, #tpu.memory_space<vmem_shared>> -> memref<1x640xf32, #tpu.memory_space<vmem_shared>>
        %dma_start3A_81 = tpu.memref_squeeze %dma_start3A_80 : memref<1x640xf32, #tpu.memory_space<vmem_shared>> -> memref<640xf32, #tpu.memory_space<vmem_shared>>
        %dma_start3A_82 = arith.constant 1280 : i32
        %dma_start3A_83 = tpu.memref_slice %arg12[%dma_start3A_82] : memref<10240xf32, #tpu.memory_space<vmem>> -> memref<640xf32, #tpu.memory_space<vmem>>
        %dma_start3A_84 = tpu.memref_slice %arg16[%run_scoped3A_29, %mul3A_28] : memref<16x10240xf32, #tpu.memory_space<vmem_shared>> -> memref<1x640xf32, #tpu.memory_space<vmem_shared>>
        %dma_start3A_85 = tpu.memref_squeeze %dma_start3A_84 : memref<1x640xf32, #tpu.memory_space<vmem_shared>> -> memref<640xf32, #tpu.memory_space<vmem_shared>>
        tpu.enqueue_dma source(%dma_start3A_85 : memref<640xf32, #tpu.memory_space<vmem_shared>>) target(%dma_start3A_83 : memref<640xf32, #tpu.memory_space<vmem>>) target_semaphore(%run_scoped3A_78 : memref<!tpu.dma_semaphore, #tpu.memory_space<semaphore_mem>>)
        %dma_wait3A = arith.constant 1280 : i32
        %dma_wait3A_86 = tpu.memref_slice %arg12[%dma_wait3A] : memref<10240xf32, #tpu.memory_space<vmem>> -> memref<640xf32, #tpu.memory_space<vmem>>
        %dma_wait3A_87 = tpu.memref_slice %arg16[%run_scoped3A_29, %mul3A_28] : memref<16x10240xf32, #tpu.memory_space<vmem_shared>> -> memref<1x640xf32, #tpu.memory_space<vmem_shared>>
        %dma_wait3A_88 = tpu.memref_squeeze %dma_wait3A_87 : memref<1x640xf32, #tpu.memory_space<vmem_shared>> -> memref<640xf32, #tpu.memory_space<vmem_shared>>
        %dma_wait3A_89 = arith.constant 1280 : i32
        %dma_wait3A_90 = tpu.memref_slice %arg12[%dma_wait3A_89] : memref<10240xf32, #tpu.memory_space<vmem>> -> memref<640xf32, #tpu.memory_space<vmem>>
        %dma_wait3A_91 = tpu.memref_slice %arg16[%run_scoped3A_29, %mul3A_28] : memref<16x10240xf32, #tpu.memory_space<vmem_shared>> -> memref<1x640xf32, #tpu.memory_space<vmem_shared>>
        %dma_wait3A_92 = tpu.memref_squeeze %dma_wait3A_91 : memref<1x640xf32, #tpu.memory_space<vmem_shared>> -> memref<640xf32, #tpu.memory_space<vmem_shared>>
        tpu.wait_dma2 semaphore(%run_scoped3A_78 : memref<!tpu.dma_semaphore, #tpu.memory_space<semaphore_mem>>) src(%dma_wait3A_92 : memref<640xf32, #tpu.memory_space<vmem_shared>>) dst(%dma_wait3A_90 : memref<640xf32, #tpu.memory_space<vmem>>)
        tpu.yield
      }) : () -> ()
      %mul3A_30 = arith.constant 640 : i32
      %mul3A_31 = arith.muli %arg1, %mul3A_30 : i32
      %run_scoped3A_32 = arith.constant 3 : i32
      "tpu.region"() ({
        %run_scoped3A_78 = tpu.sem_alloc : memref<!tpu.dma_semaphore, #tpu.memory_space<semaphore_mem>>
        %dma_start3A = arith.constant 1920 : i32
        %dma_start3A_79 = tpu.memref_slice %arg12[%dma_start3A] : memref<10240xf32, #tpu.memory_space<vmem>> -> memref<640xf32, #tpu.memory_space<vmem>>
        %dma_start3A_80 = tpu.memref_slice %arg16[%run_scoped3A_32, %mul3A_31] : memref<16x10240xf32, #tpu.memory_space<vmem_shared>> -> memref<1x640xf32, #tpu.memory_space<vmem_shared>>
        %dma_start3A_81 = tpu.memref_squeeze %dma_start3A_80 : memref<1x640xf32, #tpu.memory_space<vmem_shared>> -> memref<640xf32, #tpu.memory_space<vmem_shared>>
        %dma_start3A_82 = arith.constant 1920 : i32
        %dma_start3A_83 = tpu.memref_slice %arg12[%dma_start3A_82] : memref<10240xf32, #tpu.memory_space<vmem>> -> memref<640xf32, #tpu.memory_space<vmem>>
        %dma_start3A_84 = tpu.memref_slice %arg16[%run_scoped3A_32, %mul3A_31] : memref<16x10240xf32, #tpu.memory_space<vmem_shared>> -> memref<1x640xf32, #tpu.memory_space<vmem_shared>>
        %dma_start3A_85 = tpu.memref_squeeze %dma_start3A_84 : memref<1x640xf32, #tpu.memory_space<vmem_shared>> -> memref<640xf32, #tpu.memory_space<vmem_shared>>
        tpu.enqueue_dma source(%dma_start3A_85 : memref<640xf32, #tpu.memory_space<vmem_shared>>) target(%dma_start3A_83 : memref<640xf32, #tpu.memory_space<vmem>>) target_semaphore(%run_scoped3A_78 : memref<!tpu.dma_semaphore, #tpu.memory_space<semaphore_mem>>)
        %dma_wait3A = arith.constant 1920 : i32
        %dma_wait3A_86 = tpu.memref_slice %arg12[%dma_wait3A] : memref<10240xf32, #tpu.memory_space<vmem>> -> memref<640xf32, #tpu.memory_space<vmem>>
        %dma_wait3A_87 = tpu.memref_slice %arg16[%run_scoped3A_32, %mul3A_31] : memref<16x10240xf32, #tpu.memory_space<vmem_shared>> -> memref<1x640xf32, #tpu.memory_space<vmem_shared>>
        %dma_wait3A_88 = tpu.memref_squeeze %dma_wait3A_87 : memref<1x640xf32, #tpu.memory_space<vmem_shared>> -> memref<640xf32, #tpu.memory_space<vmem_shared>>
        %dma_wait3A_89 = arith.constant 1920 : i32
        %dma_wait3A_90 = tpu.memref_slice %arg12[%dma_wait3A_89] : memref<10240xf32, #tpu.memory_space<vmem>> -> memref<640xf32, #tpu.memory_space<vmem>>
        %dma_wait3A_91 = tpu.memref_slice %arg16[%run_scoped3A_32, %mul3A_31] : memref<16x10240xf32, #tpu.memory_space<vmem_shared>> -> memref<1x640xf32, #tpu.memory_space<vmem_shared>>
        %dma_wait3A_92 = tpu.memref_squeeze %dma_wait3A_91 : memref<1x640xf32, #tpu.memory_space<vmem_shared>> -> memref<640xf32, #tpu.memory_space<vmem_shared>>
        tpu.wait_dma2 semaphore(%run_scoped3A_78 : memref<!tpu.dma_semaphore, #tpu.memory_space<semaphore_mem>>) src(%dma_wait3A_92 : memref<640xf32, #tpu.memory_space<vmem_shared>>) dst(%dma_wait3A_90 : memref<640xf32, #tpu.memory_space<vmem>>)
        tpu.yield
      }) : () -> ()
      %mul3A_33 = arith.constant 640 : i32
      %mul3A_34 = arith.muli %arg1, %mul3A_33 : i32
      %run_scoped3A_35 = arith.constant 4 : i32
      "tpu.region"() ({
        %run_scoped3A_78 = tpu.sem_alloc : memref<!tpu.dma_semaphore, #tpu.memory_space<semaphore_mem>>
        %dma_start3A = arith.constant 2560 : i32
        %dma_start3A_79 = tpu.memref_slice %arg12[%dma_start3A] : memref<10240xf32, #tpu.memory_space<vmem>> -> memref<640xf32, #tpu.memory_space<vmem>>
        %dma_start3A_80 = tpu.memref_slice %arg16[%run_scoped3A_35, %mul3A_34] : memref<16x10240xf32, #tpu.memory_space<vmem_shared>> -> memref<1x640xf32, #tpu.memory_space<vmem_shared>>
        %dma_start3A_81 = tpu.memref_squeeze %dma_start3A_80 : memref<1x640xf32, #tpu.memory_space<vmem_shared>> -> memref<640xf32, #tpu.memory_space<vmem_shared>>
        %dma_start3A_82 = arith.constant 2560 : i32
        %dma_start3A_83 = tpu.memref_slice %arg12[%dma_start3A_82] : memref<10240xf32, #tpu.memory_space<vmem>> -> memref<640xf32, #tpu.memory_space<vmem>>
        %dma_start3A_84 = tpu.memref_slice %arg16[%run_scoped3A_35, %mul3A_34] : memref<16x10240xf32, #tpu.memory_space<vmem_shared>> -> memref<1x640xf32, #tpu.memory_space<vmem_shared>>
        %dma_start3A_85 = tpu.memref_squeeze %dma_start3A_84 : memref<1x640xf32, #tpu.memory_space<vmem_shared>> -> memref<640xf32, #tpu.memory_space<vmem_shared>>
        tpu.enqueue_dma source(%dma_start3A_85 : memref<640xf32, #tpu.memory_space<vmem_shared>>) target(%dma_start3A_83 : memref<640xf32, #tpu.memory_space<vmem>>) target_semaphore(%run_scoped3A_78 : memref<!tpu.dma_semaphore, #tpu.memory_space<semaphore_mem>>)
        %dma_wait3A = arith.constant 2560 : i32
        %dma_wait3A_86 = tpu.memref_slice %arg12[%dma_wait3A] : memref<10240xf32, #tpu.memory_space<vmem>> -> memref<640xf32, #tpu.memory_space<vmem>>
        %dma_wait3A_87 = tpu.memref_slice %arg16[%run_scoped3A_35, %mul3A_34] : memref<16x10240xf32, #tpu.memory_space<vmem_shared>> -> memref<1x640xf32, #tpu.memory_space<vmem_shared>>
        %dma_wait3A_88 = tpu.memref_squeeze %dma_wait3A_87 : memref<1x640xf32, #tpu.memory_space<vmem_shared>> -> memref<640xf32, #tpu.memory_space<vmem_shared>>
        %dma_wait3A_89 = arith.constant 2560 : i32
        %dma_wait3A_90 = tpu.memref_slice %arg12[%dma_wait3A_89] : memref<10240xf32, #tpu.memory_space<vmem>> -> memref<640xf32, #tpu.memory_space<vmem>>
        %dma_wait3A_91 = tpu.memref_slice %arg16[%run_scoped3A_35, %mul3A_34] : memref<16x10240xf32, #tpu.memory_space<vmem_shared>> -> memref<1x640xf32, #tpu.memory_space<vmem_shared>>
        %dma_wait3A_92 = tpu.memref_squeeze %dma_wait3A_91 : memref<1x640xf32, #tpu.memory_space<vmem_shared>> -> memref<640xf32, #tpu.memory_space<vmem_shared>>
        tpu.wait_dma2 semaphore(%run_scoped3A_78 : memref<!tpu.dma_semaphore, #tpu.memory_space<semaphore_mem>>) src(%dma_wait3A_92 : memref<640xf32, #tpu.memory_space<vmem_shared>>) dst(%dma_wait3A_90 : memref<640xf32, #tpu.memory_space<vmem>>)
        tpu.yield
      }) : () -> ()
      %mul3A_36 = arith.constant 640 : i32
      %mul3A_37 = arith.muli %arg1, %mul3A_36 : i32
      %run_scoped3A_38 = arith.constant 5 : i32
      "tpu.region"() ({
        %run_scoped3A_78 = tpu.sem_alloc : memref<!tpu.dma_semaphore, #tpu.memory_space<semaphore_mem>>
        %dma_start3A = arith.constant 3200 : i32
        %dma_start3A_79 = tpu.memref_slice %arg12[%dma_start3A] : memref<10240xf32, #tpu.memory_space<vmem>> -> memref<640xf32, #tpu.memory_space<vmem>>
        %dma_start3A_80 = tpu.memref_slice %arg16[%run_scoped3A_38, %mul3A_37] : memref<16x10240xf32, #tpu.memory_space<vmem_shared>> -> memref<1x640xf32, #tpu.memory_space<vmem_shared>>
        %dma_start3A_81 = tpu.memref_squeeze %dma_start3A_80 : memref<1x640xf32, #tpu.memory_space<vmem_shared>> -> memref<640xf32, #tpu.memory_space<vmem_shared>>
        %dma_start3A_82 = arith.constant 3200 : i32
        %dma_start3A_83 = tpu.memref_slice %arg12[%dma_start3A_82] : memref<10240xf32, #tpu.memory_space<vmem>> -> memref<640xf32, #tpu.memory_space<vmem>>
        %dma_start3A_84 = tpu.memref_slice %arg16[%run_scoped3A_38, %mul3A_37] : memref<16x10240xf32, #tpu.memory_space<vmem_shared>> -> memref<1x640xf32, #tpu.memory_space<vmem_shared>>
        %dma_start3A_85 = tpu.memref_squeeze %dma_start3A_84 : memref<1x640xf32, #tpu.memory_space<vmem_shared>> -> memref<640xf32, #tpu.memory_space<vmem_shared>>
        tpu.enqueue_dma source(%dma_start3A_85 : memref<640xf32, #tpu.memory_space<vmem_shared>>) target(%dma_start3A_83 : memref<640xf32, #tpu.memory_space<vmem>>) target_semaphore(%run_scoped3A_78 : memref<!tpu.dma_semaphore, #tpu.memory_space<semaphore_mem>>)
        %dma_wait3A = arith.constant 3200 : i32
        %dma_wait3A_86 = tpu.memref_slice %arg12[%dma_wait3A] : memref<10240xf32, #tpu.memory_space<vmem>> -> memref<640xf32, #tpu.memory_space<vmem>>
        %dma_wait3A_87 = tpu.memref_slice %arg16[%run_scoped3A_38, %mul3A_37] : memref<16x10240xf32, #tpu.memory_space<vmem_shared>> -> memref<1x640xf32, #tpu.memory_space<vmem_shared>>
        %dma_wait3A_88 = tpu.memref_squeeze %dma_wait3A_87 : memref<1x640xf32, #tpu.memory_space<vmem_shared>> -> memref<640xf32, #tpu.memory_space<vmem_shared>>
        %dma_wait3A_89 = arith.constant 3200 : i32
        %dma_wait3A_90 = tpu.memref_slice %arg12[%dma_wait3A_89] : memref<10240xf32, #tpu.memory_space<vmem>> -> memref<640xf32, #tpu.memory_space<vmem>>
        %dma_wait3A_91 = tpu.memref_slice %arg16[%run_scoped3A_38, %mul3A_37] : memref<16x10240xf32, #tpu.memory_space<vmem_shared>> -> memref<1x640xf32, #tpu.memory_space<vmem_shared>>
        %dma_wait3A_92 = tpu.memref_squeeze %dma_wait3A_91 : memref<1x640xf32, #tpu.memory_space<vmem_shared>> -> memref<640xf32, #tpu.memory_space<vmem_shared>>
        tpu.wait_dma2 semaphore(%run_scoped3A_78 : memref<!tpu.dma_semaphore, #tpu.memory_space<semaphore_mem>>) src(%dma_wait3A_92 : memref<640xf32, #tpu.memory_space<vmem_shared>>) dst(%dma_wait3A_90 : memref<640xf32, #tpu.memory_space<vmem>>)
        tpu.yield
      }) : () -> ()
      %mul3A_39 = arith.constant 640 : i32
      %mul3A_40 = arith.muli %arg1, %mul3A_39 : i32
      %run_scoped3A_41 = arith.constant 6 : i32
      "tpu.region"() ({
        %run_scoped3A_78 = tpu.sem_alloc : memref<!tpu.dma_semaphore, #tpu.memory_space<semaphore_mem>>
        %dma_start3A = arith.constant 3840 : i32
        %dma_start3A_79 = tpu.memref_slice %arg12[%dma_start3A] : memref<10240xf32, #tpu.memory_space<vmem>> -> memref<640xf32, #tpu.memory_space<vmem>>
        %dma_start3A_80 = tpu.memref_slice %arg16[%run_scoped3A_41, %mul3A_40] : memref<16x10240xf32, #tpu.memory_space<vmem_shared>> -> memref<1x640xf32, #tpu.memory_space<vmem_shared>>
        %dma_start3A_81 = tpu.memref_squeeze %dma_start3A_80 : memref<1x640xf32, #tpu.memory_space<vmem_shared>> -> memref<640xf32, #tpu.memory_space<vmem_shared>>
        %dma_start3A_82 = arith.constant 3840 : i32
        %dma_start3A_83 = tpu.memref_slice %arg12[%dma_start3A_82] : memref<10240xf32, #tpu.memory_space<vmem>> -> memref<640xf32, #tpu.memory_space<vmem>>
        %dma_start3A_84 = tpu.memref_slice %arg16[%run_scoped3A_41, %mul3A_40] : memref<16x10240xf32, #tpu.memory_space<vmem_shared>> -> memref<1x640xf32, #tpu.memory_space<vmem_shared>>
        %dma_start3A_85 = tpu.memref_squeeze %dma_start3A_84 : memref<1x640xf32, #tpu.memory_space<vmem_shared>> -> memref<640xf32, #tpu.memory_space<vmem_shared>>
        tpu.enqueue_dma source(%dma_start3A_85 : memref<640xf32, #tpu.memory_space<vmem_shared>>) target(%dma_start3A_83 : memref<640xf32, #tpu.memory_space<vmem>>) target_semaphore(%run_scoped3A_78 : memref<!tpu.dma_semaphore, #tpu.memory_space<semaphore_mem>>)
        %dma_wait3A = arith.constant 3840 : i32
        %dma_wait3A_86 = tpu.memref_slice %arg12[%dma_wait3A] : memref<10240xf32, #tpu.memory_space<vmem>> -> memref<640xf32, #tpu.memory_space<vmem>>
        %dma_wait3A_87 = tpu.memref_slice %arg16[%run_scoped3A_41, %mul3A_40] : memref<16x10240xf32, #tpu.memory_space<vmem_shared>> -> memref<1x640xf32, #tpu.memory_space<vmem_shared>>
        %dma_wait3A_88 = tpu.memref_squeeze %dma_wait3A_87 : memref<1x640xf32, #tpu.memory_space<vmem_shared>> -> memref<640xf32, #tpu.memory_space<vmem_shared>>
        %dma_wait3A_89 = arith.constant 3840 : i32
        %dma_wait3A_90 = tpu.memref_slice %arg12[%dma_wait3A_89] : memref<10240xf32, #tpu.memory_space<vmem>> -> memref<640xf32, #tpu.memory_space<vmem>>
        %dma_wait3A_91 = tpu.memref_slice %arg16[%run_scoped3A_41, %mul3A_40] : memref<16x10240xf32, #tpu.memory_space<vmem_shared>> -> memref<1x640xf32, #tpu.memory_space<vmem_shared>>
        %dma_wait3A_92 = tpu.memref_squeeze %dma_wait3A_91 : memref<1x640xf32, #tpu.memory_space<vmem_shared>> -> memref<640xf32, #tpu.memory_space<vmem_shared>>
        tpu.wait_dma2 semaphore(%run_scoped3A_78 : memref<!tpu.dma_semaphore, #tpu.memory_space<semaphore_mem>>) src(%dma_wait3A_92 : memref<640xf32, #tpu.memory_space<vmem_shared>>) dst(%dma_wait3A_90 : memref<640xf32, #tpu.memory_space<vmem>>)
        tpu.yield
      }) : () -> ()
      %mul3A_42 = arith.constant 640 : i32
      %mul3A_43 = arith.muli %arg1, %mul3A_42 : i32
      %run_scoped3A_44 = arith.constant 7 : i32
      "tpu.region"() ({
        %run_scoped3A_78 = tpu.sem_alloc : memref<!tpu.dma_semaphore, #tpu.memory_space<semaphore_mem>>
        %dma_start3A = arith.constant 4480 : i32
        %dma_start3A_79 = tpu.memref_slice %arg12[%dma_start3A] : memref<10240xf32, #tpu.memory_space<vmem>> -> memref<640xf32, #tpu.memory_space<vmem>>
        %dma_start3A_80 = tpu.memref_slice %arg16[%run_scoped3A_44, %mul3A_43] : memref<16x10240xf32, #tpu.memory_space<vmem_shared>> -> memref<1x640xf32, #tpu.memory_space<vmem_shared>>
        %dma_start3A_81 = tpu.memref_squeeze %dma_start3A_80 : memref<1x640xf32, #tpu.memory_space<vmem_shared>> -> memref<640xf32, #tpu.memory_space<vmem_shared>>
        %dma_start3A_82 = arith.constant 4480 : i32
        %dma_start3A_83 = tpu.memref_slice %arg12[%dma_start3A_82] : memref<10240xf32, #tpu.memory_space<vmem>> -> memref<640xf32, #tpu.memory_space<vmem>>
        %dma_start3A_84 = tpu.memref_slice %arg16[%run_scoped3A_44, %mul3A_43] : memref<16x10240xf32, #tpu.memory_space<vmem_shared>> -> memref<1x640xf32, #tpu.memory_space<vmem_shared>>
        %dma_start3A_85 = tpu.memref_squeeze %dma_start3A_84 : memref<1x640xf32, #tpu.memory_space<vmem_shared>> -> memref<640xf32, #tpu.memory_space<vmem_shared>>
        tpu.enqueue_dma source(%dma_start3A_85 : memref<640xf32, #tpu.memory_space<vmem_shared>>) target(%dma_start3A_83 : memref<640xf32, #tpu.memory_space<vmem>>) target_semaphore(%run_scoped3A_78 : memref<!tpu.dma_semaphore, #tpu.memory_space<semaphore_mem>>)
        %dma_wait3A = arith.constant 4480 : i32
        %dma_wait3A_86 = tpu.memref_slice %arg12[%dma_wait3A] : memref<10240xf32, #tpu.memory_space<vmem>> -> memref<640xf32, #tpu.memory_space<vmem>>
        %dma_wait3A_87 = tpu.memref_slice %arg16[%run_scoped3A_44, %mul3A_43] : memref<16x10240xf32, #tpu.memory_space<vmem_shared>> -> memref<1x640xf32, #tpu.memory_space<vmem_shared>>
        %dma_wait3A_88 = tpu.memref_squeeze %dma_wait3A_87 : memref<1x640xf32, #tpu.memory_space<vmem_shared>> -> memref<640xf32, #tpu.memory_space<vmem_shared>>
        %dma_wait3A_89 = arith.constant 4480 : i32
        %dma_wait3A_90 = tpu.memref_slice %arg12[%dma_wait3A_89] : memref<10240xf32, #tpu.memory_space<vmem>> -> memref<640xf32, #tpu.memory_space<vmem>>
        %dma_wait3A_91 = tpu.memref_slice %arg16[%run_scoped3A_44, %mul3A_43] : memref<16x10240xf32, #tpu.memory_space<vmem_shared>> -> memref<1x640xf32, #tpu.memory_space<vmem_shared>>
        %dma_wait3A_92 = tpu.memref_squeeze %dma_wait3A_91 : memref<1x640xf32, #tpu.memory_space<vmem_shared>> -> memref<640xf32, #tpu.memory_space<vmem_shared>>
        tpu.wait_dma2 semaphore(%run_scoped3A_78 : memref<!tpu.dma_semaphore, #tpu.memory_space<semaphore_mem>>) src(%dma_wait3A_92 : memref<640xf32, #tpu.memory_space<vmem_shared>>) dst(%dma_wait3A_90 : memref<640xf32, #tpu.memory_space<vmem>>)
        tpu.yield
      }) : () -> ()
      %mul3A_45 = arith.constant 640 : i32
      %mul3A_46 = arith.muli %arg1, %mul3A_45 : i32
      %run_scoped3A_47 = arith.constant 8 : i32
      "tpu.region"() ({
        %run_scoped3A_78 = tpu.sem_alloc : memref<!tpu.dma_semaphore, #tpu.memory_space<semaphore_mem>>
        %dma_start3A = arith.constant 5120 : i32
        %dma_start3A_79 = tpu.memref_slice %arg12[%dma_start3A] : memref<10240xf32, #tpu.memory_space<vmem>> -> memref<640xf32, #tpu.memory_space<vmem>>
        %dma_start3A_80 = tpu.memref_slice %arg16[%run_scoped3A_47, %mul3A_46] : memref<16x10240xf32, #tpu.memory_space<vmem_shared>> -> memref<1x640xf32, #tpu.memory_space<vmem_shared>>
        %dma_start3A_81 = tpu.memref_squeeze %dma_start3A_80 : memref<1x640xf32, #tpu.memory_space<vmem_shared>> -> memref<640xf32, #tpu.memory_space<vmem_shared>>
        %dma_start3A_82 = arith.constant 5120 : i32
        %dma_start3A_83 = tpu.memref_slice %arg12[%dma_start3A_82] : memref<10240xf32, #tpu.memory_space<vmem>> -> memref<640xf32, #tpu.memory_space<vmem>>
        %dma_start3A_84 = tpu.memref_slice %arg16[%run_scoped3A_47, %mul3A_46] : memref<16x10240xf32, #tpu.memory_space<vmem_shared>> -> memref<1x640xf32, #tpu.memory_space<vmem_shared>>
        %dma_start3A_85 = tpu.memref_squeeze %dma_start3A_84 : memref<1x640xf32, #tpu.memory_space<vmem_shared>> -> memref<640xf32, #tpu.memory_space<vmem_shared>>
        tpu.enqueue_dma source(%dma_start3A_85 : memref<640xf32, #tpu.memory_space<vmem_shared>>) target(%dma_start3A_83 : memref<640xf32, #tpu.memory_space<vmem>>) target_semaphore(%run_scoped3A_78 : memref<!tpu.dma_semaphore, #tpu.memory_space<semaphore_mem>>)
        %dma_wait3A = arith.constant 5120 : i32
        %dma_wait3A_86 = tpu.memref_slice %arg12[%dma_wait3A] : memref<10240xf32, #tpu.memory_space<vmem>> -> memref<640xf32, #tpu.memory_space<vmem>>
        %dma_wait3A_87 = tpu.memref_slice %arg16[%run_scoped3A_47, %mul3A_46] : memref<16x10240xf32, #tpu.memory_space<vmem_shared>> -> memref<1x640xf32, #tpu.memory_space<vmem_shared>>
        %dma_wait3A_88 = tpu.memref_squeeze %dma_wait3A_87 : memref<1x640xf32, #tpu.memory_space<vmem_shared>> -> memref<640xf32, #tpu.memory_space<vmem_shared>>
        %dma_wait3A_89 = arith.constant 5120 : i32
        %dma_wait3A_90 = tpu.memref_slice %arg12[%dma_wait3A_89] : memref<10240xf32, #tpu.memory_space<vmem>> -> memref<640xf32, #tpu.memory_space<vmem>>
        %dma_wait3A_91 = tpu.memref_slice %arg16[%run_scoped3A_47, %mul3A_46] : memref<16x10240xf32, #tpu.memory_space<vmem_shared>> -> memref<1x640xf32, #tpu.memory_space<vmem_shared>>
        %dma_wait3A_92 = tpu.memref_squeeze %dma_wait3A_91 : memref<1x640xf32, #tpu.memory_space<vmem_shared>> -> memref<640xf32, #tpu.memory_space<vmem_shared>>
        tpu.wait_dma2 semaphore(%run_scoped3A_78 : memref<!tpu.dma_semaphore, #tpu.memory_space<semaphore_mem>>) src(%dma_wait3A_92 : memref<640xf32, #tpu.memory_space<vmem_shared>>) dst(%dma_wait3A_90 : memref<640xf32, #tpu.memory_space<vmem>>)
        tpu.yield
      }) : () -> ()
      %mul3A_48 = arith.constant 640 : i32
      %mul3A_49 = arith.muli %arg1, %mul3A_48 : i32
      %run_scoped3A_50 = arith.constant 9 : i32
      "tpu.region"() ({
        %run_scoped3A_78 = tpu.sem_alloc : memref<!tpu.dma_semaphore, #tpu.memory_space<semaphore_mem>>
        %dma_start3A = arith.constant 5760 : i32
        %dma_start3A_79 = tpu.memref_slice %arg12[%dma_start3A] : memref<10240xf32, #tpu.memory_space<vmem>> -> memref<640xf32, #tpu.memory_space<vmem>>
        %dma_start3A_80 = tpu.memref_slice %arg16[%run_scoped3A_50, %mul3A_49] : memref<16x10240xf32, #tpu.memory_space<vmem_shared>> -> memref<1x640xf32, #tpu.memory_space<vmem_shared>>
        %dma_start3A_81 = tpu.memref_squeeze %dma_start3A_80 : memref<1x640xf32, #tpu.memory_space<vmem_shared>> -> memref<640xf32, #tpu.memory_space<vmem_shared>>
        %dma_start3A_82 = arith.constant 5760 : i32
        %dma_start3A_83 = tpu.memref_slice %arg12[%dma_start3A_82] : memref<10240xf32, #tpu.memory_space<vmem>> -> memref<640xf32, #tpu.memory_space<vmem>>
        %dma_start3A_84 = tpu.memref_slice %arg16[%run_scoped3A_50, %mul3A_49] : memref<16x10240xf32, #tpu.memory_space<vmem_shared>> -> memref<1x640xf32, #tpu.memory_space<vmem_shared>>
        %dma_start3A_85 = tpu.memref_squeeze %dma_start3A_84 : memref<1x640xf32, #tpu.memory_space<vmem_shared>> -> memref<640xf32, #tpu.memory_space<vmem_shared>>
        tpu.enqueue_dma source(%dma_start3A_85 : memref<640xf32, #tpu.memory_space<vmem_shared>>) target(%dma_start3A_83 : memref<640xf32, #tpu.memory_space<vmem>>) target_semaphore(%run_scoped3A_78 : memref<!tpu.dma_semaphore, #tpu.memory_space<semaphore_mem>>)
        %dma_wait3A = arith.constant 5760 : i32
        %dma_wait3A_86 = tpu.memref_slice %arg12[%dma_wait3A] : memref<10240xf32, #tpu.memory_space<vmem>> -> memref<640xf32, #tpu.memory_space<vmem>>
        %dma_wait3A_87 = tpu.memref_slice %arg16[%run_scoped3A_50, %mul3A_49] : memref<16x10240xf32, #tpu.memory_space<vmem_shared>> -> memref<1x640xf32, #tpu.memory_space<vmem_shared>>
        %dma_wait3A_88 = tpu.memref_squeeze %dma_wait3A_87 : memref<1x640xf32, #tpu.memory_space<vmem_shared>> -> memref<640xf32, #tpu.memory_space<vmem_shared>>
        %dma_wait3A_89 = arith.constant 5760 : i32
        %dma_wait3A_90 = tpu.memref_slice %arg12[%dma_wait3A_89] : memref<10240xf32, #tpu.memory_space<vmem>> -> memref<640xf32, #tpu.memory_space<vmem>>
        %dma_wait3A_91 = tpu.memref_slice %arg16[%run_scoped3A_50, %mul3A_49] : memref<16x10240xf32, #tpu.memory_space<vmem_shared>> -> memref<1x640xf32, #tpu.memory_space<vmem_shared>>
        %dma_wait3A_92 = tpu.memref_squeeze %dma_wait3A_91 : memref<1x640xf32, #tpu.memory_space<vmem_shared>> -> memref<640xf32, #tpu.memory_space<vmem_shared>>
        tpu.wait_dma2 semaphore(%run_scoped3A_78 : memref<!tpu.dma_semaphore, #tpu.memory_space<semaphore_mem>>) src(%dma_wait3A_92 : memref<640xf32, #tpu.memory_space<vmem_shared>>) dst(%dma_wait3A_90 : memref<640xf32, #tpu.memory_space<vmem>>)
        tpu.yield
      }) : () -> ()
      %mul3A_51 = arith.constant 640 : i32
      %mul3A_52 = arith.muli %arg1, %mul3A_51 : i32
      %run_scoped3A_53 = arith.constant 10 : i32
      "tpu.region"() ({
        %run_scoped3A_78 = tpu.sem_alloc : memref<!tpu.dma_semaphore, #tpu.memory_space<semaphore_mem>>
        %dma_start3A = arith.constant 6400 : i32
        %dma_start3A_79 = tpu.memref_slice %arg12[%dma_start3A] : memref<10240xf32, #tpu.memory_space<vmem>> -> memref<640xf32, #tpu.memory_space<vmem>>
        %dma_start3A_80 = tpu.memref_slice %arg16[%run_scoped3A_53, %mul3A_52] : memref<16x10240xf32, #tpu.memory_space<vmem_shared>> -> memref<1x640xf32, #tpu.memory_space<vmem_shared>>
        %dma_start3A_81 = tpu.memref_squeeze %dma_start3A_80 : memref<1x640xf32, #tpu.memory_space<vmem_shared>> -> memref<640xf32, #tpu.memory_space<vmem_shared>>
        %dma_start3A_82 = arith.constant 6400 : i32
        %dma_start3A_83 = tpu.memref_slice %arg12[%dma_start3A_82] : memref<10240xf32, #tpu.memory_space<vmem>> -> memref<640xf32, #tpu.memory_space<vmem>>
        %dma_start3A_84 = tpu.memref_slice %arg16[%run_scoped3A_53, %mul3A_52] : memref<16x10240xf32, #tpu.memory_space<vmem_shared>> -> memref<1x640xf32, #tpu.memory_space<vmem_shared>>
        %dma_start3A_85 = tpu.memref_squeeze %dma_start3A_84 : memref<1x640xf32, #tpu.memory_space<vmem_shared>> -> memref<640xf32, #tpu.memory_space<vmem_shared>>
        tpu.enqueue_dma source(%dma_start3A_85 : memref<640xf32, #tpu.memory_space<vmem_shared>>) target(%dma_start3A_83 : memref<640xf32, #tpu.memory_space<vmem>>) target_semaphore(%run_scoped3A_78 : memref<!tpu.dma_semaphore, #tpu.memory_space<semaphore_mem>>)
        %dma_wait3A = arith.constant 6400 : i32
        %dma_wait3A_86 = tpu.memref_slice %arg12[%dma_wait3A] : memref<10240xf32, #tpu.memory_space<vmem>> -> memref<640xf32, #tpu.memory_space<vmem>>
        %dma_wait3A_87 = tpu.memref_slice %arg16[%run_scoped3A_53, %mul3A_52] : memref<16x10240xf32, #tpu.memory_space<vmem_shared>> -> memref<1x640xf32, #tpu.memory_space<vmem_shared>>
        %dma_wait3A_88 = tpu.memref_squeeze %dma_wait3A_87 : memref<1x640xf32, #tpu.memory_space<vmem_shared>> -> memref<640xf32, #tpu.memory_space<vmem_shared>>
        %dma_wait3A_89 = arith.constant 6400 : i32
        %dma_wait3A_90 = tpu.memref_slice %arg12[%dma_wait3A_89] : memref<10240xf32, #tpu.memory_space<vmem>> -> memref<640xf32, #tpu.memory_space<vmem>>
        %dma_wait3A_91 = tpu.memref_slice %arg16[%run_scoped3A_53, %mul3A_52] : memref<16x10240xf32, #tpu.memory_space<vmem_shared>> -> memref<1x640xf32, #tpu.memory_space<vmem_shared>>
        %dma_wait3A_92 = tpu.memref_squeeze %dma_wait3A_91 : memref<1x640xf32, #tpu.memory_space<vmem_shared>> -> memref<640xf32, #tpu.memory_space<vmem_shared>>
        tpu.wait_dma2 semaphore(%run_scoped3A_78 : memref<!tpu.dma_semaphore, #tpu.memory_space<semaphore_mem>>) src(%dma_wait3A_92 : memref<640xf32, #tpu.memory_space<vmem_shared>>) dst(%dma_wait3A_90 : memref<640xf32, #tpu.memory_space<vmem>>)
        tpu.yield
      }) : () -> ()
      %mul3A_54 = arith.constant 640 : i32
      %mul3A_55 = arith.muli %arg1, %mul3A_54 : i32
      %run_scoped3A_56 = arith.constant 11 : i32
      "tpu.region"() ({
        %run_scoped3A_78 = tpu.sem_alloc : memref<!tpu.dma_semaphore, #tpu.memory_space<semaphore_mem>>
        %dma_start3A = arith.constant 7040 : i32
        %dma_start3A_79 = tpu.memref_slice %arg12[%dma_start3A] : memref<10240xf32, #tpu.memory_space<vmem>> -> memref<640xf32, #tpu.memory_space<vmem>>
        %dma_start3A_80 = tpu.memref_slice %arg16[%run_scoped3A_56, %mul3A_55] : memref<16x10240xf32, #tpu.memory_space<vmem_shared>> -> memref<1x640xf32, #tpu.memory_space<vmem_shared>>
        %dma_start3A_81 = tpu.memref_squeeze %dma_start3A_80 : memref<1x640xf32, #tpu.memory_space<vmem_shared>> -> memref<640xf32, #tpu.memory_space<vmem_shared>>
        %dma_start3A_82 = arith.constant 7040 : i32
        %dma_start3A_83 = tpu.memref_slice %arg12[%dma_start3A_82] : memref<10240xf32, #tpu.memory_space<vmem>> -> memref<640xf32, #tpu.memory_space<vmem>>
        %dma_start3A_84 = tpu.memref_slice %arg16[%run_scoped3A_56, %mul3A_55] : memref<16x10240xf32, #tpu.memory_space<vmem_shared>> -> memref<1x640xf32, #tpu.memory_space<vmem_shared>>
        %dma_start3A_85 = tpu.memref_squeeze %dma_start3A_84 : memref<1x640xf32, #tpu.memory_space<vmem_shared>> -> memref<640xf32, #tpu.memory_space<vmem_shared>>
        tpu.enqueue_dma source(%dma_start3A_85 : memref<640xf32, #tpu.memory_space<vmem_shared>>) target(%dma_start3A_83 : memref<640xf32, #tpu.memory_space<vmem>>) target_semaphore(%run_scoped3A_78 : memref<!tpu.dma_semaphore, #tpu.memory_space<semaphore_mem>>)
        %dma_wait3A = arith.constant 7040 : i32
        %dma_wait3A_86 = tpu.memref_slice %arg12[%dma_wait3A] : memref<10240xf32, #tpu.memory_space<vmem>> -> memref<640xf32, #tpu.memory_space<vmem>>
        %dma_wait3A_87 = tpu.memref_slice %arg16[%run_scoped3A_56, %mul3A_55] : memref<16x10240xf32, #tpu.memory_space<vmem_shared>> -> memref<1x640xf32, #tpu.memory_space<vmem_shared>>
        %dma_wait3A_88 = tpu.memref_squeeze %dma_wait3A_87 : memref<1x640xf32, #tpu.memory_space<vmem_shared>> -> memref<640xf32, #tpu.memory_space<vmem_shared>>
        %dma_wait3A_89 = arith.constant 7040 : i32
        %dma_wait3A_90 = tpu.memref_slice %arg12[%dma_wait3A_89] : memref<10240xf32, #tpu.memory_space<vmem>> -> memref<640xf32, #tpu.memory_space<vmem>>
        %dma_wait3A_91 = tpu.memref_slice %arg16[%run_scoped3A_56, %mul3A_55] : memref<16x10240xf32, #tpu.memory_space<vmem_shared>> -> memref<1x640xf32, #tpu.memory_space<vmem_shared>>
        %dma_wait3A_92 = tpu.memref_squeeze %dma_wait3A_91 : memref<1x640xf32, #tpu.memory_space<vmem_shared>> -> memref<640xf32, #tpu.memory_space<vmem_shared>>
        tpu.wait_dma2 semaphore(%run_scoped3A_78 : memref<!tpu.dma_semaphore, #tpu.memory_space<semaphore_mem>>) src(%dma_wait3A_92 : memref<640xf32, #tpu.memory_space<vmem_shared>>) dst(%dma_wait3A_90 : memref<640xf32, #tpu.memory_space<vmem>>)
        tpu.yield
      }) : () -> ()
      %mul3A_57 = arith.constant 640 : i32
      %mul3A_58 = arith.muli %arg1, %mul3A_57 : i32
      %run_scoped3A_59 = arith.constant 12 : i32
      "tpu.region"() ({
        %run_scoped3A_78 = tpu.sem_alloc : memref<!tpu.dma_semaphore, #tpu.memory_space<semaphore_mem>>
        %dma_start3A = arith.constant 7680 : i32
        %dma_start3A_79 = tpu.memref_slice %arg12[%dma_start3A] : memref<10240xf32, #tpu.memory_space<vmem>> -> memref<640xf32, #tpu.memory_space<vmem>>
        %dma_start3A_80 = tpu.memref_slice %arg16[%run_scoped3A_59, %mul3A_58] : memref<16x10240xf32, #tpu.memory_space<vmem_shared>> -> memref<1x640xf32, #tpu.memory_space<vmem_shared>>
        %dma_start3A_81 = tpu.memref_squeeze %dma_start3A_80 : memref<1x640xf32, #tpu.memory_space<vmem_shared>> -> memref<640xf32, #tpu.memory_space<vmem_shared>>
        %dma_start3A_82 = arith.constant 7680 : i32
        %dma_start3A_83 = tpu.memref_slice %arg12[%dma_start3A_82] : memref<10240xf32, #tpu.memory_space<vmem>> -> memref<640xf32, #tpu.memory_space<vmem>>
        %dma_start3A_84 = tpu.memref_slice %arg16[%run_scoped3A_59, %mul3A_58] : memref<16x10240xf32, #tpu.memory_space<vmem_shared>> -> memref<1x640xf32, #tpu.memory_space<vmem_shared>>
        %dma_start3A_85 = tpu.memref_squeeze %dma_start3A_84 : memref<1x640xf32, #tpu.memory_space<vmem_shared>> -> memref<640xf32, #tpu.memory_space<vmem_shared>>
        tpu.enqueue_dma source(%dma_start3A_85 : memref<640xf32, #tpu.memory_space<vmem_shared>>) target(%dma_start3A_83 : memref<640xf32, #tpu.memory_space<vmem>>) target_semaphore(%run_scoped3A_78 : memref<!tpu.dma_semaphore, #tpu.memory_space<semaphore_mem>>)
        %dma_wait3A = arith.constant 7680 : i32
        %dma_wait3A_86 = tpu.memref_slice %arg12[%dma_wait3A] : memref<10240xf32, #tpu.memory_space<vmem>> -> memref<640xf32, #tpu.memory_space<vmem>>
        %dma_wait3A_87 = tpu.memref_slice %arg16[%run_scoped3A_59, %mul3A_58] : memref<16x10240xf32, #tpu.memory_space<vmem_shared>> -> memref<1x640xf32, #tpu.memory_space<vmem_shared>>
        %dma_wait3A_88 = tpu.memref_squeeze %dma_wait3A_87 : memref<1x640xf32, #tpu.memory_space<vmem_shared>> -> memref<640xf32, #tpu.memory_space<vmem_shared>>
        %dma_wait3A_89 = arith.constant 7680 : i32
        %dma_wait3A_90 = tpu.memref_slice %arg12[%dma_wait3A_89] : memref<10240xf32, #tpu.memory_space<vmem>> -> memref<640xf32, #tpu.memory_space<vmem>>
        %dma_wait3A_91 = tpu.memref_slice %arg16[%run_scoped3A_59, %mul3A_58] : memref<16x10240xf32, #tpu.memory_space<vmem_shared>> -> memref<1x640xf32, #tpu.memory_space<vmem_shared>>
        %dma_wait3A_92 = tpu.memref_squeeze %dma_wait3A_91 : memref<1x640xf32, #tpu.memory_space<vmem_shared>> -> memref<640xf32, #tpu.memory_space<vmem_shared>>
        tpu.wait_dma2 semaphore(%run_scoped3A_78 : memref<!tpu.dma_semaphore, #tpu.memory_space<semaphore_mem>>) src(%dma_wait3A_92 : memref<640xf32, #tpu.memory_space<vmem_shared>>) dst(%dma_wait3A_90 : memref<640xf32, #tpu.memory_space<vmem>>)
        tpu.yield
      }) : () -> ()
      %mul3A_60 = arith.constant 640 : i32
      %mul3A_61 = arith.muli %arg1, %mul3A_60 : i32
      %run_scoped3A_62 = arith.constant 13 : i32
      "tpu.region"() ({
        %run_scoped3A_78 = tpu.sem_alloc : memref<!tpu.dma_semaphore, #tpu.memory_space<semaphore_mem>>
        %dma_start3A = arith.constant 8320 : i32
        %dma_start3A_79 = tpu.memref_slice %arg12[%dma_start3A] : memref<10240xf32, #tpu.memory_space<vmem>> -> memref<640xf32, #tpu.memory_space<vmem>>
        %dma_start3A_80 = tpu.memref_slice %arg16[%run_scoped3A_62, %mul3A_61] : memref<16x10240xf32, #tpu.memory_space<vmem_shared>> -> memref<1x640xf32, #tpu.memory_space<vmem_shared>>
        %dma_start3A_81 = tpu.memref_squeeze %dma_start3A_80 : memref<1x640xf32, #tpu.memory_space<vmem_shared>> -> memref<640xf32, #tpu.memory_space<vmem_shared>>
        %dma_start3A_82 = arith.constant 8320 : i32
        %dma_start3A_83 = tpu.memref_slice %arg12[%dma_start3A_82] : memref<10240xf32, #tpu.memory_space<vmem>> -> memref<640xf32, #tpu.memory_space<vmem>>
        %dma_start3A_84 = tpu.memref_slice %arg16[%run_scoped3A_62, %mul3A_61] : memref<16x10240xf32, #tpu.memory_space<vmem_shared>> -> memref<1x640xf32, #tpu.memory_space<vmem_shared>>
        %dma_start3A_85 = tpu.memref_squeeze %dma_start3A_84 : memref<1x640xf32, #tpu.memory_space<vmem_shared>> -> memref<640xf32, #tpu.memory_space<vmem_shared>>
        tpu.enqueue_dma source(%dma_start3A_85 : memref<640xf32, #tpu.memory_space<vmem_shared>>) target(%dma_start3A_83 : memref<640xf32, #tpu.memory_space<vmem>>) target_semaphore(%run_scoped3A_78 : memref<!tpu.dma_semaphore, #tpu.memory_space<semaphore_mem>>)
        %dma_wait3A = arith.constant 8320 : i32
        %dma_wait3A_86 = tpu.memref_slice %arg12[%dma_wait3A] : memref<10240xf32, #tpu.memory_space<vmem>> -> memref<640xf32, #tpu.memory_space<vmem>>
        %dma_wait3A_87 = tpu.memref_slice %arg16[%run_scoped3A_62, %mul3A_61] : memref<16x10240xf32, #tpu.memory_space<vmem_shared>> -> memref<1x640xf32, #tpu.memory_space<vmem_shared>>
        %dma_wait3A_88 = tpu.memref_squeeze %dma_wait3A_87 : memref<1x640xf32, #tpu.memory_space<vmem_shared>> -> memref<640xf32, #tpu.memory_space<vmem_shared>>
        %dma_wait3A_89 = arith.constant 8320 : i32
        %dma_wait3A_90 = tpu.memref_slice %arg12[%dma_wait3A_89] : memref<10240xf32, #tpu.memory_space<vmem>> -> memref<640xf32, #tpu.memory_space<vmem>>
        %dma_wait3A_91 = tpu.memref_slice %arg16[%run_scoped3A_62, %mul3A_61] : memref<16x10240xf32, #tpu.memory_space<vmem_shared>> -> memref<1x640xf32, #tpu.memory_space<vmem_shared>>
        %dma_wait3A_92 = tpu.memref_squeeze %dma_wait3A_91 : memref<1x640xf32, #tpu.memory_space<vmem_shared>> -> memref<640xf32, #tpu.memory_space<vmem_shared>>
        tpu.wait_dma2 semaphore(%run_scoped3A_78 : memref<!tpu.dma_semaphore, #tpu.memory_space<semaphore_mem>>) src(%dma_wait3A_92 : memref<640xf32, #tpu.memory_space<vmem_shared>>) dst(%dma_wait3A_90 : memref<640xf32, #tpu.memory_space<vmem>>)
        tpu.yield
      }) : () -> ()
      %mul3A_63 = arith.constant 640 : i32
      %mul3A_64 = arith.muli %arg1, %mul3A_63 : i32
      %run_scoped3A_65 = arith.constant 14 : i32
      "tpu.region"() ({
        %run_scoped3A_78 = tpu.sem_alloc : memref<!tpu.dma_semaphore, #tpu.memory_space<semaphore_mem>>
        %dma_start3A = arith.constant 8960 : i32
        %dma_start3A_79 = tpu.memref_slice %arg12[%dma_start3A] : memref<10240xf32, #tpu.memory_space<vmem>> -> memref<640xf32, #tpu.memory_space<vmem>>
        %dma_start3A_80 = tpu.memref_slice %arg16[%run_scoped3A_65, %mul3A_64] : memref<16x10240xf32, #tpu.memory_space<vmem_shared>> -> memref<1x640xf32, #tpu.memory_space<vmem_shared>>
        %dma_start3A_81 = tpu.memref_squeeze %dma_start3A_80 : memref<1x640xf32, #tpu.memory_space<vmem_shared>> -> memref<640xf32, #tpu.memory_space<vmem_shared>>
        %dma_start3A_82 = arith.constant 8960 : i32
        %dma_start3A_83 = tpu.memref_slice %arg12[%dma_start3A_82] : memref<10240xf32, #tpu.memory_space<vmem>> -> memref<640xf32, #tpu.memory_space<vmem>>
        %dma_start3A_84 = tpu.memref_slice %arg16[%run_scoped3A_65, %mul3A_64] : memref<16x10240xf32, #tpu.memory_space<vmem_shared>> -> memref<1x640xf32, #tpu.memory_space<vmem_shared>>
        %dma_start3A_85 = tpu.memref_squeeze %dma_start3A_84 : memref<1x640xf32, #tpu.memory_space<vmem_shared>> -> memref<640xf32, #tpu.memory_space<vmem_shared>>
        tpu.enqueue_dma source(%dma_start3A_85 : memref<640xf32, #tpu.memory_space<vmem_shared>>) target(%dma_start3A_83 : memref<640xf32, #tpu.memory_space<vmem>>) target_semaphore(%run_scoped3A_78 : memref<!tpu.dma_semaphore, #tpu.memory_space<semaphore_mem>>)
        %dma_wait3A = arith.constant 8960 : i32
        %dma_wait3A_86 = tpu.memref_slice %arg12[%dma_wait3A] : memref<10240xf32, #tpu.memory_space<vmem>> -> memref<640xf32, #tpu.memory_space<vmem>>
        %dma_wait3A_87 = tpu.memref_slice %arg16[%run_scoped3A_65, %mul3A_64] : memref<16x10240xf32, #tpu.memory_space<vmem_shared>> -> memref<1x640xf32, #tpu.memory_space<vmem_shared>>
        %dma_wait3A_88 = tpu.memref_squeeze %dma_wait3A_87 : memref<1x640xf32, #tpu.memory_space<vmem_shared>> -> memref<640xf32, #tpu.memory_space<vmem_shared>>
        %dma_wait3A_89 = arith.constant 8960 : i32
        %dma_wait3A_90 = tpu.memref_slice %arg12[%dma_wait3A_89] : memref<10240xf32, #tpu.memory_space<vmem>> -> memref<640xf32, #tpu.memory_space<vmem>>
        %dma_wait3A_91 = tpu.memref_slice %arg16[%run_scoped3A_65, %mul3A_64] : memref<16x10240xf32, #tpu.memory_space<vmem_shared>> -> memref<1x640xf32, #tpu.memory_space<vmem_shared>>
        %dma_wait3A_92 = tpu.memref_squeeze %dma_wait3A_91 : memref<1x640xf32, #tpu.memory_space<vmem_shared>> -> memref<640xf32, #tpu.memory_space<vmem_shared>>
        tpu.wait_dma2 semaphore(%run_scoped3A_78 : memref<!tpu.dma_semaphore, #tpu.memory_space<semaphore_mem>>) src(%dma_wait3A_92 : memref<640xf32, #tpu.memory_space<vmem_shared>>) dst(%dma_wait3A_90 : memref<640xf32, #tpu.memory_space<vmem>>)
        tpu.yield
      }) : () -> ()
      %mul3A_66 = arith.constant 640 : i32
      %mul3A_67 = arith.muli %arg1, %mul3A_66 : i32
      %run_scoped3A_68 = arith.constant 15 : i32
      "tpu.region"() ({
        %run_scoped3A_78 = tpu.sem_alloc : memref<!tpu.dma_semaphore, #tpu.memory_space<semaphore_mem>>
        %dma_start3A = arith.constant 9600 : i32
        %dma_start3A_79 = tpu.memref_slice %arg12[%dma_start3A] : memref<10240xf32, #tpu.memory_space<vmem>> -> memref<640xf32, #tpu.memory_space<vmem>>
        %dma_start3A_80 = tpu.memref_slice %arg16[%run_scoped3A_68, %mul3A_67] : memref<16x10240xf32, #tpu.memory_space<vmem_shared>> -> memref<1x640xf32, #tpu.memory_space<vmem_shared>>
        %dma_start3A_81 = tpu.memref_squeeze %dma_start3A_80 : memref<1x640xf32, #tpu.memory_space<vmem_shared>> -> memref<640xf32, #tpu.memory_space<vmem_shared>>
        %dma_start3A_82 = arith.constant 9600 : i32
        %dma_start3A_83 = tpu.memref_slice %arg12[%dma_start3A_82] : memref<10240xf32, #tpu.memory_space<vmem>> -> memref<640xf32, #tpu.memory_space<vmem>>
        %dma_start3A_84 = tpu.memref_slice %arg16[%run_scoped3A_68, %mul3A_67] : memref<16x10240xf32, #tpu.memory_space<vmem_shared>> -> memref<1x640xf32, #tpu.memory_space<vmem_shared>>
        %dma_start3A_85 = tpu.memref_squeeze %dma_start3A_84 : memref<1x640xf32, #tpu.memory_space<vmem_shared>> -> memref<640xf32, #tpu.memory_space<vmem_shared>>
        tpu.enqueue_dma source(%dma_start3A_85 : memref<640xf32, #tpu.memory_space<vmem_shared>>) target(%dma_start3A_83 : memref<640xf32, #tpu.memory_space<vmem>>) target_semaphore(%run_scoped3A_78 : memref<!tpu.dma_semaphore, #tpu.memory_space<semaphore_mem>>)
        %dma_wait3A = arith.constant 9600 : i32
        %dma_wait3A_86 = tpu.memref_slice %arg12[%dma_wait3A] : memref<10240xf32, #tpu.memory_space<vmem>> -> memref<640xf32, #tpu.memory_space<vmem>>
        %dma_wait3A_87 = tpu.memref_slice %arg16[%run_scoped3A_68, %mul3A_67] : memref<16x10240xf32, #tpu.memory_space<vmem_shared>> -> memref<1x640xf32, #tpu.memory_space<vmem_shared>>
        %dma_wait3A_88 = tpu.memref_squeeze %dma_wait3A_87 : memref<1x640xf32, #tpu.memory_space<vmem_shared>> -> memref<640xf32, #tpu.memory_space<vmem_shared>>
        %dma_wait3A_89 = arith.constant 9600 : i32
        %dma_wait3A_90 = tpu.memref_slice %arg12[%dma_wait3A_89] : memref<10240xf32, #tpu.memory_space<vmem>> -> memref<640xf32, #tpu.memory_space<vmem>>
        %dma_wait3A_91 = tpu.memref_slice %arg16[%run_scoped3A_68, %mul3A_67] : memref<16x10240xf32, #tpu.memory_space<vmem_shared>> -> memref<1x640xf32, #tpu.memory_space<vmem_shared>>
        %dma_wait3A_92 = tpu.memref_squeeze %dma_wait3A_91 : memref<1x640xf32, #tpu.memory_space<vmem_shared>> -> memref<640xf32, #tpu.memory_space<vmem_shared>>
        tpu.wait_dma2 semaphore(%run_scoped3A_78 : memref<!tpu.dma_semaphore, #tpu.memory_space<semaphore_mem>>) src(%dma_wait3A_92 : memref<640xf32, #tpu.memory_space<vmem_shared>>) dst(%dma_wait3A_90 : memref<640xf32, #tpu.memory_space<vmem>>)
        tpu.yield
      }) : () -> ()
      %scan3A_69 = arith.constant 0 : i32
      %scan3A_70 = arith.constant 0 : i32
      %scan3A_71 = arith.constant 40 : i32
      %scan3A_72 = arith.addi %scan3A_70, %scan3A_71 : i32
      %scan3A_73 = arith.constant 1 : i32
      %scan3A_74 = scf.for %scan3A_78 = %scan3A_70 to %scan3A_72 step %scan3A_73 iter_args(%scan3A_79 = %scan3A_69) -> (i32)  : i32 {
        %mul3A_80 = arith.constant 16 : i32
        %mul3A_81 = arith.muli %scan3A_78, %mul3A_80 : i32
        %get3A = arith.index_cast %mul3A_81 : i32 to index
        %get3A_82 = tpu.vector_load %arg12[%get3A] {strides = array<i32>} : memref<10240xf32, #tpu.memory_space<vmem>>, vector<16xf32>,
        %mul3A_83 = arith.constant 16 : i32
        %mul3A_84 = arith.muli %scan3A_78, %mul3A_83 : i32
        %add3A = arith.constant 640 : i32
        %add3A_85 = arith.addi %add3A, %mul3A_84 : i32
        %get3A_86 = arith.index_cast %add3A_85 : i32 to index
        %get3A_87 = tpu.vector_load %arg12[%get3A_86] {strides = array<i32>} : memref<10240xf32, #tpu.memory_space<vmem>>, vector<16xf32>,
        %add3A_88 = arith.addf %get3A_82, %get3A_87 : vector<16xf32>
        %mul3A_89 = arith.constant 16 : i32
        %mul3A_90 = arith.muli %scan3A_78, %mul3A_89 : i32
        %add3A_91 = arith.constant 1280 : i32
        %add3A_92 = arith.addi %add3A_91, %mul3A_90 : i32
        %get3A_93 = arith.index_cast %add3A_92 : i32 to index
        %get3A_94 = tpu.vector_load %arg12[%get3A_93] {strides = array<i32>} : memref<10240xf32, #tpu.memory_space<vmem>>, vector<16xf32>,
        %add3A_95 = arith.addf %add3A_88, %get3A_94 : vector<16xf32>
        %mul3A_96 = arith.constant 16 : i32
        %mul3A_97 = arith.muli %scan3A_78, %mul3A_96 : i32
        %add3A_98 = arith.constant 1920 : i32
        %add3A_99 = arith.addi %add3A_98, %mul3A_97 : i32
        %get3A_100 = arith.index_cast %add3A_99 : i32 to index
        %get3A_101 = tpu.vector_load %arg12[%get3A_100] {strides = array<i32>} : memref<10240xf32, #tpu.memory_space<vmem>>, vector<16xf32>,
        %add3A_102 = arith.addf %add3A_95, %get3A_101 : vector<16xf32>
        %mul3A_103 = arith.constant 16 : i32
        %mul3A_104 = arith.muli %scan3A_78, %mul3A_103 : i32
        %add3A_105 = arith.constant 2560 : i32
        %add3A_106 = arith.addi %add3A_105, %mul3A_104 : i32
        %get3A_107 = arith.index_cast %add3A_106 : i32 to index
        %get3A_108 = tpu.vector_load %arg12[%get3A_107] {strides = array<i32>} : memref<10240xf32, #tpu.memory_space<vmem>>, vector<16xf32>,
        %add3A_109 = arith.addf %add3A_102, %get3A_108 : vector<16xf32>
        %mul3A_110 = arith.constant 16 : i32
        %mul3A_111 = arith.muli %scan3A_78, %mul3A_110 : i32
        %add3A_112 = arith.constant 3200 : i32
        %add3A_113 = arith.addi %add3A_112, %mul3A_111 : i32
        %get3A_114 = arith.index_cast %add3A_113 : i32 to index
        %get3A_115 = tpu.vector_load %arg12[%get3A_114] {strides = array<i32>} : memref<10240xf32, #tpu.memory_space<vmem>>, vector<16xf32>,
        %add3A_116 = arith.addf %add3A_109, %get3A_115 : vector<16xf32>
        %mul3A_117 = arith.constant 16 : i32
        %mul3A_118 = arith.muli %scan3A_78, %mul3A_117 : i32
        %add3A_119 = arith.constant 3840 : i32
        %add3A_120 = arith.addi %add3A_119, %mul3A_118 : i32
        %get3A_121 = arith.index_cast %add3A_120 : i32 to index
        %get3A_122 = tpu.vector_load %arg12[%get3A_121] {strides = array<i32>} : memref<10240xf32, #tpu.memory_space<vmem>>, vector<16xf32>,
        %add3A_123 = arith.addf %add3A_116, %get3A_122 : vector<16xf32>
        %mul3A_124 = arith.constant 16 : i32
        %mul3A_125 = arith.muli %scan3A_78, %mul3A_124 : i32
        %add3A_126 = arith.constant 4480 : i32
        %add3A_127 = arith.addi %add3A_126, %mul3A_125 : i32
        %get3A_128 = arith.index_cast %add3A_127 : i32 to index
        %get3A_129 = tpu.vector_load %arg12[%get3A_128] {strides = array<i32>} : memref<10240xf32, #tpu.memory_space<vmem>>, vector<16xf32>,
        %add3A_130 = arith.addf %add3A_123, %get3A_129 : vector<16xf32>
        %mul3A_131 = arith.constant 16 : i32
        %mul3A_132 = arith.muli %scan3A_78, %mul3A_131 : i32
        %add3A_133 = arith.constant 5120 : i32
        %add3A_134 = arith.addi %add3A_133, %mul3A_132 : i32
        %get3A_135 = arith.index_cast %add3A_134 : i32 to index
        %get3A_136 = tpu.vector_load %arg12[%get3A_135] {strides = array<i32>} : memref<10240xf32, #tpu.memory_space<vmem>>, vector<16xf32>,
        %add3A_137 = arith.addf %add3A_130, %get3A_136 : vector<16xf32>
        %mul3A_138 = arith.constant 16 : i32
        %mul3A_139 = arith.muli %scan3A_78, %mul3A_138 : i32
        %add3A_140 = arith.constant 5760 : i32
        %add3A_141 = arith.addi %add3A_140, %mul3A_139 : i32
        %get3A_142 = arith.index_cast %add3A_141 : i32 to index
        %get3A_143 = tpu.vector_load %arg12[%get3A_142] {strides = array<i32>} : memref<10240xf32, #tpu.memory_space<vmem>>, vector<16xf32>,
        %add3A_144 = arith.addf %add3A_137, %get3A_143 : vector<16xf32>
        %mul3A_145 = arith.constant 16 : i32
        %mul3A_146 = arith.muli %scan3A_78, %mul3A_145 : i32
        %add3A_147 = arith.constant 6400 : i32
        %add3A_148 = arith.addi %add3A_147, %mul3A_146 : i32
        %get3A_149 = arith.index_cast %add3A_148 : i32 to index
        %get3A_150 = tpu.vector_load %arg12[%get3A_149] {strides = array<i32>} : memref<10240xf32, #tpu.memory_space<vmem>>, vector<16xf32>,
        %add3A_151 = arith.addf %add3A_144, %get3A_150 : vector<16xf32>
        %mul3A_152 = arith.constant 16 : i32
        %mul3A_153 = arith.muli %scan3A_78, %mul3A_152 : i32
        %add3A_154 = arith.constant 7040 : i32
        %add3A_155 = arith.addi %add3A_154, %mul3A_153 : i32
        %get3A_156 = arith.index_cast %add3A_155 : i32 to index
        %get3A_157 = tpu.vector_load %arg12[%get3A_156] {strides = array<i32>} : memref<10240xf32, #tpu.memory_space<vmem>>, vector<16xf32>,
        %add3A_158 = arith.addf %add3A_151, %get3A_157 : vector<16xf32>
        %mul3A_159 = arith.constant 16 : i32
        %mul3A_160 = arith.muli %scan3A_78, %mul3A_159 : i32
        %add3A_161 = arith.constant 7680 : i32
        %add3A_162 = arith.addi %add3A_161, %mul3A_160 : i32
        %get3A_163 = arith.index_cast %add3A_162 : i32 to index
        %get3A_164 = tpu.vector_load %arg12[%get3A_163] {strides = array<i32>} : memref<10240xf32, #tpu.memory_space<vmem>>, vector<16xf32>,
        %add3A_165 = arith.addf %add3A_158, %get3A_164 : vector<16xf32>
        %mul3A_166 = arith.constant 16 : i32
        %mul3A_167 = arith.muli %scan3A_78, %mul3A_166 : i32
        %add3A_168 = arith.constant 8320 : i32
        %add3A_169 = arith.addi %add3A_168, %mul3A_167 : i32
        %get3A_170 = arith.index_cast %add3A_169 : i32 to index
        %get3A_171 = tpu.vector_load %arg12[%get3A_170] {strides = array<i32>} : memref<10240xf32, #tpu.memory_space<vmem>>, vector<16xf32>,
        %add3A_172 = arith.addf %add3A_165, %get3A_171 : vector<16xf32>
        %mul3A_173 = arith.constant 16 : i32
        %mul3A_174 = arith.muli %scan3A_78, %mul3A_173 : i32
        %add3A_175 = arith.constant 8960 : i32
        %add3A_176 = arith.addi %add3A_175, %mul3A_174 : i32
        %get3A_177 = arith.index_cast %add3A_176 : i32 to index
        %get3A_178 = tpu.vector_load %arg12[%get3A_177] {strides = array<i32>} : memref<10240xf32, #tpu.memory_space<vmem>>, vector<16xf32>,
        %add3A_179 = arith.addf %add3A_172, %get3A_178 : vector<16xf32>
        %mul3A_180 = arith.constant 16 : i32
        %mul3A_181 = arith.muli %scan3A_78, %mul3A_180 : i32
        %add3A_182 = arith.constant 9600 : i32
        %add3A_183 = arith.addi %add3A_182, %mul3A_181 : i32
        %get3A_184 = arith.index_cast %add3A_183 : i32 to index
        %get3A_185 = tpu.vector_load %arg12[%get3A_184] {strides = array<i32>} : memref<10240xf32, #tpu.memory_space<vmem>>, vector<16xf32>,
        %add3A_186 = arith.addf %add3A_179, %get3A_185 : vector<16xf32>
        %mul3A_187 = arith.constant 16 : i32
        %mul3A_188 = arith.muli %scan3A_78, %mul3A_187 : i32
        %get3A_189 = arith.index_cast %mul3A_188 : i32 to index
        %get3A_190 = tpu.vector_load %arg13[%get3A_189] {strides = array<i32>} : memref<640xf32, #tpu.memory_space<vmem>>, vector<16xf32>,
        %mul3A_191 = arith.mulf %get3A_190, %add3A_186 : vector<16xf32>
        %mul3A_192 = arith.constant 16 : i32
        %mul3A_193 = arith.muli %scan3A_78, %mul3A_192 : i32
        %get3A_194 = arith.index_cast %mul3A_193 : i32 to index
        %get3A_195 = tpu.vector_load %arg14[%get3A_194] {strides = array<i32>} : memref<640xf32, #tpu.memory_space<vmem>>, vector<16xf32>,
        %add3A_196 = arith.addf %mul3A_191, %get3A_195 : vector<16xf32>
        %mul3A_197 = arith.constant 16 : i32
        %mul3A_198 = arith.muli %scan3A_78, %mul3A_197 : i32
        %swap3A = arith.index_cast %mul3A_198 : i32 to index
        %swap3A_199 = tpu.vector_load %arg15[%swap3A] {strides = array<i32>} : memref<640xf32, #tpu.memory_space<vmem>>, vector<16xf32>,
        tpu.vector_store %arg15[%swap3A], %add3A_196 {strides = array<i32>} : memref<640xf32, #tpu.memory_space<vmem>>, vector<16xf32>,
        %scan3A_200 = arith.constant 0 : i32
        scf.yield %scan3A_200 : i32
      }
      %scan3A_75 = arith.constant 40 : i32
      %mul3A_76 = arith.constant 640 : i32
      %mul3A_77 = arith.muli %arg1, %mul3A_76 : i32
      "tpu.region"() ({
        %run_scoped3A_78 = tpu.sem_alloc : memref<!tpu.dma_semaphore, #tpu.memory_space<semaphore_mem>>
        %dma_start3A = tpu.memref_slice %arg7[%mul3A_77] : memref<10240xf32, #tpu.memory_space<hbm>> -> memref<640xf32, #tpu.memory_space<hbm>>
        %dma_start3A_79 = tpu.memref_slice %arg7[%mul3A_77] : memref<10240xf32, #tpu.memory_space<hbm>> -> memref<640xf32, #tpu.memory_space<hbm>>
        tpu.enqueue_dma source(%arg15 : memref<640xf32, #tpu.memory_space<vmem>>) target(%dma_start3A_79 : memref<640xf32, #tpu.memory_space<hbm>>) target_semaphore(%run_scoped3A_78 : memref<!tpu.dma_semaphore, #tpu.memory_space<semaphore_mem>>)
        %dma_wait3A = tpu.memref_slice %arg7[%mul3A_77] : memref<10240xf32, #tpu.memory_space<hbm>> -> memref<640xf32, #tpu.memory_space<hbm>>
        %dma_wait3A_80 = tpu.memref_slice %arg7[%mul3A_77] : memref<10240xf32, #tpu.memory_space<hbm>> -> memref<640xf32, #tpu.memory_space<hbm>>
        tpu.wait_dma2 semaphore(%run_scoped3A_78 : memref<!tpu.dma_semaphore, #tpu.memory_space<semaphore_mem>>) src(%arg15 : memref<640xf32, #tpu.memory_space<vmem>>) dst(%dma_wait3A_80 : memref<640xf32, #tpu.memory_space<hbm>>)
        tpu.yield
      }) : () -> ()
    } else {
    }
    return
  }
}

#map = affine_map<(d0, d1) -> (0, 0)>
#map1 = affine_map<(d0, d1) -> (0, 0, 0)>
module attributes {stable_mosaic.version = 14 : i64} {
  func.func @_agg1_body(%arg0: i32, %arg1: i32, %arg2: memref<4000x80xi32, #tpu.memory_space<hbm>>, %arg3: memref<4000x80xi32, #tpu.memory_space<hbm>>, %arg4: memref<10000x32xf32, #tpu.memory_space<hbm>>, %arg5: memref<10240x32xf32, #tpu.memory_space<hbm>>, %arg6: memref<2x10240x32xf32, #tpu.memory_space<hbm>>, %arg7: memref<125x80xi32, #tpu.memory_space<vmem>>, %arg8: memref<125x80xi32, #tpu.memory_space<vmem>>, %arg9: memref<12x80x32xf32, #tpu.memory_space<vmem>>, %arg10: memref<12x80x32xf32, #tpu.memory_space<vmem>>, %arg11: memref<!tpu.dma_semaphore, #tpu.memory_space<semaphore_mem>>, %arg12: memref<!tpu.dma_semaphore, #tpu.memory_space<semaphore_mem>>, %arg13: memref<!tpu.dma_semaphore, #tpu.memory_space<semaphore_mem>>, %arg14: memref<!tpu.dma_semaphore, #tpu.memory_space<semaphore_mem>>, %arg15: memref<10240x32xf32, #tpu.memory_space<vmem_shared>>) attributes {dimension_semantics = [#tpu.dimension_semantics<core_parallel>, #tpu.dimension_semantics<subcore_parallel>], iteration_bounds = array<i64: 2, 16>, scalar_prefetch = 0 : i64, scratch_operands = 9 : i64, tpu.core_type = #tpu.core_type<sc_vector_subcore>, window_params = [{transform_indices = #map}, {transform_indices = #map}, {transform_indices = #map}, {transform_indices = #map}, {transform_indices = #map1}]} {
    %mul3A = arith.constant 16 : i32
    %mul3A_0 = arith.muli %arg0, %mul3A : i32
    %add3A = arith.addi %mul3A_0, %arg1 : i32
    %mul3A_1 = arith.constant 125 : i32
    %mul3A_2 = arith.muli %add3A, %mul3A_1 : i32
    %eq3A = arith.constant 0 : i32
    %eq3A_3 = arith.cmpi eq, %arg1, %eq3A : i32
    %convert_element_type3A = arith.extui %eq3A_3 : i1 to i32
    %cond3A = arith.constant 0 : i32
    %cond3A_4 = arith.cmpi ne, %convert_element_type3A, %cond3A : i32
    scf.if %cond3A_4 {
      "tpu.region"() ({
        %run_scoped3A = tpu.sem_alloc : memref<!tpu.dma_semaphore, #tpu.memory_space<semaphore_mem>>
        tpu.enqueue_dma source(%arg5 : memref<10240x32xf32, #tpu.memory_space<hbm>>) target(%arg15 : memref<10240x32xf32, #tpu.memory_space<vmem_shared>>) target_semaphore(%run_scoped3A : memref<!tpu.dma_semaphore, #tpu.memory_space<semaphore_mem>>)
        tpu.wait_dma2 semaphore(%run_scoped3A : memref<!tpu.dma_semaphore, #tpu.memory_space<semaphore_mem>>) src(%arg5 : memref<10240x32xf32, #tpu.memory_space<hbm>>) dst(%arg15 : memref<10240x32xf32, #tpu.memory_space<vmem_shared>>)
        tpu.yield
      }) : () -> ()
    } else {
    }
    "tpu.region"() ({
      %run_scoped3A = tpu.sem_alloc : memref<!tpu.dma_semaphore, #tpu.memory_space<semaphore_mem>>
      %dma_start3A_254 = arith.constant 0 : i32
      %dma_start3A_255 = tpu.memref_slice %arg2[%mul3A_2, %dma_start3A_254] : memref<4000x80xi32, #tpu.memory_space<hbm>> -> memref<125x80xi32, #tpu.memory_space<hbm>>
      %dma_start3A_256 = arith.constant 0 : i32
      %dma_start3A_257 = tpu.memref_slice %arg2[%mul3A_2, %dma_start3A_256] : memref<4000x80xi32, #tpu.memory_space<hbm>> -> memref<125x80xi32, #tpu.memory_space<hbm>>
      tpu.enqueue_dma source(%dma_start3A_257 : memref<125x80xi32, #tpu.memory_space<hbm>>) target(%arg7 : memref<125x80xi32, #tpu.memory_space<vmem>>) target_semaphore(%run_scoped3A : memref<!tpu.dma_semaphore, #tpu.memory_space<semaphore_mem>>)
      %dma_wait3A_258 = arith.constant 0 : i32
      %dma_wait3A_259 = tpu.memref_slice %arg2[%mul3A_2, %dma_wait3A_258] : memref<4000x80xi32, #tpu.memory_space<hbm>> -> memref<125x80xi32, #tpu.memory_space<hbm>>
      %dma_wait3A_260 = arith.constant 0 : i32
      %dma_wait3A_261 = tpu.memref_slice %arg2[%mul3A_2, %dma_wait3A_260] : memref<4000x80xi32, #tpu.memory_space<hbm>> -> memref<125x80xi32, #tpu.memory_space<hbm>>
      tpu.wait_dma2 semaphore(%run_scoped3A : memref<!tpu.dma_semaphore, #tpu.memory_space<semaphore_mem>>) src(%dma_wait3A_261 : memref<125x80xi32, #tpu.memory_space<hbm>>) dst(%arg7 : memref<125x80xi32, #tpu.memory_space<vmem>>)
      tpu.yield
    }) : () -> ()
    "tpu.region"() ({
      %run_scoped3A = tpu.sem_alloc : memref<!tpu.dma_semaphore, #tpu.memory_space<semaphore_mem>>
      %dma_start3A_254 = arith.constant 0 : i32
      %dma_start3A_255 = tpu.memref_slice %arg3[%mul3A_2, %dma_start3A_254] : memref<4000x80xi32, #tpu.memory_space<hbm>> -> memref<125x80xi32, #tpu.memory_space<hbm>>
      %dma_start3A_256 = arith.constant 0 : i32
      %dma_start3A_257 = tpu.memref_slice %arg3[%mul3A_2, %dma_start3A_256] : memref<4000x80xi32, #tpu.memory_space<hbm>> -> memref<125x80xi32, #tpu.memory_space<hbm>>
      tpu.enqueue_dma source(%dma_start3A_257 : memref<125x80xi32, #tpu.memory_space<hbm>>) target(%arg8 : memref<125x80xi32, #tpu.memory_space<vmem>>) target_semaphore(%run_scoped3A : memref<!tpu.dma_semaphore, #tpu.memory_space<semaphore_mem>>)
      %dma_wait3A_258 = arith.constant 0 : i32
      %dma_wait3A_259 = tpu.memref_slice %arg3[%mul3A_2, %dma_wait3A_258] : memref<4000x80xi32, #tpu.memory_space<hbm>> -> memref<125x80xi32, #tpu.memory_space<hbm>>
      %dma_wait3A_260 = arith.constant 0 : i32
      %dma_wait3A_261 = tpu.memref_slice %arg3[%mul3A_2, %dma_wait3A_260] : memref<4000x80xi32, #tpu.memory_space<hbm>> -> memref<125x80xi32, #tpu.memory_space<hbm>>
      tpu.wait_dma2 semaphore(%run_scoped3A : memref<!tpu.dma_semaphore, #tpu.memory_space<semaphore_mem>>) src(%dma_wait3A_261 : memref<125x80xi32, #tpu.memory_space<hbm>>) dst(%arg8 : memref<125x80xi32, #tpu.memory_space<vmem>>)
      tpu.yield
    }) : () -> ()
    %barrier3A = arith.constant 0 : index
    tpu.barrier barrier_id(%barrier3A)
    %scan3A = arith.constant 0 : i32
    %scan3A_5 = arith.constant 0 : i32
    %scan3A_6 = arith.constant 5 : i32
    %scan3A_7 = arith.addi %scan3A_5, %scan3A_6 : i32
    %scan3A_8 = arith.constant 1 : i32
    %scan3A_9 = scf.for %scan3A_254 = %scan3A_5 to %scan3A_7 step %scan3A_8 iter_args(%scan3A_255 = %scan3A) -> (i32)  : i32 {
      %mul3A_256 = arith.constant 2 : i32
      %mul3A_257 = arith.muli %scan3A_254, %mul3A_256 : i32
      %mul3A_258 = arith.constant 12 : i32
      %mul3A_259 = arith.muli %mul3A_257, %mul3A_258 : i32
      %add3A_260 = arith.constant 0 : i32
      %add3A_261 = arith.addi %mul3A_259, %add3A_260 : i32
      %dma_start3A_262 = arith.constant 0 : i32
      %dma_start3A_263 = arith.constant 0 : i32
      %dma_start3A_264 = arith.constant 0 : i32
      %dma_start3A_265 = tpu.memref_slice %arg9[%dma_start3A_262, %dma_start3A_263, %dma_start3A_264] : memref<12x80x32xf32, #tpu.memory_space<vmem>> -> memref<1x80x32xf32, #tpu.memory_space<vmem>>
      %dma_start3A_266 = tpu.memref_squeeze %dma_start3A_265 : memref<1x80x32xf32, #tpu.memory_space<vmem>> -> memref<80x32xf32, #tpu.memory_space<vmem>>
      %dma_start3A_267 = arith.constant 0 : i32
      %dma_start3A_268 = tpu.memref_slice %arg7[%add3A_261, %dma_start3A_267] : memref<125x80xi32, #tpu.memory_space<vmem>> -> memref<1x80xi32, #tpu.memory_space<vmem>>
      %dma_start3A_269 = tpu.memref_squeeze %dma_start3A_268 : memref<1x80xi32, #tpu.memory_space<vmem>> -> memref<80xi32, #tpu.memory_space<vmem>>
      %dma_start3A_270 = arith.constant 0 : i32
      %dma_start3A_271 = arith.constant 0 : i32
      %dma_start3A_272 = tpu.memref_slice %arg4[%dma_start3A_270, %dma_start3A_271] : memref<10000x32xf32, #tpu.memory_space<hbm>> -> memref<10000x32xf32, #tpu.memory_space<hbm>>
      tpu.enqueue_indirect_dma source(%dma_start3A_272 : memref<10000x32xf32, #tpu.memory_space<hbm>>) target(%dma_start3A_266 : memref<80x32xf32, #tpu.memory_space<vmem>>) offsets(%dma_start3A_269 : memref<80xi32, #tpu.memory_space<vmem>>) semaphore(%arg11 : memref<!tpu.dma_semaphore, #tpu.memory_space<semaphore_mem>>)
      %add3A_273 = arith.constant 1 : i32
      %add3A_274 = arith.addi %mul3A_259, %add3A_273 : i32
      %dma_start3A_275 = arith.constant 1 : i32
      %dma_start3A_276 = arith.constant 0 : i32
      %dma_start3A_277 = arith.constant 0 : i32
      %dma_start3A_278 = tpu.memref_slice %arg9[%dma_start3A_275, %dma_start3A_276, %dma_start3A_277] : memref<12x80x32xf32, #tpu.memory_space<vmem>> -> memref<1x80x32xf32, #tpu.memory_space<vmem>>
      %dma_start3A_279 = tpu.memref_squeeze %dma_start3A_278 : memref<1x80x32xf32, #tpu.memory_space<vmem>> -> memref<80x32xf32, #tpu.memory_space<vmem>>
      %dma_start3A_280 = arith.constant 0 : i32
      %dma_start3A_281 = tpu.memref_slice %arg7[%add3A_274, %dma_start3A_280] : memref<125x80xi32, #tpu.memory_space<vmem>> -> memref<1x80xi32, #tpu.memory_space<vmem>>
      %dma_start3A_282 = tpu.memref_squeeze %dma_start3A_281 : memref<1x80xi32, #tpu.memory_space<vmem>> -> memref<80xi32, #tpu.memory_space<vmem>>
      %dma_start3A_283 = arith.constant 0 : i32
      %dma_start3A_284 = arith.constant 0 : i32
      %dma_start3A_285 = tpu.memref_slice %arg4[%dma_start3A_283, %dma_start3A_284] : memref<10000x32xf32, #tpu.memory_space<hbm>> -> memref<10000x32xf32, #tpu.memory_space<hbm>>
      tpu.enqueue_indirect_dma source(%dma_start3A_285 : memref<10000x32xf32, #tpu.memory_space<hbm>>) target(%dma_start3A_279 : memref<80x32xf32, #tpu.memory_space<vmem>>) offsets(%dma_start3A_282 : memref<80xi32, #tpu.memory_space<vmem>>) semaphore(%arg11 : memref<!tpu.dma_semaphore, #tpu.memory_space<semaphore_mem>>)
      %add3A_286 = arith.constant 2 : i32
      %add3A_287 = arith.addi %mul3A_259, %add3A_286 : i32
      %dma_start3A_288 = arith.constant 2 : i32
      %dma_start3A_289 = arith.constant 0 : i32
      %dma_start3A_290 = arith.constant 0 : i32
      %dma_start3A_291 = tpu.memref_slice %arg9[%dma_start3A_288, %dma_start3A_289, %dma_start3A_290] : memref<12x80x32xf32, #tpu.memory_space<vmem>> -> memref<1x80x32xf32, #tpu.memory_space<vmem>>
      %dma_start3A_292 = tpu.memref_squeeze %dma_start3A_291 : memref<1x80x32xf32, #tpu.memory_space<vmem>> -> memref<80x32xf32, #tpu.memory_space<vmem>>
      %dma_start3A_293 = arith.constant 0 : i32
      %dma_start3A_294 = tpu.memref_slice %arg7[%add3A_287, %dma_start3A_293] : memref<125x80xi32, #tpu.memory_space<vmem>> -> memref<1x80xi32, #tpu.memory_space<vmem>>
      %dma_start3A_295 = tpu.memref_squeeze %dma_start3A_294 : memref<1x80xi32, #tpu.memory_space<vmem>> -> memref<80xi32, #tpu.memory_space<vmem>>
      %dma_start3A_296 = arith.constant 0 : i32
      %dma_start3A_297 = arith.constant 0 : i32
      %dma_start3A_298 = tpu.memref_slice %arg4[%dma_start3A_296, %dma_start3A_297] : memref<10000x32xf32, #tpu.memory_space<hbm>> -> memref<10000x32xf32, #tpu.memory_space<hbm>>
      tpu.enqueue_indirect_dma source(%dma_start3A_298 : memref<10000x32xf32, #tpu.memory_space<hbm>>) target(%dma_start3A_292 : memref<80x32xf32, #tpu.memory_space<vmem>>) offsets(%dma_start3A_295 : memref<80xi32, #tpu.memory_space<vmem>>) semaphore(%arg11 : memref<!tpu.dma_semaphore, #tpu.memory_space<semaphore_mem>>)
      %add3A_299 = arith.constant 3 : i32
      %add3A_300 = arith.addi %mul3A_259, %add3A_299 : i32
      %dma_start3A_301 = arith.constant 3 : i32
      %dma_start3A_302 = arith.constant 0 : i32
      %dma_start3A_303 = arith.constant 0 : i32
      %dma_start3A_304 = tpu.memref_slice %arg9[%dma_start3A_301, %dma_start3A_302, %dma_start3A_303] : memref<12x80x32xf32, #tpu.memory_space<vmem>> -> memref<1x80x32xf32, #tpu.memory_space<vmem>>
      %dma_start3A_305 = tpu.memref_squeeze %dma_start3A_304 : memref<1x80x32xf32, #tpu.memory_space<vmem>> -> memref<80x32xf32, #tpu.memory_space<vmem>>
      %dma_start3A_306 = arith.constant 0 : i32
      %dma_start3A_307 = tpu.memref_slice %arg7[%add3A_300, %dma_start3A_306] : memref<125x80xi32, #tpu.memory_space<vmem>> -> memref<1x80xi32, #tpu.memory_space<vmem>>
      %dma_start3A_308 = tpu.memref_squeeze %dma_start3A_307 : memref<1x80xi32, #tpu.memory_space<vmem>> -> memref<80xi32, #tpu.memory_space<vmem>>
      %dma_start3A_309 = arith.constant 0 : i32
      %dma_start3A_310 = arith.constant 0 : i32
      %dma_start3A_311 = tpu.memref_slice %arg4[%dma_start3A_309, %dma_start3A_310] : memref<10000x32xf32, #tpu.memory_space<hbm>> -> memref<10000x32xf32, #tpu.memory_space<hbm>>
      tpu.enqueue_indirect_dma source(%dma_start3A_311 : memref<10000x32xf32, #tpu.memory_space<hbm>>) target(%dma_start3A_305 : memref<80x32xf32, #tpu.memory_space<vmem>>) offsets(%dma_start3A_308 : memref<80xi32, #tpu.memory_space<vmem>>) semaphore(%arg11 : memref<!tpu.dma_semaphore, #tpu.memory_space<semaphore_mem>>)
      %add3A_312 = arith.constant 4 : i32
      %add3A_313 = arith.addi %mul3A_259, %add3A_312 : i32
      %dma_start3A_314 = arith.constant 4 : i32
      %dma_start3A_315 = arith.constant 0 : i32
      %dma_start3A_316 = arith.constant 0 : i32
      %dma_start3A_317 = tpu.memref_slice %arg9[%dma_start3A_314, %dma_start3A_315, %dma_start3A_316] : memref<12x80x32xf32, #tpu.memory_space<vmem>> -> memref<1x80x32xf32, #tpu.memory_space<vmem>>
      %dma_start3A_318 = tpu.memref_squeeze %dma_start3A_317 : memref<1x80x32xf32, #tpu.memory_space<vmem>> -> memref<80x32xf32, #tpu.memory_space<vmem>>
      %dma_start3A_319 = arith.constant 0 : i32
      %dma_start3A_320 = tpu.memref_slice %arg7[%add3A_313, %dma_start3A_319] : memref<125x80xi32, #tpu.memory_space<vmem>> -> memref<1x80xi32, #tpu.memory_space<vmem>>
      %dma_start3A_321 = tpu.memref_squeeze %dma_start3A_320 : memref<1x80xi32, #tpu.memory_space<vmem>> -> memref<80xi32, #tpu.memory_space<vmem>>
      %dma_start3A_322 = arith.constant 0 : i32
      %dma_start3A_323 = arith.constant 0 : i32
      %dma_start3A_324 = tpu.memref_slice %arg4[%dma_start3A_322, %dma_start3A_323] : memref<10000x32xf32, #tpu.memory_space<hbm>> -> memref<10000x32xf32, #tpu.memory_space<hbm>>
      tpu.enqueue_indirect_dma source(%dma_start3A_324 : memref<10000x32xf32, #tpu.memory_space<hbm>>) target(%dma_start3A_318 : memref<80x32xf32, #tpu.memory_space<vmem>>) offsets(%dma_start3A_321 : memref<80xi32, #tpu.memory_space<vmem>>) semaphore(%arg11 : memref<!tpu.dma_semaphore, #tpu.memory_space<semaphore_mem>>)
      %add3A_325 = arith.constant 5 : i32
      %add3A_326 = arith.addi %mul3A_259, %add3A_325 : i32
      %dma_start3A_327 = arith.constant 5 : i32
      %dma_start3A_328 = arith.constant 0 : i32
      %dma_start3A_329 = arith.constant 0 : i32
      %dma_start3A_330 = tpu.memref_slice %arg9[%dma_start3A_327, %dma_start3A_328, %dma_start3A_329] : memref<12x80x32xf32, #tpu.memory_space<vmem>> -> memref<1x80x32xf32, #tpu.memory_space<vmem>>
      %dma_start3A_331 = tpu.memref_squeeze %dma_start3A_330 : memref<1x80x32xf32, #tpu.memory_space<vmem>> -> memref<80x32xf32, #tpu.memory_space<vmem>>
      %dma_start3A_332 = arith.constant 0 : i32
      %dma_start3A_333 = tpu.memref_slice %arg7[%add3A_326, %dma_start3A_332] : memref<125x80xi32, #tpu.memory_space<vmem>> -> memref<1x80xi32, #tpu.memory_space<vmem>>
      %dma_start3A_334 = tpu.memref_squeeze %dma_start3A_333 : memref<1x80xi32, #tpu.memory_space<vmem>> -> memref<80xi32, #tpu.memory_space<vmem>>
      %dma_start3A_335 = arith.constant 0 : i32
      %dma_start3A_336 = arith.constant 0 : i32
      %dma_start3A_337 = tpu.memref_slice %arg4[%dma_start3A_335, %dma_start3A_336] : memref<10000x32xf32, #tpu.memory_space<hbm>> -> memref<10000x32xf32, #tpu.memory_space<hbm>>
      tpu.enqueue_indirect_dma source(%dma_start3A_337 : memref<10000x32xf32, #tpu.memory_space<hbm>>) target(%dma_start3A_331 : memref<80x32xf32, #tpu.memory_space<vmem>>) offsets(%dma_start3A_334 : memref<80xi32, #tpu.memory_space<vmem>>) semaphore(%arg11 : memref<!tpu.dma_semaphore, #tpu.memory_space<semaphore_mem>>)
      %add3A_338 = arith.constant 6 : i32
      %add3A_339 = arith.addi %mul3A_259, %add3A_338 : i32
      %dma_start3A_340 = arith.constant 6 : i32
      %dma_start3A_341 = arith.constant 0 : i32
      %dma_start3A_342 = arith.constant 0 : i32
      %dma_start3A_343 = tpu.memref_slice %arg9[%dma_start3A_340, %dma_start3A_341, %dma_start3A_342] : memref<12x80x32xf32, #tpu.memory_space<vmem>> -> memref<1x80x32xf32, #tpu.memory_space<vmem>>
      %dma_start3A_344 = tpu.memref_squeeze %dma_start3A_343 : memref<1x80x32xf32, #tpu.memory_space<vmem>> -> memref<80x32xf32, #tpu.memory_space<vmem>>
      %dma_start3A_345 = arith.constant 0 : i32
      %dma_start3A_346 = tpu.memref_slice %arg7[%add3A_339, %dma_start3A_345] : memref<125x80xi32, #tpu.memory_space<vmem>> -> memref<1x80xi32, #tpu.memory_space<vmem>>
      %dma_start3A_347 = tpu.memref_squeeze %dma_start3A_346 : memref<1x80xi32, #tpu.memory_space<vmem>> -> memref<80xi32, #tpu.memory_space<vmem>>
      %dma_start3A_348 = arith.constant 0 : i32
      %dma_start3A_349 = arith.constant 0 : i32
      %dma_start3A_350 = tpu.memref_slice %arg4[%dma_start3A_348, %dma_start3A_349] : memref<10000x32xf32, #tpu.memory_space<hbm>> -> memref<10000x32xf32, #tpu.memory_space<hbm>>
      tpu.enqueue_indirect_dma source(%dma_start3A_350 : memref<10000x32xf32, #tpu.memory_space<hbm>>) target(%dma_start3A_344 : memref<80x32xf32, #tpu.memory_space<vmem>>) offsets(%dma_start3A_347 : memref<80xi32, #tpu.memory_space<vmem>>) semaphore(%arg11 : memref<!tpu.dma_semaphore, #tpu.memory_space<semaphore_mem>>)
      %add3A_351 = arith.constant 7 : i32
      %add3A_352 = arith.addi %mul3A_259, %add3A_351 : i32
      %dma_start3A_353 = arith.constant 7 : i32
      %dma_start3A_354 = arith.constant 0 : i32
      %dma_start3A_355 = arith.constant 0 : i32
      %dma_start3A_356 = tpu.memref_slice %arg9[%dma_start3A_353, %dma_start3A_354, %dma_start3A_355] : memref<12x80x32xf32, #tpu.memory_space<vmem>> -> memref<1x80x32xf32, #tpu.memory_space<vmem>>
      %dma_start3A_357 = tpu.memref_squeeze %dma_start3A_356 : memref<1x80x32xf32, #tpu.memory_space<vmem>> -> memref<80x32xf32, #tpu.memory_space<vmem>>
      %dma_start3A_358 = arith.constant 0 : i32
      %dma_start3A_359 = tpu.memref_slice %arg7[%add3A_352, %dma_start3A_358] : memref<125x80xi32, #tpu.memory_space<vmem>> -> memref<1x80xi32, #tpu.memory_space<vmem>>
      %dma_start3A_360 = tpu.memref_squeeze %dma_start3A_359 : memref<1x80xi32, #tpu.memory_space<vmem>> -> memref<80xi32, #tpu.memory_space<vmem>>
      %dma_start3A_361 = arith.constant 0 : i32
      %dma_start3A_362 = arith.constant 0 : i32
      %dma_start3A_363 = tpu.memref_slice %arg4[%dma_start3A_361, %dma_start3A_362] : memref<10000x32xf32, #tpu.memory_space<hbm>> -> memref<10000x32xf32, #tpu.memory_space<hbm>>
      tpu.enqueue_indirect_dma source(%dma_start3A_363 : memref<10000x32xf32, #tpu.memory_space<hbm>>) target(%dma_start3A_357 : memref<80x32xf32, #tpu.memory_space<vmem>>) offsets(%dma_start3A_360 : memref<80xi32, #tpu.memory_space<vmem>>) semaphore(%arg11 : memref<!tpu.dma_semaphore, #tpu.memory_space<semaphore_mem>>)
      %add3A_364 = arith.constant 8 : i32
      %add3A_365 = arith.addi %mul3A_259, %add3A_364 : i32
      %dma_start3A_366 = arith.constant 8 : i32
      %dma_start3A_367 = arith.constant 0 : i32
      %dma_start3A_368 = arith.constant 0 : i32
      %dma_start3A_369 = tpu.memref_slice %arg9[%dma_start3A_366, %dma_start3A_367, %dma_start3A_368] : memref<12x80x32xf32, #tpu.memory_space<vmem>> -> memref<1x80x32xf32, #tpu.memory_space<vmem>>
      %dma_start3A_370 = tpu.memref_squeeze %dma_start3A_369 : memref<1x80x32xf32, #tpu.memory_space<vmem>> -> memref<80x32xf32, #tpu.memory_space<vmem>>
      %dma_start3A_371 = arith.constant 0 : i32
      %dma_start3A_372 = tpu.memref_slice %arg7[%add3A_365, %dma_start3A_371] : memref<125x80xi32, #tpu.memory_space<vmem>> -> memref<1x80xi32, #tpu.memory_space<vmem>>
      %dma_start3A_373 = tpu.memref_squeeze %dma_start3A_372 : memref<1x80xi32, #tpu.memory_space<vmem>> -> memref<80xi32, #tpu.memory_space<vmem>>
      %dma_start3A_374 = arith.constant 0 : i32
      %dma_start3A_375 = arith.constant 0 : i32
      %dma_start3A_376 = tpu.memref_slice %arg4[%dma_start3A_374, %dma_start3A_375] : memref<10000x32xf32, #tpu.memory_space<hbm>> -> memref<10000x32xf32, #tpu.memory_space<hbm>>
      tpu.enqueue_indirect_dma source(%dma_start3A_376 : memref<10000x32xf32, #tpu.memory_space<hbm>>) target(%dma_start3A_370 : memref<80x32xf32, #tpu.memory_space<vmem>>) offsets(%dma_start3A_373 : memref<80xi32, #tpu.memory_space<vmem>>) semaphore(%arg11 : memref<!tpu.dma_semaphore, #tpu.memory_space<semaphore_mem>>)
      %add3A_377 = arith.constant 9 : i32
      %add3A_378 = arith.addi %mul3A_259, %add3A_377 : i32
      %dma_start3A_379 = arith.constant 9 : i32
      %dma_start3A_380 = arith.constant 0 : i32
      %dma_start3A_381 = arith.constant 0 : i32
      %dma_start3A_382 = tpu.memref_slice %arg9[%dma_start3A_379, %dma_start3A_380, %dma_start3A_381] : memref<12x80x32xf32, #tpu.memory_space<vmem>> -> memref<1x80x32xf32, #tpu.memory_space<vmem>>
      %dma_start3A_383 = tpu.memref_squeeze %dma_start3A_382 : memref<1x80x32xf32, #tpu.memory_space<vmem>> -> memref<80x32xf32, #tpu.memory_space<vmem>>
      %dma_start3A_384 = arith.constant 0 : i32
      %dma_start3A_385 = tpu.memref_slice %arg7[%add3A_378, %dma_start3A_384] : memref<125x80xi32, #tpu.memory_space<vmem>> -> memref<1x80xi32, #tpu.memory_space<vmem>>
      %dma_start3A_386 = tpu.memref_squeeze %dma_start3A_385 : memref<1x80xi32, #tpu.memory_space<vmem>> -> memref<80xi32, #tpu.memory_space<vmem>>
      %dma_start3A_387 = arith.constant 0 : i32
      %dma_start3A_388 = arith.constant 0 : i32
      %dma_start3A_389 = tpu.memref_slice %arg4[%dma_start3A_387, %dma_start3A_388] : memref<10000x32xf32, #tpu.memory_space<hbm>> -> memref<10000x32xf32, #tpu.memory_space<hbm>>
      tpu.enqueue_indirect_dma source(%dma_start3A_389 : memref<10000x32xf32, #tpu.memory_space<hbm>>) target(%dma_start3A_383 : memref<80x32xf32, #tpu.memory_space<vmem>>) offsets(%dma_start3A_386 : memref<80xi32, #tpu.memory_space<vmem>>) semaphore(%arg11 : memref<!tpu.dma_semaphore, #tpu.memory_space<semaphore_mem>>)
      %add3A_390 = arith.constant 10 : i32
      %add3A_391 = arith.addi %mul3A_259, %add3A_390 : i32
      %dma_start3A_392 = arith.constant 10 : i32
      %dma_start3A_393 = arith.constant 0 : i32
      %dma_start3A_394 = arith.constant 0 : i32
      %dma_start3A_395 = tpu.memref_slice %arg9[%dma_start3A_392, %dma_start3A_393, %dma_start3A_394] : memref<12x80x32xf32, #tpu.memory_space<vmem>> -> memref<1x80x32xf32, #tpu.memory_space<vmem>>
      %dma_start3A_396 = tpu.memref_squeeze %dma_start3A_395 : memref<1x80x32xf32, #tpu.memory_space<vmem>> -> memref<80x32xf32, #tpu.memory_space<vmem>>
      %dma_start3A_397 = arith.constant 0 : i32
      %dma_start3A_398 = tpu.memref_slice %arg7[%add3A_391, %dma_start3A_397] : memref<125x80xi32, #tpu.memory_space<vmem>> -> memref<1x80xi32, #tpu.memory_space<vmem>>
      %dma_start3A_399 = tpu.memref_squeeze %dma_start3A_398 : memref<1x80xi32, #tpu.memory_space<vmem>> -> memref<80xi32, #tpu.memory_space<vmem>>
      %dma_start3A_400 = arith.constant 0 : i32
      %dma_start3A_401 = arith.constant 0 : i32
      %dma_start3A_402 = tpu.memref_slice %arg4[%dma_start3A_400, %dma_start3A_401] : memref<10000x32xf32, #tpu.memory_space<hbm>> -> memref<10000x32xf32, #tpu.memory_space<hbm>>
      tpu.enqueue_indirect_dma source(%dma_start3A_402 : memref<10000x32xf32, #tpu.memory_space<hbm>>) target(%dma_start3A_396 : memref<80x32xf32, #tpu.memory_space<vmem>>) offsets(%dma_start3A_399 : memref<80xi32, #tpu.memory_space<vmem>>) semaphore(%arg11 : memref<!tpu.dma_semaphore, #tpu.memory_space<semaphore_mem>>)
      %add3A_403 = arith.constant 11 : i32
      %add3A_404 = arith.addi %mul3A_259, %add3A_403 : i32
      %dma_start3A_405 = arith.constant 11 : i32
      %dma_start3A_406 = arith.constant 0 : i32
      %dma_start3A_407 = arith.constant 0 : i32
      %dma_start3A_408 = tpu.memref_slice %arg9[%dma_start3A_405, %dma_start3A_406, %dma_start3A_407] : memref<12x80x32xf32, #tpu.memory_space<vmem>> -> memref<1x80x32xf32, #tpu.memory_space<vmem>>
      %dma_start3A_409 = tpu.memref_squeeze %dma_start3A_408 : memref<1x80x32xf32, #tpu.memory_space<vmem>> -> memref<80x32xf32, #tpu.memory_space<vmem>>
      %dma_start3A_410 = arith.constant 0 : i32
      %dma_start3A_411 = tpu.memref_slice %arg7[%add3A_404, %dma_start3A_410] : memref<125x80xi32, #tpu.memory_space<vmem>> -> memref<1x80xi32, #tpu.memory_space<vmem>>
      %dma_start3A_412 = tpu.memref_squeeze %dma_start3A_411 : memref<1x80xi32, #tpu.memory_space<vmem>> -> memref<80xi32, #tpu.memory_space<vmem>>
      %dma_start3A_413 = arith.constant 0 : i32
      %dma_start3A_414 = arith.constant 0 : i32
      %dma_start3A_415 = tpu.memref_slice %arg4[%dma_start3A_413, %dma_start3A_414] : memref<10000x32xf32, #tpu.memory_space<hbm>> -> memref<10000x32xf32, #tpu.memory_space<hbm>>
      tpu.enqueue_indirect_dma source(%dma_start3A_415 : memref<10000x32xf32, #tpu.memory_space<hbm>>) target(%dma_start3A_409 : memref<80x32xf32, #tpu.memory_space<vmem>>) offsets(%dma_start3A_412 : memref<80xi32, #tpu.memory_space<vmem>>) semaphore(%arg11 : memref<!tpu.dma_semaphore, #tpu.memory_space<semaphore_mem>>)
      %dma_wait3A_416 = arith.constant 0 : i32
      %dma_wait3A_417 = arith.constant 0 : i32
      %dma_wait3A_418 = arith.constant 0 : i32
      %dma_wait3A_419 = tpu.memref_slice %arg9[%dma_wait3A_416, %dma_wait3A_417, %dma_wait3A_418] : memref<12x80x32xf32, #tpu.memory_space<vmem>> -> memref<1x80x32xf32, #tpu.memory_space<vmem>>
      %dma_wait3A_420 = tpu.memref_squeeze %dma_wait3A_419 : memref<1x80x32xf32, #tpu.memory_space<vmem>> -> memref<80x32xf32, #tpu.memory_space<vmem>>
      %dma_wait3A_421 = arith.constant 0 : i32
      %dma_wait3A_422 = tpu.memref_slice %arg7[%add3A_261, %dma_wait3A_421] : memref<125x80xi32, #tpu.memory_space<vmem>> -> memref<1x80xi32, #tpu.memory_space<vmem>>
      %dma_wait3A_423 = tpu.memref_squeeze %dma_wait3A_422 : memref<1x80xi32, #tpu.memory_space<vmem>> -> memref<80xi32, #tpu.memory_space<vmem>>
      %dma_wait3A_424 = arith.constant 0 : i32
      %dma_wait3A_425 = arith.constant 0 : i32
      %dma_wait3A_426 = tpu.memref_slice %arg4[%dma_wait3A_424, %dma_wait3A_425] : memref<10000x32xf32, #tpu.memory_space<hbm>> -> memref<10000x32xf32, #tpu.memory_space<hbm>>
      tpu.wait_indirect_dma semaphore(%arg11 : memref<!tpu.dma_semaphore, #tpu.memory_space<semaphore_mem>>) src(%dma_wait3A_426 : memref<10000x32xf32, #tpu.memory_space<hbm>>) dst(%dma_wait3A_420 : memref<80x32xf32, #tpu.memory_space<vmem>>)
      %dma_wait3A_427 = arith.constant 1 : i32
      %dma_wait3A_428 = arith.constant 0 : i32
      %dma_wait3A_429 = arith.constant 0 : i32
      %dma_wait3A_430 = tpu.memref_slice %arg9[%dma_wait3A_427, %dma_wait3A_428, %dma_wait3A_429] : memref<12x80x32xf32, #tpu.memory_space<vmem>> -> memref<1x80x32xf32, #tpu.memory_space<vmem>>
      %dma_wait3A_431 = tpu.memref_squeeze %dma_wait3A_430 : memref<1x80x32xf32, #tpu.memory_space<vmem>> -> memref<80x32xf32, #tpu.memory_space<vmem>>
      %dma_wait3A_432 = arith.constant 0 : i32
      %dma_wait3A_433 = tpu.memref_slice %arg7[%add3A_274, %dma_wait3A_432] : memref<125x80xi32, #tpu.memory_space<vmem>> -> memref<1x80xi32, #tpu.memory_space<vmem>>
      %dma_wait3A_434 = tpu.memref_squeeze %dma_wait3A_433 : memref<1x80xi32, #tpu.memory_space<vmem>> -> memref<80xi32, #tpu.memory_space<vmem>>
      %dma_wait3A_435 = arith.constant 0 : i32
      %dma_wait3A_436 = arith.constant 0 : i32
      %dma_wait3A_437 = tpu.memref_slice %arg4[%dma_wait3A_435, %dma_wait3A_436] : memref<10000x32xf32, #tpu.memory_space<hbm>> -> memref<10000x32xf32, #tpu.memory_space<hbm>>
      tpu.wait_indirect_dma semaphore(%arg11 : memref<!tpu.dma_semaphore, #tpu.memory_space<semaphore_mem>>) src(%dma_wait3A_437 : memref<10000x32xf32, #tpu.memory_space<hbm>>) dst(%dma_wait3A_431 : memref<80x32xf32, #tpu.memory_space<vmem>>)
      %dma_wait3A_438 = arith.constant 2 : i32
      %dma_wait3A_439 = arith.constant 0 : i32
      %dma_wait3A_440 = arith.constant 0 : i32
      %dma_wait3A_441 = tpu.memref_slice %arg9[%dma_wait3A_438, %dma_wait3A_439, %dma_wait3A_440] : memref<12x80x32xf32, #tpu.memory_space<vmem>> -> memref<1x80x32xf32, #tpu.memory_space<vmem>>
      %dma_wait3A_442 = tpu.memref_squeeze %dma_wait3A_441 : memref<1x80x32xf32, #tpu.memory_space<vmem>> -> memref<80x32xf32, #tpu.memory_space<vmem>>
      %dma_wait3A_443 = arith.constant 0 : i32
      %dma_wait3A_444 = tpu.memref_slice %arg7[%add3A_287, %dma_wait3A_443] : memref<125x80xi32, #tpu.memory_space<vmem>> -> memref<1x80xi32, #tpu.memory_space<vmem>>
      %dma_wait3A_445 = tpu.memref_squeeze %dma_wait3A_444 : memref<1x80xi32, #tpu.memory_space<vmem>> -> memref<80xi32, #tpu.memory_space<vmem>>
      %dma_wait3A_446 = arith.constant 0 : i32
      %dma_wait3A_447 = arith.constant 0 : i32
      %dma_wait3A_448 = tpu.memref_slice %arg4[%dma_wait3A_446, %dma_wait3A_447] : memref<10000x32xf32, #tpu.memory_space<hbm>> -> memref<10000x32xf32, #tpu.memory_space<hbm>>
      tpu.wait_indirect_dma semaphore(%arg11 : memref<!tpu.dma_semaphore, #tpu.memory_space<semaphore_mem>>) src(%dma_wait3A_448 : memref<10000x32xf32, #tpu.memory_space<hbm>>) dst(%dma_wait3A_442 : memref<80x32xf32, #tpu.memory_space<vmem>>)
      %dma_wait3A_449 = arith.constant 3 : i32
      %dma_wait3A_450 = arith.constant 0 : i32
      %dma_wait3A_451 = arith.constant 0 : i32
      %dma_wait3A_452 = tpu.memref_slice %arg9[%dma_wait3A_449, %dma_wait3A_450, %dma_wait3A_451] : memref<12x80x32xf32, #tpu.memory_space<vmem>> -> memref<1x80x32xf32, #tpu.memory_space<vmem>>
      %dma_wait3A_453 = tpu.memref_squeeze %dma_wait3A_452 : memref<1x80x32xf32, #tpu.memory_space<vmem>> -> memref<80x32xf32, #tpu.memory_space<vmem>>
      %dma_wait3A_454 = arith.constant 0 : i32
      %dma_wait3A_455 = tpu.memref_slice %arg7[%add3A_300, %dma_wait3A_454] : memref<125x80xi32, #tpu.memory_space<vmem>> -> memref<1x80xi32, #tpu.memory_space<vmem>>
      %dma_wait3A_456 = tpu.memref_squeeze %dma_wait3A_455 : memref<1x80xi32, #tpu.memory_space<vmem>> -> memref<80xi32, #tpu.memory_space<vmem>>
      %dma_wait3A_457 = arith.constant 0 : i32
      %dma_wait3A_458 = arith.constant 0 : i32
      %dma_wait3A_459 = tpu.memref_slice %arg4[%dma_wait3A_457, %dma_wait3A_458] : memref<10000x32xf32, #tpu.memory_space<hbm>> -> memref<10000x32xf32, #tpu.memory_space<hbm>>
      tpu.wait_indirect_dma semaphore(%arg11 : memref<!tpu.dma_semaphore, #tpu.memory_space<semaphore_mem>>) src(%dma_wait3A_459 : memref<10000x32xf32, #tpu.memory_space<hbm>>) dst(%dma_wait3A_453 : memref<80x32xf32, #tpu.memory_space<vmem>>)
      %dma_wait3A_460 = arith.constant 4 : i32
      %dma_wait3A_461 = arith.constant 0 : i32
      %dma_wait3A_462 = arith.constant 0 : i32
      %dma_wait3A_463 = tpu.memref_slice %arg9[%dma_wait3A_460, %dma_wait3A_461, %dma_wait3A_462] : memref<12x80x32xf32, #tpu.memory_space<vmem>> -> memref<1x80x32xf32, #tpu.memory_space<vmem>>
      %dma_wait3A_464 = tpu.memref_squeeze %dma_wait3A_463 : memref<1x80x32xf32, #tpu.memory_space<vmem>> -> memref<80x32xf32, #tpu.memory_space<vmem>>
      %dma_wait3A_465 = arith.constant 0 : i32
      %dma_wait3A_466 = tpu.memref_slice %arg7[%add3A_313, %dma_wait3A_465] : memref<125x80xi32, #tpu.memory_space<vmem>> -> memref<1x80xi32, #tpu.memory_space<vmem>>
      %dma_wait3A_467 = tpu.memref_squeeze %dma_wait3A_466 : memref<1x80xi32, #tpu.memory_space<vmem>> -> memref<80xi32, #tpu.memory_space<vmem>>
      %dma_wait3A_468 = arith.constant 0 : i32
      %dma_wait3A_469 = arith.constant 0 : i32
      %dma_wait3A_470 = tpu.memref_slice %arg4[%dma_wait3A_468, %dma_wait3A_469] : memref<10000x32xf32, #tpu.memory_space<hbm>> -> memref<10000x32xf32, #tpu.memory_space<hbm>>
      tpu.wait_indirect_dma semaphore(%arg11 : memref<!tpu.dma_semaphore, #tpu.memory_space<semaphore_mem>>) src(%dma_wait3A_470 : memref<10000x32xf32, #tpu.memory_space<hbm>>) dst(%dma_wait3A_464 : memref<80x32xf32, #tpu.memory_space<vmem>>)
      %dma_wait3A_471 = arith.constant 5 : i32
      %dma_wait3A_472 = arith.constant 0 : i32
      %dma_wait3A_473 = arith.constant 0 : i32
      %dma_wait3A_474 = tpu.memref_slice %arg9[%dma_wait3A_471, %dma_wait3A_472, %dma_wait3A_473] : memref<12x80x32xf32, #tpu.memory_space<vmem>> -> memref<1x80x32xf32, #tpu.memory_space<vmem>>
      %dma_wait3A_475 = tpu.memref_squeeze %dma_wait3A_474 : memref<1x80x32xf32, #tpu.memory_space<vmem>> -> memref<80x32xf32, #tpu.memory_space<vmem>>
      %dma_wait3A_476 = arith.constant 0 : i32
      %dma_wait3A_477 = tpu.memref_slice %arg7[%add3A_326, %dma_wait3A_476] : memref<125x80xi32, #tpu.memory_space<vmem>> -> memref<1x80xi32, #tpu.memory_space<vmem>>
      %dma_wait3A_478 = tpu.memref_squeeze %dma_wait3A_477 : memref<1x80xi32, #tpu.memory_space<vmem>> -> memref<80xi32, #tpu.memory_space<vmem>>
      %dma_wait3A_479 = arith.constant 0 : i32
      %dma_wait3A_480 = arith.constant 0 : i32
      %dma_wait3A_481 = tpu.memref_slice %arg4[%dma_wait3A_479, %dma_wait3A_480] : memref<10000x32xf32, #tpu.memory_space<hbm>> -> memref<10000x32xf32, #tpu.memory_space<hbm>>
      tpu.wait_indirect_dma semaphore(%arg11 : memref<!tpu.dma_semaphore, #tpu.memory_space<semaphore_mem>>) src(%dma_wait3A_481 : memref<10000x32xf32, #tpu.memory_space<hbm>>) dst(%dma_wait3A_475 : memref<80x32xf32, #tpu.memory_space<vmem>>)
      %dma_wait3A_482 = arith.constant 6 : i32
      %dma_wait3A_483 = arith.constant 0 : i32
      %dma_wait3A_484 = arith.constant 0 : i32
      %dma_wait3A_485 = tpu.memref_slice %arg9[%dma_wait3A_482, %dma_wait3A_483, %dma_wait3A_484] : memref<12x80x32xf32, #tpu.memory_space<vmem>> -> memref<1x80x32xf32, #tpu.memory_space<vmem>>
      %dma_wait3A_486 = tpu.memref_squeeze %dma_wait3A_485 : memref<1x80x32xf32, #tpu.memory_space<vmem>> -> memref<80x32xf32, #tpu.memory_space<vmem>>
      %dma_wait3A_487 = arith.constant 0 : i32
      %dma_wait3A_488 = tpu.memref_slice %arg7[%add3A_339, %dma_wait3A_487] : memref<125x80xi32, #tpu.memory_space<vmem>> -> memref<1x80xi32, #tpu.memory_space<vmem>>
      %dma_wait3A_489 = tpu.memref_squeeze %dma_wait3A_488 : memref<1x80xi32, #tpu.memory_space<vmem>> -> memref<80xi32, #tpu.memory_space<vmem>>
      %dma_wait3A_490 = arith.constant 0 : i32
      %dma_wait3A_491 = arith.constant 0 : i32
      %dma_wait3A_492 = tpu.memref_slice %arg4[%dma_wait3A_490, %dma_wait3A_491] : memref<10000x32xf32, #tpu.memory_space<hbm>> -> memref<10000x32xf32, #tpu.memory_space<hbm>>
      tpu.wait_indirect_dma semaphore(%arg11 : memref<!tpu.dma_semaphore, #tpu.memory_space<semaphore_mem>>) src(%dma_wait3A_492 : memref<10000x32xf32, #tpu.memory_space<hbm>>) dst(%dma_wait3A_486 : memref<80x32xf32, #tpu.memory_space<vmem>>)
      %dma_wait3A_493 = arith.constant 7 : i32
      %dma_wait3A_494 = arith.constant 0 : i32
      %dma_wait3A_495 = arith.constant 0 : i32
      %dma_wait3A_496 = tpu.memref_slice %arg9[%dma_wait3A_493, %dma_wait3A_494, %dma_wait3A_495] : memref<12x80x32xf32, #tpu.memory_space<vmem>> -> memref<1x80x32xf32, #tpu.memory_space<vmem>>
      %dma_wait3A_497 = tpu.memref_squeeze %dma_wait3A_496 : memref<1x80x32xf32, #tpu.memory_space<vmem>> -> memref<80x32xf32, #tpu.memory_space<vmem>>
      %dma_wait3A_498 = arith.constant 0 : i32
      %dma_wait3A_499 = tpu.memref_slice %arg7[%add3A_352, %dma_wait3A_498] : memref<125x80xi32, #tpu.memory_space<vmem>> -> memref<1x80xi32, #tpu.memory_space<vmem>>
      %dma_wait3A_500 = tpu.memref_squeeze %dma_wait3A_499 : memref<1x80xi32, #tpu.memory_space<vmem>> -> memref<80xi32, #tpu.memory_space<vmem>>
      %dma_wait3A_501 = arith.constant 0 : i32
      %dma_wait3A_502 = arith.constant 0 : i32
      %dma_wait3A_503 = tpu.memref_slice %arg4[%dma_wait3A_501, %dma_wait3A_502] : memref<10000x32xf32, #tpu.memory_space<hbm>> -> memref<10000x32xf32, #tpu.memory_space<hbm>>
      tpu.wait_indirect_dma semaphore(%arg11 : memref<!tpu.dma_semaphore, #tpu.memory_space<semaphore_mem>>) src(%dma_wait3A_503 : memref<10000x32xf32, #tpu.memory_space<hbm>>) dst(%dma_wait3A_497 : memref<80x32xf32, #tpu.memory_space<vmem>>)
      %dma_wait3A_504 = arith.constant 8 : i32
      %dma_wait3A_505 = arith.constant 0 : i32
      %dma_wait3A_506 = arith.constant 0 : i32
      %dma_wait3A_507 = tpu.memref_slice %arg9[%dma_wait3A_504, %dma_wait3A_505, %dma_wait3A_506] : memref<12x80x32xf32, #tpu.memory_space<vmem>> -> memref<1x80x32xf32, #tpu.memory_space<vmem>>
      %dma_wait3A_508 = tpu.memref_squeeze %dma_wait3A_507 : memref<1x80x32xf32, #tpu.memory_space<vmem>> -> memref<80x32xf32, #tpu.memory_space<vmem>>
      %dma_wait3A_509 = arith.constant 0 : i32
      %dma_wait3A_510 = tpu.memref_slice %arg7[%add3A_365, %dma_wait3A_509] : memref<125x80xi32, #tpu.memory_space<vmem>> -> memref<1x80xi32, #tpu.memory_space<vmem>>
      %dma_wait3A_511 = tpu.memref_squeeze %dma_wait3A_510 : memref<1x80xi32, #tpu.memory_space<vmem>> -> memref<80xi32, #tpu.memory_space<vmem>>
      %dma_wait3A_512 = arith.constant 0 : i32
      %dma_wait3A_513 = arith.constant 0 : i32
      %dma_wait3A_514 = tpu.memref_slice %arg4[%dma_wait3A_512, %dma_wait3A_513] : memref<10000x32xf32, #tpu.memory_space<hbm>> -> memref<10000x32xf32, #tpu.memory_space<hbm>>
      tpu.wait_indirect_dma semaphore(%arg11 : memref<!tpu.dma_semaphore, #tpu.memory_space<semaphore_mem>>) src(%dma_wait3A_514 : memref<10000x32xf32, #tpu.memory_space<hbm>>) dst(%dma_wait3A_508 : memref<80x32xf32, #tpu.memory_space<vmem>>)
      %dma_wait3A_515 = arith.constant 9 : i32
      %dma_wait3A_516 = arith.constant 0 : i32
      %dma_wait3A_517 = arith.constant 0 : i32
      %dma_wait3A_518 = tpu.memref_slice %arg9[%dma_wait3A_515, %dma_wait3A_516, %dma_wait3A_517] : memref<12x80x32xf32, #tpu.memory_space<vmem>> -> memref<1x80x32xf32, #tpu.memory_space<vmem>>
      %dma_wait3A_519 = tpu.memref_squeeze %dma_wait3A_518 : memref<1x80x32xf32, #tpu.memory_space<vmem>> -> memref<80x32xf32, #tpu.memory_space<vmem>>
      %dma_wait3A_520 = arith.constant 0 : i32
      %dma_wait3A_521 = tpu.memref_slice %arg7[%add3A_378, %dma_wait3A_520] : memref<125x80xi32, #tpu.memory_space<vmem>> -> memref<1x80xi32, #tpu.memory_space<vmem>>
      %dma_wait3A_522 = tpu.memref_squeeze %dma_wait3A_521 : memref<1x80xi32, #tpu.memory_space<vmem>> -> memref<80xi32, #tpu.memory_space<vmem>>
      %dma_wait3A_523 = arith.constant 0 : i32
      %dma_wait3A_524 = arith.constant 0 : i32
      %dma_wait3A_525 = tpu.memref_slice %arg4[%dma_wait3A_523, %dma_wait3A_524] : memref<10000x32xf32, #tpu.memory_space<hbm>> -> memref<10000x32xf32, #tpu.memory_space<hbm>>
      tpu.wait_indirect_dma semaphore(%arg11 : memref<!tpu.dma_semaphore, #tpu.memory_space<semaphore_mem>>) src(%dma_wait3A_525 : memref<10000x32xf32, #tpu.memory_space<hbm>>) dst(%dma_wait3A_519 : memref<80x32xf32, #tpu.memory_space<vmem>>)
      %dma_wait3A_526 = arith.constant 10 : i32
      %dma_wait3A_527 = arith.constant 0 : i32
      %dma_wait3A_528 = arith.constant 0 : i32
      %dma_wait3A_529 = tpu.memref_slice %arg9[%dma_wait3A_526, %dma_wait3A_527, %dma_wait3A_528] : memref<12x80x32xf32, #tpu.memory_space<vmem>> -> memref<1x80x32xf32, #tpu.memory_space<vmem>>
      %dma_wait3A_530 = tpu.memref_squeeze %dma_wait3A_529 : memref<1x80x32xf32, #tpu.memory_space<vmem>> -> memref<80x32xf32, #tpu.memory_space<vmem>>
      %dma_wait3A_531 = arith.constant 0 : i32
      %dma_wait3A_532 = tpu.memref_slice %arg7[%add3A_391, %dma_wait3A_531] : memref<125x80xi32, #tpu.memory_space<vmem>> -> memref<1x80xi32, #tpu.memory_space<vmem>>
      %dma_wait3A_533 = tpu.memref_squeeze %dma_wait3A_532 : memref<1x80xi32, #tpu.memory_space<vmem>> -> memref<80xi32, #tpu.memory_space<vmem>>
      %dma_wait3A_534 = arith.constant 0 : i32
      %dma_wait3A_535 = arith.constant 0 : i32
      %dma_wait3A_536 = tpu.memref_slice %arg4[%dma_wait3A_534, %dma_wait3A_535] : memref<10000x32xf32, #tpu.memory_space<hbm>> -> memref<10000x32xf32, #tpu.memory_space<hbm>>
      tpu.wait_indirect_dma semaphore(%arg11 : memref<!tpu.dma_semaphore, #tpu.memory_space<semaphore_mem>>) src(%dma_wait3A_536 : memref<10000x32xf32, #tpu.memory_space<hbm>>) dst(%dma_wait3A_530 : memref<80x32xf32, #tpu.memory_space<vmem>>)
      %dma_wait3A_537 = arith.constant 11 : i32
      %dma_wait3A_538 = arith.constant 0 : i32
      %dma_wait3A_539 = arith.constant 0 : i32
      %dma_wait3A_540 = tpu.memref_slice %arg9[%dma_wait3A_537, %dma_wait3A_538, %dma_wait3A_539] : memref<12x80x32xf32, #tpu.memory_space<vmem>> -> memref<1x80x32xf32, #tpu.memory_space<vmem>>
      %dma_wait3A_541 = tpu.memref_squeeze %dma_wait3A_540 : memref<1x80x32xf32, #tpu.memory_space<vmem>> -> memref<80x32xf32, #tpu.memory_space<vmem>>
      %dma_wait3A_542 = arith.constant 0 : i32
      %dma_wait3A_543 = tpu.memref_slice %arg7[%add3A_404, %dma_wait3A_542] : memref<125x80xi32, #tpu.memory_space<vmem>> -> memref<1x80xi32, #tpu.memory_space<vmem>>
      %dma_wait3A_544 = tpu.memref_squeeze %dma_wait3A_543 : memref<1x80xi32, #tpu.memory_space<vmem>> -> memref<80xi32, #tpu.memory_space<vmem>>
      %dma_wait3A_545 = arith.constant 0 : i32
      %dma_wait3A_546 = arith.constant 0 : i32
      %dma_wait3A_547 = tpu.memref_slice %arg4[%dma_wait3A_545, %dma_wait3A_546] : memref<10000x32xf32, #tpu.memory_space<hbm>> -> memref<10000x32xf32, #tpu.memory_space<hbm>>
      tpu.wait_indirect_dma semaphore(%arg11 : memref<!tpu.dma_semaphore, #tpu.memory_space<semaphore_mem>>) src(%dma_wait3A_547 : memref<10000x32xf32, #tpu.memory_space<hbm>>) dst(%dma_wait3A_541 : memref<80x32xf32, #tpu.memory_space<vmem>>)
      %add3A_548 = arith.constant 0 : i32
      %add3A_549 = arith.addi %mul3A_259, %add3A_548 : i32
      %dma_start3A_550 = arith.constant 0 : i32
      %dma_start3A_551 = arith.constant 0 : i32
      %dma_start3A_552 = arith.constant 0 : i32
      %dma_start3A_553 = tpu.memref_slice %arg9[%dma_start3A_550, %dma_start3A_551, %dma_start3A_552] : memref<12x80x32xf32, #tpu.memory_space<vmem>> -> memref<1x80x32xf32, #tpu.memory_space<vmem>>
      %dma_start3A_554 = tpu.memref_squeeze %dma_start3A_553 : memref<1x80x32xf32, #tpu.memory_space<vmem>> -> memref<80x32xf32, #tpu.memory_space<vmem>>
      %dma_start3A_555 = arith.constant 0 : i32
      %dma_start3A_556 = tpu.memref_slice %arg8[%add3A_549, %dma_start3A_555] : memref<125x80xi32, #tpu.memory_space<vmem>> -> memref<1x80xi32, #tpu.memory_space<vmem>>
      %dma_start3A_557 = tpu.memref_squeeze %dma_start3A_556 : memref<1x80xi32, #tpu.memory_space<vmem>> -> memref<80xi32, #tpu.memory_space<vmem>>
      %dma_start3A_558 = arith.constant 0 : i32
      %dma_start3A_559 = arith.constant 0 : i32
      %dma_start3A_560 = tpu.memref_slice %arg15[%dma_start3A_558, %dma_start3A_559] : memref<10240x32xf32, #tpu.memory_space<vmem_shared>> -> memref<10240x32xf32, #tpu.memory_space<vmem_shared>>
      tpu.enqueue_indirect_dma source(%dma_start3A_554 : memref<80x32xf32, #tpu.memory_space<vmem>>) target(%dma_start3A_560 : memref<10240x32xf32, #tpu.memory_space<vmem_shared>>) offsets(%dma_start3A_557 : memref<80xi32, #tpu.memory_space<vmem>>) semaphore(%arg13 : memref<!tpu.dma_semaphore, #tpu.memory_space<semaphore_mem>>) {add = true}
      %add3A_561 = arith.constant 1 : i32
      %add3A_562 = arith.addi %mul3A_259, %add3A_561 : i32
      %dma_start3A_563 = arith.constant 1 : i32
      %dma_start3A_564 = arith.constant 0 : i32
      %dma_start3A_565 = arith.constant 0 : i32
      %dma_start3A_566 = tpu.memref_slice %arg9[%dma_start3A_563, %dma_start3A_564, %dma_start3A_565] : memref<12x80x32xf32, #tpu.memory_space<vmem>> -> memref<1x80x32xf32, #tpu.memory_space<vmem>>
      %dma_start3A_567 = tpu.memref_squeeze %dma_start3A_566 : memref<1x80x32xf32, #tpu.memory_space<vmem>> -> memref<80x32xf32, #tpu.memory_space<vmem>>
      %dma_start3A_568 = arith.constant 0 : i32
      %dma_start3A_569 = tpu.memref_slice %arg8[%add3A_562, %dma_start3A_568] : memref<125x80xi32, #tpu.memory_space<vmem>> -> memref<1x80xi32, #tpu.memory_space<vmem>>
      %dma_start3A_570 = tpu.memref_squeeze %dma_start3A_569 : memref<1x80xi32, #tpu.memory_space<vmem>> -> memref<80xi32, #tpu.memory_space<vmem>>
      %dma_start3A_571 = arith.constant 0 : i32
      %dma_start3A_572 = arith.constant 0 : i32
      %dma_start3A_573 = tpu.memref_slice %arg15[%dma_start3A_571, %dma_start3A_572] : memref<10240x32xf32, #tpu.memory_space<vmem_shared>> -> memref<10240x32xf32, #tpu.memory_space<vmem_shared>>
      tpu.enqueue_indirect_dma source(%dma_start3A_567 : memref<80x32xf32, #tpu.memory_space<vmem>>) target(%dma_start3A_573 : memref<10240x32xf32, #tpu.memory_space<vmem_shared>>) offsets(%dma_start3A_570 : memref<80xi32, #tpu.memory_space<vmem>>) semaphore(%arg13 : memref<!tpu.dma_semaphore, #tpu.memory_space<semaphore_mem>>) {add = true}
      %add3A_574 = arith.constant 2 : i32
      %add3A_575 = arith.addi %mul3A_259, %add3A_574 : i32
      %dma_start3A_576 = arith.constant 2 : i32
      %dma_start3A_577 = arith.constant 0 : i32
      %dma_start3A_578 = arith.constant 0 : i32
      %dma_start3A_579 = tpu.memref_slice %arg9[%dma_start3A_576, %dma_start3A_577, %dma_start3A_578] : memref<12x80x32xf32, #tpu.memory_space<vmem>> -> memref<1x80x32xf32, #tpu.memory_space<vmem>>
      %dma_start3A_580 = tpu.memref_squeeze %dma_start3A_579 : memref<1x80x32xf32, #tpu.memory_space<vmem>> -> memref<80x32xf32, #tpu.memory_space<vmem>>
      %dma_start3A_581 = arith.constant 0 : i32
      %dma_start3A_582 = tpu.memref_slice %arg8[%add3A_575, %dma_start3A_581] : memref<125x80xi32, #tpu.memory_space<vmem>> -> memref<1x80xi32, #tpu.memory_space<vmem>>
      %dma_start3A_583 = tpu.memref_squeeze %dma_start3A_582 : memref<1x80xi32, #tpu.memory_space<vmem>> -> memref<80xi32, #tpu.memory_space<vmem>>
      %dma_start3A_584 = arith.constant 0 : i32
      %dma_start3A_585 = arith.constant 0 : i32
      %dma_start3A_586 = tpu.memref_slice %arg15[%dma_start3A_584, %dma_start3A_585] : memref<10240x32xf32, #tpu.memory_space<vmem_shared>> -> memref<10240x32xf32, #tpu.memory_space<vmem_shared>>
      tpu.enqueue_indirect_dma source(%dma_start3A_580 : memref<80x32xf32, #tpu.memory_space<vmem>>) target(%dma_start3A_586 : memref<10240x32xf32, #tpu.memory_space<vmem_shared>>) offsets(%dma_start3A_583 : memref<80xi32, #tpu.memory_space<vmem>>) semaphore(%arg13 : memref<!tpu.dma_semaphore, #tpu.memory_space<semaphore_mem>>) {add = true}
      %add3A_587 = arith.constant 3 : i32
      %add3A_588 = arith.addi %mul3A_259, %add3A_587 : i32
      %dma_start3A_589 = arith.constant 3 : i32
      %dma_start3A_590 = arith.constant 0 : i32
      %dma_start3A_591 = arith.constant 0 : i32
      %dma_start3A_592 = tpu.memref_slice %arg9[%dma_start3A_589, %dma_start3A_590, %dma_start3A_591] : memref<12x80x32xf32, #tpu.memory_space<vmem>> -> memref<1x80x32xf32, #tpu.memory_space<vmem>>
      %dma_start3A_593 = tpu.memref_squeeze %dma_start3A_592 : memref<1x80x32xf32, #tpu.memory_space<vmem>> -> memref<80x32xf32, #tpu.memory_space<vmem>>
      %dma_start3A_594 = arith.constant 0 : i32
      %dma_start3A_595 = tpu.memref_slice %arg8[%add3A_588, %dma_start3A_594] : memref<125x80xi32, #tpu.memory_space<vmem>> -> memref<1x80xi32, #tpu.memory_space<vmem>>
      %dma_start3A_596 = tpu.memref_squeeze %dma_start3A_595 : memref<1x80xi32, #tpu.memory_space<vmem>> -> memref<80xi32, #tpu.memory_space<vmem>>
      %dma_start3A_597 = arith.constant 0 : i32
      %dma_start3A_598 = arith.constant 0 : i32
      %dma_start3A_599 = tpu.memref_slice %arg15[%dma_start3A_597, %dma_start3A_598] : memref<10240x32xf32, #tpu.memory_space<vmem_shared>> -> memref<10240x32xf32, #tpu.memory_space<vmem_shared>>
      tpu.enqueue_indirect_dma source(%dma_start3A_593 : memref<80x32xf32, #tpu.memory_space<vmem>>) target(%dma_start3A_599 : memref<10240x32xf32, #tpu.memory_space<vmem_shared>>) offsets(%dma_start3A_596 : memref<80xi32, #tpu.memory_space<vmem>>) semaphore(%arg13 : memref<!tpu.dma_semaphore, #tpu.memory_space<semaphore_mem>>) {add = true}
      %add3A_600 = arith.constant 4 : i32
      %add3A_601 = arith.addi %mul3A_259, %add3A_600 : i32
      %dma_start3A_602 = arith.constant 4 : i32
      %dma_start3A_603 = arith.constant 0 : i32
      %dma_start3A_604 = arith.constant 0 : i32
      %dma_start3A_605 = tpu.memref_slice %arg9[%dma_start3A_602, %dma_start3A_603, %dma_start3A_604] : memref<12x80x32xf32, #tpu.memory_space<vmem>> -> memref<1x80x32xf32, #tpu.memory_space<vmem>>
      %dma_start3A_606 = tpu.memref_squeeze %dma_start3A_605 : memref<1x80x32xf32, #tpu.memory_space<vmem>> -> memref<80x32xf32, #tpu.memory_space<vmem>>
      %dma_start3A_607 = arith.constant 0 : i32
      %dma_start3A_608 = tpu.memref_slice %arg8[%add3A_601, %dma_start3A_607] : memref<125x80xi32, #tpu.memory_space<vmem>> -> memref<1x80xi32, #tpu.memory_space<vmem>>
      %dma_start3A_609 = tpu.memref_squeeze %dma_start3A_608 : memref<1x80xi32, #tpu.memory_space<vmem>> -> memref<80xi32, #tpu.memory_space<vmem>>
      %dma_start3A_610 = arith.constant 0 : i32
      %dma_start3A_611 = arith.constant 0 : i32
      %dma_start3A_612 = tpu.memref_slice %arg15[%dma_start3A_610, %dma_start3A_611] : memref<10240x32xf32, #tpu.memory_space<vmem_shared>> -> memref<10240x32xf32, #tpu.memory_space<vmem_shared>>
      tpu.enqueue_indirect_dma source(%dma_start3A_606 : memref<80x32xf32, #tpu.memory_space<vmem>>) target(%dma_start3A_612 : memref<10240x32xf32, #tpu.memory_space<vmem_shared>>) offsets(%dma_start3A_609 : memref<80xi32, #tpu.memory_space<vmem>>) semaphore(%arg13 : memref<!tpu.dma_semaphore, #tpu.memory_space<semaphore_mem>>) {add = true}
      %add3A_613 = arith.constant 5 : i32
      %add3A_614 = arith.addi %mul3A_259, %add3A_613 : i32
      %dma_start3A_615 = arith.constant 5 : i32
      %dma_start3A_616 = arith.constant 0 : i32
      %dma_start3A_617 = arith.constant 0 : i32
      %dma_start3A_618 = tpu.memref_slice %arg9[%dma_start3A_615, %dma_start3A_616, %dma_start3A_617] : memref<12x80x32xf32, #tpu.memory_space<vmem>> -> memref<1x80x32xf32, #tpu.memory_space<vmem>>
      %dma_start3A_619 = tpu.memref_squeeze %dma_start3A_618 : memref<1x80x32xf32, #tpu.memory_space<vmem>> -> memref<80x32xf32, #tpu.memory_space<vmem>>
      %dma_start3A_620 = arith.constant 0 : i32
      %dma_start3A_621 = tpu.memref_slice %arg8[%add3A_614, %dma_start3A_620] : memref<125x80xi32, #tpu.memory_space<vmem>> -> memref<1x80xi32, #tpu.memory_space<vmem>>
      %dma_start3A_622 = tpu.memref_squeeze %dma_start3A_621 : memref<1x80xi32, #tpu.memory_space<vmem>> -> memref<80xi32, #tpu.memory_space<vmem>>
      %dma_start3A_623 = arith.constant 0 : i32
      %dma_start3A_624 = arith.constant 0 : i32
      %dma_start3A_625 = tpu.memref_slice %arg15[%dma_start3A_623, %dma_start3A_624] : memref<10240x32xf32, #tpu.memory_space<vmem_shared>> -> memref<10240x32xf32, #tpu.memory_space<vmem_shared>>
      tpu.enqueue_indirect_dma source(%dma_start3A_619 : memref<80x32xf32, #tpu.memory_space<vmem>>) target(%dma_start3A_625 : memref<10240x32xf32, #tpu.memory_space<vmem_shared>>) offsets(%dma_start3A_622 : memref<80xi32, #tpu.memory_space<vmem>>) semaphore(%arg13 : memref<!tpu.dma_semaphore, #tpu.memory_space<semaphore_mem>>) {add = true}
      %add3A_626 = arith.constant 6 : i32
      %add3A_627 = arith.addi %mul3A_259, %add3A_626 : i32
      %dma_start3A_628 = arith.constant 6 : i32
      %dma_start3A_629 = arith.constant 0 : i32
      %dma_start3A_630 = arith.constant 0 : i32
      %dma_start3A_631 = tpu.memref_slice %arg9[%dma_start3A_628, %dma_start3A_629, %dma_start3A_630] : memref<12x80x32xf32, #tpu.memory_space<vmem>> -> memref<1x80x32xf32, #tpu.memory_space<vmem>>
      %dma_start3A_632 = tpu.memref_squeeze %dma_start3A_631 : memref<1x80x32xf32, #tpu.memory_space<vmem>> -> memref<80x32xf32, #tpu.memory_space<vmem>>
      %dma_start3A_633 = arith.constant 0 : i32
      %dma_start3A_634 = tpu.memref_slice %arg8[%add3A_627, %dma_start3A_633] : memref<125x80xi32, #tpu.memory_space<vmem>> -> memref<1x80xi32, #tpu.memory_space<vmem>>
      %dma_start3A_635 = tpu.memref_squeeze %dma_start3A_634 : memref<1x80xi32, #tpu.memory_space<vmem>> -> memref<80xi32, #tpu.memory_space<vmem>>
      %dma_start3A_636 = arith.constant 0 : i32
      %dma_start3A_637 = arith.constant 0 : i32
      %dma_start3A_638 = tpu.memref_slice %arg15[%dma_start3A_636, %dma_start3A_637] : memref<10240x32xf32, #tpu.memory_space<vmem_shared>> -> memref<10240x32xf32, #tpu.memory_space<vmem_shared>>
      tpu.enqueue_indirect_dma source(%dma_start3A_632 : memref<80x32xf32, #tpu.memory_space<vmem>>) target(%dma_start3A_638 : memref<10240x32xf32, #tpu.memory_space<vmem_shared>>) offsets(%dma_start3A_635 : memref<80xi32, #tpu.memory_space<vmem>>) semaphore(%arg13 : memref<!tpu.dma_semaphore, #tpu.memory_space<semaphore_mem>>) {add = true}
      %add3A_639 = arith.constant 7 : i32
      %add3A_640 = arith.addi %mul3A_259, %add3A_639 : i32
      %dma_start3A_641 = arith.constant 7 : i32
      %dma_start3A_642 = arith.constant 0 : i32
      %dma_start3A_643 = arith.constant 0 : i32
      %dma_start3A_644 = tpu.memref_slice %arg9[%dma_start3A_641, %dma_start3A_642, %dma_start3A_643] : memref<12x80x32xf32, #tpu.memory_space<vmem>> -> memref<1x80x32xf32, #tpu.memory_space<vmem>>
      %dma_start3A_645 = tpu.memref_squeeze %dma_start3A_644 : memref<1x80x32xf32, #tpu.memory_space<vmem>> -> memref<80x32xf32, #tpu.memory_space<vmem>>
      %dma_start3A_646 = arith.constant 0 : i32
      %dma_start3A_647 = tpu.memref_slice %arg8[%add3A_640, %dma_start3A_646] : memref<125x80xi32, #tpu.memory_space<vmem>> -> memref<1x80xi32, #tpu.memory_space<vmem>>
      %dma_start3A_648 = tpu.memref_squeeze %dma_start3A_647 : memref<1x80xi32, #tpu.memory_space<vmem>> -> memref<80xi32, #tpu.memory_space<vmem>>
      %dma_start3A_649 = arith.constant 0 : i32
      %dma_start3A_650 = arith.constant 0 : i32
      %dma_start3A_651 = tpu.memref_slice %arg15[%dma_start3A_649, %dma_start3A_650] : memref<10240x32xf32, #tpu.memory_space<vmem_shared>> -> memref<10240x32xf32, #tpu.memory_space<vmem_shared>>
      tpu.enqueue_indirect_dma source(%dma_start3A_645 : memref<80x32xf32, #tpu.memory_space<vmem>>) target(%dma_start3A_651 : memref<10240x32xf32, #tpu.memory_space<vmem_shared>>) offsets(%dma_start3A_648 : memref<80xi32, #tpu.memory_space<vmem>>) semaphore(%arg13 : memref<!tpu.dma_semaphore, #tpu.memory_space<semaphore_mem>>) {add = true}
      %add3A_652 = arith.constant 8 : i32
      %add3A_653 = arith.addi %mul3A_259, %add3A_652 : i32
      %dma_start3A_654 = arith.constant 8 : i32
      %dma_start3A_655 = arith.constant 0 : i32
      %dma_start3A_656 = arith.constant 0 : i32
      %dma_start3A_657 = tpu.memref_slice %arg9[%dma_start3A_654, %dma_start3A_655, %dma_start3A_656] : memref<12x80x32xf32, #tpu.memory_space<vmem>> -> memref<1x80x32xf32, #tpu.memory_space<vmem>>
      %dma_start3A_658 = tpu.memref_squeeze %dma_start3A_657 : memref<1x80x32xf32, #tpu.memory_space<vmem>> -> memref<80x32xf32, #tpu.memory_space<vmem>>
      %dma_start3A_659 = arith.constant 0 : i32
      %dma_start3A_660 = tpu.memref_slice %arg8[%add3A_653, %dma_start3A_659] : memref<125x80xi32, #tpu.memory_space<vmem>> -> memref<1x80xi32, #tpu.memory_space<vmem>>
      %dma_start3A_661 = tpu.memref_squeeze %dma_start3A_660 : memref<1x80xi32, #tpu.memory_space<vmem>> -> memref<80xi32, #tpu.memory_space<vmem>>
      %dma_start3A_662 = arith.constant 0 : i32
      %dma_start3A_663 = arith.constant 0 : i32
      %dma_start3A_664 = tpu.memref_slice %arg15[%dma_start3A_662, %dma_start3A_663] : memref<10240x32xf32, #tpu.memory_space<vmem_shared>> -> memref<10240x32xf32, #tpu.memory_space<vmem_shared>>
      tpu.enqueue_indirect_dma source(%dma_start3A_658 : memref<80x32xf32, #tpu.memory_space<vmem>>) target(%dma_start3A_664 : memref<10240x32xf32, #tpu.memory_space<vmem_shared>>) offsets(%dma_start3A_661 : memref<80xi32, #tpu.memory_space<vmem>>) semaphore(%arg13 : memref<!tpu.dma_semaphore, #tpu.memory_space<semaphore_mem>>) {add = true}
      %add3A_665 = arith.constant 9 : i32
      %add3A_666 = arith.addi %mul3A_259, %add3A_665 : i32
      %dma_start3A_667 = arith.constant 9 : i32
      %dma_start3A_668 = arith.constant 0 : i32
      %dma_start3A_669 = arith.constant 0 : i32
      %dma_start3A_670 = tpu.memref_slice %arg9[%dma_start3A_667, %dma_start3A_668, %dma_start3A_669] : memref<12x80x32xf32, #tpu.memory_space<vmem>> -> memref<1x80x32xf32, #tpu.memory_space<vmem>>
      %dma_start3A_671 = tpu.memref_squeeze %dma_start3A_670 : memref<1x80x32xf32, #tpu.memory_space<vmem>> -> memref<80x32xf32, #tpu.memory_space<vmem>>
      %dma_start3A_672 = arith.constant 0 : i32
      %dma_start3A_673 = tpu.memref_slice %arg8[%add3A_666, %dma_start3A_672] : memref<125x80xi32, #tpu.memory_space<vmem>> -> memref<1x80xi32, #tpu.memory_space<vmem>>
      %dma_start3A_674 = tpu.memref_squeeze %dma_start3A_673 : memref<1x80xi32, #tpu.memory_space<vmem>> -> memref<80xi32, #tpu.memory_space<vmem>>
      %dma_start3A_675 = arith.constant 0 : i32
      %dma_start3A_676 = arith.constant 0 : i32
      %dma_start3A_677 = tpu.memref_slice %arg15[%dma_start3A_675, %dma_start3A_676] : memref<10240x32xf32, #tpu.memory_space<vmem_shared>> -> memref<10240x32xf32, #tpu.memory_space<vmem_shared>>
      tpu.enqueue_indirect_dma source(%dma_start3A_671 : memref<80x32xf32, #tpu.memory_space<vmem>>) target(%dma_start3A_677 : memref<10240x32xf32, #tpu.memory_space<vmem_shared>>) offsets(%dma_start3A_674 : memref<80xi32, #tpu.memory_space<vmem>>) semaphore(%arg13 : memref<!tpu.dma_semaphore, #tpu.memory_space<semaphore_mem>>) {add = true}
      %add3A_678 = arith.constant 10 : i32
      %add3A_679 = arith.addi %mul3A_259, %add3A_678 : i32
      %dma_start3A_680 = arith.constant 10 : i32
      %dma_start3A_681 = arith.constant 0 : i32
      %dma_start3A_682 = arith.constant 0 : i32
      %dma_start3A_683 = tpu.memref_slice %arg9[%dma_start3A_680, %dma_start3A_681, %dma_start3A_682] : memref<12x80x32xf32, #tpu.memory_space<vmem>> -> memref<1x80x32xf32, #tpu.memory_space<vmem>>
      %dma_start3A_684 = tpu.memref_squeeze %dma_start3A_683 : memref<1x80x32xf32, #tpu.memory_space<vmem>> -> memref<80x32xf32, #tpu.memory_space<vmem>>
      %dma_start3A_685 = arith.constant 0 : i32
      %dma_start3A_686 = tpu.memref_slice %arg8[%add3A_679, %dma_start3A_685] : memref<125x80xi32, #tpu.memory_space<vmem>> -> memref<1x80xi32, #tpu.memory_space<vmem>>
      %dma_start3A_687 = tpu.memref_squeeze %dma_start3A_686 : memref<1x80xi32, #tpu.memory_space<vmem>> -> memref<80xi32, #tpu.memory_space<vmem>>
      %dma_start3A_688 = arith.constant 0 : i32
      %dma_start3A_689 = arith.constant 0 : i32
      %dma_start3A_690 = tpu.memref_slice %arg15[%dma_start3A_688, %dma_start3A_689] : memref<10240x32xf32, #tpu.memory_space<vmem_shared>> -> memref<10240x32xf32, #tpu.memory_space<vmem_shared>>
      tpu.enqueue_indirect_dma source(%dma_start3A_684 : memref<80x32xf32, #tpu.memory_space<vmem>>) target(%dma_start3A_690 : memref<10240x32xf32, #tpu.memory_space<vmem_shared>>) offsets(%dma_start3A_687 : memref<80xi32, #tpu.memory_space<vmem>>) semaphore(%arg13 : memref<!tpu.dma_semaphore, #tpu.memory_space<semaphore_mem>>) {add = true}
      %add3A_691 = arith.constant 11 : i32
      %add3A_692 = arith.addi %mul3A_259, %add3A_691 : i32
      %dma_start3A_693 = arith.constant 11 : i32
      %dma_start3A_694 = arith.constant 0 : i32
      %dma_start3A_695 = arith.constant 0 : i32
      %dma_start3A_696 = tpu.memref_slice %arg9[%dma_start3A_693, %dma_start3A_694, %dma_start3A_695] : memref<12x80x32xf32, #tpu.memory_space<vmem>> -> memref<1x80x32xf32, #tpu.memory_space<vmem>>
      %dma_start3A_697 = tpu.memref_squeeze %dma_start3A_696 : memref<1x80x32xf32, #tpu.memory_space<vmem>> -> memref<80x32xf32, #tpu.memory_space<vmem>>
      %dma_start3A_698 = arith.constant 0 : i32
      %dma_start3A_699 = tpu.memref_slice %arg8[%add3A_692, %dma_start3A_698] : memref<125x80xi32, #tpu.memory_space<vmem>> -> memref<1x80xi32, #tpu.memory_space<vmem>>
      %dma_start3A_700 = tpu.memref_squeeze %dma_start3A_699 : memref<1x80xi32, #tpu.memory_space<vmem>> -> memref<80xi32, #tpu.memory_space<vmem>>
      %dma_start3A_701 = arith.constant 0 : i32
      %dma_start3A_702 = arith.constant 0 : i32
      %dma_start3A_703 = tpu.memref_slice %arg15[%dma_start3A_701, %dma_start3A_702] : memref<10240x32xf32, #tpu.memory_space<vmem_shared>> -> memref<10240x32xf32, #tpu.memory_space<vmem_shared>>
      tpu.enqueue_indirect_dma source(%dma_start3A_697 : memref<80x32xf32, #tpu.memory_space<vmem>>) target(%dma_start3A_703 : memref<10240x32xf32, #tpu.memory_space<vmem_shared>>) offsets(%dma_start3A_700 : memref<80xi32, #tpu.memory_space<vmem>>) semaphore(%arg13 : memref<!tpu.dma_semaphore, #tpu.memory_space<semaphore_mem>>) {add = true}
      %add3A_704 = arith.constant 12 : i32
      %add3A_705 = arith.addi %mul3A_259, %add3A_704 : i32
      %add3A_706 = arith.constant 0 : i32
      %add3A_707 = arith.addi %add3A_705, %add3A_706 : i32
      %dma_start3A_708 = arith.constant 0 : i32
      %dma_start3A_709 = arith.constant 0 : i32
      %dma_start3A_710 = arith.constant 0 : i32
      %dma_start3A_711 = tpu.memref_slice %arg10[%dma_start3A_708, %dma_start3A_709, %dma_start3A_710] : memref<12x80x32xf32, #tpu.memory_space<vmem>> -> memref<1x80x32xf32, #tpu.memory_space<vmem>>
      %dma_start3A_712 = tpu.memref_squeeze %dma_start3A_711 : memref<1x80x32xf32, #tpu.memory_space<vmem>> -> memref<80x32xf32, #tpu.memory_space<vmem>>
      %dma_start3A_713 = arith.constant 0 : i32
      %dma_start3A_714 = tpu.memref_slice %arg7[%add3A_707, %dma_start3A_713] : memref<125x80xi32, #tpu.memory_space<vmem>> -> memref<1x80xi32, #tpu.memory_space<vmem>>
      %dma_start3A_715 = tpu.memref_squeeze %dma_start3A_714 : memref<1x80xi32, #tpu.memory_space<vmem>> -> memref<80xi32, #tpu.memory_space<vmem>>
      %dma_start3A_716 = arith.constant 0 : i32
      %dma_start3A_717 = arith.constant 0 : i32
      %dma_start3A_718 = tpu.memref_slice %arg4[%dma_start3A_716, %dma_start3A_717] : memref<10000x32xf32, #tpu.memory_space<hbm>> -> memref<10000x32xf32, #tpu.memory_space<hbm>>
      tpu.enqueue_indirect_dma source(%dma_start3A_718 : memref<10000x32xf32, #tpu.memory_space<hbm>>) target(%dma_start3A_712 : memref<80x32xf32, #tpu.memory_space<vmem>>) offsets(%dma_start3A_715 : memref<80xi32, #tpu.memory_space<vmem>>) semaphore(%arg12 : memref<!tpu.dma_semaphore, #tpu.memory_space<semaphore_mem>>)
      %add3A_719 = arith.constant 1 : i32
      %add3A_720 = arith.addi %add3A_705, %add3A_719 : i32
      %dma_start3A_721 = arith.constant 1 : i32
      %dma_start3A_722 = arith.constant 0 : i32
      %dma_start3A_723 = arith.constant 0 : i32
      %dma_start3A_724 = tpu.memref_slice %arg10[%dma_start3A_721, %dma_start3A_722, %dma_start3A_723] : memref<12x80x32xf32, #tpu.memory_space<vmem>> -> memref<1x80x32xf32, #tpu.memory_space<vmem>>
      %dma_start3A_725 = tpu.memref_squeeze %dma_start3A_724 : memref<1x80x32xf32, #tpu.memory_space<vmem>> -> memref<80x32xf32, #tpu.memory_space<vmem>>
      %dma_start3A_726 = arith.constant 0 : i32
      %dma_start3A_727 = tpu.memref_slice %arg7[%add3A_720, %dma_start3A_726] : memref<125x80xi32, #tpu.memory_space<vmem>> -> memref<1x80xi32, #tpu.memory_space<vmem>>
      %dma_start3A_728 = tpu.memref_squeeze %dma_start3A_727 : memref<1x80xi32, #tpu.memory_space<vmem>> -> memref<80xi32, #tpu.memory_space<vmem>>
      %dma_start3A_729 = arith.constant 0 : i32
      %dma_start3A_730 = arith.constant 0 : i32
      %dma_start3A_731 = tpu.memref_slice %arg4[%dma_start3A_729, %dma_start3A_730] : memref<10000x32xf32, #tpu.memory_space<hbm>> -> memref<10000x32xf32, #tpu.memory_space<hbm>>
      tpu.enqueue_indirect_dma source(%dma_start3A_731 : memref<10000x32xf32, #tpu.memory_space<hbm>>) target(%dma_start3A_725 : memref<80x32xf32, #tpu.memory_space<vmem>>) offsets(%dma_start3A_728 : memref<80xi32, #tpu.memory_space<vmem>>) semaphore(%arg12 : memref<!tpu.dma_semaphore, #tpu.memory_space<semaphore_mem>>)
      %add3A_732 = arith.constant 2 : i32
      %add3A_733 = arith.addi %add3A_705, %add3A_732 : i32
      %dma_start3A_734 = arith.constant 2 : i32
      %dma_start3A_735 = arith.constant 0 : i32
      %dma_start3A_736 = arith.constant 0 : i32
      %dma_start3A_737 = tpu.memref_slice %arg10[%dma_start3A_734, %dma_start3A_735, %dma_start3A_736] : memref<12x80x32xf32, #tpu.memory_space<vmem>> -> memref<1x80x32xf32, #tpu.memory_space<vmem>>
      %dma_start3A_738 = tpu.memref_squeeze %dma_start3A_737 : memref<1x80x32xf32, #tpu.memory_space<vmem>> -> memref<80x32xf32, #tpu.memory_space<vmem>>
      %dma_start3A_739 = arith.constant 0 : i32
      %dma_start3A_740 = tpu.memref_slice %arg7[%add3A_733, %dma_start3A_739] : memref<125x80xi32, #tpu.memory_space<vmem>> -> memref<1x80xi32, #tpu.memory_space<vmem>>
      %dma_start3A_741 = tpu.memref_squeeze %dma_start3A_740 : memref<1x80xi32, #tpu.memory_space<vmem>> -> memref<80xi32, #tpu.memory_space<vmem>>
      %dma_start3A_742 = arith.constant 0 : i32
      %dma_start3A_743 = arith.constant 0 : i32
      %dma_start3A_744 = tpu.memref_slice %arg4[%dma_start3A_742, %dma_start3A_743] : memref<10000x32xf32, #tpu.memory_space<hbm>> -> memref<10000x32xf32, #tpu.memory_space<hbm>>
      tpu.enqueue_indirect_dma source(%dma_start3A_744 : memref<10000x32xf32, #tpu.memory_space<hbm>>) target(%dma_start3A_738 : memref<80x32xf32, #tpu.memory_space<vmem>>) offsets(%dma_start3A_741 : memref<80xi32, #tpu.memory_space<vmem>>) semaphore(%arg12 : memref<!tpu.dma_semaphore, #tpu.memory_space<semaphore_mem>>)
      %add3A_745 = arith.constant 3 : i32
      %add3A_746 = arith.addi %add3A_705, %add3A_745 : i32
      %dma_start3A_747 = arith.constant 3 : i32
      %dma_start3A_748 = arith.constant 0 : i32
      %dma_start3A_749 = arith.constant 0 : i32
      %dma_start3A_750 = tpu.memref_slice %arg10[%dma_start3A_747, %dma_start3A_748, %dma_start3A_749] : memref<12x80x32xf32, #tpu.memory_space<vmem>> -> memref<1x80x32xf32, #tpu.memory_space<vmem>>
      %dma_start3A_751 = tpu.memref_squeeze %dma_start3A_750 : memref<1x80x32xf32, #tpu.memory_space<vmem>> -> memref<80x32xf32, #tpu.memory_space<vmem>>
      %dma_start3A_752 = arith.constant 0 : i32
      %dma_start3A_753 = tpu.memref_slice %arg7[%add3A_746, %dma_start3A_752] : memref<125x80xi32, #tpu.memory_space<vmem>> -> memref<1x80xi32, #tpu.memory_space<vmem>>
      %dma_start3A_754 = tpu.memref_squeeze %dma_start3A_753 : memref<1x80xi32, #tpu.memory_space<vmem>> -> memref<80xi32, #tpu.memory_space<vmem>>
      %dma_start3A_755 = arith.constant 0 : i32
      %dma_start3A_756 = arith.constant 0 : i32
      %dma_start3A_757 = tpu.memref_slice %arg4[%dma_start3A_755, %dma_start3A_756] : memref<10000x32xf32, #tpu.memory_space<hbm>> -> memref<10000x32xf32, #tpu.memory_space<hbm>>
      tpu.enqueue_indirect_dma source(%dma_start3A_757 : memref<10000x32xf32, #tpu.memory_space<hbm>>) target(%dma_start3A_751 : memref<80x32xf32, #tpu.memory_space<vmem>>) offsets(%dma_start3A_754 : memref<80xi32, #tpu.memory_space<vmem>>) semaphore(%arg12 : memref<!tpu.dma_semaphore, #tpu.memory_space<semaphore_mem>>)
      %add3A_758 = arith.constant 4 : i32
      %add3A_759 = arith.addi %add3A_705, %add3A_758 : i32
      %dma_start3A_760 = arith.constant 4 : i32
      %dma_start3A_761 = arith.constant 0 : i32
      %dma_start3A_762 = arith.constant 0 : i32
      %dma_start3A_763 = tpu.memref_slice %arg10[%dma_start3A_760, %dma_start3A_761, %dma_start3A_762] : memref<12x80x32xf32, #tpu.memory_space<vmem>> -> memref<1x80x32xf32, #tpu.memory_space<vmem>>
      %dma_start3A_764 = tpu.memref_squeeze %dma_start3A_763 : memref<1x80x32xf32, #tpu.memory_space<vmem>> -> memref<80x32xf32, #tpu.memory_space<vmem>>
      %dma_start3A_765 = arith.constant 0 : i32
      %dma_start3A_766 = tpu.memref_slice %arg7[%add3A_759, %dma_start3A_765] : memref<125x80xi32, #tpu.memory_space<vmem>> -> memref<1x80xi32, #tpu.memory_space<vmem>>
      %dma_start3A_767 = tpu.memref_squeeze %dma_start3A_766 : memref<1x80xi32, #tpu.memory_space<vmem>> -> memref<80xi32, #tpu.memory_space<vmem>>
      %dma_start3A_768 = arith.constant 0 : i32
      %dma_start3A_769 = arith.constant 0 : i32
      %dma_start3A_770 = tpu.memref_slice %arg4[%dma_start3A_768, %dma_start3A_769] : memref<10000x32xf32, #tpu.memory_space<hbm>> -> memref<10000x32xf32, #tpu.memory_space<hbm>>
      tpu.enqueue_indirect_dma source(%dma_start3A_770 : memref<10000x32xf32, #tpu.memory_space<hbm>>) target(%dma_start3A_764 : memref<80x32xf32, #tpu.memory_space<vmem>>) offsets(%dma_start3A_767 : memref<80xi32, #tpu.memory_space<vmem>>) semaphore(%arg12 : memref<!tpu.dma_semaphore, #tpu.memory_space<semaphore_mem>>)
      %add3A_771 = arith.constant 5 : i32
      %add3A_772 = arith.addi %add3A_705, %add3A_771 : i32
      %dma_start3A_773 = arith.constant 5 : i32
      %dma_start3A_774 = arith.constant 0 : i32
      %dma_start3A_775 = arith.constant 0 : i32
      %dma_start3A_776 = tpu.memref_slice %arg10[%dma_start3A_773, %dma_start3A_774, %dma_start3A_775] : memref<12x80x32xf32, #tpu.memory_space<vmem>> -> memref<1x80x32xf32, #tpu.memory_space<vmem>>
      %dma_start3A_777 = tpu.memref_squeeze %dma_start3A_776 : memref<1x80x32xf32, #tpu.memory_space<vmem>> -> memref<80x32xf32, #tpu.memory_space<vmem>>
      %dma_start3A_778 = arith.constant 0 : i32
      %dma_start3A_779 = tpu.memref_slice %arg7[%add3A_772, %dma_start3A_778] : memref<125x80xi32, #tpu.memory_space<vmem>> -> memref<1x80xi32, #tpu.memory_space<vmem>>
      %dma_start3A_780 = tpu.memref_squeeze %dma_start3A_779 : memref<1x80xi32, #tpu.memory_space<vmem>> -> memref<80xi32, #tpu.memory_space<vmem>>
      %dma_start3A_781 = arith.constant 0 : i32
      %dma_start3A_782 = arith.constant 0 : i32
      %dma_start3A_783 = tpu.memref_slice %arg4[%dma_start3A_781, %dma_start3A_782] : memref<10000x32xf32, #tpu.memory_space<hbm>> -> memref<10000x32xf32, #tpu.memory_space<hbm>>
      tpu.enqueue_indirect_dma source(%dma_start3A_783 : memref<10000x32xf32, #tpu.memory_space<hbm>>) target(%dma_start3A_777 : memref<80x32xf32, #tpu.memory_space<vmem>>) offsets(%dma_start3A_780 : memref<80xi32, #tpu.memory_space<vmem>>) semaphore(%arg12 : memref<!tpu.dma_semaphore, #tpu.memory_space<semaphore_mem>>)
      %add3A_784 = arith.constant 6 : i32
      %add3A_785 = arith.addi %add3A_705, %add3A_784 : i32
      %dma_start3A_786 = arith.constant 6 : i32
      %dma_start3A_787 = arith.constant 0 : i32
      %dma_start3A_788 = arith.constant 0 : i32
      %dma_start3A_789 = tpu.memref_slice %arg10[%dma_start3A_786, %dma_start3A_787, %dma_start3A_788] : memref<12x80x32xf32, #tpu.memory_space<vmem>> -> memref<1x80x32xf32, #tpu.memory_space<vmem>>
      %dma_start3A_790 = tpu.memref_squeeze %dma_start3A_789 : memref<1x80x32xf32, #tpu.memory_space<vmem>> -> memref<80x32xf32, #tpu.memory_space<vmem>>
      %dma_start3A_791 = arith.constant 0 : i32
      %dma_start3A_792 = tpu.memref_slice %arg7[%add3A_785, %dma_start3A_791] : memref<125x80xi32, #tpu.memory_space<vmem>> -> memref<1x80xi32, #tpu.memory_space<vmem>>
      %dma_start3A_793 = tpu.memref_squeeze %dma_start3A_792 : memref<1x80xi32, #tpu.memory_space<vmem>> -> memref<80xi32, #tpu.memory_space<vmem>>
      %dma_start3A_794 = arith.constant 0 : i32
      %dma_start3A_795 = arith.constant 0 : i32
      %dma_start3A_796 = tpu.memref_slice %arg4[%dma_start3A_794, %dma_start3A_795] : memref<10000x32xf32, #tpu.memory_space<hbm>> -> memref<10000x32xf32, #tpu.memory_space<hbm>>
      tpu.enqueue_indirect_dma source(%dma_start3A_796 : memref<10000x32xf32, #tpu.memory_space<hbm>>) target(%dma_start3A_790 : memref<80x32xf32, #tpu.memory_space<vmem>>) offsets(%dma_start3A_793 : memref<80xi32, #tpu.memory_space<vmem>>) semaphore(%arg12 : memref<!tpu.dma_semaphore, #tpu.memory_space<semaphore_mem>>)
      %add3A_797 = arith.constant 7 : i32
      %add3A_798 = arith.addi %add3A_705, %add3A_797 : i32
      %dma_start3A_799 = arith.constant 7 : i32
      %dma_start3A_800 = arith.constant 0 : i32
      %dma_start3A_801 = arith.constant 0 : i32
      %dma_start3A_802 = tpu.memref_slice %arg10[%dma_start3A_799, %dma_start3A_800, %dma_start3A_801] : memref<12x80x32xf32, #tpu.memory_space<vmem>> -> memref<1x80x32xf32, #tpu.memory_space<vmem>>
      %dma_start3A_803 = tpu.memref_squeeze %dma_start3A_802 : memref<1x80x32xf32, #tpu.memory_space<vmem>> -> memref<80x32xf32, #tpu.memory_space<vmem>>
      %dma_start3A_804 = arith.constant 0 : i32
      %dma_start3A_805 = tpu.memref_slice %arg7[%add3A_798, %dma_start3A_804] : memref<125x80xi32, #tpu.memory_space<vmem>> -> memref<1x80xi32, #tpu.memory_space<vmem>>
      %dma_start3A_806 = tpu.memref_squeeze %dma_start3A_805 : memref<1x80xi32, #tpu.memory_space<vmem>> -> memref<80xi32, #tpu.memory_space<vmem>>
      %dma_start3A_807 = arith.constant 0 : i32
      %dma_start3A_808 = arith.constant 0 : i32
      %dma_start3A_809 = tpu.memref_slice %arg4[%dma_start3A_807, %dma_start3A_808] : memref<10000x32xf32, #tpu.memory_space<hbm>> -> memref<10000x32xf32, #tpu.memory_space<hbm>>
      tpu.enqueue_indirect_dma source(%dma_start3A_809 : memref<10000x32xf32, #tpu.memory_space<hbm>>) target(%dma_start3A_803 : memref<80x32xf32, #tpu.memory_space<vmem>>) offsets(%dma_start3A_806 : memref<80xi32, #tpu.memory_space<vmem>>) semaphore(%arg12 : memref<!tpu.dma_semaphore, #tpu.memory_space<semaphore_mem>>)
      %add3A_810 = arith.constant 8 : i32
      %add3A_811 = arith.addi %add3A_705, %add3A_810 : i32
      %dma_start3A_812 = arith.constant 8 : i32
      %dma_start3A_813 = arith.constant 0 : i32
      %dma_start3A_814 = arith.constant 0 : i32
      %dma_start3A_815 = tpu.memref_slice %arg10[%dma_start3A_812, %dma_start3A_813, %dma_start3A_814] : memref<12x80x32xf32, #tpu.memory_space<vmem>> -> memref<1x80x32xf32, #tpu.memory_space<vmem>>
      %dma_start3A_816 = tpu.memref_squeeze %dma_start3A_815 : memref<1x80x32xf32, #tpu.memory_space<vmem>> -> memref<80x32xf32, #tpu.memory_space<vmem>>
      %dma_start3A_817 = arith.constant 0 : i32
      %dma_start3A_818 = tpu.memref_slice %arg7[%add3A_811, %dma_start3A_817] : memref<125x80xi32, #tpu.memory_space<vmem>> -> memref<1x80xi32, #tpu.memory_space<vmem>>
      %dma_start3A_819 = tpu.memref_squeeze %dma_start3A_818 : memref<1x80xi32, #tpu.memory_space<vmem>> -> memref<80xi32, #tpu.memory_space<vmem>>
      %dma_start3A_820 = arith.constant 0 : i32
      %dma_start3A_821 = arith.constant 0 : i32
      %dma_start3A_822 = tpu.memref_slice %arg4[%dma_start3A_820, %dma_start3A_821] : memref<10000x32xf32, #tpu.memory_space<hbm>> -> memref<10000x32xf32, #tpu.memory_space<hbm>>
      tpu.enqueue_indirect_dma source(%dma_start3A_822 : memref<10000x32xf32, #tpu.memory_space<hbm>>) target(%dma_start3A_816 : memref<80x32xf32, #tpu.memory_space<vmem>>) offsets(%dma_start3A_819 : memref<80xi32, #tpu.memory_space<vmem>>) semaphore(%arg12 : memref<!tpu.dma_semaphore, #tpu.memory_space<semaphore_mem>>)
      %add3A_823 = arith.constant 9 : i32
      %add3A_824 = arith.addi %add3A_705, %add3A_823 : i32
      %dma_start3A_825 = arith.constant 9 : i32
      %dma_start3A_826 = arith.constant 0 : i32
      %dma_start3A_827 = arith.constant 0 : i32
      %dma_start3A_828 = tpu.memref_slice %arg10[%dma_start3A_825, %dma_start3A_826, %dma_start3A_827] : memref<12x80x32xf32, #tpu.memory_space<vmem>> -> memref<1x80x32xf32, #tpu.memory_space<vmem>>
      %dma_start3A_829 = tpu.memref_squeeze %dma_start3A_828 : memref<1x80x32xf32, #tpu.memory_space<vmem>> -> memref<80x32xf32, #tpu.memory_space<vmem>>
      %dma_start3A_830 = arith.constant 0 : i32
      %dma_start3A_831 = tpu.memref_slice %arg7[%add3A_824, %dma_start3A_830] : memref<125x80xi32, #tpu.memory_space<vmem>> -> memref<1x80xi32, #tpu.memory_space<vmem>>
      %dma_start3A_832 = tpu.memref_squeeze %dma_start3A_831 : memref<1x80xi32, #tpu.memory_space<vmem>> -> memref<80xi32, #tpu.memory_space<vmem>>
      %dma_start3A_833 = arith.constant 0 : i32
      %dma_start3A_834 = arith.constant 0 : i32
      %dma_start3A_835 = tpu.memref_slice %arg4[%dma_start3A_833, %dma_start3A_834] : memref<10000x32xf32, #tpu.memory_space<hbm>> -> memref<10000x32xf32, #tpu.memory_space<hbm>>
      tpu.enqueue_indirect_dma source(%dma_start3A_835 : memref<10000x32xf32, #tpu.memory_space<hbm>>) target(%dma_start3A_829 : memref<80x32xf32, #tpu.memory_space<vmem>>) offsets(%dma_start3A_832 : memref<80xi32, #tpu.memory_space<vmem>>) semaphore(%arg12 : memref<!tpu.dma_semaphore, #tpu.memory_space<semaphore_mem>>)
      %add3A_836 = arith.constant 10 : i32
      %add3A_837 = arith.addi %add3A_705, %add3A_836 : i32
      %dma_start3A_838 = arith.constant 10 : i32
      %dma_start3A_839 = arith.constant 0 : i32
      %dma_start3A_840 = arith.constant 0 : i32
      %dma_start3A_841 = tpu.memref_slice %arg10[%dma_start3A_838, %dma_start3A_839, %dma_start3A_840] : memref<12x80x32xf32, #tpu.memory_space<vmem>> -> memref<1x80x32xf32, #tpu.memory_space<vmem>>
      %dma_start3A_842 = tpu.memref_squeeze %dma_start3A_841 : memref<1x80x32xf32, #tpu.memory_space<vmem>> -> memref<80x32xf32, #tpu.memory_space<vmem>>
      %dma_start3A_843 = arith.constant 0 : i32
      %dma_start3A_844 = tpu.memref_slice %arg7[%add3A_837, %dma_start3A_843] : memref<125x80xi32, #tpu.memory_space<vmem>> -> memref<1x80xi32, #tpu.memory_space<vmem>>
      %dma_start3A_845 = tpu.memref_squeeze %dma_start3A_844 : memref<1x80xi32, #tpu.memory_space<vmem>> -> memref<80xi32, #tpu.memory_space<vmem>>
      %dma_start3A_846 = arith.constant 0 : i32
      %dma_start3A_847 = arith.constant 0 : i32
      %dma_start3A_848 = tpu.memref_slice %arg4[%dma_start3A_846, %dma_start3A_847] : memref<10000x32xf32, #tpu.memory_space<hbm>> -> memref<10000x32xf32, #tpu.memory_space<hbm>>
      tpu.enqueue_indirect_dma source(%dma_start3A_848 : memref<10000x32xf32, #tpu.memory_space<hbm>>) target(%dma_start3A_842 : memref<80x32xf32, #tpu.memory_space<vmem>>) offsets(%dma_start3A_845 : memref<80xi32, #tpu.memory_space<vmem>>) semaphore(%arg12 : memref<!tpu.dma_semaphore, #tpu.memory_space<semaphore_mem>>)
      %add3A_849 = arith.constant 11 : i32
      %add3A_850 = arith.addi %add3A_705, %add3A_849 : i32
      %dma_start3A_851 = arith.constant 11 : i32
      %dma_start3A_852 = arith.constant 0 : i32
      %dma_start3A_853 = arith.constant 0 : i32
      %dma_start3A_854 = tpu.memref_slice %arg10[%dma_start3A_851, %dma_start3A_852, %dma_start3A_853] : memref<12x80x32xf32, #tpu.memory_space<vmem>> -> memref<1x80x32xf32, #tpu.memory_space<vmem>>
      %dma_start3A_855 = tpu.memref_squeeze %dma_start3A_854 : memref<1x80x32xf32, #tpu.memory_space<vmem>> -> memref<80x32xf32, #tpu.memory_space<vmem>>
      %dma_start3A_856 = arith.constant 0 : i32
      %dma_start3A_857 = tpu.memref_slice %arg7[%add3A_850, %dma_start3A_856] : memref<125x80xi32, #tpu.memory_space<vmem>> -> memref<1x80xi32, #tpu.memory_space<vmem>>
      %dma_start3A_858 = tpu.memref_squeeze %dma_start3A_857 : memref<1x80xi32, #tpu.memory_space<vmem>> -> memref<80xi32, #tpu.memory_space<vmem>>
      %dma_start3A_859 = arith.constant 0 : i32
      %dma_start3A_860 = arith.constant 0 : i32
      %dma_start3A_861 = tpu.memref_slice %arg4[%dma_start3A_859, %dma_start3A_860] : memref<10000x32xf32, #tpu.memory_space<hbm>> -> memref<10000x32xf32, #tpu.memory_space<hbm>>
      tpu.enqueue_indirect_dma source(%dma_start3A_861 : memref<10000x32xf32, #tpu.memory_space<hbm>>) target(%dma_start3A_855 : memref<80x32xf32, #tpu.memory_space<vmem>>) offsets(%dma_start3A_858 : memref<80xi32, #tpu.memory_space<vmem>>) semaphore(%arg12 : memref<!tpu.dma_semaphore, #tpu.memory_space<semaphore_mem>>)
      %dma_wait3A_862 = arith.constant 0 : i32
      %dma_wait3A_863 = arith.constant 0 : i32
      %dma_wait3A_864 = arith.constant 0 : i32
      %dma_wait3A_865 = tpu.memref_slice %arg9[%dma_wait3A_862, %dma_wait3A_863, %dma_wait3A_864] : memref<12x80x32xf32, #tpu.memory_space<vmem>> -> memref<1x80x32xf32, #tpu.memory_space<vmem>>
      %dma_wait3A_866 = tpu.memref_squeeze %dma_wait3A_865 : memref<1x80x32xf32, #tpu.memory_space<vmem>> -> memref<80x32xf32, #tpu.memory_space<vmem>>
      %dma_wait3A_867 = arith.constant 0 : i32
      %dma_wait3A_868 = tpu.memref_slice %arg8[%add3A_549, %dma_wait3A_867] : memref<125x80xi32, #tpu.memory_space<vmem>> -> memref<1x80xi32, #tpu.memory_space<vmem>>
      %dma_wait3A_869 = tpu.memref_squeeze %dma_wait3A_868 : memref<1x80xi32, #tpu.memory_space<vmem>> -> memref<80xi32, #tpu.memory_space<vmem>>
      %dma_wait3A_870 = arith.constant 0 : i32
      %dma_wait3A_871 = arith.constant 0 : i32
      %dma_wait3A_872 = tpu.memref_slice %arg15[%dma_wait3A_870, %dma_wait3A_871] : memref<10240x32xf32, #tpu.memory_space<vmem_shared>> -> memref<10240x32xf32, #tpu.memory_space<vmem_shared>>
      tpu.wait_indirect_dma semaphore(%arg13 : memref<!tpu.dma_semaphore, #tpu.memory_space<semaphore_mem>>) src(%dma_wait3A_866 : memref<80x32xf32, #tpu.memory_space<vmem>>) dst(%dma_wait3A_872 : memref<10240x32xf32, #tpu.memory_space<vmem_shared>>)
      %dma_wait3A_873 = arith.constant 1 : i32
      %dma_wait3A_874 = arith.constant 0 : i32
      %dma_wait3A_875 = arith.constant 0 : i32
      %dma_wait3A_876 = tpu.memref_slice %arg9[%dma_wait3A_873, %dma_wait3A_874, %dma_wait3A_875] : memref<12x80x32xf32, #tpu.memory_space<vmem>> -> memref<1x80x32xf32, #tpu.memory_space<vmem>>
      %dma_wait3A_877 = tpu.memref_squeeze %dma_wait3A_876 : memref<1x80x32xf32, #tpu.memory_space<vmem>> -> memref<80x32xf32, #tpu.memory_space<vmem>>
      %dma_wait3A_878 = arith.constant 0 : i32
      %dma_wait3A_879 = tpu.memref_slice %arg8[%add3A_562, %dma_wait3A_878] : memref<125x80xi32, #tpu.memory_space<vmem>> -> memref<1x80xi32, #tpu.memory_space<vmem>>
      %dma_wait3A_880 = tpu.memref_squeeze %dma_wait3A_879 : memref<1x80xi32, #tpu.memory_space<vmem>> -> memref<80xi32, #tpu.memory_space<vmem>>
      %dma_wait3A_881 = arith.constant 0 : i32
      %dma_wait3A_882 = arith.constant 0 : i32
      %dma_wait3A_883 = tpu.memref_slice %arg15[%dma_wait3A_881, %dma_wait3A_882] : memref<10240x32xf32, #tpu.memory_space<vmem_shared>> -> memref<10240x32xf32, #tpu.memory_space<vmem_shared>>
      tpu.wait_indirect_dma semaphore(%arg13 : memref<!tpu.dma_semaphore, #tpu.memory_space<semaphore_mem>>) src(%dma_wait3A_877 : memref<80x32xf32, #tpu.memory_space<vmem>>) dst(%dma_wait3A_883 : memref<10240x32xf32, #tpu.memory_space<vmem_shared>>)
      %dma_wait3A_884 = arith.constant 2 : i32
      %dma_wait3A_885 = arith.constant 0 : i32
      %dma_wait3A_886 = arith.constant 0 : i32
      %dma_wait3A_887 = tpu.memref_slice %arg9[%dma_wait3A_884, %dma_wait3A_885, %dma_wait3A_886] : memref<12x80x32xf32, #tpu.memory_space<vmem>> -> memref<1x80x32xf32, #tpu.memory_space<vmem>>
      %dma_wait3A_888 = tpu.memref_squeeze %dma_wait3A_887 : memref<1x80x32xf32, #tpu.memory_space<vmem>> -> memref<80x32xf32, #tpu.memory_space<vmem>>
      %dma_wait3A_889 = arith.constant 0 : i32
      %dma_wait3A_890 = tpu.memref_slice %arg8[%add3A_575, %dma_wait3A_889] : memref<125x80xi32, #tpu.memory_space<vmem>> -> memref<1x80xi32, #tpu.memory_space<vmem>>
      %dma_wait3A_891 = tpu.memref_squeeze %dma_wait3A_890 : memref<1x80xi32, #tpu.memory_space<vmem>> -> memref<80xi32, #tpu.memory_space<vmem>>
      %dma_wait3A_892 = arith.constant 0 : i32
      %dma_wait3A_893 = arith.constant 0 : i32
      %dma_wait3A_894 = tpu.memref_slice %arg15[%dma_wait3A_892, %dma_wait3A_893] : memref<10240x32xf32, #tpu.memory_space<vmem_shared>> -> memref<10240x32xf32, #tpu.memory_space<vmem_shared>>
      tpu.wait_indirect_dma semaphore(%arg13 : memref<!tpu.dma_semaphore, #tpu.memory_space<semaphore_mem>>) src(%dma_wait3A_888 : memref<80x32xf32, #tpu.memory_space<vmem>>) dst(%dma_wait3A_894 : memref<10240x32xf32, #tpu.memory_space<vmem_shared>>)
      %dma_wait3A_895 = arith.constant 3 : i32
      %dma_wait3A_896 = arith.constant 0 : i32
      %dma_wait3A_897 = arith.constant 0 : i32
      %dma_wait3A_898 = tpu.memref_slice %arg9[%dma_wait3A_895, %dma_wait3A_896, %dma_wait3A_897] : memref<12x80x32xf32, #tpu.memory_space<vmem>> -> memref<1x80x32xf32, #tpu.memory_space<vmem>>
      %dma_wait3A_899 = tpu.memref_squeeze %dma_wait3A_898 : memref<1x80x32xf32, #tpu.memory_space<vmem>> -> memref<80x32xf32, #tpu.memory_space<vmem>>
      %dma_wait3A_900 = arith.constant 0 : i32
      %dma_wait3A_901 = tpu.memref_slice %arg8[%add3A_588, %dma_wait3A_900] : memref<125x80xi32, #tpu.memory_space<vmem>> -> memref<1x80xi32, #tpu.memory_space<vmem>>
      %dma_wait3A_902 = tpu.memref_squeeze %dma_wait3A_901 : memref<1x80xi32, #tpu.memory_space<vmem>> -> memref<80xi32, #tpu.memory_space<vmem>>
      %dma_wait3A_903 = arith.constant 0 : i32
      %dma_wait3A_904 = arith.constant 0 : i32
      %dma_wait3A_905 = tpu.memref_slice %arg15[%dma_wait3A_903, %dma_wait3A_904] : memref<10240x32xf32, #tpu.memory_space<vmem_shared>> -> memref<10240x32xf32, #tpu.memory_space<vmem_shared>>
      tpu.wait_indirect_dma semaphore(%arg13 : memref<!tpu.dma_semaphore, #tpu.memory_space<semaphore_mem>>) src(%dma_wait3A_899 : memref<80x32xf32, #tpu.memory_space<vmem>>) dst(%dma_wait3A_905 : memref<10240x32xf32, #tpu.memory_space<vmem_shared>>)
      %dma_wait3A_906 = arith.constant 4 : i32
      %dma_wait3A_907 = arith.constant 0 : i32
      %dma_wait3A_908 = arith.constant 0 : i32
      %dma_wait3A_909 = tpu.memref_slice %arg9[%dma_wait3A_906, %dma_wait3A_907, %dma_wait3A_908] : memref<12x80x32xf32, #tpu.memory_space<vmem>> -> memref<1x80x32xf32, #tpu.memory_space<vmem>>
      %dma_wait3A_910 = tpu.memref_squeeze %dma_wait3A_909 : memref<1x80x32xf32, #tpu.memory_space<vmem>> -> memref<80x32xf32, #tpu.memory_space<vmem>>
      %dma_wait3A_911 = arith.constant 0 : i32
      %dma_wait3A_912 = tpu.memref_slice %arg8[%add3A_601, %dma_wait3A_911] : memref<125x80xi32, #tpu.memory_space<vmem>> -> memref<1x80xi32, #tpu.memory_space<vmem>>
      %dma_wait3A_913 = tpu.memref_squeeze %dma_wait3A_912 : memref<1x80xi32, #tpu.memory_space<vmem>> -> memref<80xi32, #tpu.memory_space<vmem>>
      %dma_wait3A_914 = arith.constant 0 : i32
      %dma_wait3A_915 = arith.constant 0 : i32
      %dma_wait3A_916 = tpu.memref_slice %arg15[%dma_wait3A_914, %dma_wait3A_915] : memref<10240x32xf32, #tpu.memory_space<vmem_shared>> -> memref<10240x32xf32, #tpu.memory_space<vmem_shared>>
      tpu.wait_indirect_dma semaphore(%arg13 : memref<!tpu.dma_semaphore, #tpu.memory_space<semaphore_mem>>) src(%dma_wait3A_910 : memref<80x32xf32, #tpu.memory_space<vmem>>) dst(%dma_wait3A_916 : memref<10240x32xf32, #tpu.memory_space<vmem_shared>>)
      %dma_wait3A_917 = arith.constant 5 : i32
      %dma_wait3A_918 = arith.constant 0 : i32
      %dma_wait3A_919 = arith.constant 0 : i32
      %dma_wait3A_920 = tpu.memref_slice %arg9[%dma_wait3A_917, %dma_wait3A_918, %dma_wait3A_919] : memref<12x80x32xf32, #tpu.memory_space<vmem>> -> memref<1x80x32xf32, #tpu.memory_space<vmem>>
      %dma_wait3A_921 = tpu.memref_squeeze %dma_wait3A_920 : memref<1x80x32xf32, #tpu.memory_space<vmem>> -> memref<80x32xf32, #tpu.memory_space<vmem>>
      %dma_wait3A_922 = arith.constant 0 : i32
      %dma_wait3A_923 = tpu.memref_slice %arg8[%add3A_614, %dma_wait3A_922] : memref<125x80xi32, #tpu.memory_space<vmem>> -> memref<1x80xi32, #tpu.memory_space<vmem>>
      %dma_wait3A_924 = tpu.memref_squeeze %dma_wait3A_923 : memref<1x80xi32, #tpu.memory_space<vmem>> -> memref<80xi32, #tpu.memory_space<vmem>>
      %dma_wait3A_925 = arith.constant 0 : i32
      %dma_wait3A_926 = arith.constant 0 : i32
      %dma_wait3A_927 = tpu.memref_slice %arg15[%dma_wait3A_925, %dma_wait3A_926] : memref<10240x32xf32, #tpu.memory_space<vmem_shared>> -> memref<10240x32xf32, #tpu.memory_space<vmem_shared>>
      tpu.wait_indirect_dma semaphore(%arg13 : memref<!tpu.dma_semaphore, #tpu.memory_space<semaphore_mem>>) src(%dma_wait3A_921 : memref<80x32xf32, #tpu.memory_space<vmem>>) dst(%dma_wait3A_927 : memref<10240x32xf32, #tpu.memory_space<vmem_shared>>)
      %dma_wait3A_928 = arith.constant 6 : i32
      %dma_wait3A_929 = arith.constant 0 : i32
      %dma_wait3A_930 = arith.constant 0 : i32
      %dma_wait3A_931 = tpu.memref_slice %arg9[%dma_wait3A_928, %dma_wait3A_929, %dma_wait3A_930] : memref<12x80x32xf32, #tpu.memory_space<vmem>> -> memref<1x80x32xf32, #tpu.memory_space<vmem>>
      %dma_wait3A_932 = tpu.memref_squeeze %dma_wait3A_931 : memref<1x80x32xf32, #tpu.memory_space<vmem>> -> memref<80x32xf32, #tpu.memory_space<vmem>>
      %dma_wait3A_933 = arith.constant 0 : i32
      %dma_wait3A_934 = tpu.memref_slice %arg8[%add3A_627, %dma_wait3A_933] : memref<125x80xi32, #tpu.memory_space<vmem>> -> memref<1x80xi32, #tpu.memory_space<vmem>>
      %dma_wait3A_935 = tpu.memref_squeeze %dma_wait3A_934 : memref<1x80xi32, #tpu.memory_space<vmem>> -> memref<80xi32, #tpu.memory_space<vmem>>
      %dma_wait3A_936 = arith.constant 0 : i32
      %dma_wait3A_937 = arith.constant 0 : i32
      %dma_wait3A_938 = tpu.memref_slice %arg15[%dma_wait3A_936, %dma_wait3A_937] : memref<10240x32xf32, #tpu.memory_space<vmem_shared>> -> memref<10240x32xf32, #tpu.memory_space<vmem_shared>>
      tpu.wait_indirect_dma semaphore(%arg13 : memref<!tpu.dma_semaphore, #tpu.memory_space<semaphore_mem>>) src(%dma_wait3A_932 : memref<80x32xf32, #tpu.memory_space<vmem>>) dst(%dma_wait3A_938 : memref<10240x32xf32, #tpu.memory_space<vmem_shared>>)
      %dma_wait3A_939 = arith.constant 7 : i32
      %dma_wait3A_940 = arith.constant 0 : i32
      %dma_wait3A_941 = arith.constant 0 : i32
      %dma_wait3A_942 = tpu.memref_slice %arg9[%dma_wait3A_939, %dma_wait3A_940, %dma_wait3A_941] : memref<12x80x32xf32, #tpu.memory_space<vmem>> -> memref<1x80x32xf32, #tpu.memory_space<vmem>>
      %dma_wait3A_943 = tpu.memref_squeeze %dma_wait3A_942 : memref<1x80x32xf32, #tpu.memory_space<vmem>> -> memref<80x32xf32, #tpu.memory_space<vmem>>
      %dma_wait3A_944 = arith.constant 0 : i32
      %dma_wait3A_945 = tpu.memref_slice %arg8[%add3A_640, %dma_wait3A_944] : memref<125x80xi32, #tpu.memory_space<vmem>> -> memref<1x80xi32, #tpu.memory_space<vmem>>
      %dma_wait3A_946 = tpu.memref_squeeze %dma_wait3A_945 : memref<1x80xi32, #tpu.memory_space<vmem>> -> memref<80xi32, #tpu.memory_space<vmem>>
      %dma_wait3A_947 = arith.constant 0 : i32
      %dma_wait3A_948 = arith.constant 0 : i32
      %dma_wait3A_949 = tpu.memref_slice %arg15[%dma_wait3A_947, %dma_wait3A_948] : memref<10240x32xf32, #tpu.memory_space<vmem_shared>> -> memref<10240x32xf32, #tpu.memory_space<vmem_shared>>
      tpu.wait_indirect_dma semaphore(%arg13 : memref<!tpu.dma_semaphore, #tpu.memory_space<semaphore_mem>>) src(%dma_wait3A_943 : memref<80x32xf32, #tpu.memory_space<vmem>>) dst(%dma_wait3A_949 : memref<10240x32xf32, #tpu.memory_space<vmem_shared>>)
      %dma_wait3A_950 = arith.constant 8 : i32
      %dma_wait3A_951 = arith.constant 0 : i32
      %dma_wait3A_952 = arith.constant 0 : i32
      %dma_wait3A_953 = tpu.memref_slice %arg9[%dma_wait3A_950, %dma_wait3A_951, %dma_wait3A_952] : memref<12x80x32xf32, #tpu.memory_space<vmem>> -> memref<1x80x32xf32, #tpu.memory_space<vmem>>
      %dma_wait3A_954 = tpu.memref_squeeze %dma_wait3A_953 : memref<1x80x32xf32, #tpu.memory_space<vmem>> -> memref<80x32xf32, #tpu.memory_space<vmem>>
      %dma_wait3A_955 = arith.constant 0 : i32
      %dma_wait3A_956 = tpu.memref_slice %arg8[%add3A_653, %dma_wait3A_955] : memref<125x80xi32, #tpu.memory_space<vmem>> -> memref<1x80xi32, #tpu.memory_space<vmem>>
      %dma_wait3A_957 = tpu.memref_squeeze %dma_wait3A_956 : memref<1x80xi32, #tpu.memory_space<vmem>> -> memref<80xi32, #tpu.memory_space<vmem>>
      %dma_wait3A_958 = arith.constant 0 : i32
      %dma_wait3A_959 = arith.constant 0 : i32
      %dma_wait3A_960 = tpu.memref_slice %arg15[%dma_wait3A_958, %dma_wait3A_959] : memref<10240x32xf32, #tpu.memory_space<vmem_shared>> -> memref<10240x32xf32, #tpu.memory_space<vmem_shared>>
      tpu.wait_indirect_dma semaphore(%arg13 : memref<!tpu.dma_semaphore, #tpu.memory_space<semaphore_mem>>) src(%dma_wait3A_954 : memref<80x32xf32, #tpu.memory_space<vmem>>) dst(%dma_wait3A_960 : memref<10240x32xf32, #tpu.memory_space<vmem_shared>>)
      %dma_wait3A_961 = arith.constant 9 : i32
      %dma_wait3A_962 = arith.constant 0 : i32
      %dma_wait3A_963 = arith.constant 0 : i32
      %dma_wait3A_964 = tpu.memref_slice %arg9[%dma_wait3A_961, %dma_wait3A_962, %dma_wait3A_963] : memref<12x80x32xf32, #tpu.memory_space<vmem>> -> memref<1x80x32xf32, #tpu.memory_space<vmem>>
      %dma_wait3A_965 = tpu.memref_squeeze %dma_wait3A_964 : memref<1x80x32xf32, #tpu.memory_space<vmem>> -> memref<80x32xf32, #tpu.memory_space<vmem>>
      %dma_wait3A_966 = arith.constant 0 : i32
      %dma_wait3A_967 = tpu.memref_slice %arg8[%add3A_666, %dma_wait3A_966] : memref<125x80xi32, #tpu.memory_space<vmem>> -> memref<1x80xi32, #tpu.memory_space<vmem>>
      %dma_wait3A_968 = tpu.memref_squeeze %dma_wait3A_967 : memref<1x80xi32, #tpu.memory_space<vmem>> -> memref<80xi32, #tpu.memory_space<vmem>>
      %dma_wait3A_969 = arith.constant 0 : i32
      %dma_wait3A_970 = arith.constant 0 : i32
      %dma_wait3A_971 = tpu.memref_slice %arg15[%dma_wait3A_969, %dma_wait3A_970] : memref<10240x32xf32, #tpu.memory_space<vmem_shared>> -> memref<10240x32xf32, #tpu.memory_space<vmem_shared>>
      tpu.wait_indirect_dma semaphore(%arg13 : memref<!tpu.dma_semaphore, #tpu.memory_space<semaphore_mem>>) src(%dma_wait3A_965 : memref<80x32xf32, #tpu.memory_space<vmem>>) dst(%dma_wait3A_971 : memref<10240x32xf32, #tpu.memory_space<vmem_shared>>)
      %dma_wait3A_972 = arith.constant 10 : i32
      %dma_wait3A_973 = arith.constant 0 : i32
      %dma_wait3A_974 = arith.constant 0 : i32
      %dma_wait3A_975 = tpu.memref_slice %arg9[%dma_wait3A_972, %dma_wait3A_973, %dma_wait3A_974] : memref<12x80x32xf32, #tpu.memory_space<vmem>> -> memref<1x80x32xf32, #tpu.memory_space<vmem>>
      %dma_wait3A_976 = tpu.memref_squeeze %dma_wait3A_975 : memref<1x80x32xf32, #tpu.memory_space<vmem>> -> memref<80x32xf32, #tpu.memory_space<vmem>>
      %dma_wait3A_977 = arith.constant 0 : i32
      %dma_wait3A_978 = tpu.memref_slice %arg8[%add3A_679, %dma_wait3A_977] : memref<125x80xi32, #tpu.memory_space<vmem>> -> memref<1x80xi32, #tpu.memory_space<vmem>>
      %dma_wait3A_979 = tpu.memref_squeeze %dma_wait3A_978 : memref<1x80xi32, #tpu.memory_space<vmem>> -> memref<80xi32, #tpu.memory_space<vmem>>
      %dma_wait3A_980 = arith.constant 0 : i32
      %dma_wait3A_981 = arith.constant 0 : i32
      %dma_wait3A_982 = tpu.memref_slice %arg15[%dma_wait3A_980, %dma_wait3A_981] : memref<10240x32xf32, #tpu.memory_space<vmem_shared>> -> memref<10240x32xf32, #tpu.memory_space<vmem_shared>>
      tpu.wait_indirect_dma semaphore(%arg13 : memref<!tpu.dma_semaphore, #tpu.memory_space<semaphore_mem>>) src(%dma_wait3A_976 : memref<80x32xf32, #tpu.memory_space<vmem>>) dst(%dma_wait3A_982 : memref<10240x32xf32, #tpu.memory_space<vmem_shared>>)
      %dma_wait3A_983 = arith.constant 11 : i32
      %dma_wait3A_984 = arith.constant 0 : i32
      %dma_wait3A_985 = arith.constant 0 : i32
      %dma_wait3A_986 = tpu.memref_slice %arg9[%dma_wait3A_983, %dma_wait3A_984, %dma_wait3A_985] : memref<12x80x32xf32, #tpu.memory_space<vmem>> -> memref<1x80x32xf32, #tpu.memory_space<vmem>>
      %dma_wait3A_987 = tpu.memref_squeeze %dma_wait3A_986 : memref<1x80x32xf32, #tpu.memory_space<vmem>> -> memref<80x32xf32, #tpu.memory_space<vmem>>
      %dma_wait3A_988 = arith.constant 0 : i32
      %dma_wait3A_989 = tpu.memref_slice %arg8[%add3A_692, %dma_wait3A_988] : memref<125x80xi32, #tpu.memory_space<vmem>> -> memref<1x80xi32, #tpu.memory_space<vmem>>
      %dma_wait3A_990 = tpu.memref_squeeze %dma_wait3A_989 : memref<1x80xi32, #tpu.memory_space<vmem>> -> memref<80xi32, #tpu.memory_space<vmem>>
      %dma_wait3A_991 = arith.constant 0 : i32
      %dma_wait3A_992 = arith.constant 0 : i32
      %dma_wait3A_993 = tpu.memref_slice %arg15[%dma_wait3A_991, %dma_wait3A_992] : memref<10240x32xf32, #tpu.memory_space<vmem_shared>> -> memref<10240x32xf32, #tpu.memory_space<vmem_shared>>
      tpu.wait_indirect_dma semaphore(%arg13 : memref<!tpu.dma_semaphore, #tpu.memory_space<semaphore_mem>>) src(%dma_wait3A_987 : memref<80x32xf32, #tpu.memory_space<vmem>>) dst(%dma_wait3A_993 : memref<10240x32xf32, #tpu.memory_space<vmem_shared>>)
      %dma_wait3A_994 = arith.constant 0 : i32
      %dma_wait3A_995 = arith.constant 0 : i32
      %dma_wait3A_996 = arith.constant 0 : i32
      %dma_wait3A_997 = tpu.memref_slice %arg10[%dma_wait3A_994, %dma_wait3A_995, %dma_wait3A_996] : memref<12x80x32xf32, #tpu.memory_space<vmem>> -> memref<1x80x32xf32, #tpu.memory_space<vmem>>
      %dma_wait3A_998 = tpu.memref_squeeze %dma_wait3A_997 : memref<1x80x32xf32, #tpu.memory_space<vmem>> -> memref<80x32xf32, #tpu.memory_space<vmem>>
      %dma_wait3A_999 = arith.constant 0 : i32
      %dma_wait3A_1000 = tpu.memref_slice %arg7[%add3A_707, %dma_wait3A_999] : memref<125x80xi32, #tpu.memory_space<vmem>> -> memref<1x80xi32, #tpu.memory_space<vmem>>
      %dma_wait3A_1001 = tpu.memref_squeeze %dma_wait3A_1000 : memref<1x80xi32, #tpu.memory_space<vmem>> -> memref<80xi32, #tpu.memory_space<vmem>>
      %dma_wait3A_1002 = arith.constant 0 : i32
      %dma_wait3A_1003 = arith.constant 0 : i32
      %dma_wait3A_1004 = tpu.memref_slice %arg4[%dma_wait3A_1002, %dma_wait3A_1003] : memref<10000x32xf32, #tpu.memory_space<hbm>> -> memref<10000x32xf32, #tpu.memory_space<hbm>>
      tpu.wait_indirect_dma semaphore(%arg12 : memref<!tpu.dma_semaphore, #tpu.memory_space<semaphore_mem>>) src(%dma_wait3A_1004 : memref<10000x32xf32, #tpu.memory_space<hbm>>) dst(%dma_wait3A_998 : memref<80x32xf32, #tpu.memory_space<vmem>>)
      %dma_wait3A_1005 = arith.constant 1 : i32
      %dma_wait3A_1006 = arith.constant 0 : i32
      %dma_wait3A_1007 = arith.constant 0 : i32
      %dma_wait3A_1008 = tpu.memref_slice %arg10[%dma_wait3A_1005, %dma_wait3A_1006, %dma_wait3A_1007] : memref<12x80x32xf32, #tpu.memory_space<vmem>> -> memref<1x80x32xf32, #tpu.memory_space<vmem>>
      %dma_wait3A_1009 = tpu.memref_squeeze %dma_wait3A_1008 : memref<1x80x32xf32, #tpu.memory_space<vmem>> -> memref<80x32xf32, #tpu.memory_space<vmem>>
      %dma_wait3A_1010 = arith.constant 0 : i32
      %dma_wait3A_1011 = tpu.memref_slice %arg7[%add3A_720, %dma_wait3A_1010] : memref<125x80xi32, #tpu.memory_space<vmem>> -> memref<1x80xi32, #tpu.memory_space<vmem>>
      %dma_wait3A_1012 = tpu.memref_squeeze %dma_wait3A_1011 : memref<1x80xi32, #tpu.memory_space<vmem>> -> memref<80xi32, #tpu.memory_space<vmem>>
      %dma_wait3A_1013 = arith.constant 0 : i32
      %dma_wait3A_1014 = arith.constant 0 : i32
      %dma_wait3A_1015 = tpu.memref_slice %arg4[%dma_wait3A_1013, %dma_wait3A_1014] : memref<10000x32xf32, #tpu.memory_space<hbm>> -> memref<10000x32xf32, #tpu.memory_space<hbm>>
      tpu.wait_indirect_dma semaphore(%arg12 : memref<!tpu.dma_semaphore, #tpu.memory_space<semaphore_mem>>) src(%dma_wait3A_1015 : memref<10000x32xf32, #tpu.memory_space<hbm>>) dst(%dma_wait3A_1009 : memref<80x32xf32, #tpu.memory_space<vmem>>)
      %dma_wait3A_1016 = arith.constant 2 : i32
      %dma_wait3A_1017 = arith.constant 0 : i32
      %dma_wait3A_1018 = arith.constant 0 : i32
      %dma_wait3A_1019 = tpu.memref_slice %arg10[%dma_wait3A_1016, %dma_wait3A_1017, %dma_wait3A_1018] : memref<12x80x32xf32, #tpu.memory_space<vmem>> -> memref<1x80x32xf32, #tpu.memory_space<vmem>>
      %dma_wait3A_1020 = tpu.memref_squeeze %dma_wait3A_1019 : memref<1x80x32xf32, #tpu.memory_space<vmem>> -> memref<80x32xf32, #tpu.memory_space<vmem>>
      %dma_wait3A_1021 = arith.constant 0 : i32
      %dma_wait3A_1022 = tpu.memref_slice %arg7[%add3A_733, %dma_wait3A_1021] : memref<125x80xi32, #tpu.memory_space<vmem>> -> memref<1x80xi32, #tpu.memory_space<vmem>>
      %dma_wait3A_1023 = tpu.memref_squeeze %dma_wait3A_1022 : memref<1x80xi32, #tpu.memory_space<vmem>> -> memref<80xi32, #tpu.memory_space<vmem>>
      %dma_wait3A_1024 = arith.constant 0 : i32
      %dma_wait3A_1025 = arith.constant 0 : i32
      %dma_wait3A_1026 = tpu.memref_slice %arg4[%dma_wait3A_1024, %dma_wait3A_1025] : memref<10000x32xf32, #tpu.memory_space<hbm>> -> memref<10000x32xf32, #tpu.memory_space<hbm>>
      tpu.wait_indirect_dma semaphore(%arg12 : memref<!tpu.dma_semaphore, #tpu.memory_space<semaphore_mem>>) src(%dma_wait3A_1026 : memref<10000x32xf32, #tpu.memory_space<hbm>>) dst(%dma_wait3A_1020 : memref<80x32xf32, #tpu.memory_space<vmem>>)
      %dma_wait3A_1027 = arith.constant 3 : i32
      %dma_wait3A_1028 = arith.constant 0 : i32
      %dma_wait3A_1029 = arith.constant 0 : i32
      %dma_wait3A_1030 = tpu.memref_slice %arg10[%dma_wait3A_1027, %dma_wait3A_1028, %dma_wait3A_1029] : memref<12x80x32xf32, #tpu.memory_space<vmem>> -> memref<1x80x32xf32, #tpu.memory_space<vmem>>
      %dma_wait3A_1031 = tpu.memref_squeeze %dma_wait3A_1030 : memref<1x80x32xf32, #tpu.memory_space<vmem>> -> memref<80x32xf32, #tpu.memory_space<vmem>>
      %dma_wait3A_1032 = arith.constant 0 : i32
      %dma_wait3A_1033 = tpu.memref_slice %arg7[%add3A_746, %dma_wait3A_1032] : memref<125x80xi32, #tpu.memory_space<vmem>> -> memref<1x80xi32, #tpu.memory_space<vmem>>
      %dma_wait3A_1034 = tpu.memref_squeeze %dma_wait3A_1033 : memref<1x80xi32, #tpu.memory_space<vmem>> -> memref<80xi32, #tpu.memory_space<vmem>>
      %dma_wait3A_1035 = arith.constant 0 : i32
      %dma_wait3A_1036 = arith.constant 0 : i32
      %dma_wait3A_1037 = tpu.memref_slice %arg4[%dma_wait3A_1035, %dma_wait3A_1036] : memref<10000x32xf32, #tpu.memory_space<hbm>> -> memref<10000x32xf32, #tpu.memory_space<hbm>>
      tpu.wait_indirect_dma semaphore(%arg12 : memref<!tpu.dma_semaphore, #tpu.memory_space<semaphore_mem>>) src(%dma_wait3A_1037 : memref<10000x32xf32, #tpu.memory_space<hbm>>) dst(%dma_wait3A_1031 : memref<80x32xf32, #tpu.memory_space<vmem>>)
      %dma_wait3A_1038 = arith.constant 4 : i32
      %dma_wait3A_1039 = arith.constant 0 : i32
      %dma_wait3A_1040 = arith.constant 0 : i32
      %dma_wait3A_1041 = tpu.memref_slice %arg10[%dma_wait3A_1038, %dma_wait3A_1039, %dma_wait3A_1040] : memref<12x80x32xf32, #tpu.memory_space<vmem>> -> memref<1x80x32xf32, #tpu.memory_space<vmem>>
      %dma_wait3A_1042 = tpu.memref_squeeze %dma_wait3A_1041 : memref<1x80x32xf32, #tpu.memory_space<vmem>> -> memref<80x32xf32, #tpu.memory_space<vmem>>
      %dma_wait3A_1043 = arith.constant 0 : i32
      %dma_wait3A_1044 = tpu.memref_slice %arg7[%add3A_759, %dma_wait3A_1043] : memref<125x80xi32, #tpu.memory_space<vmem>> -> memref<1x80xi32, #tpu.memory_space<vmem>>
      %dma_wait3A_1045 = tpu.memref_squeeze %dma_wait3A_1044 : memref<1x80xi32, #tpu.memory_space<vmem>> -> memref<80xi32, #tpu.memory_space<vmem>>
      %dma_wait3A_1046 = arith.constant 0 : i32
      %dma_wait3A_1047 = arith.constant 0 : i32
      %dma_wait3A_1048 = tpu.memref_slice %arg4[%dma_wait3A_1046, %dma_wait3A_1047] : memref<10000x32xf32, #tpu.memory_space<hbm>> -> memref<10000x32xf32, #tpu.memory_space<hbm>>
      tpu.wait_indirect_dma semaphore(%arg12 : memref<!tpu.dma_semaphore, #tpu.memory_space<semaphore_mem>>) src(%dma_wait3A_1048 : memref<10000x32xf32, #tpu.memory_space<hbm>>) dst(%dma_wait3A_1042 : memref<80x32xf32, #tpu.memory_space<vmem>>)
      %dma_wait3A_1049 = arith.constant 5 : i32
      %dma_wait3A_1050 = arith.constant 0 : i32
      %dma_wait3A_1051 = arith.constant 0 : i32
      %dma_wait3A_1052 = tpu.memref_slice %arg10[%dma_wait3A_1049, %dma_wait3A_1050, %dma_wait3A_1051] : memref<12x80x32xf32, #tpu.memory_space<vmem>> -> memref<1x80x32xf32, #tpu.memory_space<vmem>>
      %dma_wait3A_1053 = tpu.memref_squeeze %dma_wait3A_1052 : memref<1x80x32xf32, #tpu.memory_space<vmem>> -> memref<80x32xf32, #tpu.memory_space<vmem>>
      %dma_wait3A_1054 = arith.constant 0 : i32
      %dma_wait3A_1055 = tpu.memref_slice %arg7[%add3A_772, %dma_wait3A_1054] : memref<125x80xi32, #tpu.memory_space<vmem>> -> memref<1x80xi32, #tpu.memory_space<vmem>>
      %dma_wait3A_1056 = tpu.memref_squeeze %dma_wait3A_1055 : memref<1x80xi32, #tpu.memory_space<vmem>> -> memref<80xi32, #tpu.memory_space<vmem>>
      %dma_wait3A_1057 = arith.constant 0 : i32
      %dma_wait3A_1058 = arith.constant 0 : i32
      %dma_wait3A_1059 = tpu.memref_slice %arg4[%dma_wait3A_1057, %dma_wait3A_1058] : memref<10000x32xf32, #tpu.memory_space<hbm>> -> memref<10000x32xf32, #tpu.memory_space<hbm>>
      tpu.wait_indirect_dma semaphore(%arg12 : memref<!tpu.dma_semaphore, #tpu.memory_space<semaphore_mem>>) src(%dma_wait3A_1059 : memref<10000x32xf32, #tpu.memory_space<hbm>>) dst(%dma_wait3A_1053 : memref<80x32xf32, #tpu.memory_space<vmem>>)
      %dma_wait3A_1060 = arith.constant 6 : i32
      %dma_wait3A_1061 = arith.constant 0 : i32
      %dma_wait3A_1062 = arith.constant 0 : i32
      %dma_wait3A_1063 = tpu.memref_slice %arg10[%dma_wait3A_1060, %dma_wait3A_1061, %dma_wait3A_1062] : memref<12x80x32xf32, #tpu.memory_space<vmem>> -> memref<1x80x32xf32, #tpu.memory_space<vmem>>
      %dma_wait3A_1064 = tpu.memref_squeeze %dma_wait3A_1063 : memref<1x80x32xf32, #tpu.memory_space<vmem>> -> memref<80x32xf32, #tpu.memory_space<vmem>>
      %dma_wait3A_1065 = arith.constant 0 : i32
      %dma_wait3A_1066 = tpu.memref_slice %arg7[%add3A_785, %dma_wait3A_1065] : memref<125x80xi32, #tpu.memory_space<vmem>> -> memref<1x80xi32, #tpu.memory_space<vmem>>
      %dma_wait3A_1067 = tpu.memref_squeeze %dma_wait3A_1066 : memref<1x80xi32, #tpu.memory_space<vmem>> -> memref<80xi32, #tpu.memory_space<vmem>>
      %dma_wait3A_1068 = arith.constant 0 : i32
      %dma_wait3A_1069 = arith.constant 0 : i32
      %dma_wait3A_1070 = tpu.memref_slice %arg4[%dma_wait3A_1068, %dma_wait3A_1069] : memref<10000x32xf32, #tpu.memory_space<hbm>> -> memref<10000x32xf32, #tpu.memory_space<hbm>>
      tpu.wait_indirect_dma semaphore(%arg12 : memref<!tpu.dma_semaphore, #tpu.memory_space<semaphore_mem>>) src(%dma_wait3A_1070 : memref<10000x32xf32, #tpu.memory_space<hbm>>) dst(%dma_wait3A_1064 : memref<80x32xf32, #tpu.memory_space<vmem>>)
      %dma_wait3A_1071 = arith.constant 7 : i32
      %dma_wait3A_1072 = arith.constant 0 : i32
      %dma_wait3A_1073 = arith.constant 0 : i32
      %dma_wait3A_1074 = tpu.memref_slice %arg10[%dma_wait3A_1071, %dma_wait3A_1072, %dma_wait3A_1073] : memref<12x80x32xf32, #tpu.memory_space<vmem>> -> memref<1x80x32xf32, #tpu.memory_space<vmem>>
      %dma_wait3A_1075 = tpu.memref_squeeze %dma_wait3A_1074 : memref<1x80x32xf32, #tpu.memory_space<vmem>> -> memref<80x32xf32, #tpu.memory_space<vmem>>
      %dma_wait3A_1076 = arith.constant 0 : i32
      %dma_wait3A_1077 = tpu.memref_slice %arg7[%add3A_798, %dma_wait3A_1076] : memref<125x80xi32, #tpu.memory_space<vmem>> -> memref<1x80xi32, #tpu.memory_space<vmem>>
      %dma_wait3A_1078 = tpu.memref_squeeze %dma_wait3A_1077 : memref<1x80xi32, #tpu.memory_space<vmem>> -> memref<80xi32, #tpu.memory_space<vmem>>
      %dma_wait3A_1079 = arith.constant 0 : i32
      %dma_wait3A_1080 = arith.constant 0 : i32
      %dma_wait3A_1081 = tpu.memref_slice %arg4[%dma_wait3A_1079, %dma_wait3A_1080] : memref<10000x32xf32, #tpu.memory_space<hbm>> -> memref<10000x32xf32, #tpu.memory_space<hbm>>
      tpu.wait_indirect_dma semaphore(%arg12 : memref<!tpu.dma_semaphore, #tpu.memory_space<semaphore_mem>>) src(%dma_wait3A_1081 : memref<10000x32xf32, #tpu.memory_space<hbm>>) dst(%dma_wait3A_1075 : memref<80x32xf32, #tpu.memory_space<vmem>>)
      %dma_wait3A_1082 = arith.constant 8 : i32
      %dma_wait3A_1083 = arith.constant 0 : i32
      %dma_wait3A_1084 = arith.constant 0 : i32
      %dma_wait3A_1085 = tpu.memref_slice %arg10[%dma_wait3A_1082, %dma_wait3A_1083, %dma_wait3A_1084] : memref<12x80x32xf32, #tpu.memory_space<vmem>> -> memref<1x80x32xf32, #tpu.memory_space<vmem>>
      %dma_wait3A_1086 = tpu.memref_squeeze %dma_wait3A_1085 : memref<1x80x32xf32, #tpu.memory_space<vmem>> -> memref<80x32xf32, #tpu.memory_space<vmem>>
      %dma_wait3A_1087 = arith.constant 0 : i32
      %dma_wait3A_1088 = tpu.memref_slice %arg7[%add3A_811, %dma_wait3A_1087] : memref<125x80xi32, #tpu.memory_space<vmem>> -> memref<1x80xi32, #tpu.memory_space<vmem>>
      %dma_wait3A_1089 = tpu.memref_squeeze %dma_wait3A_1088 : memref<1x80xi32, #tpu.memory_space<vmem>> -> memref<80xi32, #tpu.memory_space<vmem>>
      %dma_wait3A_1090 = arith.constant 0 : i32
      %dma_wait3A_1091 = arith.constant 0 : i32
      %dma_wait3A_1092 = tpu.memref_slice %arg4[%dma_wait3A_1090, %dma_wait3A_1091] : memref<10000x32xf32, #tpu.memory_space<hbm>> -> memref<10000x32xf32, #tpu.memory_space<hbm>>
      tpu.wait_indirect_dma semaphore(%arg12 : memref<!tpu.dma_semaphore, #tpu.memory_space<semaphore_mem>>) src(%dma_wait3A_1092 : memref<10000x32xf32, #tpu.memory_space<hbm>>) dst(%dma_wait3A_1086 : memref<80x32xf32, #tpu.memory_space<vmem>>)
      %dma_wait3A_1093 = arith.constant 9 : i32
      %dma_wait3A_1094 = arith.constant 0 : i32
      %dma_wait3A_1095 = arith.constant 0 : i32
      %dma_wait3A_1096 = tpu.memref_slice %arg10[%dma_wait3A_1093, %dma_wait3A_1094, %dma_wait3A_1095] : memref<12x80x32xf32, #tpu.memory_space<vmem>> -> memref<1x80x32xf32, #tpu.memory_space<vmem>>
      %dma_wait3A_1097 = tpu.memref_squeeze %dma_wait3A_1096 : memref<1x80x32xf32, #tpu.memory_space<vmem>> -> memref<80x32xf32, #tpu.memory_space<vmem>>
      %dma_wait3A_1098 = arith.constant 0 : i32
      %dma_wait3A_1099 = tpu.memref_slice %arg7[%add3A_824, %dma_wait3A_1098] : memref<125x80xi32, #tpu.memory_space<vmem>> -> memref<1x80xi32, #tpu.memory_space<vmem>>
      %dma_wait3A_1100 = tpu.memref_squeeze %dma_wait3A_1099 : memref<1x80xi32, #tpu.memory_space<vmem>> -> memref<80xi32, #tpu.memory_space<vmem>>
      %dma_wait3A_1101 = arith.constant 0 : i32
      %dma_wait3A_1102 = arith.constant 0 : i32
      %dma_wait3A_1103 = tpu.memref_slice %arg4[%dma_wait3A_1101, %dma_wait3A_1102] : memref<10000x32xf32, #tpu.memory_space<hbm>> -> memref<10000x32xf32, #tpu.memory_space<hbm>>
      tpu.wait_indirect_dma semaphore(%arg12 : memref<!tpu.dma_semaphore, #tpu.memory_space<semaphore_mem>>) src(%dma_wait3A_1103 : memref<10000x32xf32, #tpu.memory_space<hbm>>) dst(%dma_wait3A_1097 : memref<80x32xf32, #tpu.memory_space<vmem>>)
      %dma_wait3A_1104 = arith.constant 10 : i32
      %dma_wait3A_1105 = arith.constant 0 : i32
      %dma_wait3A_1106 = arith.constant 0 : i32
      %dma_wait3A_1107 = tpu.memref_slice %arg10[%dma_wait3A_1104, %dma_wait3A_1105, %dma_wait3A_1106] : memref<12x80x32xf32, #tpu.memory_space<vmem>> -> memref<1x80x32xf32, #tpu.memory_space<vmem>>
      %dma_wait3A_1108 = tpu.memref_squeeze %dma_wait3A_1107 : memref<1x80x32xf32, #tpu.memory_space<vmem>> -> memref<80x32xf32, #tpu.memory_space<vmem>>
      %dma_wait3A_1109 = arith.constant 0 : i32
      %dma_wait3A_1110 = tpu.memref_slice %arg7[%add3A_837, %dma_wait3A_1109] : memref<125x80xi32, #tpu.memory_space<vmem>> -> memref<1x80xi32, #tpu.memory_space<vmem>>
      %dma_wait3A_1111 = tpu.memref_squeeze %dma_wait3A_1110 : memref<1x80xi32, #tpu.memory_space<vmem>> -> memref<80xi32, #tpu.memory_space<vmem>>
      %dma_wait3A_1112 = arith.constant 0 : i32
      %dma_wait3A_1113 = arith.constant 0 : i32
      %dma_wait3A_1114 = tpu.memref_slice %arg4[%dma_wait3A_1112, %dma_wait3A_1113] : memref<10000x32xf32, #tpu.memory_space<hbm>> -> memref<10000x32xf32, #tpu.memory_space<hbm>>
      tpu.wait_indirect_dma semaphore(%arg12 : memref<!tpu.dma_semaphore, #tpu.memory_space<semaphore_mem>>) src(%dma_wait3A_1114 : memref<10000x32xf32, #tpu.memory_space<hbm>>) dst(%dma_wait3A_1108 : memref<80x32xf32, #tpu.memory_space<vmem>>)
      %dma_wait3A_1115 = arith.constant 11 : i32
      %dma_wait3A_1116 = arith.constant 0 : i32
      %dma_wait3A_1117 = arith.constant 0 : i32
      %dma_wait3A_1118 = tpu.memref_slice %arg10[%dma_wait3A_1115, %dma_wait3A_1116, %dma_wait3A_1117] : memref<12x80x32xf32, #tpu.memory_space<vmem>> -> memref<1x80x32xf32, #tpu.memory_space<vmem>>
      %dma_wait3A_1119 = tpu.memref_squeeze %dma_wait3A_1118 : memref<1x80x32xf32, #tpu.memory_space<vmem>> -> memref<80x32xf32, #tpu.memory_space<vmem>>
      %dma_wait3A_1120 = arith.constant 0 : i32
      %dma_wait3A_1121 = tpu.memref_slice %arg7[%add3A_850, %dma_wait3A_1120] : memref<125x80xi32, #tpu.memory_space<vmem>> -> memref<1x80xi32, #tpu.memory_space<vmem>>
      %dma_wait3A_1122 = tpu.memref_squeeze %dma_wait3A_1121 : memref<1x80xi32, #tpu.memory_space<vmem>> -> memref<80xi32, #tpu.memory_space<vmem>>
      %dma_wait3A_1123 = arith.constant 0 : i32
      %dma_wait3A_1124 = arith.constant 0 : i32
      %dma_wait3A_1125 = tpu.memref_slice %arg4[%dma_wait3A_1123, %dma_wait3A_1124] : memref<10000x32xf32, #tpu.memory_space<hbm>> -> memref<10000x32xf32, #tpu.memory_space<hbm>>
      tpu.wait_indirect_dma semaphore(%arg12 : memref<!tpu.dma_semaphore, #tpu.memory_space<semaphore_mem>>) src(%dma_wait3A_1125 : memref<10000x32xf32, #tpu.memory_space<hbm>>) dst(%dma_wait3A_1119 : memref<80x32xf32, #tpu.memory_space<vmem>>)
      %add3A_1126 = arith.constant 12 : i32
      %add3A_1127 = arith.addi %mul3A_259, %add3A_1126 : i32
      %add3A_1128 = arith.constant 0 : i32
      %add3A_1129 = arith.addi %add3A_1127, %add3A_1128 : i32
      %dma_start3A_1130 = arith.constant 0 : i32
      %dma_start3A_1131 = arith.constant 0 : i32
      %dma_start3A_1132 = arith.constant 0 : i32
      %dma_start3A_1133 = tpu.memref_slice %arg10[%dma_start3A_1130, %dma_start3A_1131, %dma_start3A_1132] : memref<12x80x32xf32, #tpu.memory_space<vmem>> -> memref<1x80x32xf32, #tpu.memory_space<vmem>>
      %dma_start3A_1134 = tpu.memref_squeeze %dma_start3A_1133 : memref<1x80x32xf32, #tpu.memory_space<vmem>> -> memref<80x32xf32, #tpu.memory_space<vmem>>
      %dma_start3A_1135 = arith.constant 0 : i32
      %dma_start3A_1136 = tpu.memref_slice %arg8[%add3A_1129, %dma_start3A_1135] : memref<125x80xi32, #tpu.memory_space<vmem>> -> memref<1x80xi32, #tpu.memory_space<vmem>>
      %dma_start3A_1137 = tpu.memref_squeeze %dma_start3A_1136 : memref<1x80xi32, #tpu.memory_space<vmem>> -> memref<80xi32, #tpu.memory_space<vmem>>
      %dma_start3A_1138 = arith.constant 0 : i32
      %dma_start3A_1139 = arith.constant 0 : i32
      %dma_start3A_1140 = tpu.memref_slice %arg15[%dma_start3A_1138, %dma_start3A_1139] : memref<10240x32xf32, #tpu.memory_space<vmem_shared>> -> memref<10240x32xf32, #tpu.memory_space<vmem_shared>>
      tpu.enqueue_indirect_dma source(%dma_start3A_1134 : memref<80x32xf32, #tpu.memory_space<vmem>>) target(%dma_start3A_1140 : memref<10240x32xf32, #tpu.memory_space<vmem_shared>>) offsets(%dma_start3A_1137 : memref<80xi32, #tpu.memory_space<vmem>>) semaphore(%arg14 : memref<!tpu.dma_semaphore, #tpu.memory_space<semaphore_mem>>) {add = true}
      %add3A_1141 = arith.constant 1 : i32
      %add3A_1142 = arith.addi %add3A_1127, %add3A_1141 : i32
      %dma_start3A_1143 = arith.constant 1 : i32
      %dma_start3A_1144 = arith.constant 0 : i32
      %dma_start3A_1145 = arith.constant 0 : i32
      %dma_start3A_1146 = tpu.memref_slice %arg10[%dma_start3A_1143, %dma_start3A_1144, %dma_start3A_1145] : memref<12x80x32xf32, #tpu.memory_space<vmem>> -> memref<1x80x32xf32, #tpu.memory_space<vmem>>
      %dma_start3A_1147 = tpu.memref_squeeze %dma_start3A_1146 : memref<1x80x32xf32, #tpu.memory_space<vmem>> -> memref<80x32xf32, #tpu.memory_space<vmem>>
      %dma_start3A_1148 = arith.constant 0 : i32
      %dma_start3A_1149 = tpu.memref_slice %arg8[%add3A_1142, %dma_start3A_1148] : memref<125x80xi32, #tpu.memory_space<vmem>> -> memref<1x80xi32, #tpu.memory_space<vmem>>
      %dma_start3A_1150 = tpu.memref_squeeze %dma_start3A_1149 : memref<1x80xi32, #tpu.memory_space<vmem>> -> memref<80xi32, #tpu.memory_space<vmem>>
      %dma_start3A_1151 = arith.constant 0 : i32
      %dma_start3A_1152 = arith.constant 0 : i32
      %dma_start3A_1153 = tpu.memref_slice %arg15[%dma_start3A_1151, %dma_start3A_1152] : memref<10240x32xf32, #tpu.memory_space<vmem_shared>> -> memref<10240x32xf32, #tpu.memory_space<vmem_shared>>
      tpu.enqueue_indirect_dma source(%dma_start3A_1147 : memref<80x32xf32, #tpu.memory_space<vmem>>) target(%dma_start3A_1153 : memref<10240x32xf32, #tpu.memory_space<vmem_shared>>) offsets(%dma_start3A_1150 : memref<80xi32, #tpu.memory_space<vmem>>) semaphore(%arg14 : memref<!tpu.dma_semaphore, #tpu.memory_space<semaphore_mem>>) {add = true}
      %add3A_1154 = arith.constant 2 : i32
      %add3A_1155 = arith.addi %add3A_1127, %add3A_1154 : i32
      %dma_start3A_1156 = arith.constant 2 : i32
      %dma_start3A_1157 = arith.constant 0 : i32
      %dma_start3A_1158 = arith.constant 0 : i32
      %dma_start3A_1159 = tpu.memref_slice %arg10[%dma_start3A_1156, %dma_start3A_1157, %dma_start3A_1158] : memref<12x80x32xf32, #tpu.memory_space<vmem>> -> memref<1x80x32xf32, #tpu.memory_space<vmem>>
      %dma_start3A_1160 = tpu.memref_squeeze %dma_start3A_1159 : memref<1x80x32xf32, #tpu.memory_space<vmem>> -> memref<80x32xf32, #tpu.memory_space<vmem>>
      %dma_start3A_1161 = arith.constant 0 : i32
      %dma_start3A_1162 = tpu.memref_slice %arg8[%add3A_1155, %dma_start3A_1161] : memref<125x80xi32, #tpu.memory_space<vmem>> -> memref<1x80xi32, #tpu.memory_space<vmem>>
      %dma_start3A_1163 = tpu.memref_squeeze %dma_start3A_1162 : memref<1x80xi32, #tpu.memory_space<vmem>> -> memref<80xi32, #tpu.memory_space<vmem>>
      %dma_start3A_1164 = arith.constant 0 : i32
      %dma_start3A_1165 = arith.constant 0 : i32
      %dma_start3A_1166 = tpu.memref_slice %arg15[%dma_start3A_1164, %dma_start3A_1165] : memref<10240x32xf32, #tpu.memory_space<vmem_shared>> -> memref<10240x32xf32, #tpu.memory_space<vmem_shared>>
      tpu.enqueue_indirect_dma source(%dma_start3A_1160 : memref<80x32xf32, #tpu.memory_space<vmem>>) target(%dma_start3A_1166 : memref<10240x32xf32, #tpu.memory_space<vmem_shared>>) offsets(%dma_start3A_1163 : memref<80xi32, #tpu.memory_space<vmem>>) semaphore(%arg14 : memref<!tpu.dma_semaphore, #tpu.memory_space<semaphore_mem>>) {add = true}
      %add3A_1167 = arith.constant 3 : i32
      %add3A_1168 = arith.addi %add3A_1127, %add3A_1167 : i32
      %dma_start3A_1169 = arith.constant 3 : i32
      %dma_start3A_1170 = arith.constant 0 : i32
      %dma_start3A_1171 = arith.constant 0 : i32
      %dma_start3A_1172 = tpu.memref_slice %arg10[%dma_start3A_1169, %dma_start3A_1170, %dma_start3A_1171] : memref<12x80x32xf32, #tpu.memory_space<vmem>> -> memref<1x80x32xf32, #tpu.memory_space<vmem>>
      %dma_start3A_1173 = tpu.memref_squeeze %dma_start3A_1172 : memref<1x80x32xf32, #tpu.memory_space<vmem>> -> memref<80x32xf32, #tpu.memory_space<vmem>>
      %dma_start3A_1174 = arith.constant 0 : i32
      %dma_start3A_1175 = tpu.memref_slice %arg8[%add3A_1168, %dma_start3A_1174] : memref<125x80xi32, #tpu.memory_space<vmem>> -> memref<1x80xi32, #tpu.memory_space<vmem>>
      %dma_start3A_1176 = tpu.memref_squeeze %dma_start3A_1175 : memref<1x80xi32, #tpu.memory_space<vmem>> -> memref<80xi32, #tpu.memory_space<vmem>>
      %dma_start3A_1177 = arith.constant 0 : i32
      %dma_start3A_1178 = arith.constant 0 : i32
      %dma_start3A_1179 = tpu.memref_slice %arg15[%dma_start3A_1177, %dma_start3A_1178] : memref<10240x32xf32, #tpu.memory_space<vmem_shared>> -> memref<10240x32xf32, #tpu.memory_space<vmem_shared>>
      tpu.enqueue_indirect_dma source(%dma_start3A_1173 : memref<80x32xf32, #tpu.memory_space<vmem>>) target(%dma_start3A_1179 : memref<10240x32xf32, #tpu.memory_space<vmem_shared>>) offsets(%dma_start3A_1176 : memref<80xi32, #tpu.memory_space<vmem>>) semaphore(%arg14 : memref<!tpu.dma_semaphore, #tpu.memory_space<semaphore_mem>>) {add = true}
      %add3A_1180 = arith.constant 4 : i32
      %add3A_1181 = arith.addi %add3A_1127, %add3A_1180 : i32
      %dma_start3A_1182 = arith.constant 4 : i32
      %dma_start3A_1183 = arith.constant 0 : i32
      %dma_start3A_1184 = arith.constant 0 : i32
      %dma_start3A_1185 = tpu.memref_slice %arg10[%dma_start3A_1182, %dma_start3A_1183, %dma_start3A_1184] : memref<12x80x32xf32, #tpu.memory_space<vmem>> -> memref<1x80x32xf32, #tpu.memory_space<vmem>>
      %dma_start3A_1186 = tpu.memref_squeeze %dma_start3A_1185 : memref<1x80x32xf32, #tpu.memory_space<vmem>> -> memref<80x32xf32, #tpu.memory_space<vmem>>
      %dma_start3A_1187 = arith.constant 0 : i32
      %dma_start3A_1188 = tpu.memref_slice %arg8[%add3A_1181, %dma_start3A_1187] : memref<125x80xi32, #tpu.memory_space<vmem>> -> memref<1x80xi32, #tpu.memory_space<vmem>>
      %dma_start3A_1189 = tpu.memref_squeeze %dma_start3A_1188 : memref<1x80xi32, #tpu.memory_space<vmem>> -> memref<80xi32, #tpu.memory_space<vmem>>
      %dma_start3A_1190 = arith.constant 0 : i32
      %dma_start3A_1191 = arith.constant 0 : i32
      %dma_start3A_1192 = tpu.memref_slice %arg15[%dma_start3A_1190, %dma_start3A_1191] : memref<10240x32xf32, #tpu.memory_space<vmem_shared>> -> memref<10240x32xf32, #tpu.memory_space<vmem_shared>>
      tpu.enqueue_indirect_dma source(%dma_start3A_1186 : memref<80x32xf32, #tpu.memory_space<vmem>>) target(%dma_start3A_1192 : memref<10240x32xf32, #tpu.memory_space<vmem_shared>>) offsets(%dma_start3A_1189 : memref<80xi32, #tpu.memory_space<vmem>>) semaphore(%arg14 : memref<!tpu.dma_semaphore, #tpu.memory_space<semaphore_mem>>) {add = true}
      %add3A_1193 = arith.constant 5 : i32
      %add3A_1194 = arith.addi %add3A_1127, %add3A_1193 : i32
      %dma_start3A_1195 = arith.constant 5 : i32
      %dma_start3A_1196 = arith.constant 0 : i32
      %dma_start3A_1197 = arith.constant 0 : i32
      %dma_start3A_1198 = tpu.memref_slice %arg10[%dma_start3A_1195, %dma_start3A_1196, %dma_start3A_1197] : memref<12x80x32xf32, #tpu.memory_space<vmem>> -> memref<1x80x32xf32, #tpu.memory_space<vmem>>
      %dma_start3A_1199 = tpu.memref_squeeze %dma_start3A_1198 : memref<1x80x32xf32, #tpu.memory_space<vmem>> -> memref<80x32xf32, #tpu.memory_space<vmem>>
      %dma_start3A_1200 = arith.constant 0 : i32
      %dma_start3A_1201 = tpu.memref_slice %arg8[%add3A_1194, %dma_start3A_1200] : memref<125x80xi32, #tpu.memory_space<vmem>> -> memref<1x80xi32, #tpu.memory_space<vmem>>
      %dma_start3A_1202 = tpu.memref_squeeze %dma_start3A_1201 : memref<1x80xi32, #tpu.memory_space<vmem>> -> memref<80xi32, #tpu.memory_space<vmem>>
      %dma_start3A_1203 = arith.constant 0 : i32
      %dma_start3A_1204 = arith.constant 0 : i32
      %dma_start3A_1205 = tpu.memref_slice %arg15[%dma_start3A_1203, %dma_start3A_1204] : memref<10240x32xf32, #tpu.memory_space<vmem_shared>> -> memref<10240x32xf32, #tpu.memory_space<vmem_shared>>
      tpu.enqueue_indirect_dma source(%dma_start3A_1199 : memref<80x32xf32, #tpu.memory_space<vmem>>) target(%dma_start3A_1205 : memref<10240x32xf32, #tpu.memory_space<vmem_shared>>) offsets(%dma_start3A_1202 : memref<80xi32, #tpu.memory_space<vmem>>) semaphore(%arg14 : memref<!tpu.dma_semaphore, #tpu.memory_space<semaphore_mem>>) {add = true}
      %add3A_1206 = arith.constant 6 : i32
      %add3A_1207 = arith.addi %add3A_1127, %add3A_1206 : i32
      %dma_start3A_1208 = arith.constant 6 : i32
      %dma_start3A_1209 = arith.constant 0 : i32
      %dma_start3A_1210 = arith.constant 0 : i32
      %dma_start3A_1211 = tpu.memref_slice %arg10[%dma_start3A_1208, %dma_start3A_1209, %dma_start3A_1210] : memref<12x80x32xf32, #tpu.memory_space<vmem>> -> memref<1x80x32xf32, #tpu.memory_space<vmem>>
      %dma_start3A_1212 = tpu.memref_squeeze %dma_start3A_1211 : memref<1x80x32xf32, #tpu.memory_space<vmem>> -> memref<80x32xf32, #tpu.memory_space<vmem>>
      %dma_start3A_1213 = arith.constant 0 : i32
      %dma_start3A_1214 = tpu.memref_slice %arg8[%add3A_1207, %dma_start3A_1213] : memref<125x80xi32, #tpu.memory_space<vmem>> -> memref<1x80xi32, #tpu.memory_space<vmem>>
      %dma_start3A_1215 = tpu.memref_squeeze %dma_start3A_1214 : memref<1x80xi32, #tpu.memory_space<vmem>> -> memref<80xi32, #tpu.memory_space<vmem>>
      %dma_start3A_1216 = arith.constant 0 : i32
      %dma_start3A_1217 = arith.constant 0 : i32
      %dma_start3A_1218 = tpu.memref_slice %arg15[%dma_start3A_1216, %dma_start3A_1217] : memref<10240x32xf32, #tpu.memory_space<vmem_shared>> -> memref<10240x32xf32, #tpu.memory_space<vmem_shared>>
      tpu.enqueue_indirect_dma source(%dma_start3A_1212 : memref<80x32xf32, #tpu.memory_space<vmem>>) target(%dma_start3A_1218 : memref<10240x32xf32, #tpu.memory_space<vmem_shared>>) offsets(%dma_start3A_1215 : memref<80xi32, #tpu.memory_space<vmem>>) semaphore(%arg14 : memref<!tpu.dma_semaphore, #tpu.memory_space<semaphore_mem>>) {add = true}
      %add3A_1219 = arith.constant 7 : i32
      %add3A_1220 = arith.addi %add3A_1127, %add3A_1219 : i32
      %dma_start3A_1221 = arith.constant 7 : i32
      %dma_start3A_1222 = arith.constant 0 : i32
      %dma_start3A_1223 = arith.constant 0 : i32
      %dma_start3A_1224 = tpu.memref_slice %arg10[%dma_start3A_1221, %dma_start3A_1222, %dma_start3A_1223] : memref<12x80x32xf32, #tpu.memory_space<vmem>> -> memref<1x80x32xf32, #tpu.memory_space<vmem>>
      %dma_start3A_1225 = tpu.memref_squeeze %dma_start3A_1224 : memref<1x80x32xf32, #tpu.memory_space<vmem>> -> memref<80x32xf32, #tpu.memory_space<vmem>>
      %dma_start3A_1226 = arith.constant 0 : i32
      %dma_start3A_1227 = tpu.memref_slice %arg8[%add3A_1220, %dma_start3A_1226] : memref<125x80xi32, #tpu.memory_space<vmem>> -> memref<1x80xi32, #tpu.memory_space<vmem>>
      %dma_start3A_1228 = tpu.memref_squeeze %dma_start3A_1227 : memref<1x80xi32, #tpu.memory_space<vmem>> -> memref<80xi32, #tpu.memory_space<vmem>>
      %dma_start3A_1229 = arith.constant 0 : i32
      %dma_start3A_1230 = arith.constant 0 : i32
      %dma_start3A_1231 = tpu.memref_slice %arg15[%dma_start3A_1229, %dma_start3A_1230] : memref<10240x32xf32, #tpu.memory_space<vmem_shared>> -> memref<10240x32xf32, #tpu.memory_space<vmem_shared>>
      tpu.enqueue_indirect_dma source(%dma_start3A_1225 : memref<80x32xf32, #tpu.memory_space<vmem>>) target(%dma_start3A_1231 : memref<10240x32xf32, #tpu.memory_space<vmem_shared>>) offsets(%dma_start3A_1228 : memref<80xi32, #tpu.memory_space<vmem>>) semaphore(%arg14 : memref<!tpu.dma_semaphore, #tpu.memory_space<semaphore_mem>>) {add = true}
      %add3A_1232 = arith.constant 8 : i32
      %add3A_1233 = arith.addi %add3A_1127, %add3A_1232 : i32
      %dma_start3A_1234 = arith.constant 8 : i32
      %dma_start3A_1235 = arith.constant 0 : i32
      %dma_start3A_1236 = arith.constant 0 : i32
      %dma_start3A_1237 = tpu.memref_slice %arg10[%dma_start3A_1234, %dma_start3A_1235, %dma_start3A_1236] : memref<12x80x32xf32, #tpu.memory_space<vmem>> -> memref<1x80x32xf32, #tpu.memory_space<vmem>>
      %dma_start3A_1238 = tpu.memref_squeeze %dma_start3A_1237 : memref<1x80x32xf32, #tpu.memory_space<vmem>> -> memref<80x32xf32, #tpu.memory_space<vmem>>
      %dma_start3A_1239 = arith.constant 0 : i32
      %dma_start3A_1240 = tpu.memref_slice %arg8[%add3A_1233, %dma_start3A_1239] : memref<125x80xi32, #tpu.memory_space<vmem>> -> memref<1x80xi32, #tpu.memory_space<vmem>>
      %dma_start3A_1241 = tpu.memref_squeeze %dma_start3A_1240 : memref<1x80xi32, #tpu.memory_space<vmem>> -> memref<80xi32, #tpu.memory_space<vmem>>
      %dma_start3A_1242 = arith.constant 0 : i32
      %dma_start3A_1243 = arith.constant 0 : i32
      %dma_start3A_1244 = tpu.memref_slice %arg15[%dma_start3A_1242, %dma_start3A_1243] : memref<10240x32xf32, #tpu.memory_space<vmem_shared>> -> memref<10240x32xf32, #tpu.memory_space<vmem_shared>>
      tpu.enqueue_indirect_dma source(%dma_start3A_1238 : memref<80x32xf32, #tpu.memory_space<vmem>>) target(%dma_start3A_1244 : memref<10240x32xf32, #tpu.memory_space<vmem_shared>>) offsets(%dma_start3A_1241 : memref<80xi32, #tpu.memory_space<vmem>>) semaphore(%arg14 : memref<!tpu.dma_semaphore, #tpu.memory_space<semaphore_mem>>) {add = true}
      %add3A_1245 = arith.constant 9 : i32
      %add3A_1246 = arith.addi %add3A_1127, %add3A_1245 : i32
      %dma_start3A_1247 = arith.constant 9 : i32
      %dma_start3A_1248 = arith.constant 0 : i32
      %dma_start3A_1249 = arith.constant 0 : i32
      %dma_start3A_1250 = tpu.memref_slice %arg10[%dma_start3A_1247, %dma_start3A_1248, %dma_start3A_1249] : memref<12x80x32xf32, #tpu.memory_space<vmem>> -> memref<1x80x32xf32, #tpu.memory_space<vmem>>
      %dma_start3A_1251 = tpu.memref_squeeze %dma_start3A_1250 : memref<1x80x32xf32, #tpu.memory_space<vmem>> -> memref<80x32xf32, #tpu.memory_space<vmem>>
      %dma_start3A_1252 = arith.constant 0 : i32
      %dma_start3A_1253 = tpu.memref_slice %arg8[%add3A_1246, %dma_start3A_1252] : memref<125x80xi32, #tpu.memory_space<vmem>> -> memref<1x80xi32, #tpu.memory_space<vmem>>
      %dma_start3A_1254 = tpu.memref_squeeze %dma_start3A_1253 : memref<1x80xi32, #tpu.memory_space<vmem>> -> memref<80xi32, #tpu.memory_space<vmem>>
      %dma_start3A_1255 = arith.constant 0 : i32
      %dma_start3A_1256 = arith.constant 0 : i32
      %dma_start3A_1257 = tpu.memref_slice %arg15[%dma_start3A_1255, %dma_start3A_1256] : memref<10240x32xf32, #tpu.memory_space<vmem_shared>> -> memref<10240x32xf32, #tpu.memory_space<vmem_shared>>
      tpu.enqueue_indirect_dma source(%dma_start3A_1251 : memref<80x32xf32, #tpu.memory_space<vmem>>) target(%dma_start3A_1257 : memref<10240x32xf32, #tpu.memory_space<vmem_shared>>) offsets(%dma_start3A_1254 : memref<80xi32, #tpu.memory_space<vmem>>) semaphore(%arg14 : memref<!tpu.dma_semaphore, #tpu.memory_space<semaphore_mem>>) {add = true}
      %add3A_1258 = arith.constant 10 : i32
      %add3A_1259 = arith.addi %add3A_1127, %add3A_1258 : i32
      %dma_start3A_1260 = arith.constant 10 : i32
      %dma_start3A_1261 = arith.constant 0 : i32
      %dma_start3A_1262 = arith.constant 0 : i32
      %dma_start3A_1263 = tpu.memref_slice %arg10[%dma_start3A_1260, %dma_start3A_1261, %dma_start3A_1262] : memref<12x80x32xf32, #tpu.memory_space<vmem>> -> memref<1x80x32xf32, #tpu.memory_space<vmem>>
      %dma_start3A_1264 = tpu.memref_squeeze %dma_start3A_1263 : memref<1x80x32xf32, #tpu.memory_space<vmem>> -> memref<80x32xf32, #tpu.memory_space<vmem>>
      %dma_start3A_1265 = arith.constant 0 : i32
      %dma_start3A_1266 = tpu.memref_slice %arg8[%add3A_1259, %dma_start3A_1265] : memref<125x80xi32, #tpu.memory_space<vmem>> -> memref<1x80xi32, #tpu.memory_space<vmem>>
      %dma_start3A_1267 = tpu.memref_squeeze %dma_start3A_1266 : memref<1x80xi32, #tpu.memory_space<vmem>> -> memref<80xi32, #tpu.memory_space<vmem>>
      %dma_start3A_1268 = arith.constant 0 : i32
      %dma_start3A_1269 = arith.constant 0 : i32
      %dma_start3A_1270 = tpu.memref_slice %arg15[%dma_start3A_1268, %dma_start3A_1269] : memref<10240x32xf32, #tpu.memory_space<vmem_shared>> -> memref<10240x32xf32, #tpu.memory_space<vmem_shared>>
      tpu.enqueue_indirect_dma source(%dma_start3A_1264 : memref<80x32xf32, #tpu.memory_space<vmem>>) target(%dma_start3A_1270 : memref<10240x32xf32, #tpu.memory_space<vmem_shared>>) offsets(%dma_start3A_1267 : memref<80xi32, #tpu.memory_space<vmem>>) semaphore(%arg14 : memref<!tpu.dma_semaphore, #tpu.memory_space<semaphore_mem>>) {add = true}
      %add3A_1271 = arith.constant 11 : i32
      %add3A_1272 = arith.addi %add3A_1127, %add3A_1271 : i32
      %dma_start3A_1273 = arith.constant 11 : i32
      %dma_start3A_1274 = arith.constant 0 : i32
      %dma_start3A_1275 = arith.constant 0 : i32
      %dma_start3A_1276 = tpu.memref_slice %arg10[%dma_start3A_1273, %dma_start3A_1274, %dma_start3A_1275] : memref<12x80x32xf32, #tpu.memory_space<vmem>> -> memref<1x80x32xf32, #tpu.memory_space<vmem>>
      %dma_start3A_1277 = tpu.memref_squeeze %dma_start3A_1276 : memref<1x80x32xf32, #tpu.memory_space<vmem>> -> memref<80x32xf32, #tpu.memory_space<vmem>>
      %dma_start3A_1278 = arith.constant 0 : i32
      %dma_start3A_1279 = tpu.memref_slice %arg8[%add3A_1272, %dma_start3A_1278] : memref<125x80xi32, #tpu.memory_space<vmem>> -> memref<1x80xi32, #tpu.memory_space<vmem>>
      %dma_start3A_1280 = tpu.memref_squeeze %dma_start3A_1279 : memref<1x80xi32, #tpu.memory_space<vmem>> -> memref<80xi32, #tpu.memory_space<vmem>>
      %dma_start3A_1281 = arith.constant 0 : i32
      %dma_start3A_1282 = arith.constant 0 : i32
      %dma_start3A_1283 = tpu.memref_slice %arg15[%dma_start3A_1281, %dma_start3A_1282] : memref<10240x32xf32, #tpu.memory_space<vmem_shared>> -> memref<10240x32xf32, #tpu.memory_space<vmem_shared>>
      tpu.enqueue_indirect_dma source(%dma_start3A_1277 : memref<80x32xf32, #tpu.memory_space<vmem>>) target(%dma_start3A_1283 : memref<10240x32xf32, #tpu.memory_space<vmem_shared>>) offsets(%dma_start3A_1280 : memref<80xi32, #tpu.memory_space<vmem>>) semaphore(%arg14 : memref<!tpu.dma_semaphore, #tpu.memory_space<semaphore_mem>>) {add = true}
      %dma_wait3A_1284 = arith.constant 0 : i32
      %dma_wait3A_1285 = arith.constant 0 : i32
      %dma_wait3A_1286 = arith.constant 0 : i32
      %dma_wait3A_1287 = tpu.memref_slice %arg10[%dma_wait3A_1284, %dma_wait3A_1285, %dma_wait3A_1286] : memref<12x80x32xf32, #tpu.memory_space<vmem>> -> memref<1x80x32xf32, #tpu.memory_space<vmem>>
      %dma_wait3A_1288 = tpu.memref_squeeze %dma_wait3A_1287 : memref<1x80x32xf32, #tpu.memory_space<vmem>> -> memref<80x32xf32, #tpu.memory_space<vmem>>
      %dma_wait3A_1289 = arith.constant 0 : i32
      %dma_wait3A_1290 = tpu.memref_slice %arg8[%add3A_1129, %dma_wait3A_1289] : memref<125x80xi32, #tpu.memory_space<vmem>> -> memref<1x80xi32, #tpu.memory_space<vmem>>
      %dma_wait3A_1291 = tpu.memref_squeeze %dma_wait3A_1290 : memref<1x80xi32, #tpu.memory_space<vmem>> -> memref<80xi32, #tpu.memory_space<vmem>>
      %dma_wait3A_1292 = arith.constant 0 : i32
      %dma_wait3A_1293 = arith.constant 0 : i32
      %dma_wait3A_1294 = tpu.memref_slice %arg15[%dma_wait3A_1292, %dma_wait3A_1293] : memref<10240x32xf32, #tpu.memory_space<vmem_shared>> -> memref<10240x32xf32, #tpu.memory_space<vmem_shared>>
      tpu.wait_indirect_dma semaphore(%arg14 : memref<!tpu.dma_semaphore, #tpu.memory_space<semaphore_mem>>) src(%dma_wait3A_1288 : memref<80x32xf32, #tpu.memory_space<vmem>>) dst(%dma_wait3A_1294 : memref<10240x32xf32, #tpu.memory_space<vmem_shared>>)
      %dma_wait3A_1295 = arith.constant 1 : i32
      %dma_wait3A_1296 = arith.constant 0 : i32
      %dma_wait3A_1297 = arith.constant 0 : i32
      %dma_wait3A_1298 = tpu.memref_slice %arg10[%dma_wait3A_1295, %dma_wait3A_1296, %dma_wait3A_1297] : memref<12x80x32xf32, #tpu.memory_space<vmem>> -> memref<1x80x32xf32, #tpu.memory_space<vmem>>
      %dma_wait3A_1299 = tpu.memref_squeeze %dma_wait3A_1298 : memref<1x80x32xf32, #tpu.memory_space<vmem>> -> memref<80x32xf32, #tpu.memory_space<vmem>>
      %dma_wait3A_1300 = arith.constant 0 : i32
      %dma_wait3A_1301 = tpu.memref_slice %arg8[%add3A_1142, %dma_wait3A_1300] : memref<125x80xi32, #tpu.memory_space<vmem>> -> memref<1x80xi32, #tpu.memory_space<vmem>>
      %dma_wait3A_1302 = tpu.memref_squeeze %dma_wait3A_1301 : memref<1x80xi32, #tpu.memory_space<vmem>> -> memref<80xi32, #tpu.memory_space<vmem>>
      %dma_wait3A_1303 = arith.constant 0 : i32
      %dma_wait3A_1304 = arith.constant 0 : i32
      %dma_wait3A_1305 = tpu.memref_slice %arg15[%dma_wait3A_1303, %dma_wait3A_1304] : memref<10240x32xf32, #tpu.memory_space<vmem_shared>> -> memref<10240x32xf32, #tpu.memory_space<vmem_shared>>
      tpu.wait_indirect_dma semaphore(%arg14 : memref<!tpu.dma_semaphore, #tpu.memory_space<semaphore_mem>>) src(%dma_wait3A_1299 : memref<80x32xf32, #tpu.memory_space<vmem>>) dst(%dma_wait3A_1305 : memref<10240x32xf32, #tpu.memory_space<vmem_shared>>)
      %dma_wait3A_1306 = arith.constant 2 : i32
      %dma_wait3A_1307 = arith.constant 0 : i32
      %dma_wait3A_1308 = arith.constant 0 : i32
      %dma_wait3A_1309 = tpu.memref_slice %arg10[%dma_wait3A_1306, %dma_wait3A_1307, %dma_wait3A_1308] : memref<12x80x32xf32, #tpu.memory_space<vmem>> -> memref<1x80x32xf32, #tpu.memory_space<vmem>>
      %dma_wait3A_1310 = tpu.memref_squeeze %dma_wait3A_1309 : memref<1x80x32xf32, #tpu.memory_space<vmem>> -> memref<80x32xf32, #tpu.memory_space<vmem>>
      %dma_wait3A_1311 = arith.constant 0 : i32
      %dma_wait3A_1312 = tpu.memref_slice %arg8[%add3A_1155, %dma_wait3A_1311] : memref<125x80xi32, #tpu.memory_space<vmem>> -> memref<1x80xi32, #tpu.memory_space<vmem>>
      %dma_wait3A_1313 = tpu.memref_squeeze %dma_wait3A_1312 : memref<1x80xi32, #tpu.memory_space<vmem>> -> memref<80xi32, #tpu.memory_space<vmem>>
      %dma_wait3A_1314 = arith.constant 0 : i32
      %dma_wait3A_1315 = arith.constant 0 : i32
      %dma_wait3A_1316 = tpu.memref_slice %arg15[%dma_wait3A_1314, %dma_wait3A_1315] : memref<10240x32xf32, #tpu.memory_space<vmem_shared>> -> memref<10240x32xf32, #tpu.memory_space<vmem_shared>>
      tpu.wait_indirect_dma semaphore(%arg14 : memref<!tpu.dma_semaphore, #tpu.memory_space<semaphore_mem>>) src(%dma_wait3A_1310 : memref<80x32xf32, #tpu.memory_space<vmem>>) dst(%dma_wait3A_1316 : memref<10240x32xf32, #tpu.memory_space<vmem_shared>>)
      %dma_wait3A_1317 = arith.constant 3 : i32
      %dma_wait3A_1318 = arith.constant 0 : i32
      %dma_wait3A_1319 = arith.constant 0 : i32
      %dma_wait3A_1320 = tpu.memref_slice %arg10[%dma_wait3A_1317, %dma_wait3A_1318, %dma_wait3A_1319] : memref<12x80x32xf32, #tpu.memory_space<vmem>> -> memref<1x80x32xf32, #tpu.memory_space<vmem>>
      %dma_wait3A_1321 = tpu.memref_squeeze %dma_wait3A_1320 : memref<1x80x32xf32, #tpu.memory_space<vmem>> -> memref<80x32xf32, #tpu.memory_space<vmem>>
      %dma_wait3A_1322 = arith.constant 0 : i32
      %dma_wait3A_1323 = tpu.memref_slice %arg8[%add3A_1168, %dma_wait3A_1322] : memref<125x80xi32, #tpu.memory_space<vmem>> -> memref<1x80xi32, #tpu.memory_space<vmem>>
      %dma_wait3A_1324 = tpu.memref_squeeze %dma_wait3A_1323 : memref<1x80xi32, #tpu.memory_space<vmem>> -> memref<80xi32, #tpu.memory_space<vmem>>
      %dma_wait3A_1325 = arith.constant 0 : i32
      %dma_wait3A_1326 = arith.constant 0 : i32
      %dma_wait3A_1327 = tpu.memref_slice %arg15[%dma_wait3A_1325, %dma_wait3A_1326] : memref<10240x32xf32, #tpu.memory_space<vmem_shared>> -> memref<10240x32xf32, #tpu.memory_space<vmem_shared>>
      tpu.wait_indirect_dma semaphore(%arg14 : memref<!tpu.dma_semaphore, #tpu.memory_space<semaphore_mem>>) src(%dma_wait3A_1321 : memref<80x32xf32, #tpu.memory_space<vmem>>) dst(%dma_wait3A_1327 : memref<10240x32xf32, #tpu.memory_space<vmem_shared>>)
      %dma_wait3A_1328 = arith.constant 4 : i32
      %dma_wait3A_1329 = arith.constant 0 : i32
      %dma_wait3A_1330 = arith.constant 0 : i32
      %dma_wait3A_1331 = tpu.memref_slice %arg10[%dma_wait3A_1328, %dma_wait3A_1329, %dma_wait3A_1330] : memref<12x80x32xf32, #tpu.memory_space<vmem>> -> memref<1x80x32xf32, #tpu.memory_space<vmem>>
      %dma_wait3A_1332 = tpu.memref_squeeze %dma_wait3A_1331 : memref<1x80x32xf32, #tpu.memory_space<vmem>> -> memref<80x32xf32, #tpu.memory_space<vmem>>
      %dma_wait3A_1333 = arith.constant 0 : i32
      %dma_wait3A_1334 = tpu.memref_slice %arg8[%add3A_1181, %dma_wait3A_1333] : memref<125x80xi32, #tpu.memory_space<vmem>> -> memref<1x80xi32, #tpu.memory_space<vmem>>
      %dma_wait3A_1335 = tpu.memref_squeeze %dma_wait3A_1334 : memref<1x80xi32, #tpu.memory_space<vmem>> -> memref<80xi32, #tpu.memory_space<vmem>>
      %dma_wait3A_1336 = arith.constant 0 : i32
      %dma_wait3A_1337 = arith.constant 0 : i32
      %dma_wait3A_1338 = tpu.memref_slice %arg15[%dma_wait3A_1336, %dma_wait3A_1337] : memref<10240x32xf32, #tpu.memory_space<vmem_shared>> -> memref<10240x32xf32, #tpu.memory_space<vmem_shared>>
      tpu.wait_indirect_dma semaphore(%arg14 : memref<!tpu.dma_semaphore, #tpu.memory_space<semaphore_mem>>) src(%dma_wait3A_1332 : memref<80x32xf32, #tpu.memory_space<vmem>>) dst(%dma_wait3A_1338 : memref<10240x32xf32, #tpu.memory_space<vmem_shared>>)
      %dma_wait3A_1339 = arith.constant 5 : i32
      %dma_wait3A_1340 = arith.constant 0 : i32
      %dma_wait3A_1341 = arith.constant 0 : i32
      %dma_wait3A_1342 = tpu.memref_slice %arg10[%dma_wait3A_1339, %dma_wait3A_1340, %dma_wait3A_1341] : memref<12x80x32xf32, #tpu.memory_space<vmem>> -> memref<1x80x32xf32, #tpu.memory_space<vmem>>
      %dma_wait3A_1343 = tpu.memref_squeeze %dma_wait3A_1342 : memref<1x80x32xf32, #tpu.memory_space<vmem>> -> memref<80x32xf32, #tpu.memory_space<vmem>>
      %dma_wait3A_1344 = arith.constant 0 : i32
      %dma_wait3A_1345 = tpu.memref_slice %arg8[%add3A_1194, %dma_wait3A_1344] : memref<125x80xi32, #tpu.memory_space<vmem>> -> memref<1x80xi32, #tpu.memory_space<vmem>>
      %dma_wait3A_1346 = tpu.memref_squeeze %dma_wait3A_1345 : memref<1x80xi32, #tpu.memory_space<vmem>> -> memref<80xi32, #tpu.memory_space<vmem>>
      %dma_wait3A_1347 = arith.constant 0 : i32
      %dma_wait3A_1348 = arith.constant 0 : i32
      %dma_wait3A_1349 = tpu.memref_slice %arg15[%dma_wait3A_1347, %dma_wait3A_1348] : memref<10240x32xf32, #tpu.memory_space<vmem_shared>> -> memref<10240x32xf32, #tpu.memory_space<vmem_shared>>
      tpu.wait_indirect_dma semaphore(%arg14 : memref<!tpu.dma_semaphore, #tpu.memory_space<semaphore_mem>>) src(%dma_wait3A_1343 : memref<80x32xf32, #tpu.memory_space<vmem>>) dst(%dma_wait3A_1349 : memref<10240x32xf32, #tpu.memory_space<vmem_shared>>)
      %dma_wait3A_1350 = arith.constant 6 : i32
      %dma_wait3A_1351 = arith.constant 0 : i32
      %dma_wait3A_1352 = arith.constant 0 : i32
      %dma_wait3A_1353 = tpu.memref_slice %arg10[%dma_wait3A_1350, %dma_wait3A_1351, %dma_wait3A_1352] : memref<12x80x32xf32, #tpu.memory_space<vmem>> -> memref<1x80x32xf32, #tpu.memory_space<vmem>>
      %dma_wait3A_1354 = tpu.memref_squeeze %dma_wait3A_1353 : memref<1x80x32xf32, #tpu.memory_space<vmem>> -> memref<80x32xf32, #tpu.memory_space<vmem>>
      %dma_wait3A_1355 = arith.constant 0 : i32
      %dma_wait3A_1356 = tpu.memref_slice %arg8[%add3A_1207, %dma_wait3A_1355] : memref<125x80xi32, #tpu.memory_space<vmem>> -> memref<1x80xi32, #tpu.memory_space<vmem>>
      %dma_wait3A_1357 = tpu.memref_squeeze %dma_wait3A_1356 : memref<1x80xi32, #tpu.memory_space<vmem>> -> memref<80xi32, #tpu.memory_space<vmem>>
      %dma_wait3A_1358 = arith.constant 0 : i32
      %dma_wait3A_1359 = arith.constant 0 : i32
      %dma_wait3A_1360 = tpu.memref_slice %arg15[%dma_wait3A_1358, %dma_wait3A_1359] : memref<10240x32xf32, #tpu.memory_space<vmem_shared>> -> memref<10240x32xf32, #tpu.memory_space<vmem_shared>>
      tpu.wait_indirect_dma semaphore(%arg14 : memref<!tpu.dma_semaphore, #tpu.memory_space<semaphore_mem>>) src(%dma_wait3A_1354 : memref<80x32xf32, #tpu.memory_space<vmem>>) dst(%dma_wait3A_1360 : memref<10240x32xf32, #tpu.memory_space<vmem_shared>>)
      %dma_wait3A_1361 = arith.constant 7 : i32
      %dma_wait3A_1362 = arith.constant 0 : i32
      %dma_wait3A_1363 = arith.constant 0 : i32
      %dma_wait3A_1364 = tpu.memref_slice %arg10[%dma_wait3A_1361, %dma_wait3A_1362, %dma_wait3A_1363] : memref<12x80x32xf32, #tpu.memory_space<vmem>> -> memref<1x80x32xf32, #tpu.memory_space<vmem>>
      %dma_wait3A_1365 = tpu.memref_squeeze %dma_wait3A_1364 : memref<1x80x32xf32, #tpu.memory_space<vmem>> -> memref<80x32xf32, #tpu.memory_space<vmem>>
      %dma_wait3A_1366 = arith.constant 0 : i32
      %dma_wait3A_1367 = tpu.memref_slice %arg8[%add3A_1220, %dma_wait3A_1366] : memref<125x80xi32, #tpu.memory_space<vmem>> -> memref<1x80xi32, #tpu.memory_space<vmem>>
      %dma_wait3A_1368 = tpu.memref_squeeze %dma_wait3A_1367 : memref<1x80xi32, #tpu.memory_space<vmem>> -> memref<80xi32, #tpu.memory_space<vmem>>
      %dma_wait3A_1369 = arith.constant 0 : i32
      %dma_wait3A_1370 = arith.constant 0 : i32
      %dma_wait3A_1371 = tpu.memref_slice %arg15[%dma_wait3A_1369, %dma_wait3A_1370] : memref<10240x32xf32, #tpu.memory_space<vmem_shared>> -> memref<10240x32xf32, #tpu.memory_space<vmem_shared>>
      tpu.wait_indirect_dma semaphore(%arg14 : memref<!tpu.dma_semaphore, #tpu.memory_space<semaphore_mem>>) src(%dma_wait3A_1365 : memref<80x32xf32, #tpu.memory_space<vmem>>) dst(%dma_wait3A_1371 : memref<10240x32xf32, #tpu.memory_space<vmem_shared>>)
      %dma_wait3A_1372 = arith.constant 8 : i32
      %dma_wait3A_1373 = arith.constant 0 : i32
      %dma_wait3A_1374 = arith.constant 0 : i32
      %dma_wait3A_1375 = tpu.memref_slice %arg10[%dma_wait3A_1372, %dma_wait3A_1373, %dma_wait3A_1374] : memref<12x80x32xf32, #tpu.memory_space<vmem>> -> memref<1x80x32xf32, #tpu.memory_space<vmem>>
      %dma_wait3A_1376 = tpu.memref_squeeze %dma_wait3A_1375 : memref<1x80x32xf32, #tpu.memory_space<vmem>> -> memref<80x32xf32, #tpu.memory_space<vmem>>
      %dma_wait3A_1377 = arith.constant 0 : i32
      %dma_wait3A_1378 = tpu.memref_slice %arg8[%add3A_1233, %dma_wait3A_1377] : memref<125x80xi32, #tpu.memory_space<vmem>> -> memref<1x80xi32, #tpu.memory_space<vmem>>
      %dma_wait3A_1379 = tpu.memref_squeeze %dma_wait3A_1378 : memref<1x80xi32, #tpu.memory_space<vmem>> -> memref<80xi32, #tpu.memory_space<vmem>>
      %dma_wait3A_1380 = arith.constant 0 : i32
      %dma_wait3A_1381 = arith.constant 0 : i32
      %dma_wait3A_1382 = tpu.memref_slice %arg15[%dma_wait3A_1380, %dma_wait3A_1381] : memref<10240x32xf32, #tpu.memory_space<vmem_shared>> -> memref<10240x32xf32, #tpu.memory_space<vmem_shared>>
      tpu.wait_indirect_dma semaphore(%arg14 : memref<!tpu.dma_semaphore, #tpu.memory_space<semaphore_mem>>) src(%dma_wait3A_1376 : memref<80x32xf32, #tpu.memory_space<vmem>>) dst(%dma_wait3A_1382 : memref<10240x32xf32, #tpu.memory_space<vmem_shared>>)
      %dma_wait3A_1383 = arith.constant 9 : i32
      %dma_wait3A_1384 = arith.constant 0 : i32
      %dma_wait3A_1385 = arith.constant 0 : i32
      %dma_wait3A_1386 = tpu.memref_slice %arg10[%dma_wait3A_1383, %dma_wait3A_1384, %dma_wait3A_1385] : memref<12x80x32xf32, #tpu.memory_space<vmem>> -> memref<1x80x32xf32, #tpu.memory_space<vmem>>
      %dma_wait3A_1387 = tpu.memref_squeeze %dma_wait3A_1386 : memref<1x80x32xf32, #tpu.memory_space<vmem>> -> memref<80x32xf32, #tpu.memory_space<vmem>>
      %dma_wait3A_1388 = arith.constant 0 : i32
      %dma_wait3A_1389 = tpu.memref_slice %arg8[%add3A_1246, %dma_wait3A_1388] : memref<125x80xi32, #tpu.memory_space<vmem>> -> memref<1x80xi32, #tpu.memory_space<vmem>>
      %dma_wait3A_1390 = tpu.memref_squeeze %dma_wait3A_1389 : memref<1x80xi32, #tpu.memory_space<vmem>> -> memref<80xi32, #tpu.memory_space<vmem>>
      %dma_wait3A_1391 = arith.constant 0 : i32
      %dma_wait3A_1392 = arith.constant 0 : i32
      %dma_wait3A_1393 = tpu.memref_slice %arg15[%dma_wait3A_1391, %dma_wait3A_1392] : memref<10240x32xf32, #tpu.memory_space<vmem_shared>> -> memref<10240x32xf32, #tpu.memory_space<vmem_shared>>
      tpu.wait_indirect_dma semaphore(%arg14 : memref<!tpu.dma_semaphore, #tpu.memory_space<semaphore_mem>>) src(%dma_wait3A_1387 : memref<80x32xf32, #tpu.memory_space<vmem>>) dst(%dma_wait3A_1393 : memref<10240x32xf32, #tpu.memory_space<vmem_shared>>)
      %dma_wait3A_1394 = arith.constant 10 : i32
      %dma_wait3A_1395 = arith.constant 0 : i32
      %dma_wait3A_1396 = arith.constant 0 : i32
      %dma_wait3A_1397 = tpu.memref_slice %arg10[%dma_wait3A_1394, %dma_wait3A_1395, %dma_wait3A_1396] : memref<12x80x32xf32, #tpu.memory_space<vmem>> -> memref<1x80x32xf32, #tpu.memory_space<vmem>>
      %dma_wait3A_1398 = tpu.memref_squeeze %dma_wait3A_1397 : memref<1x80x32xf32, #tpu.memory_space<vmem>> -> memref<80x32xf32, #tpu.memory_space<vmem>>
      %dma_wait3A_1399 = arith.constant 0 : i32
      %dma_wait3A_1400 = tpu.memref_slice %arg8[%add3A_1259, %dma_wait3A_1399] : memref<125x80xi32, #tpu.memory_space<vmem>> -> memref<1x80xi32, #tpu.memory_space<vmem>>
      %dma_wait3A_1401 = tpu.memref_squeeze %dma_wait3A_1400 : memref<1x80xi32, #tpu.memory_space<vmem>> -> memref<80xi32, #tpu.memory_space<vmem>>
      %dma_wait3A_1402 = arith.constant 0 : i32
      %dma_wait3A_1403 = arith.constant 0 : i32
      %dma_wait3A_1404 = tpu.memref_slice %arg15[%dma_wait3A_1402, %dma_wait3A_1403] : memref<10240x32xf32, #tpu.memory_space<vmem_shared>> -> memref<10240x32xf32, #tpu.memory_space<vmem_shared>>
      tpu.wait_indirect_dma semaphore(%arg14 : memref<!tpu.dma_semaphore, #tpu.memory_space<semaphore_mem>>) src(%dma_wait3A_1398 : memref<80x32xf32, #tpu.memory_space<vmem>>) dst(%dma_wait3A_1404 : memref<10240x32xf32, #tpu.memory_space<vmem_shared>>)
      %dma_wait3A_1405 = arith.constant 11 : i32
      %dma_wait3A_1406 = arith.constant 0 : i32
      %dma_wait3A_1407 = arith.constant 0 : i32
      %dma_wait3A_1408 = tpu.memref_slice %arg10[%dma_wait3A_1405, %dma_wait3A_1406, %dma_wait3A_1407] : memref<12x80x32xf32, #tpu.memory_space<vmem>> -> memref<1x80x32xf32, #tpu.memory_space<vmem>>
      %dma_wait3A_1409 = tpu.memref_squeeze %dma_wait3A_1408 : memref<1x80x32xf32, #tpu.memory_space<vmem>> -> memref<80x32xf32, #tpu.memory_space<vmem>>
      %dma_wait3A_1410 = arith.constant 0 : i32
      %dma_wait3A_1411 = tpu.memref_slice %arg8[%add3A_1272, %dma_wait3A_1410] : memref<125x80xi32, #tpu.memory_space<vmem>> -> memref<1x80xi32, #tpu.memory_space<vmem>>
      %dma_wait3A_1412 = tpu.memref_squeeze %dma_wait3A_1411 : memref<1x80xi32, #tpu.memory_space<vmem>> -> memref<80xi32, #tpu.memory_space<vmem>>
      %dma_wait3A_1413 = arith.constant 0 : i32
      %dma_wait3A_1414 = arith.constant 0 : i32
      %dma_wait3A_1415 = tpu.memref_slice %arg15[%dma_wait3A_1413, %dma_wait3A_1414] : memref<10240x32xf32, #tpu.memory_space<vmem_shared>> -> memref<10240x32xf32, #tpu.memory_space<vmem_shared>>
      tpu.wait_indirect_dma semaphore(%arg14 : memref<!tpu.dma_semaphore, #tpu.memory_space<semaphore_mem>>) src(%dma_wait3A_1409 : memref<80x32xf32, #tpu.memory_space<vmem>>) dst(%dma_wait3A_1415 : memref<10240x32xf32, #tpu.memory_space<vmem_shared>>)
      %scan3A_1416 = arith.constant 0 : i32
      scf.yield %scan3A_1416 : i32
    }
    %scan3A_10 = arith.constant 5 : i32
    %dma_start3A = arith.constant 120 : i32
    %dma_start3A_11 = arith.constant 0 : i32
    %dma_start3A_12 = arith.constant 0 : i32
    %dma_start3A_13 = arith.constant 0 : i32
    %dma_start3A_14 = tpu.memref_slice %arg9[%dma_start3A_11, %dma_start3A_12, %dma_start3A_13] : memref<12x80x32xf32, #tpu.memory_space<vmem>> -> memref<1x80x32xf32, #tpu.memory_space<vmem>>
    %dma_start3A_15 = tpu.memref_squeeze %dma_start3A_14 : memref<1x80x32xf32, #tpu.memory_space<vmem>> -> memref<80x32xf32, #tpu.memory_space<vmem>>
    %dma_start3A_16 = arith.constant 0 : i32
    %dma_start3A_17 = tpu.memref_slice %arg7[%dma_start3A, %dma_start3A_16] : memref<125x80xi32, #tpu.memory_space<vmem>> -> memref<1x80xi32, #tpu.memory_space<vmem>>
    %dma_start3A_18 = tpu.memref_squeeze %dma_start3A_17 : memref<1x80xi32, #tpu.memory_space<vmem>> -> memref<80xi32, #tpu.memory_space<vmem>>
    %dma_start3A_19 = arith.constant 0 : i32
    %dma_start3A_20 = arith.constant 0 : i32
    %dma_start3A_21 = tpu.memref_slice %arg4[%dma_start3A_19, %dma_start3A_20] : memref<10000x32xf32, #tpu.memory_space<hbm>> -> memref<10000x32xf32, #tpu.memory_space<hbm>>
    tpu.enqueue_indirect_dma source(%dma_start3A_21 : memref<10000x32xf32, #tpu.memory_space<hbm>>) target(%dma_start3A_15 : memref<80x32xf32, #tpu.memory_space<vmem>>) offsets(%dma_start3A_18 : memref<80xi32, #tpu.memory_space<vmem>>) semaphore(%arg11 : memref<!tpu.dma_semaphore, #tpu.memory_space<semaphore_mem>>)
    %dma_start3A_22 = arith.constant 121 : i32
    %dma_start3A_23 = arith.constant 1 : i32
    %dma_start3A_24 = arith.constant 0 : i32
    %dma_start3A_25 = arith.constant 0 : i32
    %dma_start3A_26 = tpu.memref_slice %arg9[%dma_start3A_23, %dma_start3A_24, %dma_start3A_25] : memref<12x80x32xf32, #tpu.memory_space<vmem>> -> memref<1x80x32xf32, #tpu.memory_space<vmem>>
    %dma_start3A_27 = tpu.memref_squeeze %dma_start3A_26 : memref<1x80x32xf32, #tpu.memory_space<vmem>> -> memref<80x32xf32, #tpu.memory_space<vmem>>
    %dma_start3A_28 = arith.constant 0 : i32
    %dma_start3A_29 = tpu.memref_slice %arg7[%dma_start3A_22, %dma_start3A_28] : memref<125x80xi32, #tpu.memory_space<vmem>> -> memref<1x80xi32, #tpu.memory_space<vmem>>
    %dma_start3A_30 = tpu.memref_squeeze %dma_start3A_29 : memref<1x80xi32, #tpu.memory_space<vmem>> -> memref<80xi32, #tpu.memory_space<vmem>>
    %dma_start3A_31 = arith.constant 0 : i32
    %dma_start3A_32 = arith.constant 0 : i32
    %dma_start3A_33 = tpu.memref_slice %arg4[%dma_start3A_31, %dma_start3A_32] : memref<10000x32xf32, #tpu.memory_space<hbm>> -> memref<10000x32xf32, #tpu.memory_space<hbm>>
    tpu.enqueue_indirect_dma source(%dma_start3A_33 : memref<10000x32xf32, #tpu.memory_space<hbm>>) target(%dma_start3A_27 : memref<80x32xf32, #tpu.memory_space<vmem>>) offsets(%dma_start3A_30 : memref<80xi32, #tpu.memory_space<vmem>>) semaphore(%arg11 : memref<!tpu.dma_semaphore, #tpu.memory_space<semaphore_mem>>)
    %dma_start3A_34 = arith.constant 122 : i32
    %dma_start3A_35 = arith.constant 2 : i32
    %dma_start3A_36 = arith.constant 0 : i32
    %dma_start3A_37 = arith.constant 0 : i32
    %dma_start3A_38 = tpu.memref_slice %arg9[%dma_start3A_35, %dma_start3A_36, %dma_start3A_37] : memref<12x80x32xf32, #tpu.memory_space<vmem>> -> memref<1x80x32xf32, #tpu.memory_space<vmem>>
    %dma_start3A_39 = tpu.memref_squeeze %dma_start3A_38 : memref<1x80x32xf32, #tpu.memory_space<vmem>> -> memref<80x32xf32, #tpu.memory_space<vmem>>
    %dma_start3A_40 = arith.constant 0 : i32
    %dma_start3A_41 = tpu.memref_slice %arg7[%dma_start3A_34, %dma_start3A_40] : memref<125x80xi32, #tpu.memory_space<vmem>> -> memref<1x80xi32, #tpu.memory_space<vmem>>
    %dma_start3A_42 = tpu.memref_squeeze %dma_start3A_41 : memref<1x80xi32, #tpu.memory_space<vmem>> -> memref<80xi32, #tpu.memory_space<vmem>>
    %dma_start3A_43 = arith.constant 0 : i32
    %dma_start3A_44 = arith.constant 0 : i32
    %dma_start3A_45 = tpu.memref_slice %arg4[%dma_start3A_43, %dma_start3A_44] : memref<10000x32xf32, #tpu.memory_space<hbm>> -> memref<10000x32xf32, #tpu.memory_space<hbm>>
    tpu.enqueue_indirect_dma source(%dma_start3A_45 : memref<10000x32xf32, #tpu.memory_space<hbm>>) target(%dma_start3A_39 : memref<80x32xf32, #tpu.memory_space<vmem>>) offsets(%dma_start3A_42 : memref<80xi32, #tpu.memory_space<vmem>>) semaphore(%arg11 : memref<!tpu.dma_semaphore, #tpu.memory_space<semaphore_mem>>)
    %dma_start3A_46 = arith.constant 123 : i32
    %dma_start3A_47 = arith.constant 3 : i32
    %dma_start3A_48 = arith.constant 0 : i32
    %dma_start3A_49 = arith.constant 0 : i32
    %dma_start3A_50 = tpu.memref_slice %arg9[%dma_start3A_47, %dma_start3A_48, %dma_start3A_49] : memref<12x80x32xf32, #tpu.memory_space<vmem>> -> memref<1x80x32xf32, #tpu.memory_space<vmem>>
    %dma_start3A_51 = tpu.memref_squeeze %dma_start3A_50 : memref<1x80x32xf32, #tpu.memory_space<vmem>> -> memref<80x32xf32, #tpu.memory_space<vmem>>
    %dma_start3A_52 = arith.constant 0 : i32
    %dma_start3A_53 = tpu.memref_slice %arg7[%dma_start3A_46, %dma_start3A_52] : memref<125x80xi32, #tpu.memory_space<vmem>> -> memref<1x80xi32, #tpu.memory_space<vmem>>
    %dma_start3A_54 = tpu.memref_squeeze %dma_start3A_53 : memref<1x80xi32, #tpu.memory_space<vmem>> -> memref<80xi32, #tpu.memory_space<vmem>>
    %dma_start3A_55 = arith.constant 0 : i32
    %dma_start3A_56 = arith.constant 0 : i32
    %dma_start3A_57 = tpu.memref_slice %arg4[%dma_start3A_55, %dma_start3A_56] : memref<10000x32xf32, #tpu.memory_space<hbm>> -> memref<10000x32xf32, #tpu.memory_space<hbm>>
    tpu.enqueue_indirect_dma source(%dma_start3A_57 : memref<10000x32xf32, #tpu.memory_space<hbm>>) target(%dma_start3A_51 : memref<80x32xf32, #tpu.memory_space<vmem>>) offsets(%dma_start3A_54 : memref<80xi32, #tpu.memory_space<vmem>>) semaphore(%arg11 : memref<!tpu.dma_semaphore, #tpu.memory_space<semaphore_mem>>)
    %dma_start3A_58 = arith.constant 124 : i32
    %dma_start3A_59 = arith.constant 4 : i32
    %dma_start3A_60 = arith.constant 0 : i32
    %dma_start3A_61 = arith.constant 0 : i32
    %dma_start3A_62 = tpu.memref_slice %arg9[%dma_start3A_59, %dma_start3A_60, %dma_start3A_61] : memref<12x80x32xf32, #tpu.memory_space<vmem>> -> memref<1x80x32xf32, #tpu.memory_space<vmem>>
    %dma_start3A_63 = tpu.memref_squeeze %dma_start3A_62 : memref<1x80x32xf32, #tpu.memory_space<vmem>> -> memref<80x32xf32, #tpu.memory_space<vmem>>
    %dma_start3A_64 = arith.constant 0 : i32
    %dma_start3A_65 = tpu.memref_slice %arg7[%dma_start3A_58, %dma_start3A_64] : memref<125x80xi32, #tpu.memory_space<vmem>> -> memref<1x80xi32, #tpu.memory_space<vmem>>
    %dma_start3A_66 = tpu.memref_squeeze %dma_start3A_65 : memref<1x80xi32, #tpu.memory_space<vmem>> -> memref<80xi32, #tpu.memory_space<vmem>>
    %dma_start3A_67 = arith.constant 0 : i32
    %dma_start3A_68 = arith.constant 0 : i32
    %dma_start3A_69 = tpu.memref_slice %arg4[%dma_start3A_67, %dma_start3A_68] : memref<10000x32xf32, #tpu.memory_space<hbm>> -> memref<10000x32xf32, #tpu.memory_space<hbm>>
    tpu.enqueue_indirect_dma source(%dma_start3A_69 : memref<10000x32xf32, #tpu.memory_space<hbm>>) target(%dma_start3A_63 : memref<80x32xf32, #tpu.memory_space<vmem>>) offsets(%dma_start3A_66 : memref<80xi32, #tpu.memory_space<vmem>>) semaphore(%arg11 : memref<!tpu.dma_semaphore, #tpu.memory_space<semaphore_mem>>)
    %dma_wait3A = arith.constant 120 : i32
    %dma_wait3A_70 = arith.constant 0 : i32
    %dma_wait3A_71 = arith.constant 0 : i32
    %dma_wait3A_72 = arith.constant 0 : i32
    %dma_wait3A_73 = tpu.memref_slice %arg9[%dma_wait3A_70, %dma_wait3A_71, %dma_wait3A_72] : memref<12x80x32xf32, #tpu.memory_space<vmem>> -> memref<1x80x32xf32, #tpu.memory_space<vmem>>
    %dma_wait3A_74 = tpu.memref_squeeze %dma_wait3A_73 : memref<1x80x32xf32, #tpu.memory_space<vmem>> -> memref<80x32xf32, #tpu.memory_space<vmem>>
    %dma_wait3A_75 = arith.constant 0 : i32
    %dma_wait3A_76 = tpu.memref_slice %arg7[%dma_wait3A, %dma_wait3A_75] : memref<125x80xi32, #tpu.memory_space<vmem>> -> memref<1x80xi32, #tpu.memory_space<vmem>>
    %dma_wait3A_77 = tpu.memref_squeeze %dma_wait3A_76 : memref<1x80xi32, #tpu.memory_space<vmem>> -> memref<80xi32, #tpu.memory_space<vmem>>
    %dma_wait3A_78 = arith.constant 0 : i32
    %dma_wait3A_79 = arith.constant 0 : i32
    %dma_wait3A_80 = tpu.memref_slice %arg4[%dma_wait3A_78, %dma_wait3A_79] : memref<10000x32xf32, #tpu.memory_space<hbm>> -> memref<10000x32xf32, #tpu.memory_space<hbm>>
    tpu.wait_indirect_dma semaphore(%arg11 : memref<!tpu.dma_semaphore, #tpu.memory_space<semaphore_mem>>) src(%dma_wait3A_80 : memref<10000x32xf32, #tpu.memory_space<hbm>>) dst(%dma_wait3A_74 : memref<80x32xf32, #tpu.memory_space<vmem>>)
    %dma_wait3A_81 = arith.constant 121 : i32
    %dma_wait3A_82 = arith.constant 1 : i32
    %dma_wait3A_83 = arith.constant 0 : i32
    %dma_wait3A_84 = arith.constant 0 : i32
    %dma_wait3A_85 = tpu.memref_slice %arg9[%dma_wait3A_82, %dma_wait3A_83, %dma_wait3A_84] : memref<12x80x32xf32, #tpu.memory_space<vmem>> -> memref<1x80x32xf32, #tpu.memory_space<vmem>>
    %dma_wait3A_86 = tpu.memref_squeeze %dma_wait3A_85 : memref<1x80x32xf32, #tpu.memory_space<vmem>> -> memref<80x32xf32, #tpu.memory_space<vmem>>
    %dma_wait3A_87 = arith.constant 0 : i32
    %dma_wait3A_88 = tpu.memref_slice %arg7[%dma_wait3A_81, %dma_wait3A_87] : memref<125x80xi32, #tpu.memory_space<vmem>> -> memref<1x80xi32, #tpu.memory_space<vmem>>
    %dma_wait3A_89 = tpu.memref_squeeze %dma_wait3A_88 : memref<1x80xi32, #tpu.memory_space<vmem>> -> memref<80xi32, #tpu.memory_space<vmem>>
    %dma_wait3A_90 = arith.constant 0 : i32
    %dma_wait3A_91 = arith.constant 0 : i32
    %dma_wait3A_92 = tpu.memref_slice %arg4[%dma_wait3A_90, %dma_wait3A_91] : memref<10000x32xf32, #tpu.memory_space<hbm>> -> memref<10000x32xf32, #tpu.memory_space<hbm>>
    tpu.wait_indirect_dma semaphore(%arg11 : memref<!tpu.dma_semaphore, #tpu.memory_space<semaphore_mem>>) src(%dma_wait3A_92 : memref<10000x32xf32, #tpu.memory_space<hbm>>) dst(%dma_wait3A_86 : memref<80x32xf32, #tpu.memory_space<vmem>>)
    %dma_wait3A_93 = arith.constant 122 : i32
    %dma_wait3A_94 = arith.constant 2 : i32
    %dma_wait3A_95 = arith.constant 0 : i32
    %dma_wait3A_96 = arith.constant 0 : i32
    %dma_wait3A_97 = tpu.memref_slice %arg9[%dma_wait3A_94, %dma_wait3A_95, %dma_wait3A_96] : memref<12x80x32xf32, #tpu.memory_space<vmem>> -> memref<1x80x32xf32, #tpu.memory_space<vmem>>
    %dma_wait3A_98 = tpu.memref_squeeze %dma_wait3A_97 : memref<1x80x32xf32, #tpu.memory_space<vmem>> -> memref<80x32xf32, #tpu.memory_space<vmem>>
    %dma_wait3A_99 = arith.constant 0 : i32
    %dma_wait3A_100 = tpu.memref_slice %arg7[%dma_wait3A_93, %dma_wait3A_99] : memref<125x80xi32, #tpu.memory_space<vmem>> -> memref<1x80xi32, #tpu.memory_space<vmem>>
    %dma_wait3A_101 = tpu.memref_squeeze %dma_wait3A_100 : memref<1x80xi32, #tpu.memory_space<vmem>> -> memref<80xi32, #tpu.memory_space<vmem>>
    %dma_wait3A_102 = arith.constant 0 : i32
    %dma_wait3A_103 = arith.constant 0 : i32
    %dma_wait3A_104 = tpu.memref_slice %arg4[%dma_wait3A_102, %dma_wait3A_103] : memref<10000x32xf32, #tpu.memory_space<hbm>> -> memref<10000x32xf32, #tpu.memory_space<hbm>>
    tpu.wait_indirect_dma semaphore(%arg11 : memref<!tpu.dma_semaphore, #tpu.memory_space<semaphore_mem>>) src(%dma_wait3A_104 : memref<10000x32xf32, #tpu.memory_space<hbm>>) dst(%dma_wait3A_98 : memref<80x32xf32, #tpu.memory_space<vmem>>)
    %dma_wait3A_105 = arith.constant 123 : i32
    %dma_wait3A_106 = arith.constant 3 : i32
    %dma_wait3A_107 = arith.constant 0 : i32
    %dma_wait3A_108 = arith.constant 0 : i32
    %dma_wait3A_109 = tpu.memref_slice %arg9[%dma_wait3A_106, %dma_wait3A_107, %dma_wait3A_108] : memref<12x80x32xf32, #tpu.memory_space<vmem>> -> memref<1x80x32xf32, #tpu.memory_space<vmem>>
    %dma_wait3A_110 = tpu.memref_squeeze %dma_wait3A_109 : memref<1x80x32xf32, #tpu.memory_space<vmem>> -> memref<80x32xf32, #tpu.memory_space<vmem>>
    %dma_wait3A_111 = arith.constant 0 : i32
    %dma_wait3A_112 = tpu.memref_slice %arg7[%dma_wait3A_105, %dma_wait3A_111] : memref<125x80xi32, #tpu.memory_space<vmem>> -> memref<1x80xi32, #tpu.memory_space<vmem>>
    %dma_wait3A_113 = tpu.memref_squeeze %dma_wait3A_112 : memref<1x80xi32, #tpu.memory_space<vmem>> -> memref<80xi32, #tpu.memory_space<vmem>>
    %dma_wait3A_114 = arith.constant 0 : i32
    %dma_wait3A_115 = arith.constant 0 : i32
    %dma_wait3A_116 = tpu.memref_slice %arg4[%dma_wait3A_114, %dma_wait3A_115] : memref<10000x32xf32, #tpu.memory_space<hbm>> -> memref<10000x32xf32, #tpu.memory_space<hbm>>
    tpu.wait_indirect_dma semaphore(%arg11 : memref<!tpu.dma_semaphore, #tpu.memory_space<semaphore_mem>>) src(%dma_wait3A_116 : memref<10000x32xf32, #tpu.memory_space<hbm>>) dst(%dma_wait3A_110 : memref<80x32xf32, #tpu.memory_space<vmem>>)
    %dma_wait3A_117 = arith.constant 124 : i32
    %dma_wait3A_118 = arith.constant 4 : i32
    %dma_wait3A_119 = arith.constant 0 : i32
    %dma_wait3A_120 = arith.constant 0 : i32
    %dma_wait3A_121 = tpu.memref_slice %arg9[%dma_wait3A_118, %dma_wait3A_119, %dma_wait3A_120] : memref<12x80x32xf32, #tpu.memory_space<vmem>> -> memref<1x80x32xf32, #tpu.memory_space<vmem>>
    %dma_wait3A_122 = tpu.memref_squeeze %dma_wait3A_121 : memref<1x80x32xf32, #tpu.memory_space<vmem>> -> memref<80x32xf32, #tpu.memory_space<vmem>>
    %dma_wait3A_123 = arith.constant 0 : i32
    %dma_wait3A_124 = tpu.memref_slice %arg7[%dma_wait3A_117, %dma_wait3A_123] : memref<125x80xi32, #tpu.memory_space<vmem>> -> memref<1x80xi32, #tpu.memory_space<vmem>>
    %dma_wait3A_125 = tpu.memref_squeeze %dma_wait3A_124 : memref<1x80xi32, #tpu.memory_space<vmem>> -> memref<80xi32, #tpu.memory_space<vmem>>
    %dma_wait3A_126 = arith.constant 0 : i32
    %dma_wait3A_127 = arith.constant 0 : i32
    %dma_wait3A_128 = tpu.memref_slice %arg4[%dma_wait3A_126, %dma_wait3A_127] : memref<10000x32xf32, #tpu.memory_space<hbm>> -> memref<10000x32xf32, #tpu.memory_space<hbm>>
    tpu.wait_indirect_dma semaphore(%arg11 : memref<!tpu.dma_semaphore, #tpu.memory_space<semaphore_mem>>) src(%dma_wait3A_128 : memref<10000x32xf32, #tpu.memory_space<hbm>>) dst(%dma_wait3A_122 : memref<80x32xf32, #tpu.memory_space<vmem>>)
    %dma_start3A_129 = arith.constant 0 : i32
    %dma_start3A_130 = arith.constant 120 : i32
    %dma_start3A_131 = arith.constant 0 : i32
    %dma_start3A_132 = arith.constant 0 : i32
    %dma_start3A_133 = tpu.memref_slice %arg9[%dma_start3A_129, %dma_start3A_131, %dma_start3A_132] : memref<12x80x32xf32, #tpu.memory_space<vmem>> -> memref<1x80x32xf32, #tpu.memory_space<vmem>>
    %dma_start3A_134 = tpu.memref_squeeze %dma_start3A_133 : memref<1x80x32xf32, #tpu.memory_space<vmem>> -> memref<80x32xf32, #tpu.memory_space<vmem>>
    %dma_start3A_135 = arith.constant 0 : i32
    %dma_start3A_136 = tpu.memref_slice %arg8[%dma_start3A_130, %dma_start3A_135] : memref<125x80xi32, #tpu.memory_space<vmem>> -> memref<1x80xi32, #tpu.memory_space<vmem>>
    %dma_start3A_137 = tpu.memref_squeeze %dma_start3A_136 : memref<1x80xi32, #tpu.memory_space<vmem>> -> memref<80xi32, #tpu.memory_space<vmem>>
    %dma_start3A_138 = arith.constant 0 : i32
    %dma_start3A_139 = arith.constant 0 : i32
    %dma_start3A_140 = tpu.memref_slice %arg15[%dma_start3A_138, %dma_start3A_139] : memref<10240x32xf32, #tpu.memory_space<vmem_shared>> -> memref<10240x32xf32, #tpu.memory_space<vmem_shared>>
    tpu.enqueue_indirect_dma source(%dma_start3A_134 : memref<80x32xf32, #tpu.memory_space<vmem>>) target(%dma_start3A_140 : memref<10240x32xf32, #tpu.memory_space<vmem_shared>>) offsets(%dma_start3A_137 : memref<80xi32, #tpu.memory_space<vmem>>) semaphore(%arg13 : memref<!tpu.dma_semaphore, #tpu.memory_space<semaphore_mem>>) {add = true}
    %dma_start3A_141 = arith.constant 1 : i32
    %dma_start3A_142 = arith.constant 121 : i32
    %dma_start3A_143 = arith.constant 0 : i32
    %dma_start3A_144 = arith.constant 0 : i32
    %dma_start3A_145 = tpu.memref_slice %arg9[%dma_start3A_141, %dma_start3A_143, %dma_start3A_144] : memref<12x80x32xf32, #tpu.memory_space<vmem>> -> memref<1x80x32xf32, #tpu.memory_space<vmem>>
    %dma_start3A_146 = tpu.memref_squeeze %dma_start3A_145 : memref<1x80x32xf32, #tpu.memory_space<vmem>> -> memref<80x32xf32, #tpu.memory_space<vmem>>
    %dma_start3A_147 = arith.constant 0 : i32
    %dma_start3A_148 = tpu.memref_slice %arg8[%dma_start3A_142, %dma_start3A_147] : memref<125x80xi32, #tpu.memory_space<vmem>> -> memref<1x80xi32, #tpu.memory_space<vmem>>
    %dma_start3A_149 = tpu.memref_squeeze %dma_start3A_148 : memref<1x80xi32, #tpu.memory_space<vmem>> -> memref<80xi32, #tpu.memory_space<vmem>>
    %dma_start3A_150 = arith.constant 0 : i32
    %dma_start3A_151 = arith.constant 0 : i32
    %dma_start3A_152 = tpu.memref_slice %arg15[%dma_start3A_150, %dma_start3A_151] : memref<10240x32xf32, #tpu.memory_space<vmem_shared>> -> memref<10240x32xf32, #tpu.memory_space<vmem_shared>>
    tpu.enqueue_indirect_dma source(%dma_start3A_146 : memref<80x32xf32, #tpu.memory_space<vmem>>) target(%dma_start3A_152 : memref<10240x32xf32, #tpu.memory_space<vmem_shared>>) offsets(%dma_start3A_149 : memref<80xi32, #tpu.memory_space<vmem>>) semaphore(%arg13 : memref<!tpu.dma_semaphore, #tpu.memory_space<semaphore_mem>>) {add = true}
    %dma_start3A_153 = arith.constant 2 : i32
    %dma_start3A_154 = arith.constant 122 : i32
    %dma_start3A_155 = arith.constant 0 : i32
    %dma_start3A_156 = arith.constant 0 : i32
    %dma_start3A_157 = tpu.memref_slice %arg9[%dma_start3A_153, %dma_start3A_155, %dma_start3A_156] : memref<12x80x32xf32, #tpu.memory_space<vmem>> -> memref<1x80x32xf32, #tpu.memory_space<vmem>>
    %dma_start3A_158 = tpu.memref_squeeze %dma_start3A_157 : memref<1x80x32xf32, #tpu.memory_space<vmem>> -> memref<80x32xf32, #tpu.memory_space<vmem>>
    %dma_start3A_159 = arith.constant 0 : i32
    %dma_start3A_160 = tpu.memref_slice %arg8[%dma_start3A_154, %dma_start3A_159] : memref<125x80xi32, #tpu.memory_space<vmem>> -> memref<1x80xi32, #tpu.memory_space<vmem>>
    %dma_start3A_161 = tpu.memref_squeeze %dma_start3A_160 : memref<1x80xi32, #tpu.memory_space<vmem>> -> memref<80xi32, #tpu.memory_space<vmem>>
    %dma_start3A_162 = arith.constant 0 : i32
    %dma_start3A_163 = arith.constant 0 : i32
    %dma_start3A_164 = tpu.memref_slice %arg15[%dma_start3A_162, %dma_start3A_163] : memref<10240x32xf32, #tpu.memory_space<vmem_shared>> -> memref<10240x32xf32, #tpu.memory_space<vmem_shared>>
    tpu.enqueue_indirect_dma source(%dma_start3A_158 : memref<80x32xf32, #tpu.memory_space<vmem>>) target(%dma_start3A_164 : memref<10240x32xf32, #tpu.memory_space<vmem_shared>>) offsets(%dma_start3A_161 : memref<80xi32, #tpu.memory_space<vmem>>) semaphore(%arg13 : memref<!tpu.dma_semaphore, #tpu.memory_space<semaphore_mem>>) {add = true}
    %dma_start3A_165 = arith.constant 3 : i32
    %dma_start3A_166 = arith.constant 123 : i32
    %dma_start3A_167 = arith.constant 0 : i32
    %dma_start3A_168 = arith.constant 0 : i32
    %dma_start3A_169 = tpu.memref_slice %arg9[%dma_start3A_165, %dma_start3A_167, %dma_start3A_168] : memref<12x80x32xf32, #tpu.memory_space<vmem>> -> memref<1x80x32xf32, #tpu.memory_space<vmem>>
    %dma_start3A_170 = tpu.memref_squeeze %dma_start3A_169 : memref<1x80x32xf32, #tpu.memory_space<vmem>> -> memref<80x32xf32, #tpu.memory_space<vmem>>
    %dma_start3A_171 = arith.constant 0 : i32
    %dma_start3A_172 = tpu.memref_slice %arg8[%dma_start3A_166, %dma_start3A_171] : memref<125x80xi32, #tpu.memory_space<vmem>> -> memref<1x80xi32, #tpu.memory_space<vmem>>
    %dma_start3A_173 = tpu.memref_squeeze %dma_start3A_172 : memref<1x80xi32, #tpu.memory_space<vmem>> -> memref<80xi32, #tpu.memory_space<vmem>>
    %dma_start3A_174 = arith.constant 0 : i32
    %dma_start3A_175 = arith.constant 0 : i32
    %dma_start3A_176 = tpu.memref_slice %arg15[%dma_start3A_174, %dma_start3A_175] : memref<10240x32xf32, #tpu.memory_space<vmem_shared>> -> memref<10240x32xf32, #tpu.memory_space<vmem_shared>>
    tpu.enqueue_indirect_dma source(%dma_start3A_170 : memref<80x32xf32, #tpu.memory_space<vmem>>) target(%dma_start3A_176 : memref<10240x32xf32, #tpu.memory_space<vmem_shared>>) offsets(%dma_start3A_173 : memref<80xi32, #tpu.memory_space<vmem>>) semaphore(%arg13 : memref<!tpu.dma_semaphore, #tpu.memory_space<semaphore_mem>>) {add = true}
    %dma_start3A_177 = arith.constant 4 : i32
    %dma_start3A_178 = arith.constant 124 : i32
    %dma_start3A_179 = arith.constant 0 : i32
    %dma_start3A_180 = arith.constant 0 : i32
    %dma_start3A_181 = tpu.memref_slice %arg9[%dma_start3A_177, %dma_start3A_179, %dma_start3A_180] : memref<12x80x32xf32, #tpu.memory_space<vmem>> -> memref<1x80x32xf32, #tpu.memory_space<vmem>>
    %dma_start3A_182 = tpu.memref_squeeze %dma_start3A_181 : memref<1x80x32xf32, #tpu.memory_space<vmem>> -> memref<80x32xf32, #tpu.memory_space<vmem>>
    %dma_start3A_183 = arith.constant 0 : i32
    %dma_start3A_184 = tpu.memref_slice %arg8[%dma_start3A_178, %dma_start3A_183] : memref<125x80xi32, #tpu.memory_space<vmem>> -> memref<1x80xi32, #tpu.memory_space<vmem>>
    %dma_start3A_185 = tpu.memref_squeeze %dma_start3A_184 : memref<1x80xi32, #tpu.memory_space<vmem>> -> memref<80xi32, #tpu.memory_space<vmem>>
    %dma_start3A_186 = arith.constant 0 : i32
    %dma_start3A_187 = arith.constant 0 : i32
    %dma_start3A_188 = tpu.memref_slice %arg15[%dma_start3A_186, %dma_start3A_187] : memref<10240x32xf32, #tpu.memory_space<vmem_shared>> -> memref<10240x32xf32, #tpu.memory_space<vmem_shared>>
    tpu.enqueue_indirect_dma source(%dma_start3A_182 : memref<80x32xf32, #tpu.memory_space<vmem>>) target(%dma_start3A_188 : memref<10240x32xf32, #tpu.memory_space<vmem_shared>>) offsets(%dma_start3A_185 : memref<80xi32, #tpu.memory_space<vmem>>) semaphore(%arg13 : memref<!tpu.dma_semaphore, #tpu.memory_space<semaphore_mem>>) {add = true}
    %dma_wait3A_189 = arith.constant 0 : i32
    %dma_wait3A_190 = arith.constant 120 : i32
    %dma_wait3A_191 = arith.constant 0 : i32
    %dma_wait3A_192 = arith.constant 0 : i32
    %dma_wait3A_193 = tpu.memref_slice %arg9[%dma_wait3A_189, %dma_wait3A_191, %dma_wait3A_192] : memref<12x80x32xf32, #tpu.memory_space<vmem>> -> memref<1x80x32xf32, #tpu.memory_space<vmem>>
    %dma_wait3A_194 = tpu.memref_squeeze %dma_wait3A_193 : memref<1x80x32xf32, #tpu.memory_space<vmem>> -> memref<80x32xf32, #tpu.memory_space<vmem>>
    %dma_wait3A_195 = arith.constant 0 : i32
    %dma_wait3A_196 = tpu.memref_slice %arg8[%dma_wait3A_190, %dma_wait3A_195] : memref<125x80xi32, #tpu.memory_space<vmem>> -> memref<1x80xi32, #tpu.memory_space<vmem>>
    %dma_wait3A_197 = tpu.memref_squeeze %dma_wait3A_196 : memref<1x80xi32, #tpu.memory_space<vmem>> -> memref<80xi32, #tpu.memory_space<vmem>>
    %dma_wait3A_198 = arith.constant 0 : i32
    %dma_wait3A_199 = arith.constant 0 : i32
    %dma_wait3A_200 = tpu.memref_slice %arg15[%dma_wait3A_198, %dma_wait3A_199] : memref<10240x32xf32, #tpu.memory_space<vmem_shared>> -> memref<10240x32xf32, #tpu.memory_space<vmem_shared>>
    tpu.wait_indirect_dma semaphore(%arg13 : memref<!tpu.dma_semaphore, #tpu.memory_space<semaphore_mem>>) src(%dma_wait3A_194 : memref<80x32xf32, #tpu.memory_space<vmem>>) dst(%dma_wait3A_200 : memref<10240x32xf32, #tpu.memory_space<vmem_shared>>)
    %dma_wait3A_201 = arith.constant 1 : i32
    %dma_wait3A_202 = arith.constant 121 : i32
    %dma_wait3A_203 = arith.constant 0 : i32
    %dma_wait3A_204 = arith.constant 0 : i32
    %dma_wait3A_205 = tpu.memref_slice %arg9[%dma_wait3A_201, %dma_wait3A_203, %dma_wait3A_204] : memref<12x80x32xf32, #tpu.memory_space<vmem>> -> memref<1x80x32xf32, #tpu.memory_space<vmem>>
    %dma_wait3A_206 = tpu.memref_squeeze %dma_wait3A_205 : memref<1x80x32xf32, #tpu.memory_space<vmem>> -> memref<80x32xf32, #tpu.memory_space<vmem>>
    %dma_wait3A_207 = arith.constant 0 : i32
    %dma_wait3A_208 = tpu.memref_slice %arg8[%dma_wait3A_202, %dma_wait3A_207] : memref<125x80xi32, #tpu.memory_space<vmem>> -> memref<1x80xi32, #tpu.memory_space<vmem>>
    %dma_wait3A_209 = tpu.memref_squeeze %dma_wait3A_208 : memref<1x80xi32, #tpu.memory_space<vmem>> -> memref<80xi32, #tpu.memory_space<vmem>>
    %dma_wait3A_210 = arith.constant 0 : i32
    %dma_wait3A_211 = arith.constant 0 : i32
    %dma_wait3A_212 = tpu.memref_slice %arg15[%dma_wait3A_210, %dma_wait3A_211] : memref<10240x32xf32, #tpu.memory_space<vmem_shared>> -> memref<10240x32xf32, #tpu.memory_space<vmem_shared>>
    tpu.wait_indirect_dma semaphore(%arg13 : memref<!tpu.dma_semaphore, #tpu.memory_space<semaphore_mem>>) src(%dma_wait3A_206 : memref<80x32xf32, #tpu.memory_space<vmem>>) dst(%dma_wait3A_212 : memref<10240x32xf32, #tpu.memory_space<vmem_shared>>)
    %dma_wait3A_213 = arith.constant 2 : i32
    %dma_wait3A_214 = arith.constant 122 : i32
    %dma_wait3A_215 = arith.constant 0 : i32
    %dma_wait3A_216 = arith.constant 0 : i32
    %dma_wait3A_217 = tpu.memref_slice %arg9[%dma_wait3A_213, %dma_wait3A_215, %dma_wait3A_216] : memref<12x80x32xf32, #tpu.memory_space<vmem>> -> memref<1x80x32xf32, #tpu.memory_space<vmem>>
    %dma_wait3A_218 = tpu.memref_squeeze %dma_wait3A_217 : memref<1x80x32xf32, #tpu.memory_space<vmem>> -> memref<80x32xf32, #tpu.memory_space<vmem>>
    %dma_wait3A_219 = arith.constant 0 : i32
    %dma_wait3A_220 = tpu.memref_slice %arg8[%dma_wait3A_214, %dma_wait3A_219] : memref<125x80xi32, #tpu.memory_space<vmem>> -> memref<1x80xi32, #tpu.memory_space<vmem>>
    %dma_wait3A_221 = tpu.memref_squeeze %dma_wait3A_220 : memref<1x80xi32, #tpu.memory_space<vmem>> -> memref<80xi32, #tpu.memory_space<vmem>>
    %dma_wait3A_222 = arith.constant 0 : i32
    %dma_wait3A_223 = arith.constant 0 : i32
    %dma_wait3A_224 = tpu.memref_slice %arg15[%dma_wait3A_222, %dma_wait3A_223] : memref<10240x32xf32, #tpu.memory_space<vmem_shared>> -> memref<10240x32xf32, #tpu.memory_space<vmem_shared>>
    tpu.wait_indirect_dma semaphore(%arg13 : memref<!tpu.dma_semaphore, #tpu.memory_space<semaphore_mem>>) src(%dma_wait3A_218 : memref<80x32xf32, #tpu.memory_space<vmem>>) dst(%dma_wait3A_224 : memref<10240x32xf32, #tpu.memory_space<vmem_shared>>)
    %dma_wait3A_225 = arith.constant 3 : i32
    %dma_wait3A_226 = arith.constant 123 : i32
    %dma_wait3A_227 = arith.constant 0 : i32
    %dma_wait3A_228 = arith.constant 0 : i32
    %dma_wait3A_229 = tpu.memref_slice %arg9[%dma_wait3A_225, %dma_wait3A_227, %dma_wait3A_228] : memref<12x80x32xf32, #tpu.memory_space<vmem>> -> memref<1x80x32xf32, #tpu.memory_space<vmem>>
    %dma_wait3A_230 = tpu.memref_squeeze %dma_wait3A_229 : memref<1x80x32xf32, #tpu.memory_space<vmem>> -> memref<80x32xf32, #tpu.memory_space<vmem>>
    %dma_wait3A_231 = arith.constant 0 : i32
    %dma_wait3A_232 = tpu.memref_slice %arg8[%dma_wait3A_226, %dma_wait3A_231] : memref<125x80xi32, #tpu.memory_space<vmem>> -> memref<1x80xi32, #tpu.memory_space<vmem>>
    %dma_wait3A_233 = tpu.memref_squeeze %dma_wait3A_232 : memref<1x80xi32, #tpu.memory_space<vmem>> -> memref<80xi32, #tpu.memory_space<vmem>>
    %dma_wait3A_234 = arith.constant 0 : i32
    %dma_wait3A_235 = arith.constant 0 : i32
    %dma_wait3A_236 = tpu.memref_slice %arg15[%dma_wait3A_234, %dma_wait3A_235] : memref<10240x32xf32, #tpu.memory_space<vmem_shared>> -> memref<10240x32xf32, #tpu.memory_space<vmem_shared>>
    tpu.wait_indirect_dma semaphore(%arg13 : memref<!tpu.dma_semaphore, #tpu.memory_space<semaphore_mem>>) src(%dma_wait3A_230 : memref<80x32xf32, #tpu.memory_space<vmem>>) dst(%dma_wait3A_236 : memref<10240x32xf32, #tpu.memory_space<vmem_shared>>)
    %dma_wait3A_237 = arith.constant 4 : i32
    %dma_wait3A_238 = arith.constant 124 : i32
    %dma_wait3A_239 = arith.constant 0 : i32
    %dma_wait3A_240 = arith.constant 0 : i32
    %dma_wait3A_241 = tpu.memref_slice %arg9[%dma_wait3A_237, %dma_wait3A_239, %dma_wait3A_240] : memref<12x80x32xf32, #tpu.memory_space<vmem>> -> memref<1x80x32xf32, #tpu.memory_space<vmem>>
    %dma_wait3A_242 = tpu.memref_squeeze %dma_wait3A_241 : memref<1x80x32xf32, #tpu.memory_space<vmem>> -> memref<80x32xf32, #tpu.memory_space<vmem>>
    %dma_wait3A_243 = arith.constant 0 : i32
    %dma_wait3A_244 = tpu.memref_slice %arg8[%dma_wait3A_238, %dma_wait3A_243] : memref<125x80xi32, #tpu.memory_space<vmem>> -> memref<1x80xi32, #tpu.memory_space<vmem>>
    %dma_wait3A_245 = tpu.memref_squeeze %dma_wait3A_244 : memref<1x80xi32, #tpu.memory_space<vmem>> -> memref<80xi32, #tpu.memory_space<vmem>>
    %dma_wait3A_246 = arith.constant 0 : i32
    %dma_wait3A_247 = arith.constant 0 : i32
    %dma_wait3A_248 = tpu.memref_slice %arg15[%dma_wait3A_246, %dma_wait3A_247] : memref<10240x32xf32, #tpu.memory_space<vmem_shared>> -> memref<10240x32xf32, #tpu.memory_space<vmem_shared>>
    tpu.wait_indirect_dma semaphore(%arg13 : memref<!tpu.dma_semaphore, #tpu.memory_space<semaphore_mem>>) src(%dma_wait3A_242 : memref<80x32xf32, #tpu.memory_space<vmem>>) dst(%dma_wait3A_248 : memref<10240x32xf32, #tpu.memory_space<vmem_shared>>)
    %barrier3A_249 = arith.constant 0 : index
    tpu.barrier barrier_id(%barrier3A_249)
    %mul3A_250 = arith.constant 640 : i32
    %mul3A_251 = arith.muli %arg1, %mul3A_250 : i32
    %mul3A_252 = arith.constant 640 : i32
    %mul3A_253 = arith.muli %arg1, %mul3A_252 : i32
    "tpu.region"() ({
      %run_scoped3A = tpu.sem_alloc : memref<!tpu.dma_semaphore, #tpu.memory_space<semaphore_mem>>
      %dma_start3A_254 = arith.constant 0 : i32
      %dma_start3A_255 = tpu.memref_slice %arg6[%arg0, %mul3A_253, %dma_start3A_254] : memref<2x10240x32xf32, #tpu.memory_space<hbm>> -> memref<1x640x32xf32, #tpu.memory_space<hbm>>
      %dma_start3A_256 = tpu.memref_squeeze %dma_start3A_255 : memref<1x640x32xf32, #tpu.memory_space<hbm>> -> memref<640x32xf32, #tpu.memory_space<hbm>>
      %dma_start3A_257 = arith.constant 0 : i32
      %dma_start3A_258 = tpu.memref_slice %arg15[%mul3A_251, %dma_start3A_257] : memref<10240x32xf32, #tpu.memory_space<vmem_shared>> -> memref<640x32xf32, #tpu.memory_space<vmem_shared>>
      tpu.enqueue_dma source(%dma_start3A_258 : memref<640x32xf32, #tpu.memory_space<vmem_shared>>) target(%dma_start3A_256 : memref<640x32xf32, #tpu.memory_space<hbm>>) target_semaphore(%run_scoped3A : memref<!tpu.dma_semaphore, #tpu.memory_space<semaphore_mem>>)
      %dma_wait3A_259 = arith.constant 0 : i32
      %dma_wait3A_260 = tpu.memref_slice %arg6[%arg0, %mul3A_253, %dma_wait3A_259] : memref<2x10240x32xf32, #tpu.memory_space<hbm>> -> memref<1x640x32xf32, #tpu.memory_space<hbm>>
      %dma_wait3A_261 = tpu.memref_squeeze %dma_wait3A_260 : memref<1x640x32xf32, #tpu.memory_space<hbm>> -> memref<640x32xf32, #tpu.memory_space<hbm>>
      %dma_wait3A_262 = arith.constant 0 : i32
      %dma_wait3A_263 = tpu.memref_slice %arg15[%mul3A_251, %dma_wait3A_262] : memref<10240x32xf32, #tpu.memory_space<vmem_shared>> -> memref<640x32xf32, #tpu.memory_space<vmem_shared>>
      tpu.wait_dma2 semaphore(%run_scoped3A : memref<!tpu.dma_semaphore, #tpu.memory_space<semaphore_mem>>) src(%dma_wait3A_263 : memref<640x32xf32, #tpu.memory_space<vmem_shared>>) dst(%dma_wait3A_261 : memref<640x32xf32, #tpu.memory_space<hbm>>)
      tpu.yield
    }) : () -> ()
    return
  }
}

module attributes {stable_mosaic.version = 14 : i64} {
  func.func @_b_body(%arg0: memref<32x10240xf32, #tpu.memory_space<vmem>>, %arg1: memref<10000x128xf32, #tpu.memory_space<vmem>>, %arg2: memref<128x32xf32, #tpu.memory_space<vmem>>, %arg3: memref<10000x32xf32, #tpu.memory_space<vmem>>, %arg4: memref<10240xf32, #tpu.memory_space<vmem>>) attributes {dimension_semantics = [], scalar_prefetch = 0 : i64, scratch_operands = 0 : i64, tpu.core_type = #tpu.core_type<tc>} {
    %get3A = arith.constant 0 : index
    %get3A_0 = arith.constant 0 : index
    %get3A_1 = vector.load %arg0[%get3A, %get3A_0] : memref<32x10240xf32, #tpu.memory_space<vmem>>, vector<32x10240xf32>
    %reduce_sum3A = arith.constant dense<0.000000e+00> : vector<10240xf32>
    %reduce_sum3A_2 = vector.multi_reduction <add>, %get3A_1, %reduce_sum3A [0] : vector<32x10240xf32> to vector<10240xf32>
    %add3A = arith.constant 1.000000e+00 : f32
    %add3A_3 = vector.broadcast %add3A : f32 to vector<10240xf32>
    %add3A_4 = arith.addf %reduce_sum3A_2, %add3A_3 : vector<10240xf32>
    %max3A = arith.constant 9.99999996E-13 : f32
    %max3A_5 = vector.broadcast %max3A : f32 to vector<10240xf32>
    %max3A_6 = arith.maximumf %add3A_4, %max3A_5 : vector<10240xf32>
    %rsqrt3A = math.rsqrt %max3A_6 : vector<10240xf32>
    %swap3A = arith.constant 0 : index
    %swap3A_7 = vector.load %arg4[%swap3A] : memref<10240xf32, #tpu.memory_space<vmem>>, vector<10240xf32>
    tpu.vector_store %arg4[%swap3A], %rsqrt3A {strides = array<i32>} : memref<10240xf32, #tpu.memory_space<vmem>>, vector<10240xf32>,
    %get3A_8 = arith.constant 0 : index
    %get3A_9 = arith.constant 0 : index
    %get3A_10 = vector.load %arg1[%get3A_8, %get3A_9] : memref<10000x128xf32, #tpu.memory_space<vmem>>, vector<10000x128xf32>
    %get3A_11 = arith.constant 0 : index
    %get3A_12 = arith.constant 0 : index
    %get3A_13 = vector.load %arg2[%get3A_11, %get3A_12] : memref<128x32xf32, #tpu.memory_space<vmem>>, vector<128x32xf32>
    %dot_general3A = arith.constant dense<0.000000e+00> : vector<10000x32xf32>
    %dot_general3A_14 = tpu.matmul %get3A_10, %get3A_13, %dot_general3A {dimension_numbers = #tpu.dot_dimension_numbers<[1], [0], [0], [1], [0, 0, 1, 1], [], []>, transpose_lhs_hint = false} : vector<10000x128xf32>, vector<128x32xf32>, vector<10000x32xf32> -> vector<10000x32xf32>
    %slice3A = vector.extract_strided_slice %rsqrt3A {offsets = [0], sizes = [10000], strides = [1]} : vector<10240xf32> to vector<10000xf32>
    %broadcast_in_dim3A = vector.shape_cast %slice3A : vector<10000xf32> to vector<10000x1xf32>
    %mul3A = vector.broadcast %broadcast_in_dim3A : vector<10000x1xf32> to vector<10000x32xf32>
    %mul3A_15 = arith.mulf %dot_general3A_14, %mul3A : vector<10000x32xf32>
    %swap3A_16 = arith.constant 0 : index
    %swap3A_17 = arith.constant 0 : index
    %swap3A_18 = vector.load %arg3[%swap3A_16, %swap3A_17] : memref<10000x32xf32, #tpu.memory_space<vmem>>, vector<10000x32xf32>
    tpu.vector_store %arg3[%swap3A_16, %swap3A_17], %mul3A_15 {strides = array<i32>} : memref<10000x32xf32, #tpu.memory_space<vmem>>, vector<10000x32xf32>,
    return
  }
}

module attributes {stable_mosaic.version = 14 : i64} {
  func.func @_d_body(%arg0: memref<2x10240x32xf32, #tpu.memory_space<vmem>>, %arg1: memref<10000x32xf32, #tpu.memory_space<vmem>>, %arg2: memref<10240xf32, #tpu.memory_space<vmem>>, %arg3: memref<32x1xf32, #tpu.memory_space<vmem>>, %arg4: memref<32xf32, #tpu.memory_space<vmem>>, %arg5: memref<1xf32, #tpu.memory_space<vmem>>, %arg6: memref<10240xf32, #tpu.memory_space<vmem>>, %arg7: memref<10240xf32, #tpu.memory_space<vmem>>) attributes {dimension_semantics = [], scalar_prefetch = 0 : i64, scratch_operands = 0 : i64, tpu.core_type = #tpu.core_type<tc>} {
    %get3A = arith.constant 0 : index
    %get3A_0 = arith.constant 0 : index
    %get3A_1 = vector.load %arg1[%get3A, %get3A_0] : memref<10000x32xf32, #tpu.memory_space<vmem>>, vector<10000x32xf32>
    %get3A_2 = arith.constant 0 : index
    %get3A_3 = vector.load %arg2[%get3A_2] : memref<10240xf32, #tpu.memory_space<vmem>>, vector<10240xf32>
    %slice3A = vector.extract_strided_slice %get3A_3 {offsets = [0], sizes = [10000], strides = [1]} : vector<10240xf32> to vector<10000xf32>
    %get3A_4 = arith.constant 0 : index
    %get3A_5 = arith.constant 0 : index
    %get3A_6 = arith.constant 0 : index
    %get3A_7 = vector.load %arg0[%get3A_4, %get3A_5, %get3A_6] : memref<2x10240x32xf32, #tpu.memory_space<vmem>>, vector<1x10000x32xf32>
    %get3A_8 = vector.shape_cast %get3A_7 : vector<1x10000x32xf32> to vector<10000x32xf32>
    %get3A_9 = arith.constant 1 : index
    %get3A_10 = arith.constant 0 : index
    %get3A_11 = arith.constant 0 : index
    %get3A_12 = vector.load %arg0[%get3A_9, %get3A_10, %get3A_11] : memref<2x10240x32xf32, #tpu.memory_space<vmem>>, vector<1x10000x32xf32>
    %get3A_13 = vector.shape_cast %get3A_12 : vector<1x10000x32xf32> to vector<10000x32xf32>
    %add3A = arith.addf %get3A_8, %get3A_13 : vector<10000x32xf32>
    %add3A_14 = arith.addf %add3A, %get3A_1 : vector<10000x32xf32>
    %broadcast_in_dim3A = vector.shape_cast %slice3A : vector<10000xf32> to vector<10000x1xf32>
    %mul3A = vector.broadcast %broadcast_in_dim3A : vector<10000x1xf32> to vector<10000x32xf32>
    %mul3A_15 = arith.mulf %mul3A, %add3A_14 : vector<10000x32xf32>
    %get3A_16 = arith.constant 0 : index
    %get3A_17 = vector.load %arg4[%get3A_16] : memref<32xf32, #tpu.memory_space<vmem>>, vector<32xf32>
    %broadcast_in_dim3A_18 = vector.shape_cast %get3A_17 : vector<32xf32> to vector<1x32xf32>
    %add3A_19 = vector.broadcast %broadcast_in_dim3A_18 : vector<1x32xf32> to vector<10000x32xf32>
    %add3A_20 = arith.addf %mul3A_15, %add3A_19 : vector<10000x32xf32>
    %max3A = arith.constant 0.000000e+00 : f32
    %max3A_21 = vector.broadcast %max3A : f32 to vector<10000x32xf32>
    %max3A_22 = arith.maximumf %add3A_20, %max3A_21 : vector<10000x32xf32>
    %get3A_23 = arith.constant 0 : index
    %get3A_24 = arith.constant 0 : index
    %get3A_25 = vector.load %arg3[%get3A_23, %get3A_24] : memref<32x1xf32, #tpu.memory_space<vmem>>, vector<32x1xf32>
    %dot_general3A = arith.constant dense<0.000000e+00> : vector<10000x1xf32>
    %dot_general3A_26 = tpu.matmul %max3A_22, %get3A_25, %dot_general3A {dimension_numbers = #tpu.dot_dimension_numbers<[1], [0], [0], [1], [0, 0, 1, 1], [], []>, transpose_lhs_hint = false} : vector<10000x32xf32>, vector<32x1xf32>, vector<10000x1xf32> -> vector<10000x1xf32>
    %squeeze3A = vector.shape_cast %dot_general3A_26 : vector<10000x1xf32> to vector<10000xf32>
    %mul3A_27 = arith.mulf %slice3A, %squeeze3A : vector<10000xf32>
    %broadcast_in_dim3A_28 = arith.constant 0.000000e+00 : f32
    %broadcast_in_dim3A_29 = vector.broadcast %broadcast_in_dim3A_28 : f32 to vector<240xf32>
    %concatenate3A = tpu.concatenate %mul3A_27, %broadcast_in_dim3A_29 in 0 : vector<10000xf32>, vector<240xf32> -> vector<10240xf32>
    %swap3A = arith.constant 0 : index
    %swap3A_30 = vector.load %arg6[%swap3A] : memref<10240xf32, #tpu.memory_space<vmem>>, vector<10240xf32>
    tpu.vector_store %arg6[%swap3A], %concatenate3A {strides = array<i32>} : memref<10240xf32, #tpu.memory_space<vmem>>, vector<10240xf32>,
    %mul3A_31 = arith.mulf %slice3A, %mul3A_27 : vector<10000xf32>
    %get3A_32 = arith.constant 0 : index
    %get3A_33 = vector.load %arg5[%get3A_32] : memref<1xf32, #tpu.memory_space<vmem>>, vector<1xf32>
    %add3A_34 = vector.broadcast %get3A_33 : vector<1xf32> to vector<10000xf32>
    %add3A_35 = arith.addf %mul3A_31, %add3A_34 : vector<10000xf32>
    %concatenate3A_36 = tpu.concatenate %add3A_35, %broadcast_in_dim3A_29 in 0 : vector<10000xf32>, vector<240xf32> -> vector<10240xf32>
    %swap3A_37 = arith.constant 0 : index
    %swap3A_38 = vector.load %arg7[%swap3A_37] : memref<10240xf32, #tpu.memory_space<vmem>>, vector<10240xf32>
    tpu.vector_store %arg7[%swap3A_37], %concatenate3A_36 {strides = array<i32>} : memref<10240xf32, #tpu.memory_space<vmem>>, vector<10240xf32>,
    return
  }
}

</mosaic_0001>

<sc_bundles>
// kernel: kernel.10.cloned.1.call-start
scs
__scs_entry_jumppad:
0x0: {  	(pc) =	sbr.rel $0x88, $3  }
0x1: {  	(tag) =	ssettag $0x0;
	lr =	simm.s32 $0x1  }
0x2: {  	[smem:$0x3F9B] =	sst lr;
	_ =	strace $0xD0000000  }
0x3: {  	_ = 	snop  }
0x4: {  	_ = 	snop  }
0x5: {  	_ = 	snop  }
0x6: {  	_ = 	snop  }
0x7: {  	_ = 	snop  }
__scs_overlays_trampoline_lowered:
0x8: {  	[smem:$0x3FAA] =	sst s0  }
0x9: {  	[smem:$0x3FAB] =	sst s1  }
0xa: {  	[smem:$0x3FAC] =	sst s2  }
0xb: {  	[smem:$0x3FAD] =	sst s3  }
0xc: {  	[smem:$0x3FAE] =	sst s4  }
0xd: {  	[smem:$0x3FAF] =	sst s5  }
0xe: {  	[smem:$0x3FB0] =	sst s6  }
0xf: {  	[smem:$0x3FB1] =	sst s7  }
0x10: {  	[smem:$0x3FB2] =	sst s8  }
0x11: {  	[smem:$0x3FB3] =	sst s9;
	s0 =	simm.s32 @!p0 $0x0  }
0x12: {  	s1 =	sld [smem:$0x3F99];
	s0 =	simm.s32 @p0 $0x1  }
0x13: {  	[smem:$0x3FB4] =	sst s0;
	s0 =	simm.s32 @!p1 $0x0  }
0x14: {  	s2 =	sld [smem:$0x3F98];
	s0 =	simm.s32 @p1 $0x1  }
0x15: {  	[smem:$0x3FB5] =	sst s0;
	s0 =	simm.s32 @!p2 $0x0  }
0x16: {  	s3 =	sld [smem:$0x3FDB];
	s0 =	simm.s32 @p2 $0x1  }
0x17: {  	s4 =	simm.s32 $0x1BF5;
	[smem:$0x3FB7] =	sst s0  }
0x18: {  	s0 =	sld [smem:$0x3F9A];
	_ =	swait.ge [sflag:s4], $0x0  }
0x19: {  	s7 =	sld [smem:$0x3F9B]  }
0x1a: {  	s8 =	sadd.s32 $0xFFFFE003, lr  }
0x1b: {  	s9 =	sadd.s32 $0xFFFFFEF7, lr;
	s5 =	simm.s32 $0xFFFFFFFF;
	p2 =	slt.u32 s8, $0xFFFFF086  }
0x1c: {  	p1 =	slt.u32 s9, $0xF7A;
	s5 =	simm.s32 @!p2 $0x0  }
0x1d: {  	s5 =	simm.s32 @p1 $0x1;
	p0 =	seq.s32 s7, s2  }
0x1e: {  	s7 =	smul.u32 @!p0 $0xF7A, s2;
	p2 =	seq.s32 @!p0 s5, $0x0  }
0x1f: {  	s9 =	smul.u32 $0xF7A, s1;
	s8 =	simm.s32 @!p0 $0x1BF5;
	p2 =	por !p2, p0  }
0x20: {  	[sflag:s8] =	ssyncset.s32 @!p0 $0xFFFFF086;
	s6 =	sadd.s32 @!p0 s3, s7;
	s7 =	simm.s32 @!p0 $0x108  }
0x21: {  	s3 =	sadd.s32 s3, s9;
	s6 =	sadd.s32 @!p0 $0x88, s6;
	s7 =	simm.s32 @p2 $0x1082  }
0x22: {  	[simem:s7], [sflag:s8] =	dma.local @!p0 [hbm:s6], $0xF7A  }
0x23: {  	s9 =	sor.u32 $0xD0000000, s2;
	s6 =	simm.s32 $0x108;
	_ =	swait.ge @!p0 [sflag:s8], $0x0  }
0x24: {  	s3 =	sadd.s32 $0x88, s3;
	s6 =	simm.s32 @!p1 $0x1082;
	[sflag:s4] =	ssyncset.s32 $0xFFFFF086  }
0x25: {  	[simem:s6], [sflag:s4] =	dma.local [hbm:s3], $0xF7A  }
0x26: {  	[smem:$0x3F9B] =	sst s1;
	(tag) =	ssettag s2;
	_ =	strace s9  }
0x27: {  	s1 =	sld [smem:$0x3FAB]  }
0x28: {  	s2 =	sld [smem:$0x3FAC]  }
0x29: {  	s4 =	sld [smem:$0x3FAE]  }
0x2a: {  	p0 =	seq.s32 s5, $0x0;
	s5 =	sld [smem:$0x3FAF]  }
0x2b: {  	s6 =	sld [smem:$0x3FB0]  }
0x2c: {  	s7 =	sld [smem:$0x3FB1]  }
0x2d: {  	s3 =	simm.s32 $0x108;
	s8 =	sld [smem:$0x3FB2]  }
0x2e: {  	s3 =	simm.s32 @!p0 $0x1082;
	s9 =	sld [smem:$0x3FB3]  }
0x2f: {  	lr =	sadd.s32 s0, s3;
	s0 =	sld [smem:$0x3FAA]  }
0x30: {  	s3 =	sld [smem:$0x3FAD]  }
0x31: {  	[smem:$0x3FB6] =	sst s10  }
0x32: {  	s10 =	sld [smem:$0x3FB4];
	_ =	sdelay $0x3  }
0x33: {  	p0 =	seq.s32 s10, $0x1;
	s10 =	sld [smem:$0x3FB6];
	_ =	sdelay $0x3  }
0x34: {  	[smem:$0x3FB6] =	sst s10  }
0x35: {  	s10 =	sld [smem:$0x3FB5];
	_ =	sdelay $0x3  }
0x36: {  	p1 =	seq.s32 s10, $0x1;
	s10 =	sld [smem:$0x3FB6];
	_ =	sdelay $0x3  }
0x37: {  	[smem:$0x3FB6] =	sst s10  }
0x38: {  	s10 =	sld [smem:$0x3FB7]  }
0x39: {  	_ = 	snop;
	(pc) =	sbr.ind lr, $3  }
0x3a: {  	_ = 	snop  }
0x3b: {  	_ = 	snop  }
0x3c: {  	p2 =	seq.s32 s10, $0x1;
	s10 =	sld [smem:$0x3FB6]  }
0x3d: {  	_ =	shalt  }
0x3e: {  	_ =	shalt  }
0x3f: {  	_ =	shalt  }
0x40: {  	_ =	shalt  }
0x41: {  	_ =	shalt  }
0x42: {  	_ =	shalt  }
0x43: {  	_ =	shalt  }
0x44: {  	_ =	shalt  }
0x45: {  	_ =	shalt  }
0x46: {  	_ =	shalt  }
0x47: {  	_ =	shalt  }
0x48: {  	_ =	shalt  }
0x49: {  	_ =	shalt  }
0x4a: {  	_ =	shalt  }
0x4b: {  	_ =	shalt  }
0x4c: {  	_ =	shalt  }
0x4d: {  	_ =	shalt  }
0x4e: {  	_ =	shalt  }
0x4f: {  	_ =	shalt  }
0x50: {  	_ =	shalt  }
0x51: {  	_ =	shalt  }
0x52: {  	_ =	shalt  }
0x53: {  	_ =	shalt  }
0x54: {  	_ =	shalt  }
0x55: {  	_ =	shalt  }
0x56: {  	_ =	shalt  }
0x57: {  	_ =	shalt  }
0x58: {  	_ =	shalt  }
0x59: {  	_ =	shalt  }
0x5a: {  	_ =	shalt  }
0x5b: {  	_ =	shalt  }
0x5c: {  	_ =	shalt  }
0x5d: {  	_ =	shalt  }
0x5e: {  	_ =	shalt  }
0x5f: {  	_ =	shalt  }
0x60: {  	_ =	shalt  }
0x61: {  	_ =	shalt  }
0x62: {  	_ =	shalt  }
0x63: {  	_ =	shalt  }
0x64: {  	_ =	shalt  }
0x65: {  	_ =	shalt  }
0x66: {  	_ =	shalt  }
0x67: {  	_ =	shalt  }
0x68: {  	_ =	shalt  }
0x69: {  	_ =	shalt  }
0x6a: {  	_ =	shalt  }
0x6b: {  	_ =	shalt  }
0x6c: {  	_ =	shalt  }
0x6d: {  	_ =	shalt  }
0x6e: {  	_ =	shalt  }
0x6f: {  	_ =	shalt  }
0x70: {  	_ =	shalt  }
0x71: {  	_ =	shalt  }
0x72: {  	_ =	shalt  }
0x73: {  	_ =	shalt  }
0x74: {  	_ =	shalt  }
0x75: {  	_ =	shalt  }
0x76: {  	_ =	shalt  }
0x77: {  	_ =	shalt  }
0x78: {  	_ =	shalt  }
0x79: {  	_ =	shalt  }
0x7a: {  	_ =	shalt  }
0x7b: {  	_ =	shalt  }
0x7c: {  	_ =	shalt  }
0x7d: {  	_ =	shalt  }
0x7e: {  	_ =	shalt  }
0x7f: {  	_ =	shalt  }
0x80: {  	_ =	shalt  }
0x81: {  	_ =	shalt  }
0x82: {  	_ =	shalt  }
0x83: {  	_ =	shalt  }
0x84: {  	_ =	shalt  }
0x85: {  	_ =	shalt  }
0x86: {  	_ =	shalt  }
0x87: {  	_ =	shalt  }
.Lfunc_end0:
.L_simem_size_0:
called_computation.1_lowered:
.L_overlay_start_0:
0x88: {  	s2 =	sld [smem:$0x3FD9]  }
0x89: {  	s3 =	sld [smem:$0x3FFE];
	_ =	sdelay $0x1  }
0x8a: {  	s1 =	srdreg.scid  }
0x8b: {  	s0 =	sand.u32 $0x1, s1  }
0x8c: {  	s16 =	sshll.u32 s0, $0xA;
	s2 =	sadd.s32 s3, s2  }
0x8d: {  	s2 =	sadd.s32 s2, s16  }
0x8e: {  	[smem:$0x3FC2] =	sst s2  }
0x8f: {  	_ = 	snop  }
0x90: {  	(tm) =	ssettm $0x1  }
0x91: {  	s17 =	sld [smem:$0x3FFB];
	_ =	sdelay $0x3  }
0x92: {  	_ =	strace s17  }
0x93: {  	s2 =	sld [smem:$0x3FFC];
	_ =	sdelay $0x3  }
0x94: {  	_ =	strace s2  }
0x95: {  	s2 =	sld [smem:$0x3FFD];
	_ =	sdelay $0x3  }
0x96: {  	_ =	strace s2  }
0x97: {  	_ =	strace $0x8FFFFFFF  }
0x98: {  	s18 =	sld [smem:$0x3FDB];
	_ =	sdelay $0x1  }
0x99: {  	s19 =	simm.s32 $_scs_section_size  }
0x9a: {  	s4 =	simm.s32 $_size__tile_overlayer_lowered;
	s5 =	simm.s32 $_tile_overlayer_lowered  }
0x9b: {  	s22 =	simm.s32 $0x1BFF;
	s21 =	sshll.u32 s5, $0x1;
	s2 =	sadd.s32 s19, s18  }
0x9c: {  	s6 =	simm.s32 $0x0;
	s20 =	sshll.u32 s4, $0x1;
	s4 =	sadd.s32 s21, s2  }
0x9d: {  	[timem:s6], [sflag:s22] =	dma.local [hbm:s4], s20  }
0x9e: {  	_ =	swait.ge [sflag:s22], s20  }
0x9f: {  	s3 =	ssub.s32 $0x0, s20;
	[sflag:s22] =	ssyncset.done $0x0  }
0xa0: {  	[sflag:s22] =	ssyncadd.s32 s3;
	_ =	sdelay $0x1  }
0xa1: {  	s23 =	simm.s32 $0x1B8B  }
0xa2: {  	_ =	swait.ge [sflag:s23], $0x1  }
0xa3: {  	[sflag:s23] =	ssyncset.done $0x0  }
0xa4: {  	s25 =	simm.s32 $0x1B8E;
	s24 =	sld [smem:$0x3FFE];
	[sflag:s23] =	ssyncadd.s32 $0xFFFFFFFF  }
0xa5: {  	s26 =	simm.s32 $execute0_lowered;
	[smem:$0x3FD2] =	sst s25  }
0xa6: {  	s4 =	sshll.u32 s26, $0x1;
	_ =	strace $0x80000049;
	[dreg:$0x1] =	wrdreg $0xFFFFFFFF  }
0xa7: {  	s28 =	simm.s32 $_size_execute0_lowered;
	s2 =	sadd.s32 s2, s4;
	[dreg:$0x0] =	wrdreg $0x0  }
0xa8: {  	s4 =	sshll.u32 s28, $0x1;
	[dreg:$0x2] =	wrdreg s2  }
0xa9: {  	[dreg:$0x3] =	wrdreg s4  }
0xaa: {  	[dreg:$0x4] =	wrdreg $0xC0  }
0xab: {  	_ =	task [dreg:s6], $0x5FFFF  }
0xac: {  	[dreg:$0x1] =	wrdreg $0xFFFFFFFF  }
0xad: {  	[dreg:$0x0] =	wrdreg $0x60  }
0xae: {  	[dreg:$0x2] =	wrdreg s24  }
0xaf: {  	[dreg:$0x3] =	wrdreg $0x13E200  }
0xb0: {  	[dreg:$0x4] =	wrdreg $0x9  }
0xb1: {  	_ =	task.clear_ibuf [dreg:s6], $0x5FFFF;
	_ =	strace $0x90000049  }
0xb2: {  	s29 =	simm.s32 $0x9;
	_ =	strace $0x8000004B  }
0xb3: {  	_ =	swait.ge [sflag:s29], $0x1  }
0xb4: {  	[sflag:s29] =	ssyncadd.s32 $0xFFFFFFFF  }
0xb5: {  	_ =	strace $0x9000004B  }
0xb6: {  	_ =	sfence  }
0xb7: {  	s30 =	sld [smem:$0x0];
	_ =	sdelay $0x2  }
0xb8: {  	s31 =	sshll.u32 s1, $0xD;
	s1 =	sshrl.u32 s1, $0x2  }
0xb9: {  	s3 =	sand.u32 $0x4000, s31;
	s1 =	sadd.s32 s1, s30  }
0xba: {  	s0 =	sor.u32 s3, s0;
	s1 =	sshll.u32 s1, $0x11  }
0xbb: {  	s0 =	sor.u32 s1, s0  }
0xbc: {  	s0 =	sadd.s32 $0x8F2B, s0  }
0xbd: {  	[sflag:s0] =	ssyncadd.remote.s32 $0x1  }
0xbe: {  	_ =	sfence.sel $0xFFFF  }
0xbf: {  	[dreg:$0x0] =	wrdreg $0xFFFFFFFF;
	(pc) =	sbr.abs _section_cstart, $3  }
0xc0: {  	[dreg:$0x1] =	wrdreg $0xFFFFFFFF  }
0xc1: {  	_ =	task.clear_ibuf [dreg:s6], $0x2FFFF;
	_ =	strace $0x9FFFFFFF  }
0xc2: {  	(tm) =	ssettm $0x7FFFFFFF  }
0xc3: {  	_ =	shalt  }
tec
execute0_lowered:
.L_overlay_start_1:
0x0: {  	(tag) =	ssettag $0x1  }
0x1: {  	s0 =	srdreg.scid  }
0x2: {  	s7 =	stileid.u32;
	s3 =	rddreg [dreg:$0x0]  }
0x3: {  	s2 =	rddreg [dreg:$0x1];
	s6 =	simm.s32 $0x0;
	s17 =	simm.s32 $0x5  }
0x4: {  	s13 =	simm.s32 $0x50;
	s28 =	simm.s32 $0x1;
	s12 =	simm.s32 $0xEE20  }
0x5: {  	s9 =	simm.s32 $0x13420;
	s10 =	simm.s32 $0x3;
	s11 =	simm.s32 $0x4  }
0x6: {  	s30 =	simm.s32 $0xA820;
	s31 =	simm.s32 $0xB220;
	s0 =	sand.u32 $0x1, s0  }
0x7: {  	s5 =	smul.u32 $0x5000, s7;
	[smem:$0x7FF] =	sst s6;
	s8 =	sadd.s32 $0x1FC00, s3  }
0x8: {  	p0 =	sne.s32 s7, $0x0;
	s1 =	sshll.u32 s0, $0x4;
	s4 =	smul.u32 $0x50000, s0  }
0x9: {  	_ =	strace $0x8000004A;
	s0 =	ssub.s32 $0x2, s0;
	[dreg:$0x3] =	wrdreg s8  }
0xa: {  	s8 =	simm.s32 $0x12A20;
	s1 =	sor.u32 s7, s1;
	s23 =	sshrl.u32 s0, $0x1  }
0xb: {  	s26 =	sadd.s32 s5, s2;
	s7 =	simm.s32 $0x12020;
	s1 =	smul.u32 $0x4E2, s1  }
0xc: {  	s22 =	sadd.s32 s5, s4;
	s4 =	sadd.s32 $0x15E00, s3;
	s0 =	ssub.s32 s0, s23  }
0xd: {  	s29 =	sshrl.u32 s26, $0x3;
	s5 =	simm.s32 $0x10C20;
	s6 =	sshrl.u32 s22, $0x3  }
0xe: {  	s0 =	smax.u32 s0, $0x1;
	[dreg:$0x9] =	wrdreg s29;
	s1 =	sadd.s32 s1, s3  }
0xf: {  	s3 =	sadd.s32 s6, s3;
	[dreg:$0x7] =	wrdreg s0;
	s0 =	sshrl.u32 @!p0 s2, $0x3  }
0x10: {  	s6 =	simm.s32 $0x11620;
	s24 =	sadd.s32 $0xBA00, s1;
	[dreg:$0x8] =	wrdreg s0  }
0x11: {  	s1 =	sadd.s32 $0x1C00, s1;
	s25 =	sadd.s32 $0x29C00, s3;
	[dreg:$0x4] =	wrdreg s24  }
0x12: {  	s0 =	simm.s32 $0xF820;
	s3 =	simm.s32 $0x10220;
	[dreg:$0x5] =	wrdreg s1  }
0x13: {  	[dreg:$0x6] =	wrdreg s25;
	s25 =	simm.s32 $0x2;
	s1 =	simm.s32 $0x0  }
.LBB2_1:
0x14: {  	[dreg:$0xa] =	wrdreg s1  }
0x15: {  	s15 =	rddreg [dreg:$0x3]  }
0x16: {  	s14 =	simm.s32 @!p0 $0x1C05;
	s16 =	rddreg [dreg:$0x8]  }
0x17: {  	[spmem:s16], [sflag:s14] =	dma.local @!p0 [hbm:s15], $0xA000  }
0x18: {  	s14 =	simm.s32 @!p0 $0x5  }
0x19: {  	_ =	swait.ge @!p0 [sflag:s14], $0xA000  }
0x1a: {  	[sflag:s14] =	ssyncset.done @!p0 $0x0  }
0x1b: {  	s24 =	simm.s32 $0x0;
	s26 =	rddreg [dreg:$0x4];
	[sflag:s14] =	ssyncadd.s32 @!p0 $0xFFFF6000  }
0x1c: {  	[tilespmem:s24], [sflag:$0x5] =	stream.linear.gather [hbm4b:s26+s24], $0x2710, $0x38;
	[tilespmem:$0x18E20] =	vst v63  }
0x1d: {  	_ =	swait.ge [sflag:s17], $0x2710  }
0x1e: {  	[sflag:s17] =	ssyncset.done $0x0  }
0x1f: {  	s1 =	simm.s32 $0x2710;
	s29 =	rddreg [dreg:$0x5];
	[sflag:s17] =	ssyncadd.s32 $0xFFFFD8F0  }
0x20: {  	[tilespmem:s1], [sflag:$0x5] =	stream.linear.gather [hbm4b:s29+s24], $0x2710, $0x38;
	[tilespmem:$0x18E20] =	vst v63  }
0x21: {  	_ =	swait.ge [sflag:s17], $0x2710  }
0x22: {  	[sflag:s17] =	ssyncset.done $0x0  }
0x23: {  	[sflag:s17] =	ssyncadd.s32 $0xFFFFD8F0  }
0x24: {  	s15 =	simm.s32 $0x4E20;
	s17 =	simm.s32 $0x0;
	[bflag:$0x0] =	sbarrier.arrive $0xFFFF  }
0x25: {  	[tilespmem:s15], [sflag:$0x1] =	stream.indirect.gather [hbm4b:s4+s13], $0x20, s17, s13, $0xb8;
	[tilespmem:$0x18E20] =	vst v63  }
0x26: {  	s18 =	simm.s32 $0x50;
	s16 =	simm.s32 $0x5820  }
0x27: {  	[tilespmem:s16], [sflag:$0x1] =	stream.indirect.gather [hbm4b:s4+s13], $0x20, s18, s13, $0xb8;
	[tilespmem:$0x18E20] =	vst v63  }
0x28: {  	s19 =	simm.s32 $0xA0;
	s17 =	simm.s32 $0x6220  }
0x29: {  	[tilespmem:s17], [sflag:$0x1] =	stream.indirect.gather [hbm4b:s4+s13], $0x20, s19, s13, $0xb8;
	[tilespmem:$0x18E20] =	vst v63  }
0x2a: {  	s20 =	simm.s32 $0xF0;
	s18 =	simm.s32 $0x6C20  }
0x2b: {  	[tilespmem:s18], [sflag:$0x1] =	stream.indirect.gather [hbm4b:s4+s13], $0x20, s20, s13, $0xb8;
	[tilespmem:$0x18E20] =	vst v63  }
0x2c: {  	s21 =	simm.s32 $0x140;
	s19 =	simm.s32 $0x7620  }
0x2d: {  	[tilespmem:s19], [sflag:$0x1] =	stream.indirect.gather [hbm4b:s4+s13], $0x20, s21, s13, $0xb8;
	[tilespmem:$0x18E20] =	vst v63  }
0x2e: {  	s22 =	simm.s32 $0x190;
	s20 =	simm.s32 $0x8020  }
0x2f: {  	[tilespmem:s20], [sflag:$0x1] =	stream.indirect.gather [hbm4b:s4+s13], $0x20, s22, s13, $0xb8;
	[tilespmem:$0x18E20] =	vst v63  }
0x30: {  	s23 =	simm.s32 $0x1E0;
	s21 =	simm.s32 $0x8A20  }
0x31: {  	[tilespmem:s21], [sflag:$0x1] =	stream.indirect.gather [hbm4b:s4+s13], $0x20, s23, s13, $0xb8;
	[tilespmem:$0x18E20] =	vst v63  }
0x32: {  	s24 =	simm.s32 $0x230;
	s22 =	simm.s32 $0x9420  }
0x33: {  	[tilespmem:s22], [sflag:$0x1] =	stream.indirect.gather [hbm4b:s4+s13], $0x20, s24, s13, $0xb8;
	[tilespmem:$0x18E20] =	vst v63  }
0x34: {  	s26 =	simm.s32 $0x280;
	s23 =	simm.s32 $0x9E20  }
0x35: {  	[tilespmem:s23], [sflag:$0x1] =	stream.indirect.gather [hbm4b:s4+s13], $0x20, s26, s13, $0xb8;
	[tilespmem:$0x18E20] =	vst v63  }
0x36: {  	s29 =	simm.s32 $0x2D0;
	s24 =	simm.s32 $0xA820  }
0x37: {  	[tilespmem:s24], [sflag:$0x1] =	stream.indirect.gather [hbm4b:s4+s13], $0x20, s29, s13, $0xb8;
	[tilespmem:$0x18E20] =	vst v63  }
0x38: {  	s1 =	simm.s32 $0x320;
	s26 =	simm.s32 $0xB220  }
0x39: {  	[tilespmem:s26], [sflag:$0x1] =	stream.indirect.gather [hbm4b:s4+s13], $0x20, s1, s13, $0xb8;
	[tilespmem:$0x18E20] =	vst v63  }
0x3a: {  	s29 =	simm.s32 $0x370;
	s1 =	simm.s32 $0xBC20  }
0x3b: {  	[tilespmem:s1], [sflag:$0x1] =	stream.indirect.gather [hbm4b:s4+s13], $0x20, s29, s13, $0xb8;
	[tilespmem:$0x18E20] =	vst v63  }
0x3c: {  	_ =	swait.ge [sflag:s28], $0xA00  }
0x3d: {  	[sflag:s28] =	ssyncset.done $0x0  }
0x3e: {  	[sflag:s28] =	ssyncadd.s32 $0xFFFFF600  }
0x3f: {  	_ =	swait.ge [sflag:s28], $0xA00  }
0x40: {  	[sflag:s28] =	ssyncset.done $0x0  }
0x41: {  	[sflag:s28] =	ssyncadd.s32 $0xFFFFF600  }
0x42: {  	_ =	swait.ge [sflag:s28], $0xA00  }
0x43: {  	[sflag:s28] =	ssyncset.done $0x0  }
0x44: {  	[sflag:s28] =	ssyncadd.s32 $0xFFFFF600  }
0x45: {  	_ =	swait.ge [sflag:s28], $0xA00  }
0x46: {  	[sflag:s28] =	ssyncset.done $0x0  }
0x47: {  	[sflag:s28] =	ssyncadd.s32 $0xFFFFF600  }
0x48: {  	_ =	swait.ge [sflag:s28], $0xA00  }
0x49: {  	[sflag:s28] =	ssyncset.done $0x0  }
0x4a: {  	[sflag:s28] =	ssyncadd.s32 $0xFFFFF600  }
0x4b: {  	_ =	swait.ge [sflag:s28], $0xA00  }
0x4c: {  	[sflag:s28] =	ssyncset.done $0x0  }
0x4d: {  	[sflag:s28] =	ssyncadd.s32 $0xFFFFF600  }
0x4e: {  	_ =	swait.ge [sflag:s28], $0xA00  }
0x4f: {  	[sflag:s28] =	ssyncset.done $0x0  }
0x50: {  	[sflag:s28] =	ssyncadd.s32 $0xFFFFF600  }
0x51: {  	_ =	swait.ge [sflag:s28], $0xA00  }
0x52: {  	[sflag:s28] =	ssyncset.done $0x0  }
0x53: {  	[sflag:s28] =	ssyncadd.s32 $0xFFFFF600  }
0x54: {  	_ =	swait.ge [sflag:s28], $0xA00  }
0x55: {  	[sflag:s28] =	ssyncset.done $0x0  }
0x56: {  	[sflag:s28] =	ssyncadd.s32 $0xFFFFF600  }
0x57: {  	_ =	swait.ge [sflag:s28], $0xA00  }
0x58: {  	[sflag:s28] =	ssyncset.done $0x0  }
0x59: {  	[sflag:s28] =	ssyncadd.s32 $0xFFFFF600  }
0x5a: {  	_ =	swait.ge [sflag:s28], $0xA00  }
0x5b: {  	[sflag:s28] =	ssyncset.done $0x0  }
0x5c: {  	[sflag:s28] =	ssyncadd.s32 $0xFFFFF600  }
0x5d: {  	_ =	swait.ge [sflag:s28], $0xA00  }
0x5e: {  	[sflag:s28] =	ssyncset.done $0x0  }
0x5f: {  	s29 =	simm.s32 $0x2710;
	[sflag:s28] =	ssyncadd.s32 $0xFFFFF600  }
0x60: {  	[spmem:s2] =	stream.indirect.scatter.add.f32 [tilespmem:s15], [sflag:$0x3], $0x20, s29, s13, $0xb8;
	[tilespmem:$0x18E20] =	vst v63  }
0x61: {  	s15 =	simm.s32 $0x2760  }
0x62: {  	[spmem:s2] =	stream.indirect.scatter.add.f32 [tilespmem:s16], [sflag:$0x3], $0x20, s15, s13, $0xb8;
	[tilespmem:$0x18E20] =	vst v63  }
0x63: {  	s16 =	simm.s32 $0x27B0  }
0x64: {  	[spmem:s2] =	stream.indirect.scatter.add.f32 [tilespmem:s17], [sflag:$0x3], $0x20, s16, s13, $0xb8;
	[tilespmem:$0x18E20] =	vst v63  }
0x65: {  	s29 =	simm.s32 $0x2800  }
0x66: {  	[spmem:s2] =	stream.indirect.scatter.add.f32 [tilespmem:s18], [sflag:$0x3], $0x20, s29, s13, $0xb8;
	[tilespmem:$0x18E20] =	vst v63  }
0x67: {  	s15 =	simm.s32 $0x2850  }
0x68: {  	[spmem:s2] =	stream.indirect.scatter.add.f32 [tilespmem:s19], [sflag:$0x3], $0x20, s15, s13, $0xb8;
	[tilespmem:$0x18E20] =	vst v63  }
0x69: {  	s16 =	simm.s32 $0x28A0  }
0x6a: {  	[spmem:s2] =	stream.indirect.scatter.add.f32 [tilespmem:s20], [sflag:$0x3], $0x20, s16, s13, $0xb8;
	[tilespmem:$0x18E20] =	vst v63  }
0x6b: {  	s17 =	simm.s32 $0x28F0  }
0x6c: {  	[spmem:s2] =	stream.indirect.scatter.add.f32 [tilespmem:s21], [sflag:$0x3], $0x20, s17, s13, $0xb8;
	[tilespmem:$0x18E20] =	vst v63  }
0x6d: {  	s18 =	simm.s32 $0x2940  }
0x6e: {  	[spmem:s2] =	stream.indirect.scatter.add.f32 [tilespmem:s22], [sflag:$0x3], $0x20, s18, s13, $0xb8;
	[tilespmem:$0x18E20] =	vst v63  }
0x6f: {  	s19 =	simm.s32 $0x2990  }
0x70: {  	[spmem:s2] =	stream.indirect.scatter.add.f32 [tilespmem:s23], [sflag:$0x3], $0x20, s19, s13, $0xb8;
	[tilespmem:$0x18E20] =	vst v63  }
0x71: {  	s20 =	simm.s32 $0x29E0  }
0x72: {  	[spmem:s2] =	stream.indirect.scatter.add.f32 [tilespmem:s24], [sflag:$0x3], $0x20, s20, s13, $0xb8;
	[tilespmem:$0x18E20] =	vst v63  }
0x73: {  	s21 =	simm.s32 $0x2A30  }
0x74: {  	[spmem:s2] =	stream.indirect.scatter.add.f32 [tilespmem:s26], [sflag:$0x3], $0x20, s21, s13, $0xb8;
	[tilespmem:$0x18E20] =	vst v63  }
0x75: {  	s22 =	simm.s32 $0x2A80  }
0x76: {  	[spmem:s2] =	stream.indirect.scatter.add.f32 [tilespmem:s1], [sflag:$0x3], $0x20, s22, s13, $0xb8;
	[tilespmem:$0x18E20] =	vst v63  }
0x77: {  	s23 =	simm.s32 $0x3C0;
	s1 =	simm.s32 $0xC620  }
0x78: {  	[tilespmem:s1], [sflag:$0x2] =	stream.indirect.gather [hbm4b:s4+s13], $0x20, s23, s13, $0xb8;
	[tilespmem:$0x18E20] =	vst v63  }
0x79: {  	s15 =	simm.s32 $0xD020;
	s24 =	simm.s32 $0x410  }
0x7a: {  	[tilespmem:s15], [sflag:$0x2] =	stream.indirect.gather [hbm4b:s4+s13], $0x20, s24, s13, $0xb8;
	[tilespmem:$0x18E20] =	vst v63  }
0x7b: {  	s16 =	simm.s32 $0xDA20;
	s26 =	simm.s32 $0x460  }
0x7c: {  	[tilespmem:s16], [sflag:$0x2] =	stream.indirect.gather [hbm4b:s4+s13], $0x20, s26, s13, $0xb8;
	[tilespmem:$0x18E20] =	vst v63  }
0x7d: {  	s29 =	simm.s32 $0x4B0;
	s17 =	simm.s32 $0xE420  }
0x7e: {  	[tilespmem:s17], [sflag:$0x2] =	stream.indirect.gather [hbm4b:s4+s13], $0x20, s29, s13, $0xb8;
	[tilespmem:$0x18E20] =	vst v63  }
0x7f: {  	s18 =	simm.s32 $0x500  }
0x80: {  	[tilespmem:s12], [sflag:$0x2] =	stream.indirect.gather [hbm4b:s4+s13], $0x20, s18, s13, $0xb8;
	[tilespmem:$0x18E20] =	vst v63  }
0x81: {  	s19 =	simm.s32 $0x550  }
0x82: {  	[tilespmem:s0], [sflag:$0x2] =	stream.indirect.gather [hbm4b:s4+s13], $0x20, s19, s13, $0xb8;
	[tilespmem:$0x18E20] =	vst v63  }
0x83: {  	s20 =	simm.s32 $0x5A0  }
0x84: {  	[tilespmem:s3], [sflag:$0x2] =	stream.indirect.gather [hbm4b:s4+s13], $0x20, s20, s13, $0xb8;
	[tilespmem:$0x18E20] =	vst v63  }
0x85: {  	s21 =	simm.s32 $0x5F0  }
0x86: {  	[tilespmem:s5], [sflag:$0x2] =	stream.indirect.gather [hbm4b:s4+s13], $0x20, s21, s13, $0xb8;
	[tilespmem:$0x18E20] =	vst v63  }
0x87: {  	s22 =	simm.s32 $0x640  }
0x88: {  	[tilespmem:s6], [sflag:$0x2] =	stream.indirect.gather [hbm4b:s4+s13], $0x20, s22, s13, $0xb8;
	[tilespmem:$0x18E20] =	vst v63  }
0x89: {  	s23 =	simm.s32 $0x690  }
0x8a: {  	[tilespmem:s7], [sflag:$0x2] =	stream.indirect.gather [hbm4b:s4+s13], $0x20, s23, s13, $0xb8;
	[tilespmem:$0x18E20] =	vst v63  }
0x8b: {  	s24 =	simm.s32 $0x6E0  }
0x8c: {  	[tilespmem:s8], [sflag:$0x2] =	stream.indirect.gather [hbm4b:s4+s13], $0x20, s24, s13, $0xb8;
	[tilespmem:$0x18E20] =	vst v63  }
0x8d: {  	s26 =	simm.s32 $0x730  }
0x8e: {  	[tilespmem:s9], [sflag:$0x2] =	stream.indirect.gather [hbm4b:s4+s13], $0x20, s26, s13, $0xb8;
	[tilespmem:$0x18E20] =	vst v63  }
0x8f: {  	_ =	swait.ge [sflag:s10], $0xA00  }
0x90: {  	[sflag:s10] =	ssyncset.done $0x0  }
0x91: {  	[sflag:s10] =	ssyncadd.s32 $0xFFFFF600  }
0x92: {  	_ =	swait.ge [sflag:s10], $0xA00  }
0x93: {  	[sflag:s10] =	ssyncset.done $0x0  }
0x94: {  	[sflag:s10] =	ssyncadd.s32 $0xFFFFF600  }
0x95: {  	_ =	swait.ge [sflag:s10], $0xA00  }
0x96: {  	[sflag:s10] =	ssyncset.done $0x0  }
0x97: {  	[sflag:s10] =	ssyncadd.s32 $0xFFFFF600  }
0x98: {  	_ =	swait.ge [sflag:s10], $0xA00  }
0x99: {  	[sflag:s10] =	ssyncset.done $0x0  }
0x9a: {  	[sflag:s10] =	ssyncadd.s32 $0xFFFFF600  }
0x9b: {  	_ =	swait.ge [sflag:s10], $0xA00  }
0x9c: {  	[sflag:s10] =	ssyncset.done $0x0  }
0x9d: {  	[sflag:s10] =	ssyncadd.s32 $0xFFFFF600  }
0x9e: {  	_ =	swait.ge [sflag:s10], $0xA00  }
0x9f: {  	[sflag:s10] =	ssyncset.done $0x0  }
0xa0: {  	[sflag:s10] =	ssyncadd.s32 $0xFFFFF600  }
0xa1: {  	_ =	swait.ge [sflag:s10], $0xA00  }
0xa2: {  	[sflag:s10] =	ssyncset.done $0x0  }
0xa3: {  	[sflag:s10] =	ssyncadd.s32 $0xFFFFF600  }
0xa4: {  	_ =	swait.ge [sflag:s10], $0xA00  }
0xa5: {  	[sflag:s10] =	ssyncset.done $0x0  }
0xa6: {  	[sflag:s10] =	ssyncadd.s32 $0xFFFFF600  }
0xa7: {  	_ =	swait.ge [sflag:s10], $0xA00  }
0xa8: {  	[sflag:s10] =	ssyncset.done $0x0  }
0xa9: {  	[sflag:s10] =	ssyncadd.s32 $0xFFFFF600  }
0xaa: {  	_ =	swait.ge [sflag:s10], $0xA00  }
0xab: {  	[sflag:s10] =	ssyncset.done $0x0  }
0xac: {  	[sflag:s10] =	ssyncadd.s32 $0xFFFFF600  }
0xad: {  	_ =	swait.ge [sflag:s10], $0xA00  }
0xae: {  	[sflag:s10] =	ssyncset.done $0x0  }
0xaf: {  	[sflag:s10] =	ssyncadd.s32 $0xFFFFF600  }
0xb0: {  	_ =	swait.ge [sflag:s10], $0xA00  }
0xb1: {  	[sflag:s10] =	ssyncset.done $0x0  }
0xb2: {  	[sflag:s10] =	ssyncadd.s32 $0xFFFFF600  }
0xb3: {  	_ =	swait.ge [sflag:s25], $0xA00  }
0xb4: {  	[sflag:s25] =	ssyncset.done $0x0  }
0xb5: {  	[sflag:s25] =	ssyncadd.s32 $0xFFFFF600  }
0xb6: {  	_ =	swait.ge [sflag:s25], $0xA00  }
0xb7: {  	[sflag:s25] =	ssyncset.done $0x0  }
0xb8: {  	[sflag:s25] =	ssyncadd.s32 $0xFFFFF600  }
0xb9: {  	_ =	swait.ge [sflag:s25], $0xA00  }
0xba: {  	[sflag:s25] =	ssyncset.done $0x0  }
0xbb: {  	[sflag:s25] =	ssyncadd.s32 $0xFFFFF600  }
0xbc: {  	_ =	swait.ge [sflag:s25], $0xA00  }
0xbd: {  	[sflag:s25] =	ssyncset.done $0x0  }
0xbe: {  	[sflag:s25] =	ssyncadd.s32 $0xFFFFF600  }
0xbf: {  	_ =	swait.ge [sflag:s25], $0xA00  }
0xc0: {  	[sflag:s25] =	ssyncset.done $0x0  }
0xc1: {  	[sflag:s25] =	ssyncadd.s32 $0xFFFFF600  }
0xc2: {  	_ =	swait.ge [sflag:s25], $0xA00  }
0xc3: {  	[sflag:s25] =	ssyncset.done $0x0  }
0xc4: {  	[sflag:s25] =	ssyncadd.s32 $0xFFFFF600  }
0xc5: {  	_ =	swait.ge [sflag:s25], $0xA00  }
0xc6: {  	[sflag:s25] =	ssyncset.done $0x0  }
0xc7: {  	[sflag:s25] =	ssyncadd.s32 $0xFFFFF600  }
0xc8: {  	_ =	swait.ge [sflag:s25], $0xA00  }
0xc9: {  	[sflag:s25] =	ssyncset.done $0x0  }
0xca: {  	[sflag:s25] =	ssyncadd.s32 $0xFFFFF600  }
0xcb: {  	_ =	swait.ge [sflag:s25], $0xA00  }
0xcc: {  	[sflag:s25] =	ssyncset.done $0x0  }
0xcd: {  	[sflag:s25] =	ssyncadd.s32 $0xFFFFF600  }
0xce: {  	_ =	swait.ge [sflag:s25], $0xA00  }
0xcf: {  	[sflag:s25] =	ssyncset.done $0x0  }
0xd0: {  	[sflag:s25] =	ssyncadd.s32 $0xFFFFF600  }
0xd1: {  	_ =	swait.ge [sflag:s25], $0xA00  }
0xd2: {  	[sflag:s25] =	ssyncset.done $0x0  }
0xd3: {  	[sflag:s25] =	ssyncadd.s32 $0xFFFFF600  }
0xd4: {  	_ =	swait.ge [sflag:s25], $0xA00  }
0xd5: {  	[sflag:s25] =	ssyncset.done $0x0  }
0xd6: {  	s29 =	simm.s32 $0x2AD0;
	[sflag:s25] =	ssyncadd.s32 $0xFFFFF600  }
0xd7: {  	[spmem:s2] =	stream.indirect.scatter.add.f32 [tilespmem:s1], [sflag:$0x4], $0x20, s29, s13, $0xb8;
	[tilespmem:$0x18E20] =	vst v63  }
0xd8: {  	s1 =	simm.s32 $0x2B20  }
0xd9: {  	[spmem:s2] =	stream.indirect.scatter.add.f32 [tilespmem:s15], [sflag:$0x4], $0x20, s1, s13, $0xb8;
	[tilespmem:$0x18E20] =	vst v63  }
0xda: {  	s15 =	simm.s32 $0x2B70  }
0xdb: {  	[spmem:s2] =	stream.indirect.scatter.add.f32 [tilespmem:s16], [sflag:$0x4], $0x20, s15, s13, $0xb8;
	[tilespmem:$0x18E20] =	vst v63  }
0xdc: {  	s18 =	simm.s32 $0x2BC0  }
0xdd: {  	[spmem:s2] =	stream.indirect.scatter.add.f32 [tilespmem:s17], [sflag:$0x4], $0x20, s18, s13, $0xb8;
	[tilespmem:$0x18E20] =	vst v63  }
0xde: {  	s19 =	simm.s32 $0x2C10  }
0xdf: {  	[spmem:s2] =	stream.indirect.scatter.add.f32 [tilespmem:s12], [sflag:$0x4], $0x20, s19, s13, $0xb8;
	[tilespmem:$0x18E20] =	vst v63  }
0xe0: {  	s20 =	simm.s32 $0x2C60  }
0xe1: {  	[spmem:s2] =	stream.indirect.scatter.add.f32 [tilespmem:s0], [sflag:$0x4], $0x20, s20, s13, $0xb8;
	[tilespmem:$0x18E20] =	vst v63  }
0xe2: {  	s21 =	simm.s32 $0x2CB0  }
0xe3: {  	[spmem:s2] =	stream.indirect.scatter.add.f32 [tilespmem:s3], [sflag:$0x4], $0x20, s21, s13, $0xb8;
	[tilespmem:$0x18E20] =	vst v63  }
0xe4: {  	s22 =	simm.s32 $0x2D00  }
0xe5: {  	[spmem:s2] =	stream.indirect.scatter.add.f32 [tilespmem:s5], [sflag:$0x4], $0x20, s22, s13, $0xb8;
	[tilespmem:$0x18E20] =	vst v63  }
0xe6: {  	s23 =	simm.s32 $0x2D50  }
0xe7: {  	[spmem:s2] =	stream.indirect.scatter.add.f32 [tilespmem:s6], [sflag:$0x4], $0x20, s23, s13, $0xb8;
	[tilespmem:$0x18E20] =	vst v63  }
0xe8: {  	s24 =	simm.s32 $0x2DA0  }
0xe9: {  	[spmem:s2] =	stream.indirect.scatter.add.f32 [tilespmem:s7], [sflag:$0x4], $0x20, s24, s13, $0xb8;
	[tilespmem:$0x18E20] =	vst v63  }
0xea: {  	s26 =	simm.s32 $0x2DF0  }
0xeb: {  	[spmem:s2] =	stream.indirect.scatter.add.f32 [tilespmem:s8], [sflag:$0x4], $0x20, s26, s13, $0xb8;
	[tilespmem:$0x18E20] =	vst v63  }
0xec: {  	s29 =	simm.s32 $0x2E40  }
0xed: {  	[spmem:s2] =	stream.indirect.scatter.add.f32 [tilespmem:s9], [sflag:$0x4], $0x20, s29, s13, $0xb8;
	[tilespmem:$0x18E20] =	vst v63  }
0xee: {  	_ =	swait.ge [sflag:s11], $0xA00  }
0xef: {  	[sflag:s11] =	ssyncset.done $0x0  }
0xf0: {  	[sflag:s11] =	ssyncadd.s32 $0xFFFFF600  }
0xf1: {  	_ =	swait.ge [sflag:s11], $0xA00  }
0xf2: {  	[sflag:s11] =	ssyncset.done $0x0  }
0xf3: {  	[sflag:s11] =	ssyncadd.s32 $0xFFFFF600  }
0xf4: {  	_ =	swait.ge [sflag:s11], $0xA00  }
0xf5: {  	[sflag:s11] =	ssyncset.done $0x0  }
0xf6: {  	[sflag:s11] =	ssyncadd.s32 $0xFFFFF600  }
0xf7: {  	_ =	swait.ge [sflag:s11], $0xA00  }
0xf8: {  	[sflag:s11] =	ssyncset.done $0x0  }
0xf9: {  	[sflag:s11] =	ssyncadd.s32 $0xFFFFF600  }
0xfa: {  	_ =	swait.ge [sflag:s11], $0xA00  }
0xfb: {  	[sflag:s11] =	ssyncset.done $0x0  }
0xfc: {  	[sflag:s11] =	ssyncadd.s32 $0xFFFFF600  }
0xfd: {  	_ =	swait.ge [sflag:s11], $0xA00  }
0xfe: {  	[sflag:s11] =	ssyncset.done $0x0  }
0xff: {  	[sflag:s11] =	ssyncadd.s32 $0xFFFFF600  }
0x100: {  	_ =	swait.ge [sflag:s11], $0xA00  }
0x101: {  	[sflag:s11] =	ssyncset.done $0x0  }
0x102: {  	[sflag:s11] =	ssyncadd.s32 $0xFFFFF600  }
0x103: {  	_ =	swait.ge [sflag:s11], $0xA00  }
0x104: {  	[sflag:s11] =	ssyncset.done $0x0  }
0x105: {  	[sflag:s11] =	ssyncadd.s32 $0xFFFFF600  }
0x106: {  	_ =	swait.ge [sflag:s11], $0xA00  }
0x107: {  	[sflag:s11] =	ssyncset.done $0x0  }
0x108: {  	[sflag:s11] =	ssyncadd.s32 $0xFFFFF600  }
0x109: {  	_ =	swait.ge [sflag:s11], $0xA00  }
0x10a: {  	[sflag:s11] =	ssyncset.done $0x0  }
0x10b: {  	[sflag:s11] =	ssyncadd.s32 $0xFFFFF600  }
0x10c: {  	_ =	swait.ge [sflag:s11], $0xA00  }
0x10d: {  	[sflag:s11] =	ssyncset.done $0x0  }
0x10e: {  	[sflag:s11] =	ssyncadd.s32 $0xFFFFF600  }
0x10f: {  	_ =	swait.ge [sflag:s11], $0xA00  }
0x110: {  	s14 =	simm.s32 $0x1E00;
	s15 =	simm.s32 $0x3C00;
	[sflag:s11] =	ssyncset.done $0x0  }
.LBB2_2:
0x111: {  	s16 =	sshra.s32 s14, $0x2;
	[sflag:s11] =	ssyncadd.s32 $0xFFFFF600  }
0x112: {  	s14 =	smov.u32 s15;
	s17 =	sadd.s32 $0x1E00, s15;
	s19 =	simm.s32 $0x4E20  }
0x113: {  	[tilespmem:s19], [sflag:$0x1] =	stream.indirect.gather [hbm4b:s4+s13], $0x20, s16, s13, $0xb8;
	[tilespmem:$0x18E20] =	vst v63  }
0x114: {  	p1 =	sne.s32 s15, $0x7800;
	s18 =	simm.s32 $0x5820;
	s15 =	sadd.s32 $0x50, s16  }
0x115: {  	[tilespmem:s18], [sflag:$0x1] =	stream.indirect.gather [hbm4b:s4+s13], $0x20, s15, s13, $0xb8;
	[tilespmem:$0x18E20] =	vst v63  }
0x116: {  	s20 =	simm.s32 $0x6220;
	s15 =	sadd.s32 $0xA0, s16  }
0x117: {  	[tilespmem:s20], [sflag:$0x1] =	stream.indirect.gather [hbm4b:s4+s13], $0x20, s15, s13, $0xb8;
	[tilespmem:$0x18E20] =	vst v63  }
0x118: {  	s21 =	simm.s32 $0x6C20;
	s15 =	sadd.s32 $0xF0, s16  }
0x119: {  	[tilespmem:s21], [sflag:$0x1] =	stream.indirect.gather [hbm4b:s4+s13], $0x20, s15, s13, $0xb8;
	[tilespmem:$0x18E20] =	vst v63  }
0x11a: {  	s22 =	simm.s32 $0x7620;
	s15 =	sadd.s32 $0x140, s16  }
0x11b: {  	[tilespmem:s22], [sflag:$0x1] =	stream.indirect.gather [hbm4b:s4+s13], $0x20, s15, s13, $0xb8;
	[tilespmem:$0x18E20] =	vst v63  }
0x11c: {  	s23 =	simm.s32 $0x8020;
	s15 =	sadd.s32 $0x190, s16  }
0x11d: {  	[tilespmem:s23], [sflag:$0x1] =	stream.indirect.gather [hbm4b:s4+s13], $0x20, s15, s13, $0xb8;
	[tilespmem:$0x18E20] =	vst v63  }
0x11e: {  	s24 =	simm.s32 $0x8A20;
	s15 =	sadd.s32 $0x1E0, s16  }
0x11f: {  	[tilespmem:s24], [sflag:$0x1] =	stream.indirect.gather [hbm4b:s4+s13], $0x20, s15, s13, $0xb8;
	[tilespmem:$0x18E20] =	vst v63  }
0x120: {  	s26 =	simm.s32 $0x9420;
	s15 =	sadd.s32 $0x230, s16  }
0x121: {  	[tilespmem:s26], [sflag:$0x1] =	stream.indirect.gather [hbm4b:s4+s13], $0x20, s15, s13, $0xb8;
	[tilespmem:$0x18E20] =	vst v63  }
0x122: {  	s29 =	simm.s32 $0x9E20;
	s15 =	sadd.s32 $0x280, s16  }
0x123: {  	[tilespmem:s29], [sflag:$0x1] =	stream.indirect.gather [hbm4b:s4+s13], $0x20, s15, s13, $0xb8;
	[tilespmem:$0x18E20] =	vst v63  }
0x124: {  	s15 =	sadd.s32 $0x2D0, s16  }
0x125: {  	[tilespmem:s30], [sflag:$0x1] =	stream.indirect.gather [hbm4b:s4+s13], $0x20, s15, s13, $0xb8;
	[tilespmem:$0x18E20] =	vst v63  }
0x126: {  	s15 =	sadd.s32 $0x320, s16  }
0x127: {  	[tilespmem:s31], [sflag:$0x1] =	stream.indirect.gather [hbm4b:s4+s13], $0x20, s15, s13, $0xb8;
	[tilespmem:$0x18E20] =	vst v63  }
0x128: {  	s1 =	simm.s32 $0xBC20;
	s15 =	sadd.s32 $0x370, s16  }
0x129: {  	[tilespmem:s1], [sflag:$0x1] =	stream.indirect.gather [hbm4b:s4+s13], $0x20, s15, s13, $0xb8;
	[tilespmem:$0x18E20] =	vst v63  }
0x12a: {  	_ =	swait.ge [sflag:s28], $0xA00  }
0x12b: {  	[sflag:s28] =	ssyncset.done $0x0  }
0x12c: {  	[sflag:s28] =	ssyncadd.s32 $0xFFFFF600  }
0x12d: {  	_ =	swait.ge [sflag:s28], $0xA00  }
0x12e: {  	[sflag:s28] =	ssyncset.done $0x0  }
0x12f: {  	[sflag:s28] =	ssyncadd.s32 $0xFFFFF600  }
0x130: {  	_ =	swait.ge [sflag:s28], $0xA00  }
0x131: {  	[sflag:s28] =	ssyncset.done $0x0  }
0x132: {  	[sflag:s28] =	ssyncadd.s32 $0xFFFFF600  }
0x133: {  	_ =	swait.ge [sflag:s28], $0xA00  }
0x134: {  	[sflag:s28] =	ssyncset.done $0x0  }
0x135: {  	[sflag:s28] =	ssyncadd.s32 $0xFFFFF600  }
0x136: {  	_ =	swait.ge [sflag:s28], $0xA00  }
0x137: {  	[sflag:s28] =	ssyncset.done $0x0  }
0x138: {  	[sflag:s28] =	ssyncadd.s32 $0xFFFFF600  }
0x139: {  	_ =	swait.ge [sflag:s28], $0xA00  }
0x13a: {  	[sflag:s28] =	ssyncset.done $0x0  }
0x13b: {  	[sflag:s28] =	ssyncadd.s32 $0xFFFFF600  }
0x13c: {  	_ =	swait.ge [sflag:s28], $0xA00  }
0x13d: {  	[sflag:s28] =	ssyncset.done $0x0  }
0x13e: {  	[sflag:s28] =	ssyncadd.s32 $0xFFFFF600  }
0x13f: {  	_ =	swait.ge [sflag:s28], $0xA00  }
0x140: {  	[sflag:s28] =	ssyncset.done $0x0  }
0x141: {  	[sflag:s28] =	ssyncadd.s32 $0xFFFFF600  }
0x142: {  	_ =	swait.ge [sflag:s28], $0xA00  }
0x143: {  	[sflag:s28] =	ssyncset.done $0x0  }
0x144: {  	[sflag:s28] =	ssyncadd.s32 $0xFFFFF600  }
0x145: {  	_ =	swait.ge [sflag:s28], $0xA00  }
0x146: {  	[sflag:s28] =	ssyncset.done $0x0  }
0x147: {  	[sflag:s28] =	ssyncadd.s32 $0xFFFFF600  }
0x148: {  	_ =	swait.ge [sflag:s28], $0xA00  }
0x149: {  	[sflag:s28] =	ssyncset.done $0x0  }
0x14a: {  	[sflag:s28] =	ssyncadd.s32 $0xFFFFF600  }
0x14b: {  	_ =	swait.ge [sflag:s28], $0xA00  }
0x14c: {  	[sflag:s28] =	ssyncset.done $0x0  }
0x14d: {  	s15 =	sadd.s32 $0x2710, s16;
	[sflag:s28] =	ssyncadd.s32 $0xFFFFF600  }
0x14e: {  	[spmem:s2] =	stream.indirect.scatter.add.f32 [tilespmem:s19], [sflag:$0x3], $0x20, s15, s13, $0xb8;
	[tilespmem:$0x18E20] =	vst v63  }
0x14f: {  	s15 =	sadd.s32 $0x2760, s16  }
0x150: {  	[spmem:s2] =	stream.indirect.scatter.add.f32 [tilespmem:s18], [sflag:$0x3], $0x20, s15, s13, $0xb8;
	[tilespmem:$0x18E20] =	vst v63  }
0x151: {  	s15 =	sadd.s32 $0x27B0, s16  }
0x152: {  	[spmem:s2] =	stream.indirect.scatter.add.f32 [tilespmem:s20], [sflag:$0x3], $0x20, s15, s13, $0xb8;
	[tilespmem:$0x18E20] =	vst v63  }
0x153: {  	s15 =	sadd.s32 $0x2800, s16  }
0x154: {  	[spmem:s2] =	stream.indirect.scatter.add.f32 [tilespmem:s21], [sflag:$0x3], $0x20, s15, s13, $0xb8;
	[tilespmem:$0x18E20] =	vst v63  }
0x155: {  	s15 =	sadd.s32 $0x2850, s16  }
0x156: {  	[spmem:s2] =	stream.indirect.scatter.add.f32 [tilespmem:s22], [sflag:$0x3], $0x20, s15, s13, $0xb8;
	[tilespmem:$0x18E20] =	vst v63  }
0x157: {  	s15 =	sadd.s32 $0x28A0, s16  }
0x158: {  	[spmem:s2] =	stream.indirect.scatter.add.f32 [tilespmem:s23], [sflag:$0x3], $0x20, s15, s13, $0xb8;
	[tilespmem:$0x18E20] =	vst v63  }
0x159: {  	s15 =	sadd.s32 $0x28F0, s16  }
0x15a: {  	[spmem:s2] =	stream.indirect.scatter.add.f32 [tilespmem:s24], [sflag:$0x3], $0x20, s15, s13, $0xb8;
	[tilespmem:$0x18E20] =	vst v63  }
0x15b: {  	s15 =	sadd.s32 $0x2940, s16  }
0x15c: {  	[spmem:s2] =	stream.indirect.scatter.add.f32 [tilespmem:s26], [sflag:$0x3], $0x20, s15, s13, $0xb8;
	[tilespmem:$0x18E20] =	vst v63  }
0x15d: {  	s15 =	sadd.s32 $0x2990, s16  }
0x15e: {  	[spmem:s2] =	stream.indirect.scatter.add.f32 [tilespmem:s29], [sflag:$0x3], $0x20, s15, s13, $0xb8;
	[tilespmem:$0x18E20] =	vst v63  }
0x15f: {  	s15 =	sadd.s32 $0x29E0, s16  }
0x160: {  	[spmem:s2] =	stream.indirect.scatter.add.f32 [tilespmem:s30], [sflag:$0x3], $0x20, s15, s13, $0xb8;
	[tilespmem:$0x18E20] =	vst v63  }
0x161: {  	s15 =	sadd.s32 $0x2A30, s16  }
0x162: {  	[spmem:s2] =	stream.indirect.scatter.add.f32 [tilespmem:s31], [sflag:$0x3], $0x20, s15, s13, $0xb8;
	[tilespmem:$0x18E20] =	vst v63  }
0x163: {  	s15 =	sadd.s32 $0x2A80, s16  }
0x164: {  	[spmem:s2] =	stream.indirect.scatter.add.f32 [tilespmem:s1], [sflag:$0x3], $0x20, s15, s13, $0xb8;
	[tilespmem:$0x18E20] =	vst v63  }
0x165: {  	s15 =	sadd.s32 $0x3C0, s16;
	s1 =	simm.s32 $0xC620  }
0x166: {  	[tilespmem:s1], [sflag:$0x2] =	stream.indirect.gather [hbm4b:s4+s13], $0x20, s15, s13, $0xb8;
	[tilespmem:$0x18E20] =	vst v63  }
0x167: {  	s18 =	simm.s32 $0xD020;
	s15 =	sadd.s32 $0x410, s16  }
0x168: {  	[tilespmem:s18], [sflag:$0x2] =	stream.indirect.gather [hbm4b:s4+s13], $0x20, s15, s13, $0xb8;
	[tilespmem:$0x18E20] =	vst v63  }
0x169: {  	s19 =	simm.s32 $0xDA20;
	s15 =	sadd.s32 $0x460, s16  }
0x16a: {  	[tilespmem:s19], [sflag:$0x2] =	stream.indirect.gather [hbm4b:s4+s13], $0x20, s15, s13, $0xb8;
	[tilespmem:$0x18E20] =	vst v63  }
0x16b: {  	s20 =	simm.s32 $0xE420;
	s15 =	sadd.s32 $0x4B0, s16  }
0x16c: {  	[tilespmem:s20], [sflag:$0x2] =	stream.indirect.gather [hbm4b:s4+s13], $0x20, s15, s13, $0xb8;
	[tilespmem:$0x18E20] =	vst v63  }
0x16d: {  	s15 =	sadd.s32 $0x500, s16  }
0x16e: {  	[tilespmem:s12], [sflag:$0x2] =	stream.indirect.gather [hbm4b:s4+s13], $0x20, s15, s13, $0xb8;
	[tilespmem:$0x18E20] =	vst v63  }
0x16f: {  	s15 =	sadd.s32 $0x550, s16  }
0x170: {  	[tilespmem:s0], [sflag:$0x2] =	stream.indirect.gather [hbm4b:s4+s13], $0x20, s15, s13, $0xb8;
	[tilespmem:$0x18E20] =	vst v63  }
0x171: {  	s15 =	sadd.s32 $0x5A0, s16  }
0x172: {  	[tilespmem:s3], [sflag:$0x2] =	stream.indirect.gather [hbm4b:s4+s13], $0x20, s15, s13, $0xb8;
	[tilespmem:$0x18E20] =	vst v63  }
0x173: {  	s15 =	sadd.s32 $0x5F0, s16  }
0x174: {  	[tilespmem:s5], [sflag:$0x2] =	stream.indirect.gather [hbm4b:s4+s13], $0x20, s15, s13, $0xb8;
	[tilespmem:$0x18E20] =	vst v63  }
0x175: {  	s15 =	sadd.s32 $0x640, s16  }
0x176: {  	[tilespmem:s6], [sflag:$0x2] =	stream.indirect.gather [hbm4b:s4+s13], $0x20, s15, s13, $0xb8;
	[tilespmem:$0x18E20] =	vst v63  }
0x177: {  	s15 =	sadd.s32 $0x690, s16  }
0x178: {  	[tilespmem:s7], [sflag:$0x2] =	stream.indirect.gather [hbm4b:s4+s13], $0x20, s15, s13, $0xb8;
	[tilespmem:$0x18E20] =	vst v63  }
0x179: {  	s15 =	sadd.s32 $0x6E0, s16  }
0x17a: {  	[tilespmem:s8], [sflag:$0x2] =	stream.indirect.gather [hbm4b:s4+s13], $0x20, s15, s13, $0xb8;
	[tilespmem:$0x18E20] =	vst v63  }
0x17b: {  	s15 =	sadd.s32 $0x730, s16  }
0x17c: {  	[tilespmem:s9], [sflag:$0x2] =	stream.indirect.gather [hbm4b:s4+s13], $0x20, s15, s13, $0xb8;
	[tilespmem:$0x18E20] =	vst v63  }
0x17d: {  	_ =	swait.ge [sflag:s10], $0xA00  }
0x17e: {  	[sflag:s10] =	ssyncset.done $0x0  }
0x17f: {  	[sflag:s10] =	ssyncadd.s32 $0xFFFFF600  }
0x180: {  	_ =	swait.ge [sflag:s10], $0xA00  }
0x181: {  	[sflag:s10] =	ssyncset.done $0x0  }
0x182: {  	[sflag:s10] =	ssyncadd.s32 $0xFFFFF600  }
0x183: {  	_ =	swait.ge [sflag:s10], $0xA00  }
0x184: {  	[sflag:s10] =	ssyncset.done $0x0  }
0x185: {  	[sflag:s10] =	ssyncadd.s32 $0xFFFFF600  }
0x186: {  	_ =	swait.ge [sflag:s10], $0xA00  }
0x187: {  	[sflag:s10] =	ssyncset.done $0x0  }
0x188: {  	[sflag:s10] =	ssyncadd.s32 $0xFFFFF600  }
0x189: {  	_ =	swait.ge [sflag:s10], $0xA00  }
0x18a: {  	[sflag:s10] =	ssyncset.done $0x0  }
0x18b: {  	[sflag:s10] =	ssyncadd.s32 $0xFFFFF600  }
0x18c: {  	_ =	swait.ge [sflag:s10], $0xA00  }
0x18d: {  	[sflag:s10] =	ssyncset.done $0x0  }
0x18e: {  	[sflag:s10] =	ssyncadd.s32 $0xFFFFF600  }
0x18f: {  	_ =	swait.ge [sflag:s10], $0xA00  }
0x190: {  	[sflag:s10] =	ssyncset.done $0x0  }
0x191: {  	[sflag:s10] =	ssyncadd.s32 $0xFFFFF600  }
0x192: {  	_ =	swait.ge [sflag:s10], $0xA00  }
0x193: {  	[sflag:s10] =	ssyncset.done $0x0  }
0x194: {  	[sflag:s10] =	ssyncadd.s32 $0xFFFFF600  }
0x195: {  	_ =	swait.ge [sflag:s10], $0xA00  }
0x196: {  	[sflag:s10] =	ssyncset.done $0x0  }
0x197: {  	[sflag:s10] =	ssyncadd.s32 $0xFFFFF600  }
0x198: {  	_ =	swait.ge [sflag:s10], $0xA00  }
0x199: {  	[sflag:s10] =	ssyncset.done $0x0  }
0x19a: {  	[sflag:s10] =	ssyncadd.s32 $0xFFFFF600  }
0x19b: {  	_ =	swait.ge [sflag:s10], $0xA00  }
0x19c: {  	[sflag:s10] =	ssyncset.done $0x0  }
0x19d: {  	[sflag:s10] =	ssyncadd.s32 $0xFFFFF600  }
0x19e: {  	_ =	swait.ge [sflag:s10], $0xA00  }
0x19f: {  	[sflag:s10] =	ssyncset.done $0x0  }
0x1a0: {  	[sflag:s10] =	ssyncadd.s32 $0xFFFFF600  }
0x1a1: {  	_ =	swait.ge [sflag:s25], $0xA00  }
0x1a2: {  	[sflag:s25] =	ssyncset.done $0x0  }
0x1a3: {  	[sflag:s25] =	ssyncadd.s32 $0xFFFFF600  }
0x1a4: {  	_ =	swait.ge [sflag:s25], $0xA00  }
0x1a5: {  	[sflag:s25] =	ssyncset.done $0x0  }
0x1a6: {  	[sflag:s25] =	ssyncadd.s32 $0xFFFFF600  }
0x1a7: {  	_ =	swait.ge [sflag:s25], $0xA00  }
0x1a8: {  	[sflag:s25] =	ssyncset.done $0x0  }
0x1a9: {  	[sflag:s25] =	ssyncadd.s32 $0xFFFFF600  }
0x1aa: {  	_ =	swait.ge [sflag:s25], $0xA00  }
0x1ab: {  	[sflag:s25] =	ssyncset.done $0x0  }
0x1ac: {  	[sflag:s25] =	ssyncadd.s32 $0xFFFFF600  }
0x1ad: {  	_ =	swait.ge [sflag:s25], $0xA00  }
0x1ae: {  	[sflag:s25] =	ssyncset.done $0x0  }
0x1af: {  	[sflag:s25] =	ssyncadd.s32 $0xFFFFF600  }
0x1b0: {  	_ =	swait.ge [sflag:s25], $0xA00  }
0x1b1: {  	[sflag:s25] =	ssyncset.done $0x0  }
0x1b2: {  	[sflag:s25] =	ssyncadd.s32 $0xFFFFF600  }
0x1b3: {  	_ =	swait.ge [sflag:s25], $0xA00  }
0x1b4: {  	[sflag:s25] =	ssyncset.done $0x0  }
0x1b5: {  	[sflag:s25] =	ssyncadd.s32 $0xFFFFF600  }
0x1b6: {  	_ =	swait.ge [sflag:s25], $0xA00  }
0x1b7: {  	[sflag:s25] =	ssyncset.done $0x0  }
0x1b8: {  	[sflag:s25] =	ssyncadd.s32 $0xFFFFF600  }
0x1b9: {  	_ =	swait.ge [sflag:s25], $0xA00  }
0x1ba: {  	[sflag:s25] =	ssyncset.done $0x0  }
0x1bb: {  	[sflag:s25] =	ssyncadd.s32 $0xFFFFF600  }
0x1bc: {  	_ =	swait.ge [sflag:s25], $0xA00  }
0x1bd: {  	[sflag:s25] =	ssyncset.done $0x0  }
0x1be: {  	[sflag:s25] =	ssyncadd.s32 $0xFFFFF600  }
0x1bf: {  	_ =	swait.ge [sflag:s25], $0xA00  }
0x1c0: {  	[sflag:s25] =	ssyncset.done $0x0  }
0x1c1: {  	[sflag:s25] =	ssyncadd.s32 $0xFFFFF600  }
0x1c2: {  	_ =	swait.ge [sflag:s25], $0xA00  }
0x1c3: {  	[sflag:s25] =	ssyncset.done $0x0  }
0x1c4: {  	s15 =	sadd.s32 $0x2AD0, s16;
	[sflag:s25] =	ssyncadd.s32 $0xFFFFF600  }
0x1c5: {  	[spmem:s2] =	stream.indirect.scatter.add.f32 [tilespmem:s1], [sflag:$0x4], $0x20, s15, s13, $0xb8;
	[tilespmem:$0x18E20] =	vst v63  }
0x1c6: {  	s15 =	sadd.s32 $0x2B20, s16  }
0x1c7: {  	[spmem:s2] =	stream.indirect.scatter.add.f32 [tilespmem:s18], [sflag:$0x4], $0x20, s15, s13, $0xb8;
	[tilespmem:$0x18E20] =	vst v63  }
0x1c8: {  	s15 =	sadd.s32 $0x2B70, s16  }
0x1c9: {  	[spmem:s2] =	stream.indirect.scatter.add.f32 [tilespmem:s19], [sflag:$0x4], $0x20, s15, s13, $0xb8;
	[tilespmem:$0x18E20] =	vst v63  }
0x1ca: {  	s15 =	sadd.s32 $0x2BC0, s16  }
0x1cb: {  	[spmem:s2] =	stream.indirect.scatter.add.f32 [tilespmem:s20], [sflag:$0x4], $0x20, s15, s13, $0xb8;
	[tilespmem:$0x18E20] =	vst v63  }
0x1cc: {  	s15 =	sadd.s32 $0x2C10, s16  }
0x1cd: {  	[spmem:s2] =	stream.indirect.scatter.add.f32 [tilespmem:s12], [sflag:$0x4], $0x20, s15, s13, $0xb8;
	[tilespmem:$0x18E20] =	vst v63  }
0x1ce: {  	s15 =	sadd.s32 $0x2C60, s16  }
0x1cf: {  	[spmem:s2] =	stream.indirect.scatter.add.f32 [tilespmem:s0], [sflag:$0x4], $0x20, s15, s13, $0xb8;
	[tilespmem:$0x18E20] =	vst v63  }
0x1d0: {  	s15 =	sadd.s32 $0x2CB0, s16  }
0x1d1: {  	[spmem:s2] =	stream.indirect.scatter.add.f32 [tilespmem:s3], [sflag:$0x4], $0x20, s15, s13, $0xb8;
	[tilespmem:$0x18E20] =	vst v63  }
0x1d2: {  	s15 =	sadd.s32 $0x2D00, s16  }
0x1d3: {  	[spmem:s2] =	stream.indirect.scatter.add.f32 [tilespmem:s5], [sflag:$0x4], $0x20, s15, s13, $0xb8;
	[tilespmem:$0x18E20] =	vst v63  }
0x1d4: {  	s15 =	sadd.s32 $0x2D50, s16  }
0x1d5: {  	[spmem:s2] =	stream.indirect.scatter.add.f32 [tilespmem:s6], [sflag:$0x4], $0x20, s15, s13, $0xb8;
	[tilespmem:$0x18E20] =	vst v63  }
0x1d6: {  	s15 =	sadd.s32 $0x2DA0, s16  }
0x1d7: {  	[spmem:s2] =	stream.indirect.scatter.add.f32 [tilespmem:s7], [sflag:$0x4], $0x20, s15, s13, $0xb8;
	[tilespmem:$0x18E20] =	vst v63  }
0x1d8: {  	s15 =	sadd.s32 $0x2DF0, s16  }
0x1d9: {  	[spmem:s2] =	stream.indirect.scatter.add.f32 [tilespmem:s8], [sflag:$0x4], $0x20, s15, s13, $0xb8;
	[tilespmem:$0x18E20] =	vst v63  }
0x1da: {  	s15 =	sadd.s32 $0x2E40, s16  }
0x1db: {  	[spmem:s2] =	stream.indirect.scatter.add.f32 [tilespmem:s9], [sflag:$0x4], $0x20, s15, s13, $0xb8;
	[tilespmem:$0x18E20] =	vst v63  }
0x1dc: {  	_ =	swait.ge [sflag:s11], $0xA00  }
0x1dd: {  	[sflag:s11] =	ssyncset.done $0x0  }
0x1de: {  	[sflag:s11] =	ssyncadd.s32 $0xFFFFF600  }
0x1df: {  	_ =	swait.ge [sflag:s11], $0xA00  }
0x1e0: {  	[sflag:s11] =	ssyncset.done $0x0  }
0x1e1: {  	[sflag:s11] =	ssyncadd.s32 $0xFFFFF600  }
0x1e2: {  	_ =	swait.ge [sflag:s11], $0xA00  }
0x1e3: {  	[sflag:s11] =	ssyncset.done $0x0  }
0x1e4: {  	[sflag:s11] =	ssyncadd.s32 $0xFFFFF600  }
0x1e5: {  	_ =	swait.ge [sflag:s11], $0xA00  }
0x1e6: {  	[sflag:s11] =	ssyncset.done $0x0  }
0x1e7: {  	[sflag:s11] =	ssyncadd.s32 $0xFFFFF600  }
0x1e8: {  	_ =	swait.ge [sflag:s11], $0xA00  }
0x1e9: {  	[sflag:s11] =	ssyncset.done $0x0  }
0x1ea: {  	[sflag:s11] =	ssyncadd.s32 $0xFFFFF600  }
0x1eb: {  	_ =	swait.ge [sflag:s11], $0xA00  }
0x1ec: {  	[sflag:s11] =	ssyncset.done $0x0  }
0x1ed: {  	[sflag:s11] =	ssyncadd.s32 $0xFFFFF600  }
0x1ee: {  	_ =	swait.ge [sflag:s11], $0xA00  }
0x1ef: {  	[sflag:s11] =	ssyncset.done $0x0  }
0x1f0: {  	[sflag:s11] =	ssyncadd.s32 $0xFFFFF600  }
0x1f1: {  	_ =	swait.ge [sflag:s11], $0xA00  }
0x1f2: {  	[sflag:s11] =	ssyncset.done $0x0  }
0x1f3: {  	[sflag:s11] =	ssyncadd.s32 $0xFFFFF600  }
0x1f4: {  	_ =	swait.ge [sflag:s11], $0xA00  }
0x1f5: {  	[sflag:s11] =	ssyncset.done $0x0  }
0x1f6: {  	[sflag:s11] =	ssyncadd.s32 $0xFFFFF600  }
0x1f7: {  	_ =	swait.ge [sflag:s11], $0xA00  }
0x1f8: {  	[sflag:s11] =	ssyncset.done $0x0  }
0x1f9: {  	[sflag:s11] =	ssyncadd.s32 $0xFFFFF600  }
.Ltmp0:
0x1fa: {  	_ =	swait.ge [sflag:s11], $0xA00;
	(pc) =	sbr.rel @p1 .LBB2_2-.Ltmp0, $4  }
0x1fb: {  	[sflag:s11] =	ssyncset.done $0x0  }
0x1fc: {  	[sflag:s11] =	ssyncadd.s32 $0xFFFFF600  }
0x1fd: {  	_ =	swait.ge [sflag:s11], $0xA00  }
0x1fe: {  	s15 =	smov.u32 s17;
	[sflag:s11] =	ssyncset.done $0x0  }
0x1ff: {  	s14 =	sshra.s32 s14, $0x2;
	[sflag:s11] =	ssyncadd.s32 $0xFFFFF600;
	s16 =	simm.s32 $0x4E20  }
0x200: {  	[tilespmem:s16], [sflag:$0x1] =	stream.indirect.gather [hbm4b:s4+s13], $0x20, s14, s13, $0xb8;
	[tilespmem:$0x18E20] =	vst v63  }
0x201: {  	s17 =	simm.s32 $0x5820;
	s15 =	sadd.s32 $0x50, s14  }
0x202: {  	[tilespmem:s17], [sflag:$0x1] =	stream.indirect.gather [hbm4b:s4+s13], $0x20, s15, s13, $0xb8;
	[tilespmem:$0x18E20] =	vst v63  }
0x203: {  	s18 =	simm.s32 $0x6220;
	s19 =	sadd.s32 $0xA0, s14  }
0x204: {  	[tilespmem:s18], [sflag:$0x1] =	stream.indirect.gather [hbm4b:s4+s13], $0x20, s19, s13, $0xb8;
	[tilespmem:$0x18E20] =	vst v63  }
0x205: {  	s20 =	sadd.s32 $0xF0, s14;
	s19 =	simm.s32 $0x6C20  }
0x206: {  	[tilespmem:s19], [sflag:$0x1] =	stream.indirect.gather [hbm4b:s4+s13], $0x20, s20, s13, $0xb8;
	[tilespmem:$0x18E20] =	vst v63  }
0x207: {  	s21 =	sadd.s32 $0x140, s14;
	s20 =	simm.s32 $0x7620  }
0x208: {  	[tilespmem:s20], [sflag:$0x1] =	stream.indirect.gather [hbm4b:s4+s13], $0x20, s21, s13, $0xb8;
	[tilespmem:$0x18E20] =	vst v63  }
0x209: {  	s22 =	sadd.s32 $0x190, s14;
	s21 =	simm.s32 $0x8020  }
0x20a: {  	[tilespmem:s21], [sflag:$0x1] =	stream.indirect.gather [hbm4b:s4+s13], $0x20, s22, s13, $0xb8;
	[tilespmem:$0x18E20] =	vst v63  }
0x20b: {  	s23 =	sadd.s32 $0x1E0, s14;
	s22 =	simm.s32 $0x8A20  }
0x20c: {  	[tilespmem:s22], [sflag:$0x1] =	stream.indirect.gather [hbm4b:s4+s13], $0x20, s23, s13, $0xb8;
	[tilespmem:$0x18E20] =	vst v63  }
0x20d: {  	s24 =	sadd.s32 $0x230, s14;
	s23 =	simm.s32 $0x9420  }
0x20e: {  	[tilespmem:s23], [sflag:$0x1] =	stream.indirect.gather [hbm4b:s4+s13], $0x20, s24, s13, $0xb8;
	[tilespmem:$0x18E20] =	vst v63  }
0x20f: {  	s26 =	sadd.s32 $0x280, s14;
	s24 =	simm.s32 $0x9E20  }
0x210: {  	[tilespmem:s24], [sflag:$0x1] =	stream.indirect.gather [hbm4b:s4+s13], $0x20, s26, s13, $0xb8;
	[tilespmem:$0x18E20] =	vst v63  }
0x211: {  	s29 =	sadd.s32 $0x2D0, s14;
	s26 =	simm.s32 $0xA820  }
0x212: {  	[tilespmem:s26], [sflag:$0x1] =	stream.indirect.gather [hbm4b:s4+s13], $0x20, s29, s13, $0xb8;
	[tilespmem:$0x18E20] =	vst v63  }
0x213: {  	s1 =	sadd.s32 $0x320, s14;
	s29 =	simm.s32 $0xB220  }
0x214: {  	[tilespmem:s29], [sflag:$0x1] =	stream.indirect.gather [hbm4b:s4+s13], $0x20, s1, s13, $0xb8;
	[tilespmem:$0x18E20] =	vst v63  }
0x215: {  	s15 =	sadd.s32 $0x370, s14;
	s1 =	simm.s32 $0xBC20  }
0x216: {  	[tilespmem:s1], [sflag:$0x1] =	stream.indirect.gather [hbm4b:s4+s13], $0x20, s15, s13, $0xb8;
	[tilespmem:$0x18E20] =	vst v63  }
0x217: {  	_ =	swait.ge [sflag:s28], $0xA00  }
0x218: {  	[sflag:s28] =	ssyncset.done $0x0  }
0x219: {  	[sflag:s28] =	ssyncadd.s32 $0xFFFFF600  }
0x21a: {  	_ =	swait.ge [sflag:s28], $0xA00  }
0x21b: {  	[sflag:s28] =	ssyncset.done $0x0  }
0x21c: {  	[sflag:s28] =	ssyncadd.s32 $0xFFFFF600  }
0x21d: {  	_ =	swait.ge [sflag:s28], $0xA00  }
0x21e: {  	[sflag:s28] =	ssyncset.done $0x0  }
0x21f: {  	[sflag:s28] =	ssyncadd.s32 $0xFFFFF600  }
0x220: {  	_ =	swait.ge [sflag:s28], $0xA00  }
0x221: {  	[sflag:s28] =	ssyncset.done $0x0  }
0x222: {  	[sflag:s28] =	ssyncadd.s32 $0xFFFFF600  }
0x223: {  	_ =	swait.ge [sflag:s28], $0xA00  }
0x224: {  	[sflag:s28] =	ssyncset.done $0x0  }
0x225: {  	[sflag:s28] =	ssyncadd.s32 $0xFFFFF600  }
0x226: {  	_ =	swait.ge [sflag:s28], $0xA00  }
0x227: {  	[sflag:s28] =	ssyncset.done $0x0  }
0x228: {  	[sflag:s28] =	ssyncadd.s32 $0xFFFFF600  }
0x229: {  	_ =	swait.ge [sflag:s28], $0xA00  }
0x22a: {  	[sflag:s28] =	ssyncset.done $0x0  }
0x22b: {  	[sflag:s28] =	ssyncadd.s32 $0xFFFFF600  }
0x22c: {  	_ =	swait.ge [sflag:s28], $0xA00  }
0x22d: {  	[sflag:s28] =	ssyncset.done $0x0  }
0x22e: {  	[sflag:s28] =	ssyncadd.s32 $0xFFFFF600  }
0x22f: {  	_ =	swait.ge [sflag:s28], $0xA00  }
0x230: {  	[sflag:s28] =	ssyncset.done $0x0  }
0x231: {  	[sflag:s28] =	ssyncadd.s32 $0xFFFFF600  }
0x232: {  	_ =	swait.ge [sflag:s28], $0xA00  }
0x233: {  	[sflag:s28] =	ssyncset.done $0x0  }
0x234: {  	[sflag:s28] =	ssyncadd.s32 $0xFFFFF600  }
0x235: {  	_ =	swait.ge [sflag:s28], $0xA00  }
0x236: {  	[sflag:s28] =	ssyncset.done $0x0  }
0x237: {  	[sflag:s28] =	ssyncadd.s32 $0xFFFFF600  }
0x238: {  	_ =	swait.ge [sflag:s28], $0xA00  }
0x239: {  	[sflag:s28] =	ssyncset.done $0x0  }
0x23a: {  	s15 =	sadd.s32 $0x2710, s14;
	[sflag:s28] =	ssyncadd.s32 $0xFFFFF600  }
0x23b: {  	[spmem:s2] =	stream.indirect.scatter.add.f32 [tilespmem:s16], [sflag:$0x3], $0x20, s15, s13, $0xb8;
	[tilespmem:$0x18E20] =	vst v63  }
0x23c: {  	s15 =	sadd.s32 $0x2760, s14  }
0x23d: {  	[spmem:s2] =	stream.indirect.scatter.add.f32 [tilespmem:s17], [sflag:$0x3], $0x20, s15, s13, $0xb8;
	[tilespmem:$0x18E20] =	vst v63  }
0x23e: {  	s15 =	sadd.s32 $0x27B0, s14  }
0x23f: {  	[spmem:s2] =	stream.indirect.scatter.add.f32 [tilespmem:s18], [sflag:$0x3], $0x20, s15, s13, $0xb8;
	[tilespmem:$0x18E20] =	vst v63  }
0x240: {  	s15 =	sadd.s32 $0x2800, s14  }
0x241: {  	[spmem:s2] =	stream.indirect.scatter.add.f32 [tilespmem:s19], [sflag:$0x3], $0x20, s15, s13, $0xb8;
	[tilespmem:$0x18E20] =	vst v63  }
0x242: {  	s15 =	sadd.s32 $0x2850, s14  }
0x243: {  	[spmem:s2] =	stream.indirect.scatter.add.f32 [tilespmem:s20], [sflag:$0x3], $0x20, s15, s13, $0xb8;
	[tilespmem:$0x18E20] =	vst v63  }
0x244: {  	s15 =	sadd.s32 $0x28A0, s14  }
0x245: {  	[spmem:s2] =	stream.indirect.scatter.add.f32 [tilespmem:s21], [sflag:$0x3], $0x20, s15, s13, $0xb8;
	[tilespmem:$0x18E20] =	vst v63  }
0x246: {  	s21 =	sadd.s32 $0x28F0, s14  }
0x247: {  	[spmem:s2] =	stream.indirect.scatter.add.f32 [tilespmem:s22], [sflag:$0x3], $0x20, s21, s13, $0xb8;
	[tilespmem:$0x18E20] =	vst v63  }
0x248: {  	s22 =	sadd.s32 $0x2940, s14  }
0x249: {  	[spmem:s2] =	stream.indirect.scatter.add.f32 [tilespmem:s23], [sflag:$0x3], $0x20, s22, s13, $0xb8;
	[tilespmem:$0x18E20] =	vst v63  }
0x24a: {  	s23 =	sadd.s32 $0x2990, s14  }
0x24b: {  	[spmem:s2] =	stream.indirect.scatter.add.f32 [tilespmem:s24], [sflag:$0x3], $0x20, s23, s13, $0xb8;
	[tilespmem:$0x18E20] =	vst v63  }
0x24c: {  	s24 =	sadd.s32 $0x29E0, s14  }
0x24d: {  	[spmem:s2] =	stream.indirect.scatter.add.f32 [tilespmem:s26], [sflag:$0x3], $0x20, s24, s13, $0xb8;
	[tilespmem:$0x18E20] =	vst v63  }
0x24e: {  	s21 =	sadd.s32 $0x2A30, s14  }
0x24f: {  	[spmem:s2] =	stream.indirect.scatter.add.f32 [tilespmem:s29], [sflag:$0x3], $0x20, s21, s13, $0xb8;
	[tilespmem:$0x18E20] =	vst v63  }
0x250: {  	s22 =	sadd.s32 $0x2A80, s14  }
0x251: {  	[spmem:s2] =	stream.indirect.scatter.add.f32 [tilespmem:s1], [sflag:$0x3], $0x20, s22, s13, $0xb8;
	[tilespmem:$0x18E20] =	vst v63  }
0x252: {  	s23 =	sadd.s32 $0x3C0, s14;
	s1 =	simm.s32 $0xC620  }
0x253: {  	[tilespmem:s1], [sflag:$0x2] =	stream.indirect.gather [hbm4b:s4+s13], $0x20, s23, s13, $0xb8;
	[tilespmem:$0x18E20] =	vst v63  }
0x254: {  	s24 =	sadd.s32 $0x410, s14;
	s21 =	simm.s32 $0xD020  }
0x255: {  	[tilespmem:s21], [sflag:$0x2] =	stream.indirect.gather [hbm4b:s4+s13], $0x20, s24, s13, $0xb8;
	[tilespmem:$0x18E20] =	vst v63  }
0x256: {  	s26 =	sadd.s32 $0x460, s14;
	s22 =	simm.s32 $0xDA20  }
0x257: {  	[tilespmem:s22], [sflag:$0x2] =	stream.indirect.gather [hbm4b:s4+s13], $0x20, s26, s13, $0xb8;
	[tilespmem:$0x18E20] =	vst v63  }
0x258: {  	s29 =	sadd.s32 $0x4B0, s14;
	s23 =	simm.s32 $0xE420  }
0x259: {  	[tilespmem:s23], [sflag:$0x2] =	stream.indirect.gather [hbm4b:s4+s13], $0x20, s29, s13, $0xb8;
	[tilespmem:$0x18E20] =	vst v63  }
0x25a: {  	s24 =	sadd.s32 $0x500, s14  }
0x25b: {  	[tilespmem:s12], [sflag:$0x2] =	stream.indirect.gather [hbm4b:s4+s13], $0x20, s24, s13, $0xb8;
	[tilespmem:$0x18E20] =	vst v63  }
0x25c: {  	s26 =	sadd.s32 $0x550, s14  }
0x25d: {  	[tilespmem:s0], [sflag:$0x2] =	stream.indirect.gather [hbm4b:s4+s13], $0x20, s26, s13, $0xb8;
	[tilespmem:$0x18E20] =	vst v63  }
0x25e: {  	s29 =	sadd.s32 $0x5A0, s14  }
0x25f: {  	[tilespmem:s3], [sflag:$0x2] =	stream.indirect.gather [hbm4b:s4+s13], $0x20, s29, s13, $0xb8;
	[tilespmem:$0x18E20] =	vst v63  }
0x260: {  	s24 =	sadd.s32 $0x5F0, s14  }
0x261: {  	[tilespmem:s5], [sflag:$0x2] =	stream.indirect.gather [hbm4b:s4+s13], $0x20, s24, s13, $0xb8;
	[tilespmem:$0x18E20] =	vst v63  }
0x262: {  	s26 =	sadd.s32 $0x640, s14  }
0x263: {  	[tilespmem:s6], [sflag:$0x2] =	stream.indirect.gather [hbm4b:s4+s13], $0x20, s26, s13, $0xb8;
	[tilespmem:$0x18E20] =	vst v63  }
0x264: {  	s29 =	sadd.s32 $0x690, s14  }
0x265: {  	[tilespmem:s7], [sflag:$0x2] =	stream.indirect.gather [hbm4b:s4+s13], $0x20, s29, s13, $0xb8;
	[tilespmem:$0x18E20] =	vst v63  }
0x266: {  	s24 =	sadd.s32 $0x6E0, s14  }
0x267: {  	[tilespmem:s8], [sflag:$0x2] =	stream.indirect.gather [hbm4b:s4+s13], $0x20, s24, s13, $0xb8;
	[tilespmem:$0x18E20] =	vst v63  }
0x268: {  	s26 =	sadd.s32 $0x730, s14  }
0x269: {  	[tilespmem:s9], [sflag:$0x2] =	stream.indirect.gather [hbm4b:s4+s13], $0x20, s26, s13, $0xb8;
	[tilespmem:$0x18E20] =	vst v63  }
0x26a: {  	_ =	swait.ge [sflag:s10], $0xA00  }
0x26b: {  	[sflag:s10] =	ssyncset.done $0x0  }
0x26c: {  	[sflag:s10] =	ssyncadd.s32 $0xFFFFF600  }
0x26d: {  	_ =	swait.ge [sflag:s10], $0xA00  }
0x26e: {  	[sflag:s10] =	ssyncset.done $0x0  }
0x26f: {  	[sflag:s10] =	ssyncadd.s32 $0xFFFFF600  }
0x270: {  	_ =	swait.ge [sflag:s10], $0xA00  }
0x271: {  	[sflag:s10] =	ssyncset.done $0x0  }
0x272: {  	[sflag:s10] =	ssyncadd.s32 $0xFFFFF600  }
0x273: {  	_ =	swait.ge [sflag:s10], $0xA00  }
0x274: {  	[sflag:s10] =	ssyncset.done $0x0  }
0x275: {  	[sflag:s10] =	ssyncadd.s32 $0xFFFFF600  }
0x276: {  	_ =	swait.ge [sflag:s10], $0xA00  }
0x277: {  	[sflag:s10] =	ssyncset.done $0x0  }
0x278: {  	[sflag:s10] =	ssyncadd.s32 $0xFFFFF600  }
0x279: {  	_ =	swait.ge [sflag:s10], $0xA00  }
0x27a: {  	[sflag:s10] =	ssyncset.done $0x0  }
0x27b: {  	[sflag:s10] =	ssyncadd.s32 $0xFFFFF600  }
0x27c: {  	_ =	swait.ge [sflag:s10], $0xA00  }
0x27d: {  	[sflag:s10] =	ssyncset.done $0x0  }
0x27e: {  	[sflag:s10] =	ssyncadd.s32 $0xFFFFF600  }
0x27f: {  	_ =	swait.ge [sflag:s10], $0xA00  }
0x280: {  	[sflag:s10] =	ssyncset.done $0x0  }
0x281: {  	[sflag:s10] =	ssyncadd.s32 $0xFFFFF600  }
0x282: {  	_ =	swait.ge [sflag:s10], $0xA00  }
0x283: {  	[sflag:s10] =	ssyncset.done $0x0  }
0x284: {  	[sflag:s10] =	ssyncadd.s32 $0xFFFFF600  }
0x285: {  	_ =	swait.ge [sflag:s10], $0xA00  }
0x286: {  	[sflag:s10] =	ssyncset.done $0x0  }
0x287: {  	[sflag:s10] =	ssyncadd.s32 $0xFFFFF600  }
0x288: {  	_ =	swait.ge [sflag:s10], $0xA00  }
0x289: {  	[sflag:s10] =	ssyncset.done $0x0  }
0x28a: {  	[sflag:s10] =	ssyncadd.s32 $0xFFFFF600  }
0x28b: {  	_ =	swait.ge [sflag:s10], $0xA00  }
0x28c: {  	[sflag:s10] =	ssyncset.done $0x0  }
0x28d: {  	[sflag:s10] =	ssyncadd.s32 $0xFFFFF600  }
0x28e: {  	_ =	swait.ge [sflag:s25], $0xA00  }
0x28f: {  	[sflag:s25] =	ssyncset.done $0x0  }
0x290: {  	[sflag:s25] =	ssyncadd.s32 $0xFFFFF600  }
0x291: {  	_ =	swait.ge [sflag:s25], $0xA00  }
0x292: {  	[sflag:s25] =	ssyncset.done $0x0  }
0x293: {  	[sflag:s25] =	ssyncadd.s32 $0xFFFFF600  }
0x294: {  	_ =	swait.ge [sflag:s25], $0xA00  }
0x295: {  	[sflag:s25] =	ssyncset.done $0x0  }
0x296: {  	[sflag:s25] =	ssyncadd.s32 $0xFFFFF600  }
0x297: {  	_ =	swait.ge [sflag:s25], $0xA00  }
0x298: {  	[sflag:s25] =	ssyncset.done $0x0  }
0x299: {  	[sflag:s25] =	ssyncadd.s32 $0xFFFFF600  }
0x29a: {  	_ =	swait.ge [sflag:s25], $0xA00  }
0x29b: {  	[sflag:s25] =	ssyncset.done $0x0  }
0x29c: {  	[sflag:s25] =	ssyncadd.s32 $0xFFFFF600  }
0x29d: {  	_ =	swait.ge [sflag:s25], $0xA00  }
0x29e: {  	[sflag:s25] =	ssyncset.done $0x0  }
0x29f: {  	[sflag:s25] =	ssyncadd.s32 $0xFFFFF600  }
0x2a0: {  	_ =	swait.ge [sflag:s25], $0xA00  }
0x2a1: {  	[sflag:s25] =	ssyncset.done $0x0  }
0x2a2: {  	[sflag:s25] =	ssyncadd.s32 $0xFFFFF600  }
0x2a3: {  	_ =	swait.ge [sflag:s25], $0xA00  }
0x2a4: {  	[sflag:s25] =	ssyncset.done $0x0  }
0x2a5: {  	[sflag:s25] =	ssyncadd.s32 $0xFFFFF600  }
0x2a6: {  	_ =	swait.ge [sflag:s25], $0xA00  }
0x2a7: {  	[sflag:s25] =	ssyncset.done $0x0  }
0x2a8: {  	[sflag:s25] =	ssyncadd.s32 $0xFFFFF600  }
0x2a9: {  	_ =	swait.ge [sflag:s25], $0xA00  }
0x2aa: {  	[sflag:s25] =	ssyncset.done $0x0  }
0x2ab: {  	[sflag:s25] =	ssyncadd.s32 $0xFFFFF600  }
0x2ac: {  	_ =	swait.ge [sflag:s25], $0xA00  }
0x2ad: {  	[sflag:s25] =	ssyncset.done $0x0  }
0x2ae: {  	[sflag:s25] =	ssyncadd.s32 $0xFFFFF600  }
0x2af: {  	_ =	swait.ge [sflag:s25], $0xA00  }
0x2b0: {  	[sflag:s25] =	ssyncset.done $0x0  }
0x2b1: {  	s29 =	sadd.s32 $0x2AD0, s14;
	[sflag:s25] =	ssyncadd.s32 $0xFFFFF600  }
0x2b2: {  	[spmem:s2] =	stream.indirect.scatter.add.f32 [tilespmem:s1], [sflag:$0x4], $0x20, s29, s13, $0xb8;
	[tilespmem:$0x18E20] =	vst v63  }
0x2b3: {  	s1 =	sadd.s32 $0x2B20, s14  }
0x2b4: {  	[spmem:s2] =	stream.indirect.scatter.add.f32 [tilespmem:s21], [sflag:$0x4], $0x20, s1, s13, $0xb8;
	[tilespmem:$0x18E20] =	vst v63  }
0x2b5: {  	s21 =	sadd.s32 $0x2B70, s14  }
0x2b6: {  	[spmem:s2] =	stream.indirect.scatter.add.f32 [tilespmem:s22], [sflag:$0x4], $0x20, s21, s13, $0xb8;
	[tilespmem:$0x18E20] =	vst v63  }
0x2b7: {  	s22 =	sadd.s32 $0x2BC0, s14  }
0x2b8: {  	[spmem:s2] =	stream.indirect.scatter.add.f32 [tilespmem:s23], [sflag:$0x4], $0x20, s22, s13, $0xb8;
	[tilespmem:$0x18E20] =	vst v63  }
0x2b9: {  	s23 =	sadd.s32 $0x2C10, s14  }
0x2ba: {  	[spmem:s2] =	stream.indirect.scatter.add.f32 [tilespmem:s12], [sflag:$0x4], $0x20, s23, s13, $0xb8;
	[tilespmem:$0x18E20] =	vst v63  }
0x2bb: {  	s24 =	sadd.s32 $0x2C60, s14  }
0x2bc: {  	[spmem:s2] =	stream.indirect.scatter.add.f32 [tilespmem:s0], [sflag:$0x4], $0x20, s24, s13, $0xb8;
	[tilespmem:$0x18E20] =	vst v63  }
0x2bd: {  	s26 =	sadd.s32 $0x2CB0, s14  }
0x2be: {  	[spmem:s2] =	stream.indirect.scatter.add.f32 [tilespmem:s3], [sflag:$0x4], $0x20, s26, s13, $0xb8;
	[tilespmem:$0x18E20] =	vst v63  }
0x2bf: {  	s29 =	sadd.s32 $0x2D00, s14  }
0x2c0: {  	[spmem:s2] =	stream.indirect.scatter.add.f32 [tilespmem:s5], [sflag:$0x4], $0x20, s29, s13, $0xb8;
	[tilespmem:$0x18E20] =	vst v63  }
0x2c1: {  	s1 =	sadd.s32 $0x2D50, s14  }
0x2c2: {  	[spmem:s2] =	stream.indirect.scatter.add.f32 [tilespmem:s6], [sflag:$0x4], $0x20, s1, s13, $0xb8;
	[tilespmem:$0x18E20] =	vst v63  }
0x2c3: {  	s21 =	sadd.s32 $0x2DA0, s14  }
0x2c4: {  	[spmem:s2] =	stream.indirect.scatter.add.f32 [tilespmem:s7], [sflag:$0x4], $0x20, s21, s13, $0xb8;
	[tilespmem:$0x18E20] =	vst v63  }
0x2c5: {  	s22 =	sadd.s32 $0x2DF0, s14  }
0x2c6: {  	[spmem:s2] =	stream.indirect.scatter.add.f32 [tilespmem:s8], [sflag:$0x4], $0x20, s22, s13, $0xb8;
	[tilespmem:$0x18E20] =	vst v63  }
0x2c7: {  	s14 =	sadd.s32 $0x2E40, s14  }
0x2c8: {  	[spmem:s2] =	stream.indirect.scatter.add.f32 [tilespmem:s9], [sflag:$0x4], $0x20, s14, s13, $0xb8;
	[tilespmem:$0x18E20] =	vst v63  }
0x2c9: {  	_ =	swait.ge [sflag:s11], $0xA00  }
0x2ca: {  	[sflag:s11] =	ssyncset.done $0x0  }
0x2cb: {  	[sflag:s11] =	ssyncadd.s32 $0xFFFFF600  }
0x2cc: {  	_ =	swait.ge [sflag:s11], $0xA00  }
0x2cd: {  	[sflag:s11] =	ssyncset.done $0x0  }
0x2ce: {  	[sflag:s11] =	ssyncadd.s32 $0xFFFFF600  }
0x2cf: {  	_ =	swait.ge [sflag:s11], $0xA00  }
0x2d0: {  	[sflag:s11] =	ssyncset.done $0x0  }
0x2d1: {  	[sflag:s11] =	ssyncadd.s32 $0xFFFFF600  }
0x2d2: {  	_ =	swait.ge [sflag:s11], $0xA00  }
0x2d3: {  	[sflag:s11] =	ssyncset.done $0x0  }
0x2d4: {  	[sflag:s11] =	ssyncadd.s32 $0xFFFFF600  }
0x2d5: {  	_ =	swait.ge [sflag:s11], $0xA00  }
0x2d6: {  	[sflag:s11] =	ssyncset.done $0x0  }
0x2d7: {  	[sflag:s11] =	ssyncadd.s32 $0xFFFFF600  }
0x2d8: {  	_ =	swait.ge [sflag:s11], $0xA00  }
0x2d9: {  	[sflag:s11] =	ssyncset.done $0x0  }
0x2da: {  	[sflag:s11] =	ssyncadd.s32 $0xFFFFF600  }
0x2db: {  	_ =	swait.ge [sflag:s11], $0xA00  }
0x2dc: {  	[sflag:s11] =	ssyncset.done $0x0  }
0x2dd: {  	[sflag:s11] =	ssyncadd.s32 $0xFFFFF600  }
0x2de: {  	_ =	swait.ge [sflag:s11], $0xA00  }
0x2df: {  	[sflag:s11] =	ssyncset.done $0x0  }
0x2e0: {  	[sflag:s11] =	ssyncadd.s32 $0xFFFFF600  }
0x2e1: {  	_ =	swait.ge [sflag:s11], $0xA00  }
0x2e2: {  	[sflag:s11] =	ssyncset.done $0x0  }
0x2e3: {  	[sflag:s11] =	ssyncadd.s32 $0xFFFFF600  }
0x2e4: {  	_ =	swait.ge [sflag:s11], $0xA00  }
0x2e5: {  	[sflag:s11] =	ssyncset.done $0x0  }
0x2e6: {  	[sflag:s11] =	ssyncadd.s32 $0xFFFFF600  }
0x2e7: {  	_ =	swait.ge [sflag:s11], $0xA00  }
0x2e8: {  	[sflag:s11] =	ssyncset.done $0x0  }
0x2e9: {  	[sflag:s11] =	ssyncadd.s32 $0xFFFFF600  }
0x2ea: {  	_ =	swait.ge [sflag:s11], $0xA00  }
0x2eb: {  	[sflag:s11] =	ssyncset.done $0x0  }
0x2ec: {  	s23 =	simm.s32 $0x2580;
	[sflag:s11] =	ssyncadd.s32 $0xFFFFF600  }
0x2ed: {  	[tilespmem:s16], [sflag:$0x1] =	stream.indirect.gather [hbm4b:s4+s13], $0x20, s23, s13, $0xb8;
	[tilespmem:$0x18E20] =	vst v63  }
0x2ee: {  	s24 =	simm.s32 $0x25D0  }
0x2ef: {  	[tilespmem:s17], [sflag:$0x1] =	stream.indirect.gather [hbm4b:s4+s13], $0x20, s24, s13, $0xb8;
	[tilespmem:$0x18E20] =	vst v63  }
0x2f0: {  	s26 =	simm.s32 $0x2620  }
0x2f1: {  	[tilespmem:s18], [sflag:$0x1] =	stream.indirect.gather [hbm4b:s4+s13], $0x20, s26, s13, $0xb8;
	[tilespmem:$0x18E20] =	vst v63  }
0x2f2: {  	s29 =	simm.s32 $0x2670  }
0x2f3: {  	[tilespmem:s19], [sflag:$0x1] =	stream.indirect.gather [hbm4b:s4+s13], $0x20, s29, s13, $0xb8;
	[tilespmem:$0x18E20] =	vst v63  }
0x2f4: {  	s14 =	simm.s32 $0x26C0  }
0x2f5: {  	[tilespmem:s20], [sflag:$0x1] =	stream.indirect.gather [hbm4b:s4+s13], $0x20, s14, s13, $0xb8;
	[tilespmem:$0x18E20] =	vst v63  }
0x2f6: {  	_ =	swait.ge [sflag:s28], $0xA00  }
0x2f7: {  	[sflag:s28] =	ssyncset.done $0x0  }
0x2f8: {  	[sflag:s28] =	ssyncadd.s32 $0xFFFFF600  }
0x2f9: {  	_ =	swait.ge [sflag:s28], $0xA00  }
0x2fa: {  	[sflag:s28] =	ssyncset.done $0x0  }
0x2fb: {  	[sflag:s28] =	ssyncadd.s32 $0xFFFFF600  }
0x2fc: {  	_ =	swait.ge [sflag:s28], $0xA00  }
0x2fd: {  	[sflag:s28] =	ssyncset.done $0x0  }
0x2fe: {  	[sflag:s28] =	ssyncadd.s32 $0xFFFFF600  }
0x2ff: {  	_ =	swait.ge [sflag:s28], $0xA00  }
0x300: {  	[sflag:s28] =	ssyncset.done $0x0  }
0x301: {  	[sflag:s28] =	ssyncadd.s32 $0xFFFFF600  }
0x302: {  	_ =	swait.ge [sflag:s28], $0xA00  }
0x303: {  	[sflag:s28] =	ssyncset.done $0x0  }
0x304: {  	s15 =	simm.s32 $0x4C90;
	[sflag:s28] =	ssyncadd.s32 $0xFFFFF600  }
0x305: {  	[spmem:s2] =	stream.indirect.scatter.add.f32 [tilespmem:s16], [sflag:$0x3], $0x20, s15, s13, $0xb8;
	[tilespmem:$0x18E20] =	vst v63  }
0x306: {  	s16 =	simm.s32 $0x4CE0  }
0x307: {  	[spmem:s2] =	stream.indirect.scatter.add.f32 [tilespmem:s17], [sflag:$0x3], $0x20, s16, s13, $0xb8;
	[tilespmem:$0x18E20] =	vst v63  }
0x308: {  	s17 =	simm.s32 $0x4D30  }
0x309: {  	[spmem:s2] =	stream.indirect.scatter.add.f32 [tilespmem:s18], [sflag:$0x3], $0x20, s17, s13, $0xb8;
	[tilespmem:$0x18E20] =	vst v63  }
0x30a: {  	s18 =	simm.s32 $0x4D80  }
0x30b: {  	[spmem:s2] =	stream.indirect.scatter.add.f32 [tilespmem:s19], [sflag:$0x3], $0x20, s18, s13, $0xb8;
	[tilespmem:$0x18E20] =	vst v63  }
0x30c: {  	s21 =	simm.s32 $0x4DD0  }
0x30d: {  	[spmem:s2] =	stream.indirect.scatter.add.f32 [tilespmem:s20], [sflag:$0x3], $0x20, s21, s13, $0xb8;
	[tilespmem:$0x18E20] =	vst v63  }
0x30e: {  	_ =	swait.ge [sflag:s10], $0xA00  }
0x30f: {  	[sflag:s10] =	ssyncset.done $0x0  }
0x310: {  	[sflag:s10] =	ssyncadd.s32 $0xFFFFF600  }
0x311: {  	_ =	swait.ge [sflag:s10], $0xA00  }
0x312: {  	[sflag:s10] =	ssyncset.done $0x0  }
0x313: {  	[sflag:s10] =	ssyncadd.s32 $0xFFFFF600  }
0x314: {  	_ =	swait.ge [sflag:s10], $0xA00  }
0x315: {  	[sflag:s10] =	ssyncset.done $0x0  }
0x316: {  	[sflag:s10] =	ssyncadd.s32 $0xFFFFF600  }
0x317: {  	_ =	swait.ge [sflag:s10], $0xA00  }
0x318: {  	[sflag:s10] =	ssyncset.done $0x0  }
0x319: {  	[sflag:s10] =	ssyncadd.s32 $0xFFFFF600  }
0x31a: {  	_ =	swait.ge [sflag:s10], $0xA00  }
0x31b: {  	[sflag:s10] =	ssyncset.done $0x0  }
0x31c: {  	[sflag:s10] =	ssyncadd.s32 $0xFFFFF600  }
0x31d: {  	s22 =	stileid.u32;
	[bflag:$0x0] =	sbarrier.arrive $0xFFFF  }
0x31e: {  	s14 =	sshll.u32 s22, $0x6;
	s23 =	rddreg [dreg:$0x6]  }
0x31f: {  	s14 =	sor.u32 $0x1C05, s14;
	s17 =	simm.s32 $0x5;
	s24 =	rddreg [dreg:$0x9]  }
0x320: {  	[hbm:s23], [sflag:s14] =	dma.local [spmem:s24], $0xA00  }
0x321: {  	_ =	swait.ge [sflag:s17], $0xA00  }
0x322: {  	s26 =	rddreg [dreg:$0xa]  }
0x323: {  	s29 =	rddreg [dreg:$0x7];
	s1 =	sadd.s32 $0x1, s26  }
0x324: {  	p1 =	sne.s32 s1, s29  }
.Ltmp1:
0x325: {  	_ = 	snop;
	(pc) =	sbr.rel @p1 .LBB2_1-.Ltmp1, $3  }
0x326: {  	_ =	sdelay $0x1  }
0x327: {  	[sflag:s17] =	ssyncset.done $0x0  }
0x328: {  	[sflag:s17] =	ssyncadd.s32 $0xFFFFF600  }
0x329: {  	_ =	sfence.sel $0x180000  }
0x32a: {  	[bflag:$0x0] =	sbarrier.arrive $0xFFFF  }
0x32b: {  	_ =	strace $0x9000004A  }
0x32c: {  	[bflag:$0x2] =	sbarrier.arrive $0xFFFF  }
0x32d: {  	s0 =	rddreg [dreg:$0x2]  }
0x32e: {  	s0 =	sadd.s32 @!p0 $0x100000, s0  }
0x32f: {  	[sflag:s0] =	ssyncadd.tile.s32 @!p0 $0x1;
	_ =	shalt  }
.Lfunc_end2:
_tile_overlayer_lowered:
.L_overlay_start_2:
0x330: {  	(tag) =	ssettag $0x2  }
0x331: {  	s0 =	rddreg [dreg:$0x0];
	s2 =	stileid.u32  }
0x332: {  	s1 =	rddreg [dreg:$0x1];
	p0 =	sne.s32 s2, $0x0  }
0x333: {  	s3 =	rddreg [dreg:$0x2];
	[bflag:$0x3] =	sbarrier.arrive $0xFFFF;
	s2 =	simm.s32 @!p0 $0x1C05  }
0x334: {  	[timem:s3], [sflag:s2] =	dma.local @!p0 [hbm:s0], s1  }
0x335: {  	s0 =	simm.s32 @!p0 $0x5  }
0x336: {  	_ =	swait.ge @!p0 [sflag:s0], s1  }
0x337: {  	s1 =	ssub.s32 @!p0 $0x0, s1;
	[sflag:s0] =	ssyncset.done @!p0 $0x0  }
0x338: {  	[sflag:s0] =	ssyncadd.s32 @!p0 s1  }
0x339: {  	[bflag:$0x3] =	sbarrier.arrive $0xFFFF  }
0x33a: {  	_ =	shalt  }

// kernel: kernel.13.cloned.1.call-start
scs
__scs_entry_jumppad:
0x0: {  	(pc) =	sbr.rel $0x88, $3  }
0x1: {  	(tag) =	ssettag $0x0;
	lr =	simm.s32 $0x1  }
0x2: {  	[smem:$0x3F9B] =	sst lr;
	_ =	strace $0xD0000000  }
0x3: {  	_ = 	snop  }
0x4: {  	_ = 	snop  }
0x5: {  	_ = 	snop  }
0x6: {  	_ = 	snop  }
0x7: {  	_ = 	snop  }
__scs_overlays_trampoline_lowered:
0x8: {  	[smem:$0x3FAA] =	sst s0  }
0x9: {  	[smem:$0x3FAB] =	sst s1  }
0xa: {  	[smem:$0x3FAC] =	sst s2  }
0xb: {  	[smem:$0x3FAD] =	sst s3  }
0xc: {  	[smem:$0x3FAE] =	sst s4  }
0xd: {  	[smem:$0x3FAF] =	sst s5  }
0xe: {  	[smem:$0x3FB0] =	sst s6  }
0xf: {  	[smem:$0x3FB1] =	sst s7  }
0x10: {  	[smem:$0x3FB2] =	sst s8  }
0x11: {  	[smem:$0x3FB3] =	sst s9;
	s0 =	simm.s32 @!p0 $0x0  }
0x12: {  	s1 =	sld [smem:$0x3F99];
	s0 =	simm.s32 @p0 $0x1  }
0x13: {  	[smem:$0x3FB4] =	sst s0;
	s0 =	simm.s32 @!p1 $0x0  }
0x14: {  	s2 =	sld [smem:$0x3F98];
	s0 =	simm.s32 @p1 $0x1  }
0x15: {  	[smem:$0x3FB5] =	sst s0;
	s0 =	simm.s32 @!p2 $0x0  }
0x16: {  	s3 =	sld [smem:$0x3FDB];
	s0 =	simm.s32 @p2 $0x1  }
0x17: {  	s4 =	simm.s32 $0x1BF5;
	[smem:$0x3FB7] =	sst s0  }
0x18: {  	s0 =	sld [smem:$0x3F9A];
	_ =	swait.ge [sflag:s4], $0x0  }
0x19: {  	s7 =	sld [smem:$0x3F9B]  }
0x1a: {  	s8 =	sadd.s32 $0xFFFFE003, lr  }
0x1b: {  	s9 =	sadd.s32 $0xFFFFFEF7, lr;
	s5 =	simm.s32 $0xFFFFFFFF;
	p2 =	slt.u32 s8, $0xFFFFF086  }
0x1c: {  	p1 =	slt.u32 s9, $0xF7A;
	s5 =	simm.s32 @!p2 $0x0  }
0x1d: {  	s5 =	simm.s32 @p1 $0x1;
	p0 =	seq.s32 s7, s2  }
0x1e: {  	s7 =	smul.u32 @!p0 $0xF7A, s2;
	p2 =	seq.s32 @!p0 s5, $0x0  }
0x1f: {  	s9 =	smul.u32 $0xF7A, s1;
	s8 =	simm.s32 @!p0 $0x1BF5;
	p2 =	por !p2, p0  }
0x20: {  	[sflag:s8] =	ssyncset.s32 @!p0 $0xFFFFF086;
	s6 =	sadd.s32 @!p0 s3, s7;
	s7 =	simm.s32 @!p0 $0x108  }
0x21: {  	s3 =	sadd.s32 s3, s9;
	s6 =	sadd.s32 @!p0 $0x88, s6;
	s7 =	simm.s32 @p2 $0x1082  }
0x22: {  	[simem:s7], [sflag:s8] =	dma.local @!p0 [hbm:s6], $0xF7A  }
0x23: {  	s9 =	sor.u32 $0xD0000000, s2;
	s6 =	simm.s32 $0x108;
	_ =	swait.ge @!p0 [sflag:s8], $0x0  }
0x24: {  	s3 =	sadd.s32 $0x88, s3;
	s6 =	simm.s32 @!p1 $0x1082;
	[sflag:s4] =	ssyncset.s32 $0xFFFFF086  }
0x25: {  	[simem:s6], [sflag:s4] =	dma.local [hbm:s3], $0xF7A  }
0x26: {  	[smem:$0x3F9B] =	sst s1;
	(tag) =	ssettag s2;
	_ =	strace s9  }
0x27: {  	s1 =	sld [smem:$0x3FAB]  }
0x28: {  	s2 =	sld [smem:$0x3FAC]  }
0x29: {  	s4 =	sld [smem:$0x3FAE]  }
0x2a: {  	p0 =	seq.s32 s5, $0x0;
	s5 =	sld [smem:$0x3FAF]  }
0x2b: {  	s6 =	sld [smem:$0x3FB0]  }
0x2c: {  	s7 =	sld [smem:$0x3FB1]  }
0x2d: {  	s3 =	simm.s32 $0x108;
	s8 =	sld [smem:$0x3FB2]  }
0x2e: {  	s3 =	simm.s32 @!p0 $0x1082;
	s9 =	sld [smem:$0x3FB3]  }
0x2f: {  	lr =	sadd.s32 s0, s3;
	s0 =	sld [smem:$0x3FAA]  }
0x30: {  	s3 =	sld [smem:$0x3FAD]  }
0x31: {  	[smem:$0x3FB6] =	sst s10  }
0x32: {  	s10 =	sld [smem:$0x3FB4];
	_ =	sdelay $0x3  }
0x33: {  	p0 =	seq.s32 s10, $0x1;
	s10 =	sld [smem:$0x3FB6];
	_ =	sdelay $0x3  }
0x34: {  	[smem:$0x3FB6] =	sst s10  }
0x35: {  	s10 =	sld [smem:$0x3FB5];
	_ =	sdelay $0x3  }
0x36: {  	p1 =	seq.s32 s10, $0x1;
	s10 =	sld [smem:$0x3FB6];
	_ =	sdelay $0x3  }
0x37: {  	[smem:$0x3FB6] =	sst s10  }
0x38: {  	s10 =	sld [smem:$0x3FB7]  }
0x39: {  	_ = 	snop;
	(pc) =	sbr.ind lr, $3  }
0x3a: {  	_ = 	snop  }
0x3b: {  	_ = 	snop  }
0x3c: {  	p2 =	seq.s32 s10, $0x1;
	s10 =	sld [smem:$0x3FB6]  }
0x3d: {  	_ =	shalt  }
0x3e: {  	_ =	shalt  }
0x3f: {  	_ =	shalt  }
0x40: {  	_ =	shalt  }
0x41: {  	_ =	shalt  }
0x42: {  	_ =	shalt  }
0x43: {  	_ =	shalt  }
0x44: {  	_ =	shalt  }
0x45: {  	_ =	shalt  }
0x46: {  	_ =	shalt  }
0x47: {  	_ =	shalt  }
0x48: {  	_ =	shalt  }
0x49: {  	_ =	shalt  }
0x4a: {  	_ =	shalt  }
0x4b: {  	_ =	shalt  }
0x4c: {  	_ =	shalt  }
0x4d: {  	_ =	shalt  }
0x4e: {  	_ =	shalt  }
0x4f: {  	_ =	shalt  }
0x50: {  	_ =	shalt  }
0x51: {  	_ =	shalt  }
0x52: {  	_ =	shalt  }
0x53: {  	_ =	shalt  }
0x54: {  	_ =	shalt  }
0x55: {  	_ =	shalt  }
0x56: {  	_ =	shalt  }
0x57: {  	_ =	shalt  }
0x58: {  	_ =	shalt  }
0x59: {  	_ =	shalt  }
0x5a: {  	_ =	shalt  }
0x5b: {  	_ =	shalt  }
0x5c: {  	_ =	shalt  }
0x5d: {  	_ =	shalt  }
0x5e: {  	_ =	shalt  }
0x5f: {  	_ =	shalt  }
0x60: {  	_ =	shalt  }
0x61: {  	_ =	shalt  }
0x62: {  	_ =	shalt  }
0x63: {  	_ =	shalt  }
0x64: {  	_ =	shalt  }
0x65: {  	_ =	shalt  }
0x66: {  	_ =	shalt  }
0x67: {  	_ =	shalt  }
0x68: {  	_ =	shalt  }
0x69: {  	_ =	shalt  }
0x6a: {  	_ =	shalt  }
0x6b: {  	_ =	shalt  }
0x6c: {  	_ =	shalt  }
0x6d: {  	_ =	shalt  }
0x6e: {  	_ =	shalt  }
0x6f: {  	_ =	shalt  }
0x70: {  	_ =	shalt  }
0x71: {  	_ =	shalt  }
0x72: {  	_ =	shalt  }
0x73: {  	_ =	shalt  }
0x74: {  	_ =	shalt  }
0x75: {  	_ =	shalt  }
0x76: {  	_ =	shalt  }
0x77: {  	_ =	shalt  }
0x78: {  	_ =	shalt  }
0x79: {  	_ =	shalt  }
0x7a: {  	_ =	shalt  }
0x7b: {  	_ =	shalt  }
0x7c: {  	_ =	shalt  }
0x7d: {  	_ =	shalt  }
0x7e: {  	_ =	shalt  }
0x7f: {  	_ =	shalt  }
0x80: {  	_ =	shalt  }
0x81: {  	_ =	shalt  }
0x82: {  	_ =	shalt  }
0x83: {  	_ =	shalt  }
0x84: {  	_ =	shalt  }
0x85: {  	_ =	shalt  }
0x86: {  	_ =	shalt  }
0x87: {  	_ =	shalt  }
.Lfunc_end0:
.L_simem_size_0:
called_computation.2_lowered:
.L_overlay_start_0:
0x88: {  	s2 =	sld [smem:$0x3FD9]  }
0x89: {  	s3 =	sld [smem:$0x3FFE];
	_ =	sdelay $0x1  }
0x8a: {  	s1 =	srdreg.scid  }
0x8b: {  	s0 =	sand.u32 $0x1, s1  }
0x8c: {  	s17 =	sshll.u32 s0, $0xA;
	s2 =	sadd.s32 s3, s2  }
0x8d: {  	s2 =	sadd.s32 s2, s17  }
0x8e: {  	[smem:$0x3FC2] =	sst s2  }
0x8f: {  	_ = 	snop  }
0x90: {  	s2 =	sld [smem:$0x3FD0];
	(tm) =	ssettm $0x1  }
0x91: {  	s18 =	sld [smem:$0x3FFB];
	_ =	sdelay $0x3  }
0x92: {  	_ =	strace s18  }
0x93: {  	s3 =	sld [smem:$0x3FFC];
	_ =	sdelay $0x3  }
0x94: {  	_ =	strace s3  }
0x95: {  	s3 =	sld [smem:$0x3FFD];
	_ =	sdelay $0x3  }
0x96: {  	_ =	strace s3  }
0x97: {  	_ =	strace $0x8FFFFFFF  }
0x98: {  	s19 =	sld [smem:$0x3FDB];
	_ =	sdelay $0x1  }
0x99: {  	s4 =	simm.s32 $_scs_section_size  }
0x9a: {  	s5 =	simm.s32 $_size__tile_overlayer_lowered;
	s6 =	simm.s32 $_tile_overlayer_lowered  }
0x9b: {  	s22 =	simm.s32 $0x1BFF;
	s21 =	sshll.u32 s6, $0x1;
	s3 =	sadd.s32 s4, s19  }
0x9c: {  	s7 =	simm.s32 $0x0;
	s20 =	sshll.u32 s5, $0x1;
	s5 =	sadd.s32 s21, s3  }
0x9d: {  	[timem:s7], [sflag:s22] =	dma.local [hbm:s5], s20  }
0x9e: {  	_ =	swait.ge [sflag:s22], s20  }
0x9f: {  	s4 =	ssub.s32 $0x0, s20;
	[sflag:s22] =	ssyncset.done $0x0  }
0xa0: {  	[sflag:s22] =	ssyncadd.s32 s4;
	_ =	sdelay $0x1  }
0xa1: {  	s23 =	simm.s32 $0x1B8B  }
0xa2: {  	_ =	swait.ge [sflag:s23], $0x1  }
0xa3: {  	[sflag:s23] =	ssyncset.done $0x0  }
0xa4: {  	s25 =	simm.s32 $0x1B8E;
	s24 =	sld [smem:$0x3FFE];
	[sflag:s23] =	ssyncadd.s32 $0xFFFFFFFF  }
0xa5: {  	s26 =	simm.s32 $execute0_lowered;
	[smem:$0x3FD2] =	sst s25  }
0xa6: {  	s5 =	sshll.u32 s26, $0x1;
	_ =	strace $0x8000004C;
	[dreg:$0x1] =	wrdreg $0xFFFFFFFF  }
0xa7: {  	s28 =	simm.s32 $_size_execute0_lowered;
	s3 =	sadd.s32 s3, s5;
	[dreg:$0x0] =	wrdreg $0x0  }
0xa8: {  	s5 =	sshll.u32 s28, $0x1;
	[dreg:$0x2] =	wrdreg s3  }
0xa9: {  	[dreg:$0x3] =	wrdreg s5  }
0xaa: {  	[dreg:$0x4] =	wrdreg $0xC0  }
0xab: {  	_ =	task [dreg:s7], $0x5FFFF  }
0xac: {  	[dreg:$0x1] =	wrdreg $0xFFFFFFFF  }
0xad: {  	[dreg:$0x0] =	wrdreg $0x60  }
0xae: {  	[dreg:$0x2] =	wrdreg s24  }
0xaf: {  	[dreg:$0x3] =	wrdreg s2  }
0xb0: {  	[dreg:$0x4] =	wrdreg $0x11BC00  }
0xb1: {  	[dreg:$0x5] =	wrdreg $0x9  }
0xb2: {  	_ =	task.clear_ibuf [dreg:s7], $0x6FFFF;
	_ =	strace $0x9000004C  }
0xb3: {  	s29 =	simm.s32 $0x9;
	_ =	strace $0x8000004E  }
0xb4: {  	_ =	swait.ge [sflag:s29], $0x1  }
0xb5: {  	[sflag:s29] =	ssyncadd.s32 $0xFFFFFFFF  }
0xb6: {  	_ =	strace $0x9000004E  }
0xb7: {  	_ =	sfence  }
0xb8: {  	s30 =	sld [smem:$0x0];
	_ =	sdelay $0x2  }
0xb9: {  	s31 =	sshll.u32 s1, $0xD;
	s1 =	sshrl.u32 s1, $0x2  }
0xba: {  	s3 =	sand.u32 $0x4000, s31;
	s1 =	sadd.s32 s1, s30  }
0xbb: {  	s0 =	sor.u32 s3, s0;
	s1 =	sshll.u32 s1, $0x11  }
0xbc: {  	s0 =	sor.u32 s1, s0  }
0xbd: {  	s0 =	sadd.s32 $0x8F2B, s0  }
0xbe: {  	[sflag:s0] =	ssyncadd.remote.s32 $0x1  }
0xbf: {  	_ =	sfence.sel $0xFFFF  }
0xc0: {  	[dreg:$0x0] =	wrdreg $0xFFFFFFFF;
	(pc) =	sbr.abs _section_cstart, $3  }
0xc1: {  	[dreg:$0x1] =	wrdreg $0xFFFFFFFF  }
0xc2: {  	_ =	task.clear_ibuf [dreg:s7], $0x2FFFF;
	_ =	strace $0x9FFFFFFF  }
0xc3: {  	(tm) =	ssettm $0x7FFFFFFF  }
tec
execute0_lowered:
.L_overlay_start_1:
0x0: {  	(tag) =	ssettag $0x1  }
0x1: {  	s1 =	srdreg.scid  }
0x2: {  	s1 =	sand.u32 $0x1, s1  }
0x3: {  	p0 =	seq.s32 s1, $0x1  }
.Ltmp0:
0x4: {  	s4 =	rddreg [dreg:$0x0];
	(pc) =	sbr.rel @p0 .LBB2_8-.Ltmp0, $4  }
0x5: {  	s2 =	rddreg [dreg:$0x1]  }
0x6: {  	s3 =	rddreg [dreg:$0x2];
	s5 =	simm.s32 $0x0  }
0x7: {  	[smem:$0x7FF] =	sst s5  }
0x8: {  	s0 =	rddreg [dreg:$0x3];
	_ =	strace $0x8000004D;
	s1 =	stileid.u32  }
0x9: {  	s5 =	smul.u32 $0x9C4, s1  }
0xa: {  	s6 =	smul.u32 $0x280, s1  }
0xb: {  	s7 =	smul.u32 $0xA000, s1  }
0xc: {  	s24 =	sadd.s32 $0x15E00, s4;
	s26 =	simm.s32 $0x0  }
0xd: {  	s5 =	sadd.s32 s5, s4;
	s25 =	sshrl.u32 s6, $0x3;
	s7 =	sshrl.u32 s7, $0x2  }
0xe: {  	s18 =	sadd.s32 s6, s3;
	s31 =	sadd.s32 s25, s4;
	s23 =	sadd.s32 $0xBA00, s5  }
0xf: {  	s22 =	sadd.s32 $0x1C00, s5;
	s21 =	sadd.s32 s7, s3;
	s17 =	sadd.s32 $0x2800, s18  }
0x10: {  	s16 =	sadd.s32 $0x5000, s18;
	s15 =	sadd.s32 $0x7800, s18;
	s14 =	sadd.s32 $0xA000, s18  }
0x11: {  	s13 =	sadd.s32 $0xC800, s18;
	s12 =	sadd.s32 $0xF000, s18;
	s11 =	sadd.s32 $0x11800, s18  }
0x12: {  	s10 =	sadd.s32 $0x14000, s18;
	s9 =	sadd.s32 $0x16800, s18;
	s8 =	sadd.s32 $0x19000, s18  }
0x13: {  	s7 =	sadd.s32 $0x1B800, s18;
	s6 =	sadd.s32 $0x1E000, s18;
	s5 =	sadd.s32 $0x20800, s18  }
0x14: {  	s4 =	sadd.s32 $0x23000, s18;
	s3 =	sadd.s32 $0x25800, s18;
	s2 =	sadd.s32 s2, s25  }
0x15: {  	v0 =	vimm.f32 $0.0e+00;
	s25 =	simm.s32 $0x40;
	s20 =	sadd.s32 $0x15800, s31;
	s19 =	sadd.s32 $0x16400, s31  }
.LBB2_2:
0x16: {  	p0 =	sne.s32 s25, $0x9FC0;
	[tilespmem:s26+$0xC440] =	vst v0;
	s26 =	smov.u32 s25;
	s25 =	sadd.s32 $0x40, s25  }
.Ltmp1:
0x17: {  	(pc) =	sbr.rel @p0 .LBB2_2-.Ltmp1, $2  }
0x18: {  	_ =	sdelay $0x2  }
0x19: {  	s26 =	sshra.s32 s26, $0x2  }
0x1a: {  	[tilespmem:s26+$0xC440] =	vst v0;
	s29 =	simm.s32 $0x0;
	s25 =	simm.s32 $0x9C40;
	s30 =	simm.s32 $0x1  }
0x1b: {  	[tilespmem:s25], [sflag:$0x1] =	stream.linear.gather [hbm4b:s24+s29], $0x2800, $0x38;
	[tilespmem:$0x143C0] =	vst v63  }
0x1c: {  	_ =	swait.ge [sflag:s30], $0x2800  }
0x1d: {  	[sflag:s30] =	ssyncset.done $0x0  }
0x1e: {  	[sflag:s30] =	ssyncadd.s32 $0xFFFFD800  }
0x1f: {  	[tilespmem:s29], [sflag:$0x1] =	stream.linear.gather [hbm4b:s23+s29], $0x4E20, $0x38;
	[tilespmem:$0x143C0] =	vst v63  }
0x20: {  	_ =	swait.ge [sflag:s30], $0x4E20  }
0x21: {  	[sflag:s30] =	ssyncset.done $0x0  }
0x22: {  	s31 =	simm.s32 $0x4E20;
	[sflag:s30] =	ssyncadd.s32 $0xFFFFB1E0  }
0x23: {  	[tilespmem:s31], [sflag:$0x1] =	stream.linear.gather [hbm4b:s22+s29], $0x4E20, $0x38;
	[tilespmem:$0x143C0] =	vst v63  }
0x24: {  	_ =	swait.ge [sflag:s30], $0x4E20  }
0x25: {  	s24 =	simm.s32 $0x0;
	[sflag:s30] =	ssyncset.done $0x0  }
0x26: {  	s23 =	simm.s32 $0x40;
	s22 =	simm.s32 $0xC440;
	[sflag:s30] =	ssyncadd.s32 $0xFFFFB1E0  }
.LBB2_4:
0x27: {  	p0 =	sne.s32 s23, $0x13840;
	v0 =	vld [tilespmem:s24+$0x0];
	_ =	sdelay $0x5  }
0x28: {  	v1 =	vld [tilespmem:s24+$0x4E20];
	_ =	sdelay $0x1  }
0x29: {  	v0 =	vld.idx.msk [tilespmem:v0+s25+$0x0], $0xffff;
	_ =	sdelay $0x1  }
.Ltmp2:
0x2a: {  	(pc) =	sbr.rel @p0 .LBB2_4-.Ltmp2, $2  }
0x2b: {  	_ =	sdelay $0x2  }
0x2c: {  	s24 =	sshra.s32 s23, $0x2;
	s23 =	sadd.s32 $0x40, s23;
	[tilespmem:v1+s22+$0x0] =	vst.idx.add.f32.msk $0xffff, v0  }
0x2d: {  	v0 =	vld [tilespmem:s24+$0x0];
	_ =	sdelay $0x4  }
0x2e: {  	v1 =	vld [tilespmem:s24+$0x4E20];
	_ =	sdelay $0x2  }
0x2f: {  	v0 =	vld.idx.msk [tilespmem:v0+s25+$0x0], $0xffff;
	_ =	sdelay $0x4  }
0x30: {  	s25 =	simm.s32 $0xC440;
	[tilespmem:v1+s22+$0x0] =	vst.idx.add.f32.msk $0xffff, v0  }
0x31: {  	[spmem:s21] =	stream.linear.scatter [tilespmem:s25], [sflag:$0x1], $0x2800, $0x38;
	[tilespmem:$0x143C0] =	vst v63  }
0x32: {  	s21 =	simm.s32 $0x1  }
0x33: {  	_ =	swait.ge [sflag:s21], $0x2800  }
0x34: {  	[sflag:s21] =	ssyncset.done $0x0  }
0x35: {  	[sflag:s21] =	ssyncadd.s32 $0xFFFFD800  }
0x36: {  	s26 =	simm.s32 $0x0;
	s23 =	simm.s32 $0x11440;
	[bflag:$0x0] =	sbarrier.arrive $0xFFFF  }
0x37: {  	[tilespmem:s23], [sflag:$0x1] =	stream.linear.gather [hbm4b:s20+s26], $0x280, $0x38;
	[tilespmem:$0x143C0] =	vst v63  }
0x38: {  	_ =	swait.ge [sflag:s21], $0x280  }
0x39: {  	[sflag:s21] =	ssyncset.done $0x0  }
0x3a: {  	s28 =	simm.s32 $0x116C0;
	[sflag:s21] =	ssyncadd.s32 $0xFFFFFD80  }
0x3b: {  	[tilespmem:s28], [sflag:$0x1] =	stream.linear.gather [hbm4b:s19+s26], $0x280, $0x38;
	[tilespmem:$0x143C0] =	vst v63  }
0x3c: {  	_ =	swait.ge [sflag:s21], $0x280  }
0x3d: {  	[sflag:s21] =	ssyncset.done $0x0  }
0x3e: {  	s29 =	simm.s32 $0xEC40;
	[sflag:s21] =	ssyncadd.s32 $0xFFFFFD80  }
0x3f: {  	[tilespmem:s29], [sflag:$0x1] =	stream.linear.gather [spmem:s18], $0x280, $0x38;
	[tilespmem:$0x143C0] =	vst v63  }
0x40: {  	_ =	swait.ge [sflag:s21], $0x280  }
0x41: {  	[sflag:s21] =	ssyncset.done $0x0  }
0x42: {  	s30 =	simm.s32 $0xEEC0;
	[sflag:s21] =	ssyncadd.s32 $0xFFFFFD80  }
0x43: {  	[tilespmem:s30], [sflag:$0x1] =	stream.linear.gather [spmem:s17], $0x280, $0x38;
	[tilespmem:$0x143C0] =	vst v63  }
0x44: {  	_ =	swait.ge [sflag:s21], $0x280  }
0x45: {  	[sflag:s21] =	ssyncset.done $0x0  }
0x46: {  	s31 =	simm.s32 $0xF140;
	[sflag:s21] =	ssyncadd.s32 $0xFFFFFD80  }
0x47: {  	[tilespmem:s31], [sflag:$0x1] =	stream.linear.gather [spmem:s16], $0x280, $0x38;
	[tilespmem:$0x143C0] =	vst v63  }
0x48: {  	_ =	swait.ge [sflag:s21], $0x280  }
0x49: {  	[sflag:s21] =	ssyncset.done $0x0  }
0x4a: {  	s17 =	simm.s32 $0xF3C0;
	[sflag:s21] =	ssyncadd.s32 $0xFFFFFD80  }
0x4b: {  	[tilespmem:s17], [sflag:$0x1] =	stream.linear.gather [spmem:s15], $0x280, $0x38;
	[tilespmem:$0x143C0] =	vst v63  }
0x4c: {  	_ =	swait.ge [sflag:s21], $0x280  }
0x4d: {  	[sflag:s21] =	ssyncset.done $0x0  }
0x4e: {  	s18 =	simm.s32 $0xF640;
	[sflag:s21] =	ssyncadd.s32 $0xFFFFFD80  }
0x4f: {  	[tilespmem:s18], [sflag:$0x1] =	stream.linear.gather [spmem:s14], $0x280, $0x38;
	[tilespmem:$0x143C0] =	vst v63  }
0x50: {  	_ =	swait.ge [sflag:s21], $0x280  }
0x51: {  	[sflag:s21] =	ssyncset.done $0x0  }
0x52: {  	s19 =	simm.s32 $0xF8C0;
	[sflag:s21] =	ssyncadd.s32 $0xFFFFFD80  }
0x53: {  	[tilespmem:s19], [sflag:$0x1] =	stream.linear.gather [spmem:s13], $0x280, $0x38;
	[tilespmem:$0x143C0] =	vst v63  }
0x54: {  	_ =	swait.ge [sflag:s21], $0x280  }
0x55: {  	[sflag:s21] =	ssyncset.done $0x0  }
0x56: {  	s20 =	simm.s32 $0xFB40;
	[sflag:s21] =	ssyncadd.s32 $0xFFFFFD80  }
0x57: {  	[tilespmem:s20], [sflag:$0x1] =	stream.linear.gather [spmem:s12], $0x280, $0x38;
	[tilespmem:$0x143C0] =	vst v63  }
0x58: {  	_ =	swait.ge [sflag:s21], $0x280  }
0x59: {  	[sflag:s21] =	ssyncset.done $0x0  }
0x5a: {  	s22 =	simm.s32 $0xFDC0;
	[sflag:s21] =	ssyncadd.s32 $0xFFFFFD80  }
0x5b: {  	[tilespmem:s22], [sflag:$0x1] =	stream.linear.gather [spmem:s11], $0x280, $0x38;
	[tilespmem:$0x143C0] =	vst v63  }
0x5c: {  	_ =	swait.ge [sflag:s21], $0x280  }
0x5d: {  	[sflag:s21] =	ssyncset.done $0x0  }
0x5e: {  	s23 =	simm.s32 $0x10040;
	[sflag:s21] =	ssyncadd.s32 $0xFFFFFD80  }
0x5f: {  	[tilespmem:s23], [sflag:$0x1] =	stream.linear.gather [spmem:s10], $0x280, $0x38;
	[tilespmem:$0x143C0] =	vst v63  }
0x60: {  	_ =	swait.ge [sflag:s21], $0x280  }
0x61: {  	[sflag:s21] =	ssyncset.done $0x0  }
0x62: {  	s24 =	simm.s32 $0x102C0;
	[sflag:s21] =	ssyncadd.s32 $0xFFFFFD80  }
0x63: {  	[tilespmem:s24], [sflag:$0x1] =	stream.linear.gather [spmem:s9], $0x280, $0x38;
	[tilespmem:$0x143C0] =	vst v63  }
0x64: {  	_ =	swait.ge [sflag:s21], $0x280  }
0x65: {  	[sflag:s21] =	ssyncset.done $0x0  }
0x66: {  	s25 =	simm.s32 $0x10540;
	[sflag:s21] =	ssyncadd.s32 $0xFFFFFD80  }
0x67: {  	[tilespmem:s25], [sflag:$0x1] =	stream.linear.gather [spmem:s8], $0x280, $0x38;
	[tilespmem:$0x143C0] =	vst v63  }
0x68: {  	_ =	swait.ge [sflag:s21], $0x280  }
0x69: {  	[sflag:s21] =	ssyncset.done $0x0  }
0x6a: {  	s26 =	simm.s32 $0x107C0;
	[sflag:s21] =	ssyncadd.s32 $0xFFFFFD80  }
0x6b: {  	[tilespmem:s26], [sflag:$0x1] =	stream.linear.gather [spmem:s7], $0x280, $0x38;
	[tilespmem:$0x143C0] =	vst v63  }
0x6c: {  	_ =	swait.ge [sflag:s21], $0x280  }
0x6d: {  	[sflag:s21] =	ssyncset.done $0x0  }
0x6e: {  	s28 =	simm.s32 $0x10A40;
	[sflag:s21] =	ssyncadd.s32 $0xFFFFFD80  }
0x6f: {  	[tilespmem:s28], [sflag:$0x1] =	stream.linear.gather [spmem:s6], $0x280, $0x38;
	[tilespmem:$0x143C0] =	vst v63  }
0x70: {  	_ =	swait.ge [sflag:s21], $0x280  }
0x71: {  	[sflag:s21] =	ssyncset.done $0x0  }
0x72: {  	s29 =	simm.s32 $0x10CC0;
	[sflag:s21] =	ssyncadd.s32 $0xFFFFFD80  }
0x73: {  	[tilespmem:s29], [sflag:$0x1] =	stream.linear.gather [spmem:s5], $0x280, $0x38;
	[tilespmem:$0x143C0] =	vst v63  }
0x74: {  	_ =	swait.ge [sflag:s21], $0x280  }
0x75: {  	[sflag:s21] =	ssyncset.done $0x0  }
0x76: {  	s30 =	simm.s32 $0x10F40;
	[sflag:s21] =	ssyncadd.s32 $0xFFFFFD80  }
0x77: {  	[tilespmem:s30], [sflag:$0x1] =	stream.linear.gather [spmem:s4], $0x280, $0x38;
	[tilespmem:$0x143C0] =	vst v63  }
0x78: {  	_ =	swait.ge [sflag:s21], $0x280  }
0x79: {  	[sflag:s21] =	ssyncset.done $0x0  }
0x7a: {  	s31 =	simm.s32 $0x111C0;
	[sflag:s21] =	ssyncadd.s32 $0xFFFFFD80  }
0x7b: {  	[tilespmem:s31], [sflag:$0x1] =	stream.linear.gather [spmem:s3], $0x280, $0x38;
	[tilespmem:$0x143C0] =	vst v63  }
0x7c: {  	_ =	swait.ge [sflag:s21], $0x280  }
0x7d: {  	[sflag:s21] =	ssyncset.done $0x0  }
0x7e: {  	s4 =	simm.s32 $0x0;
	[sflag:s21] =	ssyncadd.s32 $0xFFFFFD80  }
0x7f: {  	v0 =	vld [tilespmem:s4+$0xEC40]  }
0x80: {  	v1 =	vld [tilespmem:s4+$0xEEC0];
	_ =	sdelay $0x1  }
0x81: {  	v2 =	vld [tilespmem:s4+$0xF140];
	_ =	sdelay $0x1  }
0x82: {  	v3 =	vld [tilespmem:s4+$0xF3C0]  }
0x83: {  	v0 =	vadd.f32 v1, v0  }
0x84: {  	v1 =	vld [tilespmem:s4+$0xF640]  }
0x85: {  	v0 =	vadd.f32 v2, v0  }
0x86: {  	v2 =	vld [tilespmem:s4+$0xF8C0]  }
0x87: {  	v0 =	vadd.f32 v3, v0  }
0x88: {  	v3 =	vld [tilespmem:s4+$0xFB40]  }
0x89: {  	v0 =	vadd.f32 v1, v0  }
0x8a: {  	v1 =	vld [tilespmem:s4+$0xFDC0]  }
0x8b: {  	v0 =	vadd.f32 v2, v0  }
0x8c: {  	v2 =	vld [tilespmem:s4+$0x10040]  }
0x8d: {  	s3 =	simm.s32 $0x10;
	v4 =	vld [tilespmem:s4+$0x102C0];
	v0 =	vadd.f32 v3, v0  }
0x8e: {  	v5 =	vld [tilespmem:s3+$0xEC40]  }
0x8f: {  	v3 =	vld [tilespmem:s4+$0x10540];
	v0 =	vadd.f32 v1, v0  }
0x90: {  	v1 =	vld [tilespmem:s3+$0xEEC0]  }
0x91: {  	v6 =	vld [tilespmem:s3+$0xF140];
	v0 =	vadd.f32 v2, v0  }
0x92: {  	v2 =	vld [tilespmem:s4+$0x107C0]  }
0x93: {  	v7 =	vld [tilespmem:s3+$0xF3C0];
	v0 =	vadd.f32 v4, v0  }
0x94: {  	v4 =	vld [tilespmem:s4+$0x10A40]  }
0x95: {  	v1 =	vadd.f32 v1, v5;
	v5 =	vld [tilespmem:s3+$0xF640];
	v0 =	vadd.f32 v3, v0  }
0x96: {  	v3 =	vld [tilespmem:s4+$0x10CC0]  }
0x97: {  	v1 =	vadd.f32 v6, v1;
	v6 =	vld [tilespmem:s3+$0xF8C0];
	v0 =	vadd.f32 v2, v0  }
0x98: {  	v2 =	vld [tilespmem:s4+$0x10F40]  }
0x99: {  	v1 =	vadd.f32 v7, v1;
	v7 =	vld [tilespmem:s3+$0xFB40];
	v0 =	vadd.f32 v4, v0  }
0x9a: {  	v4 =	vld [tilespmem:s4+$0x111C0]  }
0x9b: {  	v8 =	vld [tilespmem:s4+$0x11440];
	v1 =	vadd.f32 v5, v1;
	v0 =	vadd.f32 v3, v0  }
0x9c: {  	v5 =	vld [tilespmem:s3+$0xFDC0]  }
0x9d: {  	v3 =	vld [tilespmem:s3+$0x10040];
	v1 =	vadd.f32 v6, v1;
	v6 =	vadd.f32 v2, v0  }
0x9e: {  	v2 =	vld [tilespmem:s4+$0x116C0]  }
0x9f: {  	v0 =	vld [tilespmem:s3+$0x10540];
	v7 =	vadd.f32 v7, v1;
	v6 =	vadd.f32 v4, v6  }
0xa0: {  	s5 =	simm.s32 $0x20;
	v4 =	vld [tilespmem:s3+$0x102C0]  }
0xa1: {  	s6 =	simm.s32 $0xC0;
	v1 =	vld [tilespmem:s5+$0xEC40];
	v5 =	vadd.f32 v5, v7;
	v6 =	vmul.f32 v6, v8  }
.LBB2_6:
0xa2: {  	p0 =	sne.s32 s6, $0x9C0;
	v7 =	vld [tilespmem:s5+$0xEEC0]  }
0xa3: {  	v3 =	vadd.f32 v3, v5;
	v5 =	vld [tilespmem:s3+$0x107C0];
	v2 =	vadd.f32 v2, v6  }
0xa4: {  	v6 =	vld [tilespmem:s5+$0xF140]  }
0xa5: {  	v3 =	vadd.f32 v4, v3;
	v4 =	vld [tilespmem:s3+$0x10A40];
	[tilespmem:s4+$0x11940] =	vst v2;
	s4 =	smov.u32 s3;
	s3 =	smov.u32 s5  }
0xa6: {  	v2 =	vld [tilespmem:s3+$0xF3C0]  }
0xa7: {  	v1 =	vadd.f32 v7, v1;
	v0 =	vadd.f32 v0, v3;
	v3 =	vld [tilespmem:s4+$0x10CC0]  }
0xa8: {  	v7 =	vld [tilespmem:s3+$0xF640]  }
0xa9: {  	v1 =	vadd.f32 v6, v1;
	v0 =	vadd.f32 v5, v0;
	v5 =	vld [tilespmem:s4+$0x10F40]  }
0xaa: {  	v6 =	vld [tilespmem:s3+$0xF8C0]  }
0xab: {  	v1 =	vadd.f32 v2, v1;
	v0 =	vadd.f32 v4, v0;
	v4 =	vld [tilespmem:s4+$0x111C0]  }
0xac: {  	v8 =	vld [tilespmem:s3+$0xFB40]  }
0xad: {  	v1 =	vadd.f32 v7, v1;
	v0 =	vadd.f32 v3, v0;
	v7 =	vld [tilespmem:s4+$0x11440]  }
0xae: {  	v9 =	vld [tilespmem:s3+$0xFDC0]  }
.Ltmp3:
0xaf: {  	v1 =	vadd.f32 v6, v1;
	v5 =	vadd.f32 v5, v0;
	v2 =	vld [tilespmem:s4+$0x116C0];
	(pc) =	sbr.rel @p0 .LBB2_6-.Ltmp3, $4  }
0xb0: {  	v3 =	vld [tilespmem:s3+$0x10040]  }
0xb1: {  	v6 =	vadd.f32 v8, v1;
	v0 =	vld [tilespmem:s3+$0x10540];
	v8 =	vadd.f32 v4, v5  }
0xb2: {  	s5 =	sshra.s32 s6, $0x2;
	v4 =	vld [tilespmem:s3+$0x102C0]  }
0xb3: {  	s6 =	sadd.s32 $0x40, s6;
	v1 =	vld [tilespmem:s5+$0xEC40];
	v5 =	vadd.f32 v9, v6;
	v6 =	vmul.f32 v8, v7  }
0xb4: {  	v7 =	vld [tilespmem:s5+$0xEEC0]  }
0xb5: {  	v8 =	vld [tilespmem:s3+$0x107C0];
	v2 =	vadd.f32 v2, v6  }
0xb6: {  	v43 =	vld [tilespmem:s5+$0xF140]  }
0xb7: {  	v9 =	vld [tilespmem:s3+$0x10A40];
	v3 =	vadd.f32 v3, v5;
	[tilespmem:s4+$0x11940] =	vst v2  }
0xb8: {  	v2 =	vld [tilespmem:s5+$0xF3C0]  }
0xb9: {  	v3 =	vadd.f32 v4, v3;
	v1 =	vadd.f32 v7, v1  }
0xba: {  	v44 =	vld [tilespmem:s5+$0xF640]  }
0xbb: {  	v45 =	vld [tilespmem:s3+$0x10CC0];
	v0 =	vadd.f32 v0, v3;
	v1 =	vadd.f32 v43, v1  }
0xbc: {  	v46 =	vld [tilespmem:s5+$0xF8C0]  }
0xbd: {  	v47 =	vld [tilespmem:s3+$0x10F40];
	v0 =	vadd.f32 v8, v0;
	v1 =	vadd.f32 v2, v1  }
0xbe: {  	v48 =	vld [tilespmem:s5+$0xFB40]  }
0xbf: {  	v49 =	vld [tilespmem:s3+$0x111C0];
	v0 =	vadd.f32 v9, v0;
	v1 =	vadd.f32 v44, v1  }
0xc0: {  	v50 =	vld [tilespmem:s5+$0xFDC0]  }
0xc1: {  	v51 =	vld [tilespmem:s3+$0x11440];
	v0 =	vadd.f32 v45, v0;
	v1 =	vadd.f32 v46, v1  }
0xc2: {  	v52 =	vld [tilespmem:s5+$0x10040]  }
0xc3: {  	v53 =	vld [tilespmem:s3+$0x116C0];
	v0 =	vadd.f32 v47, v0;
	v1 =	vadd.f32 v48, v1  }
0xc4: {  	v54 =	vld [tilespmem:s5+$0x102C0]  }
0xc5: {  	v0 =	vadd.f32 v49, v0;
	v1 =	vadd.f32 v50, v1  }
0xc6: {  	v55 =	vld [tilespmem:s5+$0x10540]  }
0xc7: {  	v0 =	vmul.f32 v0, v51;
	v1 =	vadd.f32 v52, v1  }
0xc8: {  	v56 =	vld [tilespmem:s5+$0x107C0]  }
0xc9: {  	v0 =	vadd.f32 v53, v0;
	v1 =	vadd.f32 v54, v1  }
0xca: {  	v57 =	vld [tilespmem:s5+$0x10A40]  }
0xcb: {  	[tilespmem:s3+$0x11940] =	vst v0;
	v58 =	vadd.f32 v55, v1  }
0xcc: {  	v59 =	vld [tilespmem:s5+$0x10CC0]  }
0xcd: {  	v0 =	vadd.f32 v56, v58  }
0xce: {  	v60 =	vld [tilespmem:s5+$0x10F40]  }
0xcf: {  	v0 =	vadd.f32 v57, v0  }
0xd0: {  	v61 =	vld [tilespmem:s5+$0x111C0]  }
0xd1: {  	v0 =	vadd.f32 v59, v0  }
0xd2: {  	v62 =	vld [tilespmem:s5+$0x11440]  }
0xd3: {  	v0 =	vadd.f32 v60, v0  }
0xd4: {  	v63 =	vld [tilespmem:s5+$0x116C0]  }
0xd5: {  	v0 =	vadd.f32 v61, v0;
	_ =	sdelay $0x1  }
0xd6: {  	v0 =	vmul.f32 v0, v62;
	_ =	sdelay $0x1  }
0xd7: {  	v0 =	vadd.f32 v63, v0;
	_ =	sdelay $0x1  }
0xd8: {  	s29 =	simm.s32 $0x0;
	s30 =	simm.s32 $0x11940;
	s31 =	simm.s32 $0x1;
	[tilespmem:s5+$0x11940] =	vst v0  }
0xd9: {  	[hbm4b:s2+s29] =	stream.linear.scatter [tilespmem:s30], [sflag:$0x1], $0x280, $0x38;
	[tilespmem:$0x143C0] =	vst v63  }
0xda: {  	_ =	swait.ge [sflag:s31], $0x280  }
0xdb: {  	[sflag:s31] =	ssyncset.done $0x0  }
0xdc: {  	[sflag:s31] =	ssyncadd.s32 $0xFFFFFD80  }
.LBB2_8:
0xdd: {  	_ =	sfence.sel $0x180000  }
0xde: {  	[bflag:$0x0] =	sbarrier.arrive $0xFFFF  }
0xdf: {  	p0 =	sne.s32 s1, $0x0;
	_ =	strace $0x9000004D  }
0xe0: {  	s0 =	sadd.s32 @!p0 $0x100000, s0;
	[bflag:$0x2] =	sbarrier.arrive $0xFFFF  }
0xe1: {  	[sflag:s0] =	ssyncadd.tile.s32 @!p0 $0x1;
	_ =	shalt  }
.Lfunc_end2:
_tile_overlayer_lowered:
.L_overlay_start_2:
0xe2: {  	(tag) =	ssettag $0x2  }
0xe3: {  	s0 =	rddreg [dreg:$0x0];
	s2 =	stileid.u32  }
0xe4: {  	s1 =	rddreg [dreg:$0x1];
	p0 =	sne.s32 s2, $0x0  }
0xe5: {  	s3 =	rddreg [dreg:$0x2];
	[bflag:$0x3] =	sbarrier.arrive $0xFFFF;
	s2 =	simm.s32 @!p0 $0x1C01  }
0xe6: {  	[timem:s3], [sflag:s2] =	dma.local @!p0 [hbm:s0], s1  }
0xe7: {  	s0 =	simm.s32 @!p0 $0x1  }
0xe8: {  	_ =	swait.ge @!p0 [sflag:s0], s1  }
0xe9: {  	s1 =	ssub.s32 @!p0 $0x0, s1;
	[sflag:s0] =	ssyncset.done @!p0 $0x0  }
0xea: {  	[sflag:s0] =	ssyncadd.s32 @!p0 s1  }
0xeb: {  	[bflag:$0x3] =	sbarrier.arrive $0xFFFF  }
0xec: {  	_ =	shalt  }

// kernel: kernel.7.cloned.1.call-start
scs
__scs_entry_jumppad:
0x0: {  	(pc) =	sbr.rel $0x88, $3  }
0x1: {  	(tag) =	ssettag $0x0;
	lr =	simm.s32 $0x1  }
0x2: {  	[smem:$0x3F9B] =	sst lr;
	_ =	strace $0xD0000000  }
0x3: {  	_ = 	snop  }
0x4: {  	_ = 	snop  }
0x5: {  	_ = 	snop  }
0x6: {  	_ = 	snop  }
0x7: {  	_ = 	snop  }
__scs_overlays_trampoline_lowered:
0x8: {  	[smem:$0x3FAA] =	sst s0  }
0x9: {  	[smem:$0x3FAB] =	sst s1  }
0xa: {  	[smem:$0x3FAC] =	sst s2  }
0xb: {  	[smem:$0x3FAD] =	sst s3  }
0xc: {  	[smem:$0x3FAE] =	sst s4  }
0xd: {  	[smem:$0x3FAF] =	sst s5  }
0xe: {  	[smem:$0x3FB0] =	sst s6  }
0xf: {  	[smem:$0x3FB1] =	sst s7  }
0x10: {  	[smem:$0x3FB2] =	sst s8  }
0x11: {  	[smem:$0x3FB3] =	sst s9;
	s0 =	simm.s32 @!p0 $0x0  }
0x12: {  	s1 =	sld [smem:$0x3F99];
	s0 =	simm.s32 @p0 $0x1  }
0x13: {  	[smem:$0x3FB4] =	sst s0;
	s0 =	simm.s32 @!p1 $0x0  }
0x14: {  	s2 =	sld [smem:$0x3F98];
	s0 =	simm.s32 @p1 $0x1  }
0x15: {  	[smem:$0x3FB5] =	sst s0;
	s0 =	simm.s32 @!p2 $0x0  }
0x16: {  	s3 =	sld [smem:$0x3FDB];
	s0 =	simm.s32 @p2 $0x1  }
0x17: {  	s4 =	simm.s32 $0x1BF5;
	[smem:$0x3FB7] =	sst s0  }
0x18: {  	s0 =	sld [smem:$0x3F9A];
	_ =	swait.ge [sflag:s4], $0x0  }
0x19: {  	s7 =	sld [smem:$0x3F9B]  }
0x1a: {  	s8 =	sadd.s32 $0xFFFFE003, lr  }
0x1b: {  	s9 =	sadd.s32 $0xFFFFFEF7, lr;
	s5 =	simm.s32 $0xFFFFFFFF;
	p2 =	slt.u32 s8, $0xFFFFF086  }
0x1c: {  	p1 =	slt.u32 s9, $0xF7A;
	s5 =	simm.s32 @!p2 $0x0  }
0x1d: {  	s5 =	simm.s32 @p1 $0x1;
	p0 =	seq.s32 s7, s2  }
0x1e: {  	s7 =	smul.u32 @!p0 $0xF7A, s2;
	p2 =	seq.s32 @!p0 s5, $0x0  }
0x1f: {  	s9 =	smul.u32 $0xF7A, s1;
	s8 =	simm.s32 @!p0 $0x1BF5;
	p2 =	por !p2, p0  }
0x20: {  	[sflag:s8] =	ssyncset.s32 @!p0 $0xFFFFF086;
	s6 =	sadd.s32 @!p0 s3, s7;
	s7 =	simm.s32 @!p0 $0x108  }
0x21: {  	s3 =	sadd.s32 s3, s9;
	s6 =	sadd.s32 @!p0 $0x88, s6;
	s7 =	simm.s32 @p2 $0x1082  }
0x22: {  	[simem:s7], [sflag:s8] =	dma.local @!p0 [hbm:s6], $0xF7A  }
0x23: {  	s9 =	sor.u32 $0xD0000000, s2;
	s6 =	simm.s32 $0x108;
	_ =	swait.ge @!p0 [sflag:s8], $0x0  }
0x24: {  	s3 =	sadd.s32 $0x88, s3;
	s6 =	simm.s32 @!p1 $0x1082;
	[sflag:s4] =	ssyncset.s32 $0xFFFFF086  }
0x25: {  	[simem:s6], [sflag:s4] =	dma.local [hbm:s3], $0xF7A  }
0x26: {  	[smem:$0x3F9B] =	sst s1;
	(tag) =	ssettag s2;
	_ =	strace s9  }
0x27: {  	s1 =	sld [smem:$0x3FAB]  }
0x28: {  	s2 =	sld [smem:$0x3FAC]  }
0x29: {  	s4 =	sld [smem:$0x3FAE]  }
0x2a: {  	p0 =	seq.s32 s5, $0x0;
	s5 =	sld [smem:$0x3FAF]  }
0x2b: {  	s6 =	sld [smem:$0x3FB0]  }
0x2c: {  	s7 =	sld [smem:$0x3FB1]  }
0x2d: {  	s3 =	simm.s32 $0x108;
	s8 =	sld [smem:$0x3FB2]  }
0x2e: {  	s3 =	simm.s32 @!p0 $0x1082;
	s9 =	sld [smem:$0x3FB3]  }
0x2f: {  	lr =	sadd.s32 s0, s3;
	s0 =	sld [smem:$0x3FAA]  }
0x30: {  	s3 =	sld [smem:$0x3FAD]  }
0x31: {  	[smem:$0x3FB6] =	sst s10  }
0x32: {  	s10 =	sld [smem:$0x3FB4];
	_ =	sdelay $0x3  }
0x33: {  	p0 =	seq.s32 s10, $0x1;
	s10 =	sld [smem:$0x3FB6];
	_ =	sdelay $0x3  }
0x34: {  	[smem:$0x3FB6] =	sst s10  }
0x35: {  	s10 =	sld [smem:$0x3FB5];
	_ =	sdelay $0x3  }
0x36: {  	p1 =	seq.s32 s10, $0x1;
	s10 =	sld [smem:$0x3FB6];
	_ =	sdelay $0x3  }
0x37: {  	[smem:$0x3FB6] =	sst s10  }
0x38: {  	s10 =	sld [smem:$0x3FB7]  }
0x39: {  	_ = 	snop;
	(pc) =	sbr.ind lr, $3  }
0x3a: {  	_ = 	snop  }
0x3b: {  	_ = 	snop  }
0x3c: {  	p2 =	seq.s32 s10, $0x1;
	s10 =	sld [smem:$0x3FB6]  }
0x3d: {  	_ =	shalt  }
0x3e: {  	_ =	shalt  }
0x3f: {  	_ =	shalt  }
0x40: {  	_ =	shalt  }
0x41: {  	_ =	shalt  }
0x42: {  	_ =	shalt  }
0x43: {  	_ =	shalt  }
0x44: {  	_ =	shalt  }
0x45: {  	_ =	shalt  }
0x46: {  	_ =	shalt  }
0x47: {  	_ =	shalt  }
0x48: {  	_ =	shalt  }
0x49: {  	_ =	shalt  }
0x4a: {  	_ =	shalt  }
0x4b: {  	_ =	shalt  }
0x4c: {  	_ =	shalt  }
0x4d: {  	_ =	shalt  }
0x4e: {  	_ =	shalt  }
0x4f: {  	_ =	shalt  }
0x50: {  	_ =	shalt  }
0x51: {  	_ =	shalt  }
0x52: {  	_ =	shalt  }
0x53: {  	_ =	shalt  }
0x54: {  	_ =	shalt  }
0x55: {  	_ =	shalt  }
0x56: {  	_ =	shalt  }
0x57: {  	_ =	shalt  }
0x58: {  	_ =	shalt  }
0x59: {  	_ =	shalt  }
0x5a: {  	_ =	shalt  }
0x5b: {  	_ =	shalt  }
0x5c: {  	_ =	shalt  }
0x5d: {  	_ =	shalt  }
0x5e: {  	_ =	shalt  }
0x5f: {  	_ =	shalt  }
0x60: {  	_ =	shalt  }
0x61: {  	_ =	shalt  }
0x62: {  	_ =	shalt  }
0x63: {  	_ =	shalt  }
0x64: {  	_ =	shalt  }
0x65: {  	_ =	shalt  }
0x66: {  	_ =	shalt  }
0x67: {  	_ =	shalt  }
0x68: {  	_ =	shalt  }
0x69: {  	_ =	shalt  }
0x6a: {  	_ =	shalt  }
0x6b: {  	_ =	shalt  }
0x6c: {  	_ =	shalt  }
0x6d: {  	_ =	shalt  }
0x6e: {  	_ =	shalt  }
0x6f: {  	_ =	shalt  }
0x70: {  	_ =	shalt  }
0x71: {  	_ =	shalt  }
0x72: {  	_ =	shalt  }
0x73: {  	_ =	shalt  }
0x74: {  	_ =	shalt  }
0x75: {  	_ =	shalt  }
0x76: {  	_ =	shalt  }
0x77: {  	_ =	shalt  }
0x78: {  	_ =	shalt  }
0x79: {  	_ =	shalt  }
0x7a: {  	_ =	shalt  }
0x7b: {  	_ =	shalt  }
0x7c: {  	_ =	shalt  }
0x7d: {  	_ =	shalt  }
0x7e: {  	_ =	shalt  }
0x7f: {  	_ =	shalt  }
0x80: {  	_ =	shalt  }
0x81: {  	_ =	shalt  }
0x82: {  	_ =	shalt  }
0x83: {  	_ =	shalt  }
0x84: {  	_ =	shalt  }
0x85: {  	_ =	shalt  }
0x86: {  	_ =	shalt  }
0x87: {  	_ =	shalt  }
.Lfunc_end0:
.L_simem_size_0:
called_computation_lowered:
.L_overlay_start_0:
0x88: {  	s2 =	sld [smem:$0x3FD9]  }
0x89: {  	s3 =	sld [smem:$0x3FFE];
	_ =	sdelay $0x1  }
0x8a: {  	s1 =	srdreg.scid  }
0x8b: {  	s0 =	sand.u32 $0x1, s1  }
0x8c: {  	s16 =	sshll.u32 s0, $0xA;
	s2 =	sadd.s32 s3, s2  }
0x8d: {  	s2 =	sadd.s32 s2, s16  }
0x8e: {  	[smem:$0x3FC2] =	sst s2  }
0x8f: {  	_ = 	snop  }
0x90: {  	(tm) =	ssettm $0x1  }
0x91: {  	s17 =	sld [smem:$0x3FFB];
	_ =	sdelay $0x3  }
0x92: {  	_ =	strace s17  }
0x93: {  	s2 =	sld [smem:$0x3FFC];
	_ =	sdelay $0x3  }
0x94: {  	_ =	strace s2  }
0x95: {  	s2 =	sld [smem:$0x3FFD];
	_ =	sdelay $0x3  }
0x96: {  	_ =	strace s2  }
0x97: {  	_ =	strace $0x8FFFFFFF  }
0x98: {  	s18 =	sld [smem:$0x3FDB];
	_ =	sdelay $0x1  }
0x99: {  	s19 =	simm.s32 $_scs_section_size  }
0x9a: {  	s4 =	simm.s32 $_size__tile_overlayer_lowered;
	s5 =	simm.s32 $_tile_overlayer_lowered  }
0x9b: {  	s22 =	simm.s32 $0x1BFF;
	s21 =	sshll.u32 s5, $0x1;
	s2 =	sadd.s32 s19, s18  }
0x9c: {  	s6 =	simm.s32 $0x0;
	s20 =	sshll.u32 s4, $0x1;
	s4 =	sadd.s32 s21, s2  }
0x9d: {  	[timem:s6], [sflag:s22] =	dma.local [hbm:s4], s20  }
0x9e: {  	_ =	swait.ge [sflag:s22], s20  }
0x9f: {  	s3 =	ssub.s32 $0x0, s20;
	[sflag:s22] =	ssyncset.done $0x0  }
0xa0: {  	[sflag:s22] =	ssyncadd.s32 s3;
	_ =	sdelay $0x1  }
0xa1: {  	s23 =	simm.s32 $0x1B8B  }
0xa2: {  	_ =	swait.ge [sflag:s23], $0x1  }
0xa3: {  	[sflag:s23] =	ssyncset.done $0x0  }
0xa4: {  	s25 =	simm.s32 $0x1B8E;
	s24 =	sld [smem:$0x3FFE];
	[sflag:s23] =	ssyncadd.s32 $0xFFFFFFFF  }
0xa5: {  	s26 =	simm.s32 $execute0_lowered;
	[smem:$0x3FD2] =	sst s25  }
0xa6: {  	s4 =	sshll.u32 s26, $0x1;
	_ =	strace $0x80000046;
	[dreg:$0x1] =	wrdreg $0xFFFFFFFF  }
0xa7: {  	s28 =	simm.s32 $_size_execute0_lowered;
	s2 =	sadd.s32 s2, s4;
	[dreg:$0x0] =	wrdreg $0x0  }
0xa8: {  	s4 =	sshll.u32 s28, $0x1;
	[dreg:$0x2] =	wrdreg s2  }
0xa9: {  	[dreg:$0x3] =	wrdreg s4  }
0xaa: {  	[dreg:$0x4] =	wrdreg $0xC0  }
0xab: {  	_ =	task [dreg:s6], $0x5FFFF  }
0xac: {  	[dreg:$0x1] =	wrdreg $0xFFFFFFFF  }
0xad: {  	[dreg:$0x0] =	wrdreg $0x60  }
0xae: {  	[dreg:$0x2] =	wrdreg s24  }
0xaf: {  	[dreg:$0x3] =	wrdreg $0x9  }
0xb0: {  	_ =	task.clear_ibuf [dreg:s6], $0x4FFFF;
	_ =	strace $0x90000046  }
0xb1: {  	s29 =	simm.s32 $0x9;
	_ =	strace $0x80000048  }
0xb2: {  	_ =	swait.ge [sflag:s29], $0x1  }
0xb3: {  	[sflag:s29] =	ssyncadd.s32 $0xFFFFFFFF  }
0xb4: {  	_ =	strace $0x90000048  }
0xb5: {  	_ =	sfence  }
0xb6: {  	s30 =	sld [smem:$0x0];
	_ =	sdelay $0x2  }
0xb7: {  	s31 =	sshll.u32 s1, $0xD;
	s1 =	sshrl.u32 s1, $0x2  }
0xb8: {  	s3 =	sand.u32 $0x4000, s31;
	s1 =	sadd.s32 s1, s30  }
0xb9: {  	s0 =	sor.u32 s3, s0;
	s1 =	sshll.u32 s1, $0x11  }
0xba: {  	s0 =	sor.u32 s1, s0  }
0xbb: {  	s0 =	sadd.s32 $0x8F2B, s0  }
0xbc: {  	[sflag:s0] =	ssyncadd.remote.s32 $0x1  }
0xbd: {  	_ =	sfence.sel $0xFFFF  }
0xbe: {  	[dreg:$0x0] =	wrdreg $0xFFFFFFFF;
	(pc) =	sbr.abs _section_cstart, $3  }
0xbf: {  	[dreg:$0x1] =	wrdreg $0xFFFFFFFF  }
0xc0: {  	_ =	task.clear_ibuf [dreg:s6], $0x2FFFF;
	_ =	strace $0x9FFFFFFF  }
0xc1: {  	(tm) =	ssettm $0x7FFFFFFF  }
tec
execute0_lowered:
.L_overlay_start_1:
0x0: {  	(tag) =	ssettag $0x1  }
0x1: {  	s0 =	srdreg.scid  }
0x2: {  	s3 =	sand.u32 $0x1, s0  }
0x3: {  	s4 =	rddreg [dreg:$0x0];
	s0 =	stileid.u32;
	s1 =	sshll.u32 s3, $0x4  }
0x4: {  	s2 =	simm.s32 $0x0;
	s8 =	simm.s32 $0x0;
	s5 =	sor.u32 s0, s1  }
0x5: {  	[smem:$0x7FF] =	sst s2;
	s3 =	ssub.s32 $0x2, s3;
	s6 =	smul.u32 $0x4E2, s5  }
0x6: {  	s1 =	rddreg [dreg:$0x1];
	s7 =	sshrl.u32 s3, $0x1;
	s5 =	smul.u32 $0x500, s5  }
0x7: {  	_ =	strace $0x80000047;
	s31 =	ssub.s32 s3, s7;
	s7 =	simm.s32 $0x2710  }
0x8: {  	s6 =	sadd.s32 s6, s4;
	s4 =	sadd.s32 s5, s4;
	s5 =	smax.u32 s31, $0x1  }
0x9: {  	v0 =	vimm.f32 $0.0e+00;
	v1 =	vimm.f32 $1.000000000e+00;
	s3 =	sadd.s32 $0x1C00, s6;
	s4 =	sadd.s32 $0x15800, s4;
	s6 =	simm.s32 $0x1  }
.LBB2_1:
0xa: {  	s9 =	simm.s32 $0x40;
	s10 =	simm.s32 $0x0  }
.LBB2_2:
0xb: {  	p0 =	sne.s32 s9, $0x9FC0;
	[tilespmem:s10+$0x2710] =	vst v0;
	s10 =	smov.u32 s9;
	s9 =	sadd.s32 $0x40, s9  }
.Ltmp0:
0xc: {  	(pc) =	sbr.rel @p0 .LBB2_2-.Ltmp0, $2  }
0xd: {  	_ =	sdelay $0x2  }
0xe: {  	s10 =	sshra.s32 s10, $0x2  }
0xf: {  	[tilespmem:s10+$0x2710] =	vst v0;
	s9 =	simm.s32 $0x0  }
0x10: {  	[tilespmem:s9], [sflag:$0x1] =	stream.linear.gather [hbm4b:s3+s9], $0x2710, $0x38;
	[tilespmem:$0x4F10] =	vst v63  }
0x11: {  	_ =	swait.ge [sflag:s6], $0x2710  }
0x12: {  	[sflag:s6] =	ssyncset.done $0x0  }
0x13: {  	s10 =	simm.s32 $0x0;
	s9 =	simm.s32 $0x40;
	[sflag:s6] =	ssyncadd.s32 $0xFFFFD8F0  }
.LBB2_4:
0x14: {  	p0 =	sne.s32 s9, $0x9C00;
	v2 =	vld [tilespmem:s10+$0x0];
	_ =	sdelay $0x3  }
.Ltmp1:
0x15: {  	(pc) =	sbr.rel @p0 .LBB2_4-.Ltmp1, $2  }
0x16: {  	_ =	sdelay $0x2  }
0x17: {  	s10 =	sshra.s32 s9, $0x2;
	s9 =	sadd.s32 $0x40, s9;
	[tilespmem:v2+s7+$0x0] =	vst.idx.add.f32.msk $0xffff, v1  }
0x18: {  	v2 =	vld [tilespmem:s10+$0x0];
	_ =	sdelay $0x5  }
0x19: {  	s8 =	sadd.s32 $0x1, s8  }
0x1a: {  	p0 =	sne.s32 s8, s5  }
.Ltmp2:
0x1b: {  	[tilespmem:v2+s7+$0x0] =	vst.idx.add.f32.msk $0xffff, v1;
	(pc) =	sbr.rel @p0 .LBB2_1-.Ltmp2, $4  }
0x1c: {  	[hbm4b:s4+s2] =	stream.linear.scatter [tilespmem:s7], [sflag:$0x1], $0x2800, $0x38;
	[tilespmem:$0x4F10] =	vst v63  }
0x1d: {  	_ =	swait.ge [sflag:s6], $0x2800  }
0x1e: {  	[sflag:s6] =	ssyncset.done $0x0  }
0x1f: {  	[sflag:s6] =	ssyncadd.s32 $0xFFFFD800  }
0x20: {  	_ =	sfence.sel $0x180000  }
0x21: {  	[bflag:$0x0] =	sbarrier.arrive $0xFFFF  }
0x22: {  	p0 =	sne.s32 s0, $0x0;
	_ =	strace $0x90000047  }
0x23: {  	s0 =	sadd.s32 @!p0 $0x100000, s1;
	[bflag:$0x2] =	sbarrier.arrive $0xFFFF  }
0x24: {  	[sflag:s0] =	ssyncadd.tile.s32 @!p0 $0x1;
	_ =	shalt  }
.Lfunc_end2:
_tile_overlayer_lowered:
.L_overlay_start_2:
0x25: {  	(tag) =	ssettag $0x2  }
0x26: {  	s0 =	rddreg [dreg:$0x0];
	s2 =	stileid.u32  }
0x27: {  	s1 =	rddreg [dreg:$0x1];
	p0 =	sne.s32 s2, $0x0  }
0x28: {  	s3 =	rddreg [dreg:$0x2];
	[bflag:$0x3] =	sbarrier.arrive $0xFFFF;
	s2 =	simm.s32 @!p0 $0x1C01  }
0x29: {  	[timem:s3], [sflag:s2] =	dma.local @!p0 [hbm:s0], s1  }
0x2a: {  	s0 =	simm.s32 @!p0 $0x1  }
0x2b: {  	_ =	swait.ge @!p0 [sflag:s0], s1  }
0x2c: {  	s1 =	ssub.s32 @!p0 $0x0, s1;
	[sflag:s0] =	ssyncset.done @!p0 $0x0  }
0x2d: {  	[sflag:s0] =	ssyncadd.s32 @!p0 s1  }
0x2e: {  	[bflag:$0x3] =	sbarrier.arrive $0xFFFF  }
0x2f: {  	_ =	shalt  }

</sc_bundles>
